<compile_context>
chip_gen: v7x
topology: tpu7x:2x2x1
jax: 0.10.2.dev20260603
libtpu: 0.0.44.dev20260713+nightly
codegen_flags: <defaults>
</compile_context>

<pallas_src>
import functools

import jax
import jax.numpy as jnp
from jax import lax
from jax.experimental import pallas as pl
from jax.experimental.pallas import tpu as pltpu
from jax.experimental.pallas import tpu_sc as plsc

N = 10000
D = 128
H = 128
C = 64
N_PAD = 10112
E = 320000
CH = 128
N_TILES = 32
E_PAD = 327680
CPT = E_PAD // (N_TILES * CH)
CPG = 2 * CPT
A_C0 = 128
MAXC = max(A_C0, CPG - A_C0)
RPT = N_PAD // 16

_SQRT_HALF = 0.7071067811865476


def _gelu(x):
    return x * 0.5 * (1.0 + lax.erf(x * _SQRT_HALF))


def _mesh():
    return plsc.VectorSubcoreMesh(core_axis_name="c", subcore_axis_name="s")



def _unpack_edges(pk_v, row_v, col_v, want_row):

    def body(j, carry):
        for kk in range(CH // 16):
            v = pk_v[j, pl.ds(kk * 16, 16)]
            if want_row:
                row_v[j, pl.ds(kk * 16, 16)] = lax.shift_right_logical(v, 14)
            col_v[j, pl.ds(kk * 16, 16)] = lax.bitwise_and(v, 16383)
        return carry

    lax.fori_loop(0, CPT, body, 0)


def _sc_degree(pk_mat):

    @functools.partial(
        pl.kernel,
        out_type=jax.ShapeDtypeStruct((2, N_PAD, H), jnp.float32),
        mesh=_mesh(),
        scratch_types=[
            pltpu.VMEM((CPT, CH), jnp.int32),
            pltpu.VMEM((CPT, CH), jnp.int32),
            pltpu.VMEM((CH, H), jnp.float32),
            pltpu.VMEM_SHARED((N_PAD, H), jnp.float32),
        ],
    )
    def k(pk_hbm, out_hbm, pk_v, col_v, ones_v, acc):
        c = lax.axis_index("c")
        s = lax.axis_index("s")
        wid = c * 16 + s

        def set_zero(i, carry):
            for kk in range(H // 16):
                ones_v[i, pl.ds(kk * 16, 16)] = jnp.zeros((16,), jnp.float32)
            return carry

        lax.fori_loop(0, CH, set_zero, 0)
        for kk in range(RPT // CH):
            pltpu.sync_copy(ones_v, acc.at[pl.ds(s * RPT + kk * CH, CH)])
        if RPT % CH:
            pltpu.sync_copy(
                ones_v.at[pl.ds(0, RPT % CH)],
                acc.at[pl.ds(s * RPT + (RPT // CH) * CH, RPT % CH)])

        def set_ones(i, carry):
            ones_v[i, pl.ds(0, 16)] = jnp.ones((16,), jnp.float32)
            return carry

        lax.fori_loop(0, CH, set_ones, 0)
        pltpu.sync_copy(pk_hbm.at[pl.ds(wid * CPT, CPT)], pk_v)
        _unpack_edges(pk_v, None, col_v, want_row=False)
        plsc.subcore_barrier()

        def body(j, carry):
            pltpu.sync_copy(ones_v, acc.at[col_v.at[j]], add=True)
            return carry

        lax.fori_loop(0, CPT, body, 0)
        plsc.subcore_barrier()
        pltpu.sync_copy(acc.at[pl.ds(s * RPT, RPT)],
                        out_hbm.at[c, pl.ds(s * RPT, RPT)])

    return k(pk_mat)


def _sc_scatter(g_full, pk_mat):

    @functools.partial(
        pl.kernel,
        out_type=jax.ShapeDtypeStruct((2, N_PAD, H), jnp.float32),
        mesh=_mesh(),
        scratch_types=[
            pltpu.VMEM((MAXC, CH), jnp.int32),
            pltpu.VMEM((CH,), jnp.int32),
            pltpu.VMEM((CH,), jnp.int32),
            pltpu.VMEM((CH,), jnp.int32),
            pltpu.VMEM((CH,), jnp.int32),
            pltpu.VMEM((CH, H), jnp.float32),
            pltpu.VMEM((CH, H), jnp.float32),
            pltpu.VMEM_SHARED((N_PAD, H), jnp.float32),
            pltpu.SemaphoreType.DMA,
            pltpu.SemaphoreType.DMA,
        ],
    )
    def k(g_hbm, pk_hbm, out_hbm,
          pk_v, row_c0, col_c0, row_c1, col_c1,
          rows_v0, rows_v1, acc, sem0, sem1):
        c = lax.axis_index("c")
        s = lax.axis_index("s")
        base = s * CPG + c * A_C0
        cnt = jnp.where(c == 0, A_C0, CPG - A_C0)

        def unpack(j, row_c, col_c):
            for kk in range(CH // 16):
                v = pk_v[j, pl.ds(kk * 16, 16)]
                row_c[pl.ds(kk * 16, 16)] = lax.shift_right_logical(v, 14)
                col_c[pl.ds(kk * 16, 16)] = lax.bitwise_and(v, 16383)

        def zero_rows(i, carry):
            for kk in range(H // 16):
                rows_v0[i, pl.ds(kk * 16, 16)] = jnp.zeros((16,),
                                                           jnp.float32)
            return carry

        lax.fori_loop(0, CH, zero_rows, 0)
        for kk in range(RPT // CH):
            pltpu.sync_copy(rows_v0, acc.at[pl.ds(s * RPT + kk * CH, CH)])
        if RPT % CH:
            pltpu.sync_copy(
                rows_v0.at[pl.ds(0, RPT % CH)],
                acc.at[pl.ds(s * RPT + (RPT // CH) * CH, RPT % CH)])
        pltpu.sync_copy(pk_hbm.at[pl.ds(base, MAXC)], pk_v)
        plsc.subcore_barrier()

        unpack(0, row_c0, col_c0)
        pltpu.async_copy(g_hbm.at[row_c0], rows_v0, sem0)

        def body(i, carry):
            j0 = i * 2
            unpack(j0 + 1, row_c1, col_c1)
            pltpu.async_copy(g_hbm.at[row_c1], rows_v1, sem1)
            pltpu.make_async_copy(g_hbm.at[row_c0], rows_v0, sem0).wait()
            pltpu.sync_copy(rows_v0, acc.at[col_c0], add=True)
            unpack(jnp.minimum(j0 + 2, cnt - 1), row_c0, col_c0)
            pltpu.async_copy(g_hbm.at[row_c0], rows_v0, sem0)
            pltpu.make_async_copy(g_hbm.at[row_c1], rows_v1, sem1).wait()
            pltpu.sync_copy(rows_v1, acc.at[col_c1], add=True)
            return carry

        lax.fori_loop(0, cnt // 2, body, 0)
        pltpu.make_async_copy(g_hbm.at[row_c0], rows_v0, sem0).wait()
        plsc.subcore_barrier()
        pltpu.sync_copy(acc.at[pl.ds(s * RPT, RPT)],
                        out_hbm.at[c, pl.ds(s * RPT, RPT)])

    return k(g_full, pk_mat)



_BLK = 1264


def _dinv_of(degp_ref):
    d = degp_ref[0][:, 0:1] + degp_ref[1][:, 0:1] + 1.0
    return lax.rsqrt(d)


def _tc_first(x_pad, importance, W1, degp):
    def body(x_ref, imp_ref, w_ref, degp_ref, out_ref):
        dinv = _dinv_of(degp_ref)
        h = x_ref[...] * imp_ref[...]
        t = lax.dot_general(h, w_ref[...], (((1,), (1,)), ((), ())),
                            preferred_element_type=jnp.float32)
        out_ref[...] = t * dinv

    return pl.pallas_call(
        body,
        grid=(N_PAD // _BLK,),
        in_specs=[
            pl.BlockSpec((_BLK, D), lambda i: (i, 0)),
            pl.BlockSpec((1, D), lambda i: (0, 0)),
            pl.BlockSpec((H, D), lambda i: (0, 0)),
            pl.BlockSpec((2, _BLK, 16), lambda i: (0, i, 0)),
        ],
        out_specs=pl.BlockSpec((_BLK, H), lambda i: (i, 0)),
        out_shape=jax.ShapeDtypeStruct((N_PAD, H), jnp.float32),
    )(x_pad, importance.reshape(1, D), W1, degp)


def _tc_mid(p, g_prev, degp, b, W):
    def body(p_ref, g_ref, degp_ref, b_ref, w_ref, out_ref):
        dinv = _dinv_of(degp_ref)
        s = (p_ref[0] + p_ref[1] + g_ref[...]) * dinv + b_ref[...]
        h = _gelu(s)
        t = lax.dot_general(h, w_ref[...], (((1,), (1,)), ((), ())),
                            preferred_element_type=jnp.float32)
        out_ref[...] = t * dinv

    return pl.pallas_call(
        body,
        grid=(N_PAD // _BLK,),
        in_specs=[
            pl.BlockSpec((2, _BLK, H), lambda i: (0, i, 0)),
            pl.BlockSpec((_BLK, H), lambda i: (i, 0)),
            pl.BlockSpec((2, _BLK, 16), lambda i: (0, i, 0)),
            pl.BlockSpec((1, H), lambda i: (0, 0)),
            pl.BlockSpec((H, H), lambda i: (0, 0)),
        ],
        out_specs=pl.BlockSpec((_BLK, H), lambda i: (i, 0)),
        out_shape=jax.ShapeDtypeStruct((N_PAD, H), jnp.float32),
    )(p, g_prev, degp, b.reshape(1, H), W)


def _tc_head(p, g_prev, degp, b3, lin1_W, lin1_b, lin2_W, lin2_b):
    def body(p_ref, g_ref, degp_ref, b3_ref, w1_ref, b1_ref, w2_ref, b2_ref,
             out_ref):
        dinv = _dinv_of(degp_ref)
        s = (p_ref[0] + p_ref[1] + g_ref[...]) * dinv + b3_ref[...]
        h = _gelu(s)
        h = _gelu(lax.dot_general(h, w1_ref[...], (((1,), (1,)), ((), ())),
                                  preferred_element_type=jnp.float32)
                  + b1_ref[...])
        out_ref[...] = lax.dot_general(
            h, w2_ref[...], (((1,), (1,)), ((), ())),
            preferred_element_type=jnp.float32) + b2_ref[...]

    return pl.pallas_call(
        body,
        grid=(N_PAD // _BLK,),
        in_specs=[
            pl.BlockSpec((2, _BLK, H), lambda i: (0, i, 0)),
            pl.BlockSpec((_BLK, H), lambda i: (i, 0)),
            pl.BlockSpec((2, _BLK, 16), lambda i: (0, i, 0)),
            pl.BlockSpec((1, H), lambda i: (0, 0)),
            pl.BlockSpec((H, H), lambda i: (0, 0)),
            pl.BlockSpec((1, H), lambda i: (0, 0)),
            pl.BlockSpec((C, H), lambda i: (0, 0)),
            pl.BlockSpec((1, C), lambda i: (0, 0)),
        ],
        out_specs=pl.BlockSpec((_BLK, C), lambda i: (i, 0)),
        out_shape=jax.ShapeDtypeStruct((N_PAD, C), jnp.float32),
    )(p, g_prev, degp, b3.reshape(1, H), lin1_W, lin1_b.reshape(1, H),
      lin2_W, lin2_b.reshape(1, C))



def kernel(x, edge_index, importance, W1, b1, W2, b2, W3, b3,
           lin1_W, lin1_b, lin2_W, lin2_b):
    x_pad = jnp.zeros((N_PAD, D), jnp.float32).at[:N].set(x)
    pad_e = E_PAD - E
    packed = jnp.left_shift(edge_index[0], 14) | edge_index[1]
    pad_e += MAXC * CH
    dummy = jnp.full((pad_e,), (N << 14) | N, jnp.int32)
    pk_mat = jnp.concatenate([packed, dummy]).reshape(
        E_PAD // CH + MAXC, CH)

    degp = _sc_degree(pk_mat)[:, :, :16]
    g = _tc_first(x_pad, importance, W1, degp)
    p = _sc_scatter(g, pk_mat)
    g2 = _tc_mid(p, g, degp, b1, W2)
    p = _sc_scatter(g2, pk_mat)
    g3 = _tc_mid(p, g2, degp, b2, W3)
    p = _sc_scatter(g3, pk_mat)
    out = _tc_head(p, g3, degp, b3, lin1_W, lin1_b, lin2_W, lin2_b)
    return out[:N]

# --- scband reference (transcript-rebuilt; emitter-appended) ---
"""Pipeline reference for scband-improved-graph-sage-71433896067546 (READ-ONLY COPY).

The authoritative reference and input builder live on the scoring server;
editing this copy changes nothing except your own understanding.
"""

import jax, jax.numpy as jnp
import numpy as np

N = 10000
E = 320000
D = 128
H = 128
C = 64


def setup_inputs(seed: int = 0) -> dict:
    key = jax.random.key(seed)
    ks = jax.random.split(key, 12)
    inp = {
        "x": jax.random.normal(ks[0], (N, D), dtype=jnp.float32),
        "edge_index": jax.random.randint(ks[1], (2, E), 0, N, dtype=jnp.int32),
        "importance": jnp.ones((D,), dtype=jnp.float32),
        "W1": jax.random.normal(ks[2], (H, D), dtype=jnp.float32) * 0.05,
        "b1": jnp.zeros((H,), dtype=jnp.float32),
        "W2": jax.random.normal(ks[3], (H, H), dtype=jnp.float32) * 0.05,
        "b2": jnp.zeros((H,), dtype=jnp.float32),
        "W3": jax.random.normal(ks[4], (H, H), dtype=jnp.float32) * 0.05,
        "b3": jnp.zeros((H,), dtype=jnp.float32),
        "lin1_W": jax.random.normal(ks[5], (H, H), dtype=jnp.float32) * 0.05,
        "lin1_b": jax.random.normal(ks[6], (H,), dtype=jnp.float32) * 0.05,
        "lin2_W": jax.random.normal(ks[7], (C, H), dtype=jnp.float32) * 0.05,
        "lin2_b": jax.random.normal(ks[8], (C,), dtype=jnp.float32) * 0.05,
    }
    return inp


def _balanced_conv(x, row, col, norm, W, b, n):
    # x = self.lin(x); message = norm * x_j; aggr='add'; update adds bias
    h = x @ W.T
    msg = norm[:, None] * h[row]
    out = jax.ops.segment_sum(msg, col, num_segments=n)
    return out + b


def reference(x, edge_index, importance, W1, b1, W2, b2, W3, b3, lin1_W, lin1_b, lin2_W, lin2_b):
    n = x.shape[0]
    # add_self_loops
    loops = jnp.arange(n, dtype=edge_index.dtype)
    row = jnp.concatenate([edge_index[0], loops])
    col = jnp.concatenate([edge_index[1], loops])
    # degree(col) based symmetric-ish norm (same for every conv layer)
    deg = jax.ops.segment_sum(jnp.ones_like(col, dtype=x.dtype), col, num_segments=n)
    deg_inv_sqrt = deg ** -0.5
    deg_inv_sqrt = jnp.where(jnp.isinf(deg_inv_sqrt), 0.0, deg_inv_sqrt)
    norm = deg_inv_sqrt[row] * deg_inv_sqrt[col]

    # FeatureImportance
    h = x * importance
    # conv1..conv3 with exact (erf) GELU; dropout is identity in eval mode
    h = jax.nn.gelu(_balanced_conv(h, row, col, norm, W1, b1, n), approximate=False)
    h = jax.nn.gelu(_balanced_conv(h, row, col, norm, W2, b2, n), approximate=False)
    h = jax.nn.gelu(_balanced_conv(h, row, col, norm, W3, b3, n), approximate=False)
    h = jax.nn.gelu(h @ lin1_W.T + lin1_b, approximate=False)
    out = h @ lin2_W.T + lin2_b
    return out

if __name__ == "__main__":
    import jax
    _d = setup_inputs()
    print(jax.jit(kernel)(*tuple(_d.values())))

</pallas_src>

<mosaic_0001>
#map = affine_map<(d0, d1) -> (0, 0)>
#map1 = affine_map<(d0, d1) -> (0, 0, 0)>
module attributes {stable_mosaic.version = 14 : i64} {
  func.func @k(%arg0: i32, %arg1: i32, %arg2: memref<10112x128xf32, #tpu.memory_space<hbm>>, %arg3: memref<2688x128xi32, #tpu.memory_space<hbm>>, %arg4: memref<2x10112x128xf32, #tpu.memory_space<hbm>>, %arg5: memref<128x128xi32, #tpu.memory_space<vmem>>, %arg6: memref<128xi32, #tpu.memory_space<vmem>>, %arg7: memref<128xi32, #tpu.memory_space<vmem>>, %arg8: memref<128xi32, #tpu.memory_space<vmem>>, %arg9: memref<128xi32, #tpu.memory_space<vmem>>, %arg10: memref<128x128xf32, #tpu.memory_space<vmem>>, %arg11: memref<128x128xf32, #tpu.memory_space<vmem>>, %arg12: memref<10112x128xf32, #tpu.memory_space<vmem_shared>>, %arg13: memref<!tpu.dma_semaphore, #tpu.memory_space<semaphore_mem>>, %arg14: memref<!tpu.dma_semaphore, #tpu.memory_space<semaphore_mem>>) attributes {dimension_semantics = [#tpu.dimension_semantics<core_parallel>, #tpu.dimension_semantics<subcore_parallel>], iteration_bounds = array<i64: 2, 16>, scalar_prefetch = 0 : i64, scratch_operands = 10 : i64, tpu.core_type = #tpu.core_type<sc_vector_subcore>, window_params = [{transform_indices = #map}, {transform_indices = #map}, {transform_indices = #map1}]} {
    %mul3A = arith.constant 160 : i32
    %mul3A_0 = arith.muli %arg1, %mul3A : i32
    %mul3A_1 = arith.constant 128 : i32
    %mul3A_2 = arith.muli %arg0, %mul3A_1 : i32
    %add3A = arith.addi %mul3A_0, %mul3A_2 : i32
    %eq3A = arith.constant 0 : i32
    %eq3A_3 = arith.cmpi eq, %arg0, %eq3A : i32
    %jit3A = arith.constant 128 : i32
    %jit3A_4 = arith.constant 32 : i32
    %select_n3A = arith.select %eq3A_3, %jit3A, %jit3A_4 : i32
    %scan3A = arith.constant 0 : i32
    %scan3A_5 = arith.constant 0 : i32
    %scan3A_6 = arith.constant 128 : i32
    %scan3A_7 = arith.addi %scan3A_5, %scan3A_6 : i32
    %scan3A_8 = arith.constant 1 : i32
    scf.for %scan3A_215 = %scan3A_5 to %scan3A_7 step %scan3A_8  : i32 {
      %broadcast_in_dim3A = arith.constant 0.000000e+00 : f32
      %broadcast_in_dim3A_216 = vector.broadcast %broadcast_in_dim3A : f32 to vector<16xf32>
      %swap3A_217 = arith.index_cast %scan3A_215 : i32 to index
      %swap3A_218 = arith.constant 0 : index
      %swap3A_219 = tpu.vector_load %arg10[%swap3A_217, %swap3A_218] {strides = array<i32>} : memref<128x128xf32, #tpu.memory_space<vmem>>, vector<1x16xf32>,
      %swap3A_220 = vector.shape_cast %swap3A_219 : vector<1x16xf32> to vector<16xf32>
      %swap3A_221 = vector.shape_cast %broadcast_in_dim3A_216 : vector<16xf32> to vector<1x16xf32>
      tpu.vector_store %arg10[%swap3A_217, %swap3A_218], %swap3A_221 {strides = array<i32>} : memref<128x128xf32, #tpu.memory_space<vmem>>, vector<1x16xf32>,
      %broadcast_in_dim3A_222 = arith.constant 0.000000e+00 : f32
      %broadcast_in_dim3A_223 = vector.broadcast %broadcast_in_dim3A_222 : f32 to vector<16xf32>
      %swap3A_224 = arith.index_cast %scan3A_215 : i32 to index
      %swap3A_225 = arith.constant 16 : index
      %swap3A_226 = tpu.vector_load %arg10[%swap3A_224, %swap3A_225] {strides = array<i32>} : memref<128x128xf32, #tpu.memory_space<vmem>>, vector<1x16xf32>,
      %swap3A_227 = vector.shape_cast %swap3A_226 : vector<1x16xf32> to vector<16xf32>
      %swap3A_228 = vector.shape_cast %broadcast_in_dim3A_223 : vector<16xf32> to vector<1x16xf32>
      tpu.vector_store %arg10[%swap3A_224, %swap3A_225], %swap3A_228 {strides = array<i32>} : memref<128x128xf32, #tpu.memory_space<vmem>>, vector<1x16xf32>,
      %broadcast_in_dim3A_229 = arith.constant 0.000000e+00 : f32
      %broadcast_in_dim3A_230 = vector.broadcast %broadcast_in_dim3A_229 : f32 to vector<16xf32>
      %swap3A_231 = arith.index_cast %scan3A_215 : i32 to index
      %swap3A_232 = arith.constant 32 : index
      %swap3A_233 = tpu.vector_load %arg10[%swap3A_231, %swap3A_232] {strides = array<i32>} : memref<128x128xf32, #tpu.memory_space<vmem>>, vector<1x16xf32>,
      %swap3A_234 = vector.shape_cast %swap3A_233 : vector<1x16xf32> to vector<16xf32>
      %swap3A_235 = vector.shape_cast %broadcast_in_dim3A_230 : vector<16xf32> to vector<1x16xf32>
      tpu.vector_store %arg10[%swap3A_231, %swap3A_232], %swap3A_235 {strides = array<i32>} : memref<128x128xf32, #tpu.memory_space<vmem>>, vector<1x16xf32>,
      %broadcast_in_dim3A_236 = arith.constant 0.000000e+00 : f32
      %broadcast_in_dim3A_237 = vector.broadcast %broadcast_in_dim3A_236 : f32 to vector<16xf32>
      %swap3A_238 = arith.index_cast %scan3A_215 : i32 to index
      %swap3A_239 = arith.constant 48 : index
      %swap3A_240 = tpu.vector_load %arg10[%swap3A_238, %swap3A_239] {strides = array<i32>} : memref<128x128xf32, #tpu.memory_space<vmem>>, vector<1x16xf32>,
      %swap3A_241 = vector.shape_cast %swap3A_240 : vector<1x16xf32> to vector<16xf32>
      %swap3A_242 = vector.shape_cast %broadcast_in_dim3A_237 : vector<16xf32> to vector<1x16xf32>
      tpu.vector_store %arg10[%swap3A_238, %swap3A_239], %swap3A_242 {strides = array<i32>} : memref<128x128xf32, #tpu.memory_space<vmem>>, vector<1x16xf32>,
      %broadcast_in_dim3A_243 = arith.constant 0.000000e+00 : f32
      %broadcast_in_dim3A_244 = vector.broadcast %broadcast_in_dim3A_243 : f32 to vector<16xf32>
      %swap3A_245 = arith.index_cast %scan3A_215 : i32 to index
      %swap3A_246 = arith.constant 64 : index
      %swap3A_247 = tpu.vector_load %arg10[%swap3A_245, %swap3A_246] {strides = array<i32>} : memref<128x128xf32, #tpu.memory_space<vmem>>, vector<1x16xf32>,
      %swap3A_248 = vector.shape_cast %swap3A_247 : vector<1x16xf32> to vector<16xf32>
      %swap3A_249 = vector.shape_cast %broadcast_in_dim3A_244 : vector<16xf32> to vector<1x16xf32>
      tpu.vector_store %arg10[%swap3A_245, %swap3A_246], %swap3A_249 {strides = array<i32>} : memref<128x128xf32, #tpu.memory_space<vmem>>, vector<1x16xf32>,
      %broadcast_in_dim3A_250 = arith.constant 0.000000e+00 : f32
      %broadcast_in_dim3A_251 = vector.broadcast %broadcast_in_dim3A_250 : f32 to vector<16xf32>
      %swap3A_252 = arith.index_cast %scan3A_215 : i32 to index
      %swap3A_253 = arith.constant 80 : index
      %swap3A_254 = tpu.vector_load %arg10[%swap3A_252, %swap3A_253] {strides = array<i32>} : memref<128x128xf32, #tpu.memory_space<vmem>>, vector<1x16xf32>,
      %swap3A_255 = vector.shape_cast %swap3A_254 : vector<1x16xf32> to vector<16xf32>
      %swap3A_256 = vector.shape_cast %broadcast_in_dim3A_251 : vector<16xf32> to vector<1x16xf32>
      tpu.vector_store %arg10[%swap3A_252, %swap3A_253], %swap3A_256 {strides = array<i32>} : memref<128x128xf32, #tpu.memory_space<vmem>>, vector<1x16xf32>,
      %broadcast_in_dim3A_257 = arith.constant 0.000000e+00 : f32
      %broadcast_in_dim3A_258 = vector.broadcast %broadcast_in_dim3A_257 : f32 to vector<16xf32>
      %swap3A_259 = arith.index_cast %scan3A_215 : i32 to index
      %swap3A_260 = arith.constant 96 : index
      %swap3A_261 = tpu.vector_load %arg10[%swap3A_259, %swap3A_260] {strides = array<i32>} : memref<128x128xf32, #tpu.memory_space<vmem>>, vector<1x16xf32>,
      %swap3A_262 = vector.shape_cast %swap3A_261 : vector<1x16xf32> to vector<16xf32>
      %swap3A_263 = vector.shape_cast %broadcast_in_dim3A_258 : vector<16xf32> to vector<1x16xf32>
      tpu.vector_store %arg10[%swap3A_259, %swap3A_260], %swap3A_263 {strides = array<i32>} : memref<128x128xf32, #tpu.memory_space<vmem>>, vector<1x16xf32>,
      %broadcast_in_dim3A_264 = arith.constant 0.000000e+00 : f32
      %broadcast_in_dim3A_265 = vector.broadcast %broadcast_in_dim3A_264 : f32 to vector<16xf32>
      %swap3A_266 = arith.index_cast %scan3A_215 : i32 to index
      %swap3A_267 = arith.constant 112 : index
      %swap3A_268 = tpu.vector_load %arg10[%swap3A_266, %swap3A_267] {strides = array<i32>} : memref<128x128xf32, #tpu.memory_space<vmem>>, vector<1x16xf32>,
      %swap3A_269 = vector.shape_cast %swap3A_268 : vector<1x16xf32> to vector<16xf32>
      %swap3A_270 = vector.shape_cast %broadcast_in_dim3A_265 : vector<16xf32> to vector<1x16xf32>
      tpu.vector_store %arg10[%swap3A_266, %swap3A_267], %swap3A_270 {strides = array<i32>} : memref<128x128xf32, #tpu.memory_space<vmem>>, vector<1x16xf32>,
    }
    %scan3A_9 = arith.constant 128 : i32
    %mul3A_10 = arith.constant 632 : i32
    %mul3A_11 = arith.muli %arg1, %mul3A_10 : i32
    %add3A_12 = arith.constant 0 : i32
    %add3A_13 = arith.addi %mul3A_11, %add3A_12 : i32
    "tpu.region"() ({
      %run_scoped3A = tpu.sem_alloc : memref<!tpu.dma_semaphore, #tpu.memory_space<semaphore_mem>>
      %dma_start3A_215 = arith.constant 0 : i32
      %dma_start3A_216 = tpu.memref_slice %arg12[%add3A_13, %dma_start3A_215] : memref<10112x128xf32, #tpu.memory_space<vmem_shared>> -> memref<128x128xf32, #tpu.memory_space<vmem_shared>>
      %dma_start3A_217 = arith.constant 0 : i32
      %dma_start3A_218 = tpu.memref_slice %arg12[%add3A_13, %dma_start3A_217] : memref<10112x128xf32, #tpu.memory_space<vmem_shared>> -> memref<128x128xf32, #tpu.memory_space<vmem_shared>>
      tpu.enqueue_dma source(%arg10 : memref<128x128xf32, #tpu.memory_space<vmem>>) target(%dma_start3A_218 : memref<128x128xf32, #tpu.memory_space<vmem_shared>>) target_semaphore(%run_scoped3A : memref<!tpu.dma_semaphore, #tpu.memory_space<semaphore_mem>>)
      %dma_wait3A_219 = arith.constant 0 : i32
      %dma_wait3A_220 = tpu.memref_slice %arg12[%add3A_13, %dma_wait3A_219] : memref<10112x128xf32, #tpu.memory_space<vmem_shared>> -> memref<128x128xf32, #tpu.memory_space<vmem_shared>>
      %dma_wait3A_221 = arith.constant 0 : i32
      %dma_wait3A_222 = tpu.memref_slice %arg12[%add3A_13, %dma_wait3A_221] : memref<10112x128xf32, #tpu.memory_space<vmem_shared>> -> memref<128x128xf32, #tpu.memory_space<vmem_shared>>
      tpu.wait_dma2 semaphore(%run_scoped3A : memref<!tpu.dma_semaphore, #tpu.memory_space<semaphore_mem>>) src(%arg10 : memref<128x128xf32, #tpu.memory_space<vmem>>) dst(%dma_wait3A_222 : memref<128x128xf32, #tpu.memory_space<vmem_shared>>)
      tpu.yield
    }) : () -> ()
    %mul3A_14 = arith.constant 632 : i32
    %mul3A_15 = arith.muli %arg1, %mul3A_14 : i32
    %add3A_16 = arith.constant 128 : i32
    %add3A_17 = arith.addi %mul3A_15, %add3A_16 : i32
    "tpu.region"() ({
      %run_scoped3A = tpu.sem_alloc : memref<!tpu.dma_semaphore, #tpu.memory_space<semaphore_mem>>
      %dma_start3A_215 = arith.constant 0 : i32
      %dma_start3A_216 = tpu.memref_slice %arg12[%add3A_17, %dma_start3A_215] : memref<10112x128xf32, #tpu.memory_space<vmem_shared>> -> memref<128x128xf32, #tpu.memory_space<vmem_shared>>
      %dma_start3A_217 = arith.constant 0 : i32
      %dma_start3A_218 = tpu.memref_slice %arg12[%add3A_17, %dma_start3A_217] : memref<10112x128xf32, #tpu.memory_space<vmem_shared>> -> memref<128x128xf32, #tpu.memory_space<vmem_shared>>
      tpu.enqueue_dma source(%arg10 : memref<128x128xf32, #tpu.memory_space<vmem>>) target(%dma_start3A_218 : memref<128x128xf32, #tpu.memory_space<vmem_shared>>) target_semaphore(%run_scoped3A : memref<!tpu.dma_semaphore, #tpu.memory_space<semaphore_mem>>)
      %dma_wait3A_219 = arith.constant 0 : i32
      %dma_wait3A_220 = tpu.memref_slice %arg12[%add3A_17, %dma_wait3A_219] : memref<10112x128xf32, #tpu.memory_space<vmem_shared>> -> memref<128x128xf32, #tpu.memory_space<vmem_shared>>
      %dma_wait3A_221 = arith.constant 0 : i32
      %dma_wait3A_222 = tpu.memref_slice %arg12[%add3A_17, %dma_wait3A_221] : memref<10112x128xf32, #tpu.memory_space<vmem_shared>> -> memref<128x128xf32, #tpu.memory_space<vmem_shared>>
      tpu.wait_dma2 semaphore(%run_scoped3A : memref<!tpu.dma_semaphore, #tpu.memory_space<semaphore_mem>>) src(%arg10 : memref<128x128xf32, #tpu.memory_space<vmem>>) dst(%dma_wait3A_222 : memref<128x128xf32, #tpu.memory_space<vmem_shared>>)
      tpu.yield
    }) : () -> ()
    %mul3A_18 = arith.constant 632 : i32
    %mul3A_19 = arith.muli %arg1, %mul3A_18 : i32
    %add3A_20 = arith.constant 256 : i32
    %add3A_21 = arith.addi %mul3A_19, %add3A_20 : i32
    "tpu.region"() ({
      %run_scoped3A = tpu.sem_alloc : memref<!tpu.dma_semaphore, #tpu.memory_space<semaphore_mem>>
      %dma_start3A_215 = arith.constant 0 : i32
      %dma_start3A_216 = tpu.memref_slice %arg12[%add3A_21, %dma_start3A_215] : memref<10112x128xf32, #tpu.memory_space<vmem_shared>> -> memref<128x128xf32, #tpu.memory_space<vmem_shared>>
      %dma_start3A_217 = arith.constant 0 : i32
      %dma_start3A_218 = tpu.memref_slice %arg12[%add3A_21, %dma_start3A_217] : memref<10112x128xf32, #tpu.memory_space<vmem_shared>> -> memref<128x128xf32, #tpu.memory_space<vmem_shared>>
      tpu.enqueue_dma source(%arg10 : memref<128x128xf32, #tpu.memory_space<vmem>>) target(%dma_start3A_218 : memref<128x128xf32, #tpu.memory_space<vmem_shared>>) target_semaphore(%run_scoped3A : memref<!tpu.dma_semaphore, #tpu.memory_space<semaphore_mem>>)
      %dma_wait3A_219 = arith.constant 0 : i32
      %dma_wait3A_220 = tpu.memref_slice %arg12[%add3A_21, %dma_wait3A_219] : memref<10112x128xf32, #tpu.memory_space<vmem_shared>> -> memref<128x128xf32, #tpu.memory_space<vmem_shared>>
      %dma_wait3A_221 = arith.constant 0 : i32
      %dma_wait3A_222 = tpu.memref_slice %arg12[%add3A_21, %dma_wait3A_221] : memref<10112x128xf32, #tpu.memory_space<vmem_shared>> -> memref<128x128xf32, #tpu.memory_space<vmem_shared>>
      tpu.wait_dma2 semaphore(%run_scoped3A : memref<!tpu.dma_semaphore, #tpu.memory_space<semaphore_mem>>) src(%arg10 : memref<128x128xf32, #tpu.memory_space<vmem>>) dst(%dma_wait3A_222 : memref<128x128xf32, #tpu.memory_space<vmem_shared>>)
      tpu.yield
    }) : () -> ()
    %mul3A_22 = arith.constant 632 : i32
    %mul3A_23 = arith.muli %arg1, %mul3A_22 : i32
    %add3A_24 = arith.constant 384 : i32
    %add3A_25 = arith.addi %mul3A_23, %add3A_24 : i32
    "tpu.region"() ({
      %run_scoped3A = tpu.sem_alloc : memref<!tpu.dma_semaphore, #tpu.memory_space<semaphore_mem>>
      %dma_start3A_215 = arith.constant 0 : i32
      %dma_start3A_216 = tpu.memref_slice %arg12[%add3A_25, %dma_start3A_215] : memref<10112x128xf32, #tpu.memory_space<vmem_shared>> -> memref<128x128xf32, #tpu.memory_space<vmem_shared>>
      %dma_start3A_217 = arith.constant 0 : i32
      %dma_start3A_218 = tpu.memref_slice %arg12[%add3A_25, %dma_start3A_217] : memref<10112x128xf32, #tpu.memory_space<vmem_shared>> -> memref<128x128xf32, #tpu.memory_space<vmem_shared>>
      tpu.enqueue_dma source(%arg10 : memref<128x128xf32, #tpu.memory_space<vmem>>) target(%dma_start3A_218 : memref<128x128xf32, #tpu.memory_space<vmem_shared>>) target_semaphore(%run_scoped3A : memref<!tpu.dma_semaphore, #tpu.memory_space<semaphore_mem>>)
      %dma_wait3A_219 = arith.constant 0 : i32
      %dma_wait3A_220 = tpu.memref_slice %arg12[%add3A_25, %dma_wait3A_219] : memref<10112x128xf32, #tpu.memory_space<vmem_shared>> -> memref<128x128xf32, #tpu.memory_space<vmem_shared>>
      %dma_wait3A_221 = arith.constant 0 : i32
      %dma_wait3A_222 = tpu.memref_slice %arg12[%add3A_25, %dma_wait3A_221] : memref<10112x128xf32, #tpu.memory_space<vmem_shared>> -> memref<128x128xf32, #tpu.memory_space<vmem_shared>>
      tpu.wait_dma2 semaphore(%run_scoped3A : memref<!tpu.dma_semaphore, #tpu.memory_space<semaphore_mem>>) src(%arg10 : memref<128x128xf32, #tpu.memory_space<vmem>>) dst(%dma_wait3A_222 : memref<128x128xf32, #tpu.memory_space<vmem_shared>>)
      tpu.yield
    }) : () -> ()
    %mul3A_26 = arith.constant 632 : i32
    %mul3A_27 = arith.muli %arg1, %mul3A_26 : i32
    %add3A_28 = arith.constant 512 : i32
    %add3A_29 = arith.addi %mul3A_27, %add3A_28 : i32
    "tpu.region"() ({
      %run_scoped3A = tpu.sem_alloc : memref<!tpu.dma_semaphore, #tpu.memory_space<semaphore_mem>>
      %dma_start3A_215 = arith.constant 0 : i32
      %dma_start3A_216 = arith.constant 0 : i32
      %dma_start3A_217 = tpu.memref_slice %arg10[%dma_start3A_215, %dma_start3A_216] : memref<128x128xf32, #tpu.memory_space<vmem>> -> memref<120x128xf32, #tpu.memory_space<vmem>>
      %dma_start3A_218 = arith.constant 0 : i32
      %dma_start3A_219 = tpu.memref_slice %arg12[%add3A_29, %dma_start3A_218] : memref<10112x128xf32, #tpu.memory_space<vmem_shared>> -> memref<120x128xf32, #tpu.memory_space<vmem_shared>>
      %dma_start3A_220 = arith.constant 0 : i32
      %dma_start3A_221 = tpu.memref_slice %arg12[%add3A_29, %dma_start3A_220] : memref<10112x128xf32, #tpu.memory_space<vmem_shared>> -> memref<120x128xf32, #tpu.memory_space<vmem_shared>>
      %dma_start3A_222 = arith.constant 0 : i32
      %dma_start3A_223 = arith.constant 0 : i32
      %dma_start3A_224 = tpu.memref_slice %arg10[%dma_start3A_222, %dma_start3A_223] : memref<128x128xf32, #tpu.memory_space<vmem>> -> memref<120x128xf32, #tpu.memory_space<vmem>>
      tpu.enqueue_dma source(%dma_start3A_224 : memref<120x128xf32, #tpu.memory_space<vmem>>) target(%dma_start3A_221 : memref<120x128xf32, #tpu.memory_space<vmem_shared>>) target_semaphore(%run_scoped3A : memref<!tpu.dma_semaphore, #tpu.memory_space<semaphore_mem>>)
      %dma_wait3A_225 = arith.constant 0 : i32
      %dma_wait3A_226 = arith.constant 0 : i32
      %dma_wait3A_227 = tpu.memref_slice %arg10[%dma_wait3A_225, %dma_wait3A_226] : memref<128x128xf32, #tpu.memory_space<vmem>> -> memref<120x128xf32, #tpu.memory_space<vmem>>
      %dma_wait3A_228 = arith.constant 0 : i32
      %dma_wait3A_229 = tpu.memref_slice %arg12[%add3A_29, %dma_wait3A_228] : memref<10112x128xf32, #tpu.memory_space<vmem_shared>> -> memref<120x128xf32, #tpu.memory_space<vmem_shared>>
      %dma_wait3A_230 = arith.constant 0 : i32
      %dma_wait3A_231 = tpu.memref_slice %arg12[%add3A_29, %dma_wait3A_230] : memref<10112x128xf32, #tpu.memory_space<vmem_shared>> -> memref<120x128xf32, #tpu.memory_space<vmem_shared>>
      %dma_wait3A_232 = arith.constant 0 : i32
      %dma_wait3A_233 = arith.constant 0 : i32
      %dma_wait3A_234 = tpu.memref_slice %arg10[%dma_wait3A_232, %dma_wait3A_233] : memref<128x128xf32, #tpu.memory_space<vmem>> -> memref<120x128xf32, #tpu.memory_space<vmem>>
      tpu.wait_dma2 semaphore(%run_scoped3A : memref<!tpu.dma_semaphore, #tpu.memory_space<semaphore_mem>>) src(%dma_wait3A_234 : memref<120x128xf32, #tpu.memory_space<vmem>>) dst(%dma_wait3A_231 : memref<120x128xf32, #tpu.memory_space<vmem_shared>>)
      tpu.yield
    }) : () -> ()
    "tpu.region"() ({
      %run_scoped3A = tpu.sem_alloc : memref<!tpu.dma_semaphore, #tpu.memory_space<semaphore_mem>>
      %dma_start3A_215 = arith.constant 0 : i32
      %dma_start3A_216 = tpu.memref_slice %arg3[%add3A, %dma_start3A_215] : memref<2688x128xi32, #tpu.memory_space<hbm>> -> memref<128x128xi32, #tpu.memory_space<hbm>>
      %dma_start3A_217 = arith.constant 0 : i32
      %dma_start3A_218 = tpu.memref_slice %arg3[%add3A, %dma_start3A_217] : memref<2688x128xi32, #tpu.memory_space<hbm>> -> memref<128x128xi32, #tpu.memory_space<hbm>>
      tpu.enqueue_dma source(%dma_start3A_218 : memref<128x128xi32, #tpu.memory_space<hbm>>) target(%arg5 : memref<128x128xi32, #tpu.memory_space<vmem>>) target_semaphore(%run_scoped3A : memref<!tpu.dma_semaphore, #tpu.memory_space<semaphore_mem>>)
      %dma_wait3A_219 = arith.constant 0 : i32
      %dma_wait3A_220 = tpu.memref_slice %arg3[%add3A, %dma_wait3A_219] : memref<2688x128xi32, #tpu.memory_space<hbm>> -> memref<128x128xi32, #tpu.memory_space<hbm>>
      %dma_wait3A_221 = arith.constant 0 : i32
      %dma_wait3A_222 = tpu.memref_slice %arg3[%add3A, %dma_wait3A_221] : memref<2688x128xi32, #tpu.memory_space<hbm>> -> memref<128x128xi32, #tpu.memory_space<hbm>>
      tpu.wait_dma2 semaphore(%run_scoped3A : memref<!tpu.dma_semaphore, #tpu.memory_space<semaphore_mem>>) src(%dma_wait3A_222 : memref<128x128xi32, #tpu.memory_space<hbm>>) dst(%arg5 : memref<128x128xi32, #tpu.memory_space<vmem>>)
      tpu.yield
    }) : () -> ()
    %barrier3A = arith.constant 0 : index
    tpu.barrier barrier_id(%barrier3A)
    %get3A = arith.constant 0 : i32
    %get3A_30 = arith.index_cast %get3A : i32 to index
    %get3A_31 = arith.constant 0 : index
    %get3A_32 = tpu.vector_load %arg5[%get3A_30, %get3A_31] {strides = array<i32>} : memref<128x128xi32, #tpu.memory_space<vmem>>, vector<1x16xi32>,
    %get3A_33 = vector.shape_cast %get3A_32 : vector<1x16xi32> to vector<16xi32>
    %shift_right_logical3A = arith.constant 14 : i32
    %shift_right_logical3A_34 = vector.broadcast %shift_right_logical3A : i32 to vector<16xi32>
    %shift_right_logical3A_35 = arith.shrui %get3A_33, %shift_right_logical3A_34 : vector<16xi32>
    %swap3A = arith.constant 0 : index
    %swap3A_36 = tpu.vector_load %arg6[%swap3A] {strides = array<i32>} : memref<128xi32, #tpu.memory_space<vmem>>, vector<16xi32>,
    %swap3A_37 = vector.shape_cast %swap3A_36 : vector<16xi32> to vector<16xi32>
    %swap3A_38 = vector.shape_cast %shift_right_logical3A_35 : vector<16xi32> to vector<16xi32>
    tpu.vector_store %arg6[%swap3A], %swap3A_38 {strides = array<i32>} : memref<128xi32, #tpu.memory_space<vmem>>, vector<16xi32>,
    %and3A = arith.constant 16383 : i32
    %and3A_39 = vector.broadcast %and3A : i32 to vector<16xi32>
    %and3A_40 = arith.andi %get3A_33, %and3A_39 : vector<16xi32>
    %swap3A_41 = arith.constant 0 : index
    %swap3A_42 = tpu.vector_load %arg7[%swap3A_41] {strides = array<i32>} : memref<128xi32, #tpu.memory_space<vmem>>, vector<16xi32>,
    %swap3A_43 = vector.shape_cast %swap3A_42 : vector<16xi32> to vector<16xi32>
    %swap3A_44 = vector.shape_cast %and3A_40 : vector<16xi32> to vector<16xi32>
    tpu.vector_store %arg7[%swap3A_41], %swap3A_44 {strides = array<i32>} : memref<128xi32, #tpu.memory_space<vmem>>, vector<16xi32>,
    %get3A_45 = arith.constant 0 : i32
    %get3A_46 = arith.index_cast %get3A_45 : i32 to index
    %get3A_47 = arith.constant 16 : index
    %get3A_48 = tpu.vector_load %arg5[%get3A_46, %get3A_47] {strides = array<i32>} : memref<128x128xi32, #tpu.memory_space<vmem>>, vector<1x16xi32>,
    %get3A_49 = vector.shape_cast %get3A_48 : vector<1x16xi32> to vector<16xi32>
    %shift_right_logical3A_50 = arith.constant 14 : i32
    %shift_right_logical3A_51 = vector.broadcast %shift_right_logical3A_50 : i32 to vector<16xi32>
    %shift_right_logical3A_52 = arith.shrui %get3A_49, %shift_right_logical3A_51 : vector<16xi32>
    %swap3A_53 = arith.constant 16 : index
    %swap3A_54 = tpu.vector_load %arg6[%swap3A_53] {strides = array<i32>} : memref<128xi32, #tpu.memory_space<vmem>>, vector<16xi32>,
    %swap3A_55 = vector.shape_cast %swap3A_54 : vector<16xi32> to vector<16xi32>
    %swap3A_56 = vector.shape_cast %shift_right_logical3A_52 : vector<16xi32> to vector<16xi32>
    tpu.vector_store %arg6[%swap3A_53], %swap3A_56 {strides = array<i32>} : memref<128xi32, #tpu.memory_space<vmem>>, vector<16xi32>,
    %and3A_57 = arith.constant 16383 : i32
    %and3A_58 = vector.broadcast %and3A_57 : i32 to vector<16xi32>
    %and3A_59 = arith.andi %get3A_49, %and3A_58 : vector<16xi32>
    %swap3A_60 = arith.constant 16 : index
    %swap3A_61 = tpu.vector_load %arg7[%swap3A_60] {strides = array<i32>} : memref<128xi32, #tpu.memory_space<vmem>>, vector<16xi32>,
    %swap3A_62 = vector.shape_cast %swap3A_61 : vector<16xi32> to vector<16xi32>
    %swap3A_63 = vector.shape_cast %and3A_59 : vector<16xi32> to vector<16xi32>
    tpu.vector_store %arg7[%swap3A_60], %swap3A_63 {strides = array<i32>} : memref<128xi32, #tpu.memory_space<vmem>>, vector<16xi32>,
    %get3A_64 = arith.constant 0 : i32
    %get3A_65 = arith.index_cast %get3A_64 : i32 to index
    %get3A_66 = arith.constant 32 : index
    %get3A_67 = tpu.vector_load %arg5[%get3A_65, %get3A_66] {strides = array<i32>} : memref<128x128xi32, #tpu.memory_space<vmem>>, vector<1x16xi32>,
    %get3A_68 = vector.shape_cast %get3A_67 : vector<1x16xi32> to vector<16xi32>
    %shift_right_logical3A_69 = arith.constant 14 : i32
    %shift_right_logical3A_70 = vector.broadcast %shift_right_logical3A_69 : i32 to vector<16xi32>
    %shift_right_logical3A_71 = arith.shrui %get3A_68, %shift_right_logical3A_70 : vector<16xi32>
    %swap3A_72 = arith.constant 32 : index
    %swap3A_73 = tpu.vector_load %arg6[%swap3A_72] {strides = array<i32>} : memref<128xi32, #tpu.memory_space<vmem>>, vector<16xi32>,
    %swap3A_74 = vector.shape_cast %swap3A_73 : vector<16xi32> to vector<16xi32>
    %swap3A_75 = vector.shape_cast %shift_right_logical3A_71 : vector<16xi32> to vector<16xi32>
    tpu.vector_store %arg6[%swap3A_72], %swap3A_75 {strides = array<i32>} : memref<128xi32, #tpu.memory_space<vmem>>, vector<16xi32>,
    %and3A_76 = arith.constant 16383 : i32
    %and3A_77 = vector.broadcast %and3A_76 : i32 to vector<16xi32>
    %and3A_78 = arith.andi %get3A_68, %and3A_77 : vector<16xi32>
    %swap3A_79 = arith.constant 32 : index
    %swap3A_80 = tpu.vector_load %arg7[%swap3A_79] {strides = array<i32>} : memref<128xi32, #tpu.memory_space<vmem>>, vector<16xi32>,
    %swap3A_81 = vector.shape_cast %swap3A_80 : vector<16xi32> to vector<16xi32>
    %swap3A_82 = vector.shape_cast %and3A_78 : vector<16xi32> to vector<16xi32>
    tpu.vector_store %arg7[%swap3A_79], %swap3A_82 {strides = array<i32>} : memref<128xi32, #tpu.memory_space<vmem>>, vector<16xi32>,
    %get3A_83 = arith.constant 0 : i32
    %get3A_84 = arith.index_cast %get3A_83 : i32 to index
    %get3A_85 = arith.constant 48 : index
    %get3A_86 = tpu.vector_load %arg5[%get3A_84, %get3A_85] {strides = array<i32>} : memref<128x128xi32, #tpu.memory_space<vmem>>, vector<1x16xi32>,
    %get3A_87 = vector.shape_cast %get3A_86 : vector<1x16xi32> to vector<16xi32>
    %shift_right_logical3A_88 = arith.constant 14 : i32
    %shift_right_logical3A_89 = vector.broadcast %shift_right_logical3A_88 : i32 to vector<16xi32>
    %shift_right_logical3A_90 = arith.shrui %get3A_87, %shift_right_logical3A_89 : vector<16xi32>
    %swap3A_91 = arith.constant 48 : index
    %swap3A_92 = tpu.vector_load %arg6[%swap3A_91] {strides = array<i32>} : memref<128xi32, #tpu.memory_space<vmem>>, vector<16xi32>,
    %swap3A_93 = vector.shape_cast %swap3A_92 : vector<16xi32> to vector<16xi32>
    %swap3A_94 = vector.shape_cast %shift_right_logical3A_90 : vector<16xi32> to vector<16xi32>
    tpu.vector_store %arg6[%swap3A_91], %swap3A_94 {strides = array<i32>} : memref<128xi32, #tpu.memory_space<vmem>>, vector<16xi32>,
    %and3A_95 = arith.constant 16383 : i32
    %and3A_96 = vector.broadcast %and3A_95 : i32 to vector<16xi32>
    %and3A_97 = arith.andi %get3A_87, %and3A_96 : vector<16xi32>
    %swap3A_98 = arith.constant 48 : index
    %swap3A_99 = tpu.vector_load %arg7[%swap3A_98] {strides = array<i32>} : memref<128xi32, #tpu.memory_space<vmem>>, vector<16xi32>,
    %swap3A_100 = vector.shape_cast %swap3A_99 : vector<16xi32> to vector<16xi32>
    %swap3A_101 = vector.shape_cast %and3A_97 : vector<16xi32> to vector<16xi32>
    tpu.vector_store %arg7[%swap3A_98], %swap3A_101 {strides = array<i32>} : memref<128xi32, #tpu.memory_space<vmem>>, vector<16xi32>,
    %get3A_102 = arith.constant 0 : i32
    %get3A_103 = arith.index_cast %get3A_102 : i32 to index
    %get3A_104 = arith.constant 64 : index
    %get3A_105 = tpu.vector_load %arg5[%get3A_103, %get3A_104] {strides = array<i32>} : memref<128x128xi32, #tpu.memory_space<vmem>>, vector<1x16xi32>,
    %get3A_106 = vector.shape_cast %get3A_105 : vector<1x16xi32> to vector<16xi32>
    %shift_right_logical3A_107 = arith.constant 14 : i32
    %shift_right_logical3A_108 = vector.broadcast %shift_right_logical3A_107 : i32 to vector<16xi32>
    %shift_right_logical3A_109 = arith.shrui %get3A_106, %shift_right_logical3A_108 : vector<16xi32>
    %swap3A_110 = arith.constant 64 : index
    %swap3A_111 = tpu.vector_load %arg6[%swap3A_110] {strides = array<i32>} : memref<128xi32, #tpu.memory_space<vmem>>, vector<16xi32>,
    %swap3A_112 = vector.shape_cast %swap3A_111 : vector<16xi32> to vector<16xi32>
    %swap3A_113 = vector.shape_cast %shift_right_logical3A_109 : vector<16xi32> to vector<16xi32>
    tpu.vector_store %arg6[%swap3A_110], %swap3A_113 {strides = array<i32>} : memref<128xi32, #tpu.memory_space<vmem>>, vector<16xi32>,
    %and3A_114 = arith.constant 16383 : i32
    %and3A_115 = vector.broadcast %and3A_114 : i32 to vector<16xi32>
    %and3A_116 = arith.andi %get3A_106, %and3A_115 : vector<16xi32>
    %swap3A_117 = arith.constant 64 : index
    %swap3A_118 = tpu.vector_load %arg7[%swap3A_117] {strides = array<i32>} : memref<128xi32, #tpu.memory_space<vmem>>, vector<16xi32>,
    %swap3A_119 = vector.shape_cast %swap3A_118 : vector<16xi32> to vector<16xi32>
    %swap3A_120 = vector.shape_cast %and3A_116 : vector<16xi32> to vector<16xi32>
    tpu.vector_store %arg7[%swap3A_117], %swap3A_120 {strides = array<i32>} : memref<128xi32, #tpu.memory_space<vmem>>, vector<16xi32>,
    %get3A_121 = arith.constant 0 : i32
    %get3A_122 = arith.index_cast %get3A_121 : i32 to index
    %get3A_123 = arith.constant 80 : index
    %get3A_124 = tpu.vector_load %arg5[%get3A_122, %get3A_123] {strides = array<i32>} : memref<128x128xi32, #tpu.memory_space<vmem>>, vector<1x16xi32>,
    %get3A_125 = vector.shape_cast %get3A_124 : vector<1x16xi32> to vector<16xi32>
    %shift_right_logical3A_126 = arith.constant 14 : i32
    %shift_right_logical3A_127 = vector.broadcast %shift_right_logical3A_126 : i32 to vector<16xi32>
    %shift_right_logical3A_128 = arith.shrui %get3A_125, %shift_right_logical3A_127 : vector<16xi32>
    %swap3A_129 = arith.constant 80 : index
    %swap3A_130 = tpu.vector_load %arg6[%swap3A_129] {strides = array<i32>} : memref<128xi32, #tpu.memory_space<vmem>>, vector<16xi32>,
    %swap3A_131 = vector.shape_cast %swap3A_130 : vector<16xi32> to vector<16xi32>
    %swap3A_132 = vector.shape_cast %shift_right_logical3A_128 : vector<16xi32> to vector<16xi32>
    tpu.vector_store %arg6[%swap3A_129], %swap3A_132 {strides = array<i32>} : memref<128xi32, #tpu.memory_space<vmem>>, vector<16xi32>,
    %and3A_133 = arith.constant 16383 : i32
    %and3A_134 = vector.broadcast %and3A_133 : i32 to vector<16xi32>
    %and3A_135 = arith.andi %get3A_125, %and3A_134 : vector<16xi32>
    %swap3A_136 = arith.constant 80 : index
    %swap3A_137 = tpu.vector_load %arg7[%swap3A_136] {strides = array<i32>} : memref<128xi32, #tpu.memory_space<vmem>>, vector<16xi32>,
    %swap3A_138 = vector.shape_cast %swap3A_137 : vector<16xi32> to vector<16xi32>
    %swap3A_139 = vector.shape_cast %and3A_135 : vector<16xi32> to vector<16xi32>
    tpu.vector_store %arg7[%swap3A_136], %swap3A_139 {strides = array<i32>} : memref<128xi32, #tpu.memory_space<vmem>>, vector<16xi32>,
    %get3A_140 = arith.constant 0 : i32
    %get3A_141 = arith.index_cast %get3A_140 : i32 to index
    %get3A_142 = arith.constant 96 : index
    %get3A_143 = tpu.vector_load %arg5[%get3A_141, %get3A_142] {strides = array<i32>} : memref<128x128xi32, #tpu.memory_space<vmem>>, vector<1x16xi32>,
    %get3A_144 = vector.shape_cast %get3A_143 : vector<1x16xi32> to vector<16xi32>
    %shift_right_logical3A_145 = arith.constant 14 : i32
    %shift_right_logical3A_146 = vector.broadcast %shift_right_logical3A_145 : i32 to vector<16xi32>
    %shift_right_logical3A_147 = arith.shrui %get3A_144, %shift_right_logical3A_146 : vector<16xi32>
    %swap3A_148 = arith.constant 96 : index
    %swap3A_149 = tpu.vector_load %arg6[%swap3A_148] {strides = array<i32>} : memref<128xi32, #tpu.memory_space<vmem>>, vector<16xi32>,
    %swap3A_150 = vector.shape_cast %swap3A_149 : vector<16xi32> to vector<16xi32>
    %swap3A_151 = vector.shape_cast %shift_right_logical3A_147 : vector<16xi32> to vector<16xi32>
    tpu.vector_store %arg6[%swap3A_148], %swap3A_151 {strides = array<i32>} : memref<128xi32, #tpu.memory_space<vmem>>, vector<16xi32>,
    %and3A_152 = arith.constant 16383 : i32
    %and3A_153 = vector.broadcast %and3A_152 : i32 to vector<16xi32>
    %and3A_154 = arith.andi %get3A_144, %and3A_153 : vector<16xi32>
    %swap3A_155 = arith.constant 96 : index
    %swap3A_156 = tpu.vector_load %arg7[%swap3A_155] {strides = array<i32>} : memref<128xi32, #tpu.memory_space<vmem>>, vector<16xi32>,
    %swap3A_157 = vector.shape_cast %swap3A_156 : vector<16xi32> to vector<16xi32>
    %swap3A_158 = vector.shape_cast %and3A_154 : vector<16xi32> to vector<16xi32>
    tpu.vector_store %arg7[%swap3A_155], %swap3A_158 {strides = array<i32>} : memref<128xi32, #tpu.memory_space<vmem>>, vector<16xi32>,
    %get3A_159 = arith.constant 0 : i32
    %get3A_160 = arith.index_cast %get3A_159 : i32 to index
    %get3A_161 = arith.constant 112 : index
    %get3A_162 = tpu.vector_load %arg5[%get3A_160, %get3A_161] {strides = array<i32>} : memref<128x128xi32, #tpu.memory_space<vmem>>, vector<1x16xi32>,
    %get3A_163 = vector.shape_cast %get3A_162 : vector<1x16xi32> to vector<16xi32>
    %shift_right_logical3A_164 = arith.constant 14 : i32
    %shift_right_logical3A_165 = vector.broadcast %shift_right_logical3A_164 : i32 to vector<16xi32>
    %shift_right_logical3A_166 = arith.shrui %get3A_163, %shift_right_logical3A_165 : vector<16xi32>
    %swap3A_167 = arith.constant 112 : index
    %swap3A_168 = tpu.vector_load %arg6[%swap3A_167] {strides = array<i32>} : memref<128xi32, #tpu.memory_space<vmem>>, vector<16xi32>,
    %swap3A_169 = vector.shape_cast %swap3A_168 : vector<16xi32> to vector<16xi32>
    %swap3A_170 = vector.shape_cast %shift_right_logical3A_166 : vector<16xi32> to vector<16xi32>
    tpu.vector_store %arg6[%swap3A_167], %swap3A_170 {strides = array<i32>} : memref<128xi32, #tpu.memory_space<vmem>>, vector<16xi32>,
    %and3A_171 = arith.constant 16383 : i32
    %and3A_172 = vector.broadcast %and3A_171 : i32 to vector<16xi32>
    %and3A_173 = arith.andi %get3A_163, %and3A_172 : vector<16xi32>
    %swap3A_174 = arith.constant 112 : index
    %swap3A_175 = tpu.vector_load %arg7[%swap3A_174] {strides = array<i32>} : memref<128xi32, #tpu.memory_space<vmem>>, vector<16xi32>,
    %swap3A_176 = vector.shape_cast %swap3A_175 : vector<16xi32> to vector<16xi32>
    %swap3A_177 = vector.shape_cast %and3A_173 : vector<16xi32> to vector<16xi32>
    tpu.vector_store %arg7[%swap3A_174], %swap3A_177 {strides = array<i32>} : memref<128xi32, #tpu.memory_space<vmem>>, vector<16xi32>,
    %dma_start3A = arith.constant 0 : i32
    %dma_start3A_178 = arith.constant 0 : i32
    %dma_start3A_179 = tpu.memref_slice %arg2[%dma_start3A, %dma_start3A_178] : memref<10112x128xf32, #tpu.memory_space<hbm>> -> memref<10112x128xf32, #tpu.memory_space<hbm>>
    tpu.enqueue_indirect_dma source(%dma_start3A_179 : memref<10112x128xf32, #tpu.memory_space<hbm>>) target(%arg10 : memref<128x128xf32, #tpu.memory_space<vmem>>) offsets(%arg6 : memref<128xi32, #tpu.memory_space<vmem>>) semaphore(%arg13 : memref<!tpu.dma_semaphore, #tpu.memory_space<semaphore_mem>>)
    %jit3A_180 = arith.constant 2 : i32
    %div3A = arith.divsi %select_n3A, %jit3A_180 : i32
    %sign3A = arith.constant 0 : i32
    %sign3A_181 = arith.cmpi sgt, %select_n3A, %sign3A : i32
    %sign3A_182 = arith.extui %sign3A_181 : i1 to i32
    %sign3A_183 = arith.constant 0 : i32
    %sign3A_184 = arith.cmpi slt, %select_n3A, %sign3A_183 : i32
    %sign3A_185 = arith.extui %sign3A_184 : i1 to i32
    %sign3A_186 = arith.subi %sign3A_182, %sign3A_185 : i32
    %sign3A_187 = arith.constant 0 : i32
    %sign3A_188 = arith.cmpi sgt, %jit3A_180, %sign3A_187 : i32
    %sign3A_189 = arith.extui %sign3A_188 : i1 to i32
    %sign3A_190 = arith.constant 0 : i32
    %sign3A_191 = arith.cmpi slt, %jit3A_180, %sign3A_190 : i32
    %sign3A_192 = arith.extui %sign3A_191 : i1 to i32
    %sign3A_193 = arith.subi %sign3A_189, %sign3A_192 : i32
    %ne3A = arith.cmpi ne, %sign3A_186, %sign3A_193 : i32
    %rem3A = arith.remsi %select_n3A, %jit3A_180 : i32
    %ne3A_194 = arith.constant 0 : i32
    %ne3A_195 = arith.cmpi ne, %rem3A, %ne3A_194 : i32
    %and3A_196 = arith.andi %ne3A, %ne3A_195 : i1
    %sub3A = arith.constant 1 : i32
    %sub3A_197 = arith.subi %div3A, %sub3A : i32
    %select_n3A_198 = arith.select %and3A_196, %sub3A_197, %div3A : i32
    %while3A = arith.constant 0 : i32
    %while3A_199 = arith.constant 0 : i32
    %while3A_200 = arith.subi %select_n3A_198, %while3A_199 : i32
    %while3A_201 = arith.addi %while3A_199, %while3A_200 : i32
    %while3A_202 = arith.constant 1 : i32
    %while3A_203 = arith.divsi %while3A_200, %while3A_202 : i32
    %while3A_204 = arith.muli %while3A_203, %while3A_202 : i32
    %while3A_205 = arith.addi %while3A_199, %while3A_204 : i32
    %while3A_206 = arith.constant 1 : i32
    scf.for %while3A_215 = %while3A_199 to %while3A_205 step %while3A_206  : i32 {
      %mul3A_216 = arith.constant 2 : i32
      %mul3A_217 = arith.muli %while3A_215, %mul3A_216 : i32
      %add3A_218 = arith.constant 1 : i32
      %add3A_219 = arith.addi %mul3A_217, %add3A_218 : i32
      %get3A_220 = arith.index_cast %add3A_219 : i32 to index
      %get3A_221 = arith.constant 0 : index
      %get3A_222 = tpu.vector_load %arg5[%get3A_220, %get3A_221] {strides = array<i32>} : memref<128x128xi32, #tpu.memory_space<vmem>>, vector<1x16xi32>,
      %get3A_223 = vector.shape_cast %get3A_222 : vector<1x16xi32> to vector<16xi32>
      %shift_right_logical3A_224 = arith.constant 14 : i32
      %shift_right_logical3A_225 = vector.broadcast %shift_right_logical3A_224 : i32 to vector<16xi32>
      %shift_right_logical3A_226 = arith.shrui %get3A_223, %shift_right_logical3A_225 : vector<16xi32>
      %swap3A_227 = arith.constant 0 : index
      %swap3A_228 = tpu.vector_load %arg8[%swap3A_227] {strides = array<i32>} : memref<128xi32, #tpu.memory_space<vmem>>, vector<16xi32>,
      %swap3A_229 = vector.shape_cast %swap3A_228 : vector<16xi32> to vector<16xi32>
      %swap3A_230 = vector.shape_cast %shift_right_logical3A_226 : vector<16xi32> to vector<16xi32>
      tpu.vector_store %arg8[%swap3A_227], %swap3A_230 {strides = array<i32>} : memref<128xi32, #tpu.memory_space<vmem>>, vector<16xi32>,
      %and3A_231 = arith.constant 16383 : i32
      %and3A_232 = vector.broadcast %and3A_231 : i32 to vector<16xi32>
      %and3A_233 = arith.andi %get3A_223, %and3A_232 : vector<16xi32>
      %swap3A_234 = arith.constant 0 : index
      %swap3A_235 = tpu.vector_load %arg9[%swap3A_234] {strides = array<i32>} : memref<128xi32, #tpu.memory_space<vmem>>, vector<16xi32>,
      %swap3A_236 = vector.shape_cast %swap3A_235 : vector<16xi32> to vector<16xi32>
      %swap3A_237 = vector.shape_cast %and3A_233 : vector<16xi32> to vector<16xi32>
      tpu.vector_store %arg9[%swap3A_234], %swap3A_237 {strides = array<i32>} : memref<128xi32, #tpu.memory_space<vmem>>, vector<16xi32>,
      %get3A_238 = arith.index_cast %add3A_219 : i32 to index
      %get3A_239 = arith.constant 16 : index
      %get3A_240 = tpu.vector_load %arg5[%get3A_238, %get3A_239] {strides = array<i32>} : memref<128x128xi32, #tpu.memory_space<vmem>>, vector<1x16xi32>,
      %get3A_241 = vector.shape_cast %get3A_240 : vector<1x16xi32> to vector<16xi32>
      %shift_right_logical3A_242 = arith.constant 14 : i32
      %shift_right_logical3A_243 = vector.broadcast %shift_right_logical3A_242 : i32 to vector<16xi32>
      %shift_right_logical3A_244 = arith.shrui %get3A_241, %shift_right_logical3A_243 : vector<16xi32>
      %swap3A_245 = arith.constant 16 : index
      %swap3A_246 = tpu.vector_load %arg8[%swap3A_245] {strides = array<i32>} : memref<128xi32, #tpu.memory_space<vmem>>, vector<16xi32>,
      %swap3A_247 = vector.shape_cast %swap3A_246 : vector<16xi32> to vector<16xi32>
      %swap3A_248 = vector.shape_cast %shift_right_logical3A_244 : vector<16xi32> to vector<16xi32>
      tpu.vector_store %arg8[%swap3A_245], %swap3A_248 {strides = array<i32>} : memref<128xi32, #tpu.memory_space<vmem>>, vector<16xi32>,
      %and3A_249 = arith.constant 16383 : i32
      %and3A_250 = vector.broadcast %and3A_249 : i32 to vector<16xi32>
      %and3A_251 = arith.andi %get3A_241, %and3A_250 : vector<16xi32>
      %swap3A_252 = arith.constant 16 : index
      %swap3A_253 = tpu.vector_load %arg9[%swap3A_252] {strides = array<i32>} : memref<128xi32, #tpu.memory_space<vmem>>, vector<16xi32>,
      %swap3A_254 = vector.shape_cast %swap3A_253 : vector<16xi32> to vector<16xi32>
      %swap3A_255 = vector.shape_cast %and3A_251 : vector<16xi32> to vector<16xi32>
      tpu.vector_store %arg9[%swap3A_252], %swap3A_255 {strides = array<i32>} : memref<128xi32, #tpu.memory_space<vmem>>, vector<16xi32>,
      %get3A_256 = arith.index_cast %add3A_219 : i32 to index
      %get3A_257 = arith.constant 32 : index
      %get3A_258 = tpu.vector_load %arg5[%get3A_256, %get3A_257] {strides = array<i32>} : memref<128x128xi32, #tpu.memory_space<vmem>>, vector<1x16xi32>,
      %get3A_259 = vector.shape_cast %get3A_258 : vector<1x16xi32> to vector<16xi32>
      %shift_right_logical3A_260 = arith.constant 14 : i32
      %shift_right_logical3A_261 = vector.broadcast %shift_right_logical3A_260 : i32 to vector<16xi32>
      %shift_right_logical3A_262 = arith.shrui %get3A_259, %shift_right_logical3A_261 : vector<16xi32>
      %swap3A_263 = arith.constant 32 : index
      %swap3A_264 = tpu.vector_load %arg8[%swap3A_263] {strides = array<i32>} : memref<128xi32, #tpu.memory_space<vmem>>, vector<16xi32>,
      %swap3A_265 = vector.shape_cast %swap3A_264 : vector<16xi32> to vector<16xi32>
      %swap3A_266 = vector.shape_cast %shift_right_logical3A_262 : vector<16xi32> to vector<16xi32>
      tpu.vector_store %arg8[%swap3A_263], %swap3A_266 {strides = array<i32>} : memref<128xi32, #tpu.memory_space<vmem>>, vector<16xi32>,
      %and3A_267 = arith.constant 16383 : i32
      %and3A_268 = vector.broadcast %and3A_267 : i32 to vector<16xi32>
      %and3A_269 = arith.andi %get3A_259, %and3A_268 : vector<16xi32>
      %swap3A_270 = arith.constant 32 : index
      %swap3A_271 = tpu.vector_load %arg9[%swap3A_270] {strides = array<i32>} : memref<128xi32, #tpu.memory_space<vmem>>, vector<16xi32>,
      %swap3A_272 = vector.shape_cast %swap3A_271 : vector<16xi32> to vector<16xi32>
      %swap3A_273 = vector.shape_cast %and3A_269 : vector<16xi32> to vector<16xi32>
      tpu.vector_store %arg9[%swap3A_270], %swap3A_273 {strides = array<i32>} : memref<128xi32, #tpu.memory_space<vmem>>, vector<16xi32>,
      %get3A_274 = arith.index_cast %add3A_219 : i32 to index
      %get3A_275 = arith.constant 48 : index
      %get3A_276 = tpu.vector_load %arg5[%get3A_274, %get3A_275] {strides = array<i32>} : memref<128x128xi32, #tpu.memory_space<vmem>>, vector<1x16xi32>,
      %get3A_277 = vector.shape_cast %get3A_276 : vector<1x16xi32> to vector<16xi32>
      %shift_right_logical3A_278 = arith.constant 14 : i32
      %shift_right_logical3A_279 = vector.broadcast %shift_right_logical3A_278 : i32 to vector<16xi32>
      %shift_right_logical3A_280 = arith.shrui %get3A_277, %shift_right_logical3A_279 : vector<16xi32>
      %swap3A_281 = arith.constant 48 : index
      %swap3A_282 = tpu.vector_load %arg8[%swap3A_281] {strides = array<i32>} : memref<128xi32, #tpu.memory_space<vmem>>, vector<16xi32>,
      %swap3A_283 = vector.shape_cast %swap3A_282 : vector<16xi32> to vector<16xi32>
      %swap3A_284 = vector.shape_cast %shift_right_logical3A_280 : vector<16xi32> to vector<16xi32>
      tpu.vector_store %arg8[%swap3A_281], %swap3A_284 {strides = array<i32>} : memref<128xi32, #tpu.memory_space<vmem>>, vector<16xi32>,
      %and3A_285 = arith.constant 16383 : i32
      %and3A_286 = vector.broadcast %and3A_285 : i32 to vector<16xi32>
      %and3A_287 = arith.andi %get3A_277, %and3A_286 : vector<16xi32>
      %swap3A_288 = arith.constant 48 : index
      %swap3A_289 = tpu.vector_load %arg9[%swap3A_288] {strides = array<i32>} : memref<128xi32, #tpu.memory_space<vmem>>, vector<16xi32>,
      %swap3A_290 = vector.shape_cast %swap3A_289 : vector<16xi32> to vector<16xi32>
      %swap3A_291 = vector.shape_cast %and3A_287 : vector<16xi32> to vector<16xi32>
      tpu.vector_store %arg9[%swap3A_288], %swap3A_291 {strides = array<i32>} : memref<128xi32, #tpu.memory_space<vmem>>, vector<16xi32>,
      %get3A_292 = arith.index_cast %add3A_219 : i32 to index
      %get3A_293 = arith.constant 64 : index
      %get3A_294 = tpu.vector_load %arg5[%get3A_292, %get3A_293] {strides = array<i32>} : memref<128x128xi32, #tpu.memory_space<vmem>>, vector<1x16xi32>,
      %get3A_295 = vector.shape_cast %get3A_294 : vector<1x16xi32> to vector<16xi32>
      %shift_right_logical3A_296 = arith.constant 14 : i32
      %shift_right_logical3A_297 = vector.broadcast %shift_right_logical3A_296 : i32 to vector<16xi32>
      %shift_right_logical3A_298 = arith.shrui %get3A_295, %shift_right_logical3A_297 : vector<16xi32>
      %swap3A_299 = arith.constant 64 : index
      %swap3A_300 = tpu.vector_load %arg8[%swap3A_299] {strides = array<i32>} : memref<128xi32, #tpu.memory_space<vmem>>, vector<16xi32>,
      %swap3A_301 = vector.shape_cast %swap3A_300 : vector<16xi32> to vector<16xi32>
      %swap3A_302 = vector.shape_cast %shift_right_logical3A_298 : vector<16xi32> to vector<16xi32>
      tpu.vector_store %arg8[%swap3A_299], %swap3A_302 {strides = array<i32>} : memref<128xi32, #tpu.memory_space<vmem>>, vector<16xi32>,
      %and3A_303 = arith.constant 16383 : i32
      %and3A_304 = vector.broadcast %and3A_303 : i32 to vector<16xi32>
      %and3A_305 = arith.andi %get3A_295, %and3A_304 : vector<16xi32>
      %swap3A_306 = arith.constant 64 : index
      %swap3A_307 = tpu.vector_load %arg9[%swap3A_306] {strides = array<i32>} : memref<128xi32, #tpu.memory_space<vmem>>, vector<16xi32>,
      %swap3A_308 = vector.shape_cast %swap3A_307 : vector<16xi32> to vector<16xi32>
      %swap3A_309 = vector.shape_cast %and3A_305 : vector<16xi32> to vector<16xi32>
      tpu.vector_store %arg9[%swap3A_306], %swap3A_309 {strides = array<i32>} : memref<128xi32, #tpu.memory_space<vmem>>, vector<16xi32>,
      %get3A_310 = arith.index_cast %add3A_219 : i32 to index
      %get3A_311 = arith.constant 80 : index
      %get3A_312 = tpu.vector_load %arg5[%get3A_310, %get3A_311] {strides = array<i32>} : memref<128x128xi32, #tpu.memory_space<vmem>>, vector<1x16xi32>,
      %get3A_313 = vector.shape_cast %get3A_312 : vector<1x16xi32> to vector<16xi32>
      %shift_right_logical3A_314 = arith.constant 14 : i32
      %shift_right_logical3A_315 = vector.broadcast %shift_right_logical3A_314 : i32 to vector<16xi32>
      %shift_right_logical3A_316 = arith.shrui %get3A_313, %shift_right_logical3A_315 : vector<16xi32>
      %swap3A_317 = arith.constant 80 : index
      %swap3A_318 = tpu.vector_load %arg8[%swap3A_317] {strides = array<i32>} : memref<128xi32, #tpu.memory_space<vmem>>, vector<16xi32>,
      %swap3A_319 = vector.shape_cast %swap3A_318 : vector<16xi32> to vector<16xi32>
      %swap3A_320 = vector.shape_cast %shift_right_logical3A_316 : vector<16xi32> to vector<16xi32>
      tpu.vector_store %arg8[%swap3A_317], %swap3A_320 {strides = array<i32>} : memref<128xi32, #tpu.memory_space<vmem>>, vector<16xi32>,
      %and3A_321 = arith.constant 16383 : i32
      %and3A_322 = vector.broadcast %and3A_321 : i32 to vector<16xi32>
      %and3A_323 = arith.andi %get3A_313, %and3A_322 : vector<16xi32>
      %swap3A_324 = arith.constant 80 : index
      %swap3A_325 = tpu.vector_load %arg9[%swap3A_324] {strides = array<i32>} : memref<128xi32, #tpu.memory_space<vmem>>, vector<16xi32>,
      %swap3A_326 = vector.shape_cast %swap3A_325 : vector<16xi32> to vector<16xi32>
      %swap3A_327 = vector.shape_cast %and3A_323 : vector<16xi32> to vector<16xi32>
      tpu.vector_store %arg9[%swap3A_324], %swap3A_327 {strides = array<i32>} : memref<128xi32, #tpu.memory_space<vmem>>, vector<16xi32>,
      %get3A_328 = arith.index_cast %add3A_219 : i32 to index
      %get3A_329 = arith.constant 96 : index
      %get3A_330 = tpu.vector_load %arg5[%get3A_328, %get3A_329] {strides = array<i32>} : memref<128x128xi32, #tpu.memory_space<vmem>>, vector<1x16xi32>,
      %get3A_331 = vector.shape_cast %get3A_330 : vector<1x16xi32> to vector<16xi32>
      %shift_right_logical3A_332 = arith.constant 14 : i32
      %shift_right_logical3A_333 = vector.broadcast %shift_right_logical3A_332 : i32 to vector<16xi32>
      %shift_right_logical3A_334 = arith.shrui %get3A_331, %shift_right_logical3A_333 : vector<16xi32>
      %swap3A_335 = arith.constant 96 : index
      %swap3A_336 = tpu.vector_load %arg8[%swap3A_335] {strides = array<i32>} : memref<128xi32, #tpu.memory_space<vmem>>, vector<16xi32>,
      %swap3A_337 = vector.shape_cast %swap3A_336 : vector<16xi32> to vector<16xi32>
      %swap3A_338 = vector.shape_cast %shift_right_logical3A_334 : vector<16xi32> to vector<16xi32>
      tpu.vector_store %arg8[%swap3A_335], %swap3A_338 {strides = array<i32>} : memref<128xi32, #tpu.memory_space<vmem>>, vector<16xi32>,
      %and3A_339 = arith.constant 16383 : i32
      %and3A_340 = vector.broadcast %and3A_339 : i32 to vector<16xi32>
      %and3A_341 = arith.andi %get3A_331, %and3A_340 : vector<16xi32>
      %swap3A_342 = arith.constant 96 : index
      %swap3A_343 = tpu.vector_load %arg9[%swap3A_342] {strides = array<i32>} : memref<128xi32, #tpu.memory_space<vmem>>, vector<16xi32>,
      %swap3A_344 = vector.shape_cast %swap3A_343 : vector<16xi32> to vector<16xi32>
      %swap3A_345 = vector.shape_cast %and3A_341 : vector<16xi32> to vector<16xi32>
      tpu.vector_store %arg9[%swap3A_342], %swap3A_345 {strides = array<i32>} : memref<128xi32, #tpu.memory_space<vmem>>, vector<16xi32>,
      %get3A_346 = arith.index_cast %add3A_219 : i32 to index
      %get3A_347 = arith.constant 112 : index
      %get3A_348 = tpu.vector_load %arg5[%get3A_346, %get3A_347] {strides = array<i32>} : memref<128x128xi32, #tpu.memory_space<vmem>>, vector<1x16xi32>,
      %get3A_349 = vector.shape_cast %get3A_348 : vector<1x16xi32> to vector<16xi32>
      %shift_right_logical3A_350 = arith.constant 14 : i32
      %shift_right_logical3A_351 = vector.broadcast %shift_right_logical3A_350 : i32 to vector<16xi32>
      %shift_right_logical3A_352 = arith.shrui %get3A_349, %shift_right_logical3A_351 : vector<16xi32>
      %swap3A_353 = arith.constant 112 : index
      %swap3A_354 = tpu.vector_load %arg8[%swap3A_353] {strides = array<i32>} : memref<128xi32, #tpu.memory_space<vmem>>, vector<16xi32>,
      %swap3A_355 = vector.shape_cast %swap3A_354 : vector<16xi32> to vector<16xi32>
      %swap3A_356 = vector.shape_cast %shift_right_logical3A_352 : vector<16xi32> to vector<16xi32>
      tpu.vector_store %arg8[%swap3A_353], %swap3A_356 {strides = array<i32>} : memref<128xi32, #tpu.memory_space<vmem>>, vector<16xi32>,
      %and3A_357 = arith.constant 16383 : i32
      %and3A_358 = vector.broadcast %and3A_357 : i32 to vector<16xi32>
      %and3A_359 = arith.andi %get3A_349, %and3A_358 : vector<16xi32>
      %swap3A_360 = arith.constant 112 : index
      %swap3A_361 = tpu.vector_load %arg9[%swap3A_360] {strides = array<i32>} : memref<128xi32, #tpu.memory_space<vmem>>, vector<16xi32>,
      %swap3A_362 = vector.shape_cast %swap3A_361 : vector<16xi32> to vector<16xi32>
      %swap3A_363 = vector.shape_cast %and3A_359 : vector<16xi32> to vector<16xi32>
      tpu.vector_store %arg9[%swap3A_360], %swap3A_363 {strides = array<i32>} : memref<128xi32, #tpu.memory_space<vmem>>, vector<16xi32>,
      %dma_start3A_364 = arith.constant 0 : i32
      %dma_start3A_365 = arith.constant 0 : i32
      %dma_start3A_366 = tpu.memref_slice %arg2[%dma_start3A_364, %dma_start3A_365] : memref<10112x128xf32, #tpu.memory_space<hbm>> -> memref<10112x128xf32, #tpu.memory_space<hbm>>
      tpu.enqueue_indirect_dma source(%dma_start3A_366 : memref<10112x128xf32, #tpu.memory_space<hbm>>) target(%arg11 : memref<128x128xf32, #tpu.memory_space<vmem>>) offsets(%arg8 : memref<128xi32, #tpu.memory_space<vmem>>) semaphore(%arg14 : memref<!tpu.dma_semaphore, #tpu.memory_space<semaphore_mem>>)
      %dma_wait3A_367 = arith.constant 0 : i32
      %dma_wait3A_368 = arith.constant 0 : i32
      %dma_wait3A_369 = tpu.memref_slice %arg2[%dma_wait3A_367, %dma_wait3A_368] : memref<10112x128xf32, #tpu.memory_space<hbm>> -> memref<10112x128xf32, #tpu.memory_space<hbm>>
      tpu.wait_indirect_dma semaphore(%arg13 : memref<!tpu.dma_semaphore, #tpu.memory_space<semaphore_mem>>) src(%dma_wait3A_369 : memref<10112x128xf32, #tpu.memory_space<hbm>>) dst(%arg10 : memref<128x128xf32, #tpu.memory_space<vmem>>)
      "tpu.region"() ({
        %run_scoped3A = tpu.sem_alloc : memref<!tpu.dma_semaphore, #tpu.memory_space<semaphore_mem>>
        %dma_start3A_524 = arith.constant 0 : i32
        %dma_start3A_525 = arith.constant 0 : i32
        %dma_start3A_526 = tpu.memref_slice %arg12[%dma_start3A_524, %dma_start3A_525] : memref<10112x128xf32, #tpu.memory_space<vmem_shared>> -> memref<10112x128xf32, #tpu.memory_space<vmem_shared>>
        tpu.enqueue_indirect_dma source(%arg10 : memref<128x128xf32, #tpu.memory_space<vmem>>) target(%dma_start3A_526 : memref<10112x128xf32, #tpu.memory_space<vmem_shared>>) offsets(%arg7 : memref<128xi32, #tpu.memory_space<vmem>>) semaphore(%run_scoped3A : memref<!tpu.dma_semaphore, #tpu.memory_space<semaphore_mem>>) {add = true}
        %dma_wait3A_527 = arith.constant 0 : i32
        %dma_wait3A_528 = arith.constant 0 : i32
        %dma_wait3A_529 = tpu.memref_slice %arg12[%dma_wait3A_527, %dma_wait3A_528] : memref<10112x128xf32, #tpu.memory_space<vmem_shared>> -> memref<10112x128xf32, #tpu.memory_space<vmem_shared>>
        tpu.wait_indirect_dma semaphore(%run_scoped3A : memref<!tpu.dma_semaphore, #tpu.memory_space<semaphore_mem>>) src(%arg10 : memref<128x128xf32, #tpu.memory_space<vmem>>) dst(%dma_wait3A_529 : memref<10112x128xf32, #tpu.memory_space<vmem_shared>>)
        tpu.yield
      }) : () -> ()
      %add3A_370 = arith.constant 2 : i32
      %add3A_371 = arith.addi %mul3A_217, %add3A_370 : i32
      %sub3A_372 = arith.constant 1 : i32
      %sub3A_373 = arith.subi %select_n3A, %sub3A_372 : i32
      %min3A = arith.minsi %add3A_371, %sub3A_373 : i32
      %get3A_374 = arith.index_cast %min3A : i32 to index
      %get3A_375 = arith.constant 0 : index
      %get3A_376 = tpu.vector_load %arg5[%get3A_374, %get3A_375] {strides = array<i32>} : memref<128x128xi32, #tpu.memory_space<vmem>>, vector<1x16xi32>,
      %get3A_377 = vector.shape_cast %get3A_376 : vector<1x16xi32> to vector<16xi32>
      %shift_right_logical3A_378 = arith.constant 14 : i32
      %shift_right_logical3A_379 = vector.broadcast %shift_right_logical3A_378 : i32 to vector<16xi32>
      %shift_right_logical3A_380 = arith.shrui %get3A_377, %shift_right_logical3A_379 : vector<16xi32>
      %swap3A_381 = arith.constant 0 : index
      %swap3A_382 = tpu.vector_load %arg6[%swap3A_381] {strides = array<i32>} : memref<128xi32, #tpu.memory_space<vmem>>, vector<16xi32>,
      %swap3A_383 = vector.shape_cast %swap3A_382 : vector<16xi32> to vector<16xi32>
      %swap3A_384 = vector.shape_cast %shift_right_logical3A_380 : vector<16xi32> to vector<16xi32>
      tpu.vector_store %arg6[%swap3A_381], %swap3A_384 {strides = array<i32>} : memref<128xi32, #tpu.memory_space<vmem>>, vector<16xi32>,
      %and3A_385 = arith.constant 16383 : i32
      %and3A_386 = vector.broadcast %and3A_385 : i32 to vector<16xi32>
      %and3A_387 = arith.andi %get3A_377, %and3A_386 : vector<16xi32>
      %swap3A_388 = arith.constant 0 : index
      %swap3A_389 = tpu.vector_load %arg7[%swap3A_388] {strides = array<i32>} : memref<128xi32, #tpu.memory_space<vmem>>, vector<16xi32>,
      %swap3A_390 = vector.shape_cast %swap3A_389 : vector<16xi32> to vector<16xi32>
      %swap3A_391 = vector.shape_cast %and3A_387 : vector<16xi32> to vector<16xi32>
      tpu.vector_store %arg7[%swap3A_388], %swap3A_391 {strides = array<i32>} : memref<128xi32, #tpu.memory_space<vmem>>, vector<16xi32>,
      %get3A_392 = arith.index_cast %min3A : i32 to index
      %get3A_393 = arith.constant 16 : index
      %get3A_394 = tpu.vector_load %arg5[%get3A_392, %get3A_393] {strides = array<i32>} : memref<128x128xi32, #tpu.memory_space<vmem>>, vector<1x16xi32>,
      %get3A_395 = vector.shape_cast %get3A_394 : vector<1x16xi32> to vector<16xi32>
      %shift_right_logical3A_396 = arith.constant 14 : i32
      %shift_right_logical3A_397 = vector.broadcast %shift_right_logical3A_396 : i32 to vector<16xi32>
      %shift_right_logical3A_398 = arith.shrui %get3A_395, %shift_right_logical3A_397 : vector<16xi32>
      %swap3A_399 = arith.constant 16 : index
      %swap3A_400 = tpu.vector_load %arg6[%swap3A_399] {strides = array<i32>} : memref<128xi32, #tpu.memory_space<vmem>>, vector<16xi32>,
      %swap3A_401 = vector.shape_cast %swap3A_400 : vector<16xi32> to vector<16xi32>
      %swap3A_402 = vector.shape_cast %shift_right_logical3A_398 : vector<16xi32> to vector<16xi32>
      tpu.vector_store %arg6[%swap3A_399], %swap3A_402 {strides = array<i32>} : memref<128xi32, #tpu.memory_space<vmem>>, vector<16xi32>,
      %and3A_403 = arith.constant 16383 : i32
      %and3A_404 = vector.broadcast %and3A_403 : i32 to vector<16xi32>
      %and3A_405 = arith.andi %get3A_395, %and3A_404 : vector<16xi32>
      %swap3A_406 = arith.constant 16 : index
      %swap3A_407 = tpu.vector_load %arg7[%swap3A_406] {strides = array<i32>} : memref<128xi32, #tpu.memory_space<vmem>>, vector<16xi32>,
      %swap3A_408 = vector.shape_cast %swap3A_407 : vector<16xi32> to vector<16xi32>
      %swap3A_409 = vector.shape_cast %and3A_405 : vector<16xi32> to vector<16xi32>
      tpu.vector_store %arg7[%swap3A_406], %swap3A_409 {strides = array<i32>} : memref<128xi32, #tpu.memory_space<vmem>>, vector<16xi32>,
      %get3A_410 = arith.index_cast %min3A : i32 to index
      %get3A_411 = arith.constant 32 : index
      %get3A_412 = tpu.vector_load %arg5[%get3A_410, %get3A_411] {strides = array<i32>} : memref<128x128xi32, #tpu.memory_space<vmem>>, vector<1x16xi32>,
      %get3A_413 = vector.shape_cast %get3A_412 : vector<1x16xi32> to vector<16xi32>
      %shift_right_logical3A_414 = arith.constant 14 : i32
      %shift_right_logical3A_415 = vector.broadcast %shift_right_logical3A_414 : i32 to vector<16xi32>
      %shift_right_logical3A_416 = arith.shrui %get3A_413, %shift_right_logical3A_415 : vector<16xi32>
      %swap3A_417 = arith.constant 32 : index
      %swap3A_418 = tpu.vector_load %arg6[%swap3A_417] {strides = array<i32>} : memref<128xi32, #tpu.memory_space<vmem>>, vector<16xi32>,
      %swap3A_419 = vector.shape_cast %swap3A_418 : vector<16xi32> to vector<16xi32>
      %swap3A_420 = vector.shape_cast %shift_right_logical3A_416 : vector<16xi32> to vector<16xi32>
      tpu.vector_store %arg6[%swap3A_417], %swap3A_420 {strides = array<i32>} : memref<128xi32, #tpu.memory_space<vmem>>, vector<16xi32>,
      %and3A_421 = arith.constant 16383 : i32
      %and3A_422 = vector.broadcast %and3A_421 : i32 to vector<16xi32>
      %and3A_423 = arith.andi %get3A_413, %and3A_422 : vector<16xi32>
      %swap3A_424 = arith.constant 32 : index
      %swap3A_425 = tpu.vector_load %arg7[%swap3A_424] {strides = array<i32>} : memref<128xi32, #tpu.memory_space<vmem>>, vector<16xi32>,
      %swap3A_426 = vector.shape_cast %swap3A_425 : vector<16xi32> to vector<16xi32>
      %swap3A_427 = vector.shape_cast %and3A_423 : vector<16xi32> to vector<16xi32>
      tpu.vector_store %arg7[%swap3A_424], %swap3A_427 {strides = array<i32>} : memref<128xi32, #tpu.memory_space<vmem>>, vector<16xi32>,
      %get3A_428 = arith.index_cast %min3A : i32 to index
      %get3A_429 = arith.constant 48 : index
      %get3A_430 = tpu.vector_load %arg5[%get3A_428, %get3A_429] {strides = array<i32>} : memref<128x128xi32, #tpu.memory_space<vmem>>, vector<1x16xi32>,
      %get3A_431 = vector.shape_cast %get3A_430 : vector<1x16xi32> to vector<16xi32>
      %shift_right_logical3A_432 = arith.constant 14 : i32
      %shift_right_logical3A_433 = vector.broadcast %shift_right_logical3A_432 : i32 to vector<16xi32>
      %shift_right_logical3A_434 = arith.shrui %get3A_431, %shift_right_logical3A_433 : vector<16xi32>
      %swap3A_435 = arith.constant 48 : index
      %swap3A_436 = tpu.vector_load %arg6[%swap3A_435] {strides = array<i32>} : memref<128xi32, #tpu.memory_space<vmem>>, vector<16xi32>,
      %swap3A_437 = vector.shape_cast %swap3A_436 : vector<16xi32> to vector<16xi32>
      %swap3A_438 = vector.shape_cast %shift_right_logical3A_434 : vector<16xi32> to vector<16xi32>
      tpu.vector_store %arg6[%swap3A_435], %swap3A_438 {strides = array<i32>} : memref<128xi32, #tpu.memory_space<vmem>>, vector<16xi32>,
      %and3A_439 = arith.constant 16383 : i32
      %and3A_440 = vector.broadcast %and3A_439 : i32 to vector<16xi32>
      %and3A_441 = arith.andi %get3A_431, %and3A_440 : vector<16xi32>
      %swap3A_442 = arith.constant 48 : index
      %swap3A_443 = tpu.vector_load %arg7[%swap3A_442] {strides = array<i32>} : memref<128xi32, #tpu.memory_space<vmem>>, vector<16xi32>,
      %swap3A_444 = vector.shape_cast %swap3A_443 : vector<16xi32> to vector<16xi32>
      %swap3A_445 = vector.shape_cast %and3A_441 : vector<16xi32> to vector<16xi32>
      tpu.vector_store %arg7[%swap3A_442], %swap3A_445 {strides = array<i32>} : memref<128xi32, #tpu.memory_space<vmem>>, vector<16xi32>,
      %get3A_446 = arith.index_cast %min3A : i32 to index
      %get3A_447 = arith.constant 64 : index
      %get3A_448 = tpu.vector_load %arg5[%get3A_446, %get3A_447] {strides = array<i32>} : memref<128x128xi32, #tpu.memory_space<vmem>>, vector<1x16xi32>,
      %get3A_449 = vector.shape_cast %get3A_448 : vector<1x16xi32> to vector<16xi32>
      %shift_right_logical3A_450 = arith.constant 14 : i32
      %shift_right_logical3A_451 = vector.broadcast %shift_right_logical3A_450 : i32 to vector<16xi32>
      %shift_right_logical3A_452 = arith.shrui %get3A_449, %shift_right_logical3A_451 : vector<16xi32>
      %swap3A_453 = arith.constant 64 : index
      %swap3A_454 = tpu.vector_load %arg6[%swap3A_453] {strides = array<i32>} : memref<128xi32, #tpu.memory_space<vmem>>, vector<16xi32>,
      %swap3A_455 = vector.shape_cast %swap3A_454 : vector<16xi32> to vector<16xi32>
      %swap3A_456 = vector.shape_cast %shift_right_logical3A_452 : vector<16xi32> to vector<16xi32>
      tpu.vector_store %arg6[%swap3A_453], %swap3A_456 {strides = array<i32>} : memref<128xi32, #tpu.memory_space<vmem>>, vector<16xi32>,
      %and3A_457 = arith.constant 16383 : i32
      %and3A_458 = vector.broadcast %and3A_457 : i32 to vector<16xi32>
      %and3A_459 = arith.andi %get3A_449, %and3A_458 : vector<16xi32>
      %swap3A_460 = arith.constant 64 : index
      %swap3A_461 = tpu.vector_load %arg7[%swap3A_460] {strides = array<i32>} : memref<128xi32, #tpu.memory_space<vmem>>, vector<16xi32>,
      %swap3A_462 = vector.shape_cast %swap3A_461 : vector<16xi32> to vector<16xi32>
      %swap3A_463 = vector.shape_cast %and3A_459 : vector<16xi32> to vector<16xi32>
      tpu.vector_store %arg7[%swap3A_460], %swap3A_463 {strides = array<i32>} : memref<128xi32, #tpu.memory_space<vmem>>, vector<16xi32>,
      %get3A_464 = arith.index_cast %min3A : i32 to index
      %get3A_465 = arith.constant 80 : index
      %get3A_466 = tpu.vector_load %arg5[%get3A_464, %get3A_465] {strides = array<i32>} : memref<128x128xi32, #tpu.memory_space<vmem>>, vector<1x16xi32>,
      %get3A_467 = vector.shape_cast %get3A_466 : vector<1x16xi32> to vector<16xi32>
      %shift_right_logical3A_468 = arith.constant 14 : i32
      %shift_right_logical3A_469 = vector.broadcast %shift_right_logical3A_468 : i32 to vector<16xi32>
      %shift_right_logical3A_470 = arith.shrui %get3A_467, %shift_right_logical3A_469 : vector<16xi32>
      %swap3A_471 = arith.constant 80 : index
      %swap3A_472 = tpu.vector_load %arg6[%swap3A_471] {strides = array<i32>} : memref<128xi32, #tpu.memory_space<vmem>>, vector<16xi32>,
      %swap3A_473 = vector.shape_cast %swap3A_472 : vector<16xi32> to vector<16xi32>
      %swap3A_474 = vector.shape_cast %shift_right_logical3A_470 : vector<16xi32> to vector<16xi32>
      tpu.vector_store %arg6[%swap3A_471], %swap3A_474 {strides = array<i32>} : memref<128xi32, #tpu.memory_space<vmem>>, vector<16xi32>,
      %and3A_475 = arith.constant 16383 : i32
      %and3A_476 = vector.broadcast %and3A_475 : i32 to vector<16xi32>
      %and3A_477 = arith.andi %get3A_467, %and3A_476 : vector<16xi32>
      %swap3A_478 = arith.constant 80 : index
      %swap3A_479 = tpu.vector_load %arg7[%swap3A_478] {strides = array<i32>} : memref<128xi32, #tpu.memory_space<vmem>>, vector<16xi32>,
      %swap3A_480 = vector.shape_cast %swap3A_479 : vector<16xi32> to vector<16xi32>
      %swap3A_481 = vector.shape_cast %and3A_477 : vector<16xi32> to vector<16xi32>
      tpu.vector_store %arg7[%swap3A_478], %swap3A_481 {strides = array<i32>} : memref<128xi32, #tpu.memory_space<vmem>>, vector<16xi32>,
      %get3A_482 = arith.index_cast %min3A : i32 to index
      %get3A_483 = arith.constant 96 : index
      %get3A_484 = tpu.vector_load %arg5[%get3A_482, %get3A_483] {strides = array<i32>} : memref<128x128xi32, #tpu.memory_space<vmem>>, vector<1x16xi32>,
      %get3A_485 = vector.shape_cast %get3A_484 : vector<1x16xi32> to vector<16xi32>
      %shift_right_logical3A_486 = arith.constant 14 : i32
      %shift_right_logical3A_487 = vector.broadcast %shift_right_logical3A_486 : i32 to vector<16xi32>
      %shift_right_logical3A_488 = arith.shrui %get3A_485, %shift_right_logical3A_487 : vector<16xi32>
      %swap3A_489 = arith.constant 96 : index
      %swap3A_490 = tpu.vector_load %arg6[%swap3A_489] {strides = array<i32>} : memref<128xi32, #tpu.memory_space<vmem>>, vector<16xi32>,
      %swap3A_491 = vector.shape_cast %swap3A_490 : vector<16xi32> to vector<16xi32>
      %swap3A_492 = vector.shape_cast %shift_right_logical3A_488 : vector<16xi32> to vector<16xi32>
      tpu.vector_store %arg6[%swap3A_489], %swap3A_492 {strides = array<i32>} : memref<128xi32, #tpu.memory_space<vmem>>, vector<16xi32>,
      %and3A_493 = arith.constant 16383 : i32
      %and3A_494 = vector.broadcast %and3A_493 : i32 to vector<16xi32>
      %and3A_495 = arith.andi %get3A_485, %and3A_494 : vector<16xi32>
      %swap3A_496 = arith.constant 96 : index
      %swap3A_497 = tpu.vector_load %arg7[%swap3A_496] {strides = array<i32>} : memref<128xi32, #tpu.memory_space<vmem>>, vector<16xi32>,
      %swap3A_498 = vector.shape_cast %swap3A_497 : vector<16xi32> to vector<16xi32>
      %swap3A_499 = vector.shape_cast %and3A_495 : vector<16xi32> to vector<16xi32>
      tpu.vector_store %arg7[%swap3A_496], %swap3A_499 {strides = array<i32>} : memref<128xi32, #tpu.memory_space<vmem>>, vector<16xi32>,
      %get3A_500 = arith.index_cast %min3A : i32 to index
      %get3A_501 = arith.constant 112 : index
      %get3A_502 = tpu.vector_load %arg5[%get3A_500, %get3A_501] {strides = array<i32>} : memref<128x128xi32, #tpu.memory_space<vmem>>, vector<1x16xi32>,
      %get3A_503 = vector.shape_cast %get3A_502 : vector<1x16xi32> to vector<16xi32>
      %shift_right_logical3A_504 = arith.constant 14 : i32
      %shift_right_logical3A_505 = vector.broadcast %shift_right_logical3A_504 : i32 to vector<16xi32>
      %shift_right_logical3A_506 = arith.shrui %get3A_503, %shift_right_logical3A_505 : vector<16xi32>
      %swap3A_507 = arith.constant 112 : index
      %swap3A_508 = tpu.vector_load %arg6[%swap3A_507] {strides = array<i32>} : memref<128xi32, #tpu.memory_space<vmem>>, vector<16xi32>,
      %swap3A_509 = vector.shape_cast %swap3A_508 : vector<16xi32> to vector<16xi32>
      %swap3A_510 = vector.shape_cast %shift_right_logical3A_506 : vector<16xi32> to vector<16xi32>
      tpu.vector_store %arg6[%swap3A_507], %swap3A_510 {strides = array<i32>} : memref<128xi32, #tpu.memory_space<vmem>>, vector<16xi32>,
      %and3A_511 = arith.constant 16383 : i32
      %and3A_512 = vector.broadcast %and3A_511 : i32 to vector<16xi32>
      %and3A_513 = arith.andi %get3A_503, %and3A_512 : vector<16xi32>
      %swap3A_514 = arith.constant 112 : index
      %swap3A_515 = tpu.vector_load %arg7[%swap3A_514] {strides = array<i32>} : memref<128xi32, #tpu.memory_space<vmem>>, vector<16xi32>,
      %swap3A_516 = vector.shape_cast %swap3A_515 : vector<16xi32> to vector<16xi32>
      %swap3A_517 = vector.shape_cast %and3A_513 : vector<16xi32> to vector<16xi32>
      tpu.vector_store %arg7[%swap3A_514], %swap3A_517 {strides = array<i32>} : memref<128xi32, #tpu.memory_space<vmem>>, vector<16xi32>,
      %dma_start3A_518 = arith.constant 0 : i32
      %dma_start3A_519 = arith.constant 0 : i32
      %dma_start3A_520 = tpu.memref_slice %arg2[%dma_start3A_518, %dma_start3A_519] : memref<10112x128xf32, #tpu.memory_space<hbm>> -> memref<10112x128xf32, #tpu.memory_space<hbm>>
      tpu.enqueue_indirect_dma source(%dma_start3A_520 : memref<10112x128xf32, #tpu.memory_space<hbm>>) target(%arg10 : memref<128x128xf32, #tpu.memory_space<vmem>>) offsets(%arg6 : memref<128xi32, #tpu.memory_space<vmem>>) semaphore(%arg13 : memref<!tpu.dma_semaphore, #tpu.memory_space<semaphore_mem>>)
      %dma_wait3A_521 = arith.constant 0 : i32
      %dma_wait3A_522 = arith.constant 0 : i32
      %dma_wait3A_523 = tpu.memref_slice %arg2[%dma_wait3A_521, %dma_wait3A_522] : memref<10112x128xf32, #tpu.memory_space<hbm>> -> memref<10112x128xf32, #tpu.memory_space<hbm>>
      tpu.wait_indirect_dma semaphore(%arg14 : memref<!tpu.dma_semaphore, #tpu.memory_space<semaphore_mem>>) src(%dma_wait3A_523 : memref<10112x128xf32, #tpu.memory_space<hbm>>) dst(%arg11 : memref<128x128xf32, #tpu.memory_space<vmem>>)
      "tpu.region"() ({
        %run_scoped3A = tpu.sem_alloc : memref<!tpu.dma_semaphore, #tpu.memory_space<semaphore_mem>>
        %dma_start3A_524 = arith.constant 0 : i32
        %dma_start3A_525 = arith.constant 0 : i32
        %dma_start3A_526 = tpu.memref_slice %arg12[%dma_start3A_524, %dma_start3A_525] : memref<10112x128xf32, #tpu.memory_space<vmem_shared>> -> memref<10112x128xf32, #tpu.memory_space<vmem_shared>>
        tpu.enqueue_indirect_dma source(%arg11 : memref<128x128xf32, #tpu.memory_space<vmem>>) target(%dma_start3A_526 : memref<10112x128xf32, #tpu.memory_space<vmem_shared>>) offsets(%arg9 : memref<128xi32, #tpu.memory_space<vmem>>) semaphore(%run_scoped3A : memref<!tpu.dma_semaphore, #tpu.memory_space<semaphore_mem>>) {add = true}
        %dma_wait3A_527 = arith.constant 0 : i32
        %dma_wait3A_528 = arith.constant 0 : i32
        %dma_wait3A_529 = tpu.memref_slice %arg12[%dma_wait3A_527, %dma_wait3A_528] : memref<10112x128xf32, #tpu.memory_space<vmem_shared>> -> memref<10112x128xf32, #tpu.memory_space<vmem_shared>>
        tpu.wait_indirect_dma semaphore(%run_scoped3A : memref<!tpu.dma_semaphore, #tpu.memory_space<semaphore_mem>>) src(%arg11 : memref<128x128xf32, #tpu.memory_space<vmem>>) dst(%dma_wait3A_529 : memref<10112x128xf32, #tpu.memory_space<vmem_shared>>)
        tpu.yield
      }) : () -> ()
    }
    %while3A_207 = arith.constant 1 : i32
    scf.for %while3A_215 = %while3A_205 to %while3A_201 step %while3A_207  : i32 {
      %mul3A_216 = arith.constant 2 : i32
      %mul3A_217 = arith.muli %while3A_215, %mul3A_216 : i32
      %add3A_218 = arith.constant 1 : i32
      %add3A_219 = arith.addi %mul3A_217, %add3A_218 : i32
      %get3A_220 = arith.index_cast %add3A_219 : i32 to index
      %get3A_221 = arith.constant 0 : index
      %get3A_222 = tpu.vector_load %arg5[%get3A_220, %get3A_221] {strides = array<i32>} : memref<128x128xi32, #tpu.memory_space<vmem>>, vector<1x16xi32>,
      %get3A_223 = vector.shape_cast %get3A_222 : vector<1x16xi32> to vector<16xi32>
      %shift_right_logical3A_224 = arith.constant 14 : i32
      %shift_right_logical3A_225 = vector.broadcast %shift_right_logical3A_224 : i32 to vector<16xi32>
      %shift_right_logical3A_226 = arith.shrui %get3A_223, %shift_right_logical3A_225 : vector<16xi32>
      %swap3A_227 = arith.constant 0 : index
      %swap3A_228 = tpu.vector_load %arg8[%swap3A_227] {strides = array<i32>} : memref<128xi32, #tpu.memory_space<vmem>>, vector<16xi32>,
      %swap3A_229 = vector.shape_cast %swap3A_228 : vector<16xi32> to vector<16xi32>
      %swap3A_230 = vector.shape_cast %shift_right_logical3A_226 : vector<16xi32> to vector<16xi32>
      tpu.vector_store %arg8[%swap3A_227], %swap3A_230 {strides = array<i32>} : memref<128xi32, #tpu.memory_space<vmem>>, vector<16xi32>,
      %and3A_231 = arith.constant 16383 : i32
      %and3A_232 = vector.broadcast %and3A_231 : i32 to vector<16xi32>
      %and3A_233 = arith.andi %get3A_223, %and3A_232 : vector<16xi32>
      %swap3A_234 = arith.constant 0 : index
      %swap3A_235 = tpu.vector_load %arg9[%swap3A_234] {strides = array<i32>} : memref<128xi32, #tpu.memory_space<vmem>>, vector<16xi32>,
      %swap3A_236 = vector.shape_cast %swap3A_235 : vector<16xi32> to vector<16xi32>
      %swap3A_237 = vector.shape_cast %and3A_233 : vector<16xi32> to vector<16xi32>
      tpu.vector_store %arg9[%swap3A_234], %swap3A_237 {strides = array<i32>} : memref<128xi32, #tpu.memory_space<vmem>>, vector<16xi32>,
      %get3A_238 = arith.index_cast %add3A_219 : i32 to index
      %get3A_239 = arith.constant 16 : index
      %get3A_240 = tpu.vector_load %arg5[%get3A_238, %get3A_239] {strides = array<i32>} : memref<128x128xi32, #tpu.memory_space<vmem>>, vector<1x16xi32>,
      %get3A_241 = vector.shape_cast %get3A_240 : vector<1x16xi32> to vector<16xi32>
      %shift_right_logical3A_242 = arith.constant 14 : i32
      %shift_right_logical3A_243 = vector.broadcast %shift_right_logical3A_242 : i32 to vector<16xi32>
      %shift_right_logical3A_244 = arith.shrui %get3A_241, %shift_right_logical3A_243 : vector<16xi32>
      %swap3A_245 = arith.constant 16 : index
      %swap3A_246 = tpu.vector_load %arg8[%swap3A_245] {strides = array<i32>} : memref<128xi32, #tpu.memory_space<vmem>>, vector<16xi32>,
      %swap3A_247 = vector.shape_cast %swap3A_246 : vector<16xi32> to vector<16xi32>
      %swap3A_248 = vector.shape_cast %shift_right_logical3A_244 : vector<16xi32> to vector<16xi32>
      tpu.vector_store %arg8[%swap3A_245], %swap3A_248 {strides = array<i32>} : memref<128xi32, #tpu.memory_space<vmem>>, vector<16xi32>,
      %and3A_249 = arith.constant 16383 : i32
      %and3A_250 = vector.broadcast %and3A_249 : i32 to vector<16xi32>
      %and3A_251 = arith.andi %get3A_241, %and3A_250 : vector<16xi32>
      %swap3A_252 = arith.constant 16 : index
      %swap3A_253 = tpu.vector_load %arg9[%swap3A_252] {strides = array<i32>} : memref<128xi32, #tpu.memory_space<vmem>>, vector<16xi32>,
      %swap3A_254 = vector.shape_cast %swap3A_253 : vector<16xi32> to vector<16xi32>
      %swap3A_255 = vector.shape_cast %and3A_251 : vector<16xi32> to vector<16xi32>
      tpu.vector_store %arg9[%swap3A_252], %swap3A_255 {strides = array<i32>} : memref<128xi32, #tpu.memory_space<vmem>>, vector<16xi32>,
      %get3A_256 = arith.index_cast %add3A_219 : i32 to index
      %get3A_257 = arith.constant 32 : index
      %get3A_258 = tpu.vector_load %arg5[%get3A_256, %get3A_257] {strides = array<i32>} : memref<128x128xi32, #tpu.memory_space<vmem>>, vector<1x16xi32>,
      %get3A_259 = vector.shape_cast %get3A_258 : vector<1x16xi32> to vector<16xi32>
      %shift_right_logical3A_260 = arith.constant 14 : i32
      %shift_right_logical3A_261 = vector.broadcast %shift_right_logical3A_260 : i32 to vector<16xi32>
      %shift_right_logical3A_262 = arith.shrui %get3A_259, %shift_right_logical3A_261 : vector<16xi32>
      %swap3A_263 = arith.constant 32 : index
      %swap3A_264 = tpu.vector_load %arg8[%swap3A_263] {strides = array<i32>} : memref<128xi32, #tpu.memory_space<vmem>>, vector<16xi32>,
      %swap3A_265 = vector.shape_cast %swap3A_264 : vector<16xi32> to vector<16xi32>
      %swap3A_266 = vector.shape_cast %shift_right_logical3A_262 : vector<16xi32> to vector<16xi32>
      tpu.vector_store %arg8[%swap3A_263], %swap3A_266 {strides = array<i32>} : memref<128xi32, #tpu.memory_space<vmem>>, vector<16xi32>,
      %and3A_267 = arith.constant 16383 : i32
      %and3A_268 = vector.broadcast %and3A_267 : i32 to vector<16xi32>
      %and3A_269 = arith.andi %get3A_259, %and3A_268 : vector<16xi32>
      %swap3A_270 = arith.constant 32 : index
      %swap3A_271 = tpu.vector_load %arg9[%swap3A_270] {strides = array<i32>} : memref<128xi32, #tpu.memory_space<vmem>>, vector<16xi32>,
      %swap3A_272 = vector.shape_cast %swap3A_271 : vector<16xi32> to vector<16xi32>
      %swap3A_273 = vector.shape_cast %and3A_269 : vector<16xi32> to vector<16xi32>
      tpu.vector_store %arg9[%swap3A_270], %swap3A_273 {strides = array<i32>} : memref<128xi32, #tpu.memory_space<vmem>>, vector<16xi32>,
      %get3A_274 = arith.index_cast %add3A_219 : i32 to index
      %get3A_275 = arith.constant 48 : index
      %get3A_276 = tpu.vector_load %arg5[%get3A_274, %get3A_275] {strides = array<i32>} : memref<128x128xi32, #tpu.memory_space<vmem>>, vector<1x16xi32>,
      %get3A_277 = vector.shape_cast %get3A_276 : vector<1x16xi32> to vector<16xi32>
      %shift_right_logical3A_278 = arith.constant 14 : i32
      %shift_right_logical3A_279 = vector.broadcast %shift_right_logical3A_278 : i32 to vector<16xi32>
      %shift_right_logical3A_280 = arith.shrui %get3A_277, %shift_right_logical3A_279 : vector<16xi32>
      %swap3A_281 = arith.constant 48 : index
      %swap3A_282 = tpu.vector_load %arg8[%swap3A_281] {strides = array<i32>} : memref<128xi32, #tpu.memory_space<vmem>>, vector<16xi32>,
      %swap3A_283 = vector.shape_cast %swap3A_282 : vector<16xi32> to vector<16xi32>
      %swap3A_284 = vector.shape_cast %shift_right_logical3A_280 : vector<16xi32> to vector<16xi32>
      tpu.vector_store %arg8[%swap3A_281], %swap3A_284 {strides = array<i32>} : memref<128xi32, #tpu.memory_space<vmem>>, vector<16xi32>,
      %and3A_285 = arith.constant 16383 : i32
      %and3A_286 = vector.broadcast %and3A_285 : i32 to vector<16xi32>
      %and3A_287 = arith.andi %get3A_277, %and3A_286 : vector<16xi32>
      %swap3A_288 = arith.constant 48 : index
      %swap3A_289 = tpu.vector_load %arg9[%swap3A_288] {strides = array<i32>} : memref<128xi32, #tpu.memory_space<vmem>>, vector<16xi32>,
      %swap3A_290 = vector.shape_cast %swap3A_289 : vector<16xi32> to vector<16xi32>
      %swap3A_291 = vector.shape_cast %and3A_287 : vector<16xi32> to vector<16xi32>
      tpu.vector_store %arg9[%swap3A_288], %swap3A_291 {strides = array<i32>} : memref<128xi32, #tpu.memory_space<vmem>>, vector<16xi32>,
      %get3A_292 = arith.index_cast %add3A_219 : i32 to index
      %get3A_293 = arith.constant 64 : index
      %get3A_294 = tpu.vector_load %arg5[%get3A_292, %get3A_293] {strides = array<i32>} : memref<128x128xi32, #tpu.memory_space<vmem>>, vector<1x16xi32>,
      %get3A_295 = vector.shape_cast %get3A_294 : vector<1x16xi32> to vector<16xi32>
      %shift_right_logical3A_296 = arith.constant 14 : i32
      %shift_right_logical3A_297 = vector.broadcast %shift_right_logical3A_296 : i32 to vector<16xi32>
      %shift_right_logical3A_298 = arith.shrui %get3A_295, %shift_right_logical3A_297 : vector<16xi32>
      %swap3A_299 = arith.constant 64 : index
      %swap3A_300 = tpu.vector_load %arg8[%swap3A_299] {strides = array<i32>} : memref<128xi32, #tpu.memory_space<vmem>>, vector<16xi32>,
      %swap3A_301 = vector.shape_cast %swap3A_300 : vector<16xi32> to vector<16xi32>
      %swap3A_302 = vector.shape_cast %shift_right_logical3A_298 : vector<16xi32> to vector<16xi32>
      tpu.vector_store %arg8[%swap3A_299], %swap3A_302 {strides = array<i32>} : memref<128xi32, #tpu.memory_space<vmem>>, vector<16xi32>,
      %and3A_303 = arith.constant 16383 : i32
      %and3A_304 = vector.broadcast %and3A_303 : i32 to vector<16xi32>
      %and3A_305 = arith.andi %get3A_295, %and3A_304 : vector<16xi32>
      %swap3A_306 = arith.constant 64 : index
      %swap3A_307 = tpu.vector_load %arg9[%swap3A_306] {strides = array<i32>} : memref<128xi32, #tpu.memory_space<vmem>>, vector<16xi32>,
      %swap3A_308 = vector.shape_cast %swap3A_307 : vector<16xi32> to vector<16xi32>
      %swap3A_309 = vector.shape_cast %and3A_305 : vector<16xi32> to vector<16xi32>
      tpu.vector_store %arg9[%swap3A_306], %swap3A_309 {strides = array<i32>} : memref<128xi32, #tpu.memory_space<vmem>>, vector<16xi32>,
      %get3A_310 = arith.index_cast %add3A_219 : i32 to index
      %get3A_311 = arith.constant 80 : index
      %get3A_312 = tpu.vector_load %arg5[%get3A_310, %get3A_311] {strides = array<i32>} : memref<128x128xi32, #tpu.memory_space<vmem>>, vector<1x16xi32>,
      %get3A_313 = vector.shape_cast %get3A_312 : vector<1x16xi32> to vector<16xi32>
      %shift_right_logical3A_314 = arith.constant 14 : i32
      %shift_right_logical3A_315 = vector.broadcast %shift_right_logical3A_314 : i32 to vector<16xi32>
      %shift_right_logical3A_316 = arith.shrui %get3A_313, %shift_right_logical3A_315 : vector<16xi32>
      %swap3A_317 = arith.constant 80 : index
      %swap3A_318 = tpu.vector_load %arg8[%swap3A_317] {strides = array<i32>} : memref<128xi32, #tpu.memory_space<vmem>>, vector<16xi32>,
      %swap3A_319 = vector.shape_cast %swap3A_318 : vector<16xi32> to vector<16xi32>
      %swap3A_320 = vector.shape_cast %shift_right_logical3A_316 : vector<16xi32> to vector<16xi32>
      tpu.vector_store %arg8[%swap3A_317], %swap3A_320 {strides = array<i32>} : memref<128xi32, #tpu.memory_space<vmem>>, vector<16xi32>,
      %and3A_321 = arith.constant 16383 : i32
      %and3A_322 = vector.broadcast %and3A_321 : i32 to vector<16xi32>
      %and3A_323 = arith.andi %get3A_313, %and3A_322 : vector<16xi32>
      %swap3A_324 = arith.constant 80 : index
      %swap3A_325 = tpu.vector_load %arg9[%swap3A_324] {strides = array<i32>} : memref<128xi32, #tpu.memory_space<vmem>>, vector<16xi32>,
      %swap3A_326 = vector.shape_cast %swap3A_325 : vector<16xi32> to vector<16xi32>
      %swap3A_327 = vector.shape_cast %and3A_323 : vector<16xi32> to vector<16xi32>
      tpu.vector_store %arg9[%swap3A_324], %swap3A_327 {strides = array<i32>} : memref<128xi32, #tpu.memory_space<vmem>>, vector<16xi32>,
      %get3A_328 = arith.index_cast %add3A_219 : i32 to index
      %get3A_329 = arith.constant 96 : index
      %get3A_330 = tpu.vector_load %arg5[%get3A_328, %get3A_329] {strides = array<i32>} : memref<128x128xi32, #tpu.memory_space<vmem>>, vector<1x16xi32>,
      %get3A_331 = vector.shape_cast %get3A_330 : vector<1x16xi32> to vector<16xi32>
      %shift_right_logical3A_332 = arith.constant 14 : i32
      %shift_right_logical3A_333 = vector.broadcast %shift_right_logical3A_332 : i32 to vector<16xi32>
      %shift_right_logical3A_334 = arith.shrui %get3A_331, %shift_right_logical3A_333 : vector<16xi32>
      %swap3A_335 = arith.constant 96 : index
      %swap3A_336 = tpu.vector_load %arg8[%swap3A_335] {strides = array<i32>} : memref<128xi32, #tpu.memory_space<vmem>>, vector<16xi32>,
      %swap3A_337 = vector.shape_cast %swap3A_336 : vector<16xi32> to vector<16xi32>
      %swap3A_338 = vector.shape_cast %shift_right_logical3A_334 : vector<16xi32> to vector<16xi32>
      tpu.vector_store %arg8[%swap3A_335], %swap3A_338 {strides = array<i32>} : memref<128xi32, #tpu.memory_space<vmem>>, vector<16xi32>,
      %and3A_339 = arith.constant 16383 : i32
      %and3A_340 = vector.broadcast %and3A_339 : i32 to vector<16xi32>
      %and3A_341 = arith.andi %get3A_331, %and3A_340 : vector<16xi32>
      %swap3A_342 = arith.constant 96 : index
      %swap3A_343 = tpu.vector_load %arg9[%swap3A_342] {strides = array<i32>} : memref<128xi32, #tpu.memory_space<vmem>>, vector<16xi32>,
      %swap3A_344 = vector.shape_cast %swap3A_343 : vector<16xi32> to vector<16xi32>
      %swap3A_345 = vector.shape_cast %and3A_341 : vector<16xi32> to vector<16xi32>
      tpu.vector_store %arg9[%swap3A_342], %swap3A_345 {strides = array<i32>} : memref<128xi32, #tpu.memory_space<vmem>>, vector<16xi32>,
      %get3A_346 = arith.index_cast %add3A_219 : i32 to index
      %get3A_347 = arith.constant 112 : index
      %get3A_348 = tpu.vector_load %arg5[%get3A_346, %get3A_347] {strides = array<i32>} : memref<128x128xi32, #tpu.memory_space<vmem>>, vector<1x16xi32>,
      %get3A_349 = vector.shape_cast %get3A_348 : vector<1x16xi32> to vector<16xi32>
      %shift_right_logical3A_350 = arith.constant 14 : i32
      %shift_right_logical3A_351 = vector.broadcast %shift_right_logical3A_350 : i32 to vector<16xi32>
      %shift_right_logical3A_352 = arith.shrui %get3A_349, %shift_right_logical3A_351 : vector<16xi32>
      %swap3A_353 = arith.constant 112 : index
      %swap3A_354 = tpu.vector_load %arg8[%swap3A_353] {strides = array<i32>} : memref<128xi32, #tpu.memory_space<vmem>>, vector<16xi32>,
      %swap3A_355 = vector.shape_cast %swap3A_354 : vector<16xi32> to vector<16xi32>
      %swap3A_356 = vector.shape_cast %shift_right_logical3A_352 : vector<16xi32> to vector<16xi32>
      tpu.vector_store %arg8[%swap3A_353], %swap3A_356 {strides = array<i32>} : memref<128xi32, #tpu.memory_space<vmem>>, vector<16xi32>,
      %and3A_357 = arith.constant 16383 : i32
      %and3A_358 = vector.broadcast %and3A_357 : i32 to vector<16xi32>
      %and3A_359 = arith.andi %get3A_349, %and3A_358 : vector<16xi32>
      %swap3A_360 = arith.constant 112 : index
      %swap3A_361 = tpu.vector_load %arg9[%swap3A_360] {strides = array<i32>} : memref<128xi32, #tpu.memory_space<vmem>>, vector<16xi32>,
      %swap3A_362 = vector.shape_cast %swap3A_361 : vector<16xi32> to vector<16xi32>
      %swap3A_363 = vector.shape_cast %and3A_359 : vector<16xi32> to vector<16xi32>
      tpu.vector_store %arg9[%swap3A_360], %swap3A_363 {strides = array<i32>} : memref<128xi32, #tpu.memory_space<vmem>>, vector<16xi32>,
      %dma_start3A_364 = arith.constant 0 : i32
      %dma_start3A_365 = arith.constant 0 : i32
      %dma_start3A_366 = tpu.memref_slice %arg2[%dma_start3A_364, %dma_start3A_365] : memref<10112x128xf32, #tpu.memory_space<hbm>> -> memref<10112x128xf32, #tpu.memory_space<hbm>>
      tpu.enqueue_indirect_dma source(%dma_start3A_366 : memref<10112x128xf32, #tpu.memory_space<hbm>>) target(%arg11 : memref<128x128xf32, #tpu.memory_space<vmem>>) offsets(%arg8 : memref<128xi32, #tpu.memory_space<vmem>>) semaphore(%arg14 : memref<!tpu.dma_semaphore, #tpu.memory_space<semaphore_mem>>)
      %dma_wait3A_367 = arith.constant 0 : i32
      %dma_wait3A_368 = arith.constant 0 : i32
      %dma_wait3A_369 = tpu.memref_slice %arg2[%dma_wait3A_367, %dma_wait3A_368] : memref<10112x128xf32, #tpu.memory_space<hbm>> -> memref<10112x128xf32, #tpu.memory_space<hbm>>
      tpu.wait_indirect_dma semaphore(%arg13 : memref<!tpu.dma_semaphore, #tpu.memory_space<semaphore_mem>>) src(%dma_wait3A_369 : memref<10112x128xf32, #tpu.memory_space<hbm>>) dst(%arg10 : memref<128x128xf32, #tpu.memory_space<vmem>>)
      "tpu.region"() ({
        %run_scoped3A = tpu.sem_alloc : memref<!tpu.dma_semaphore, #tpu.memory_space<semaphore_mem>>
        %dma_start3A_524 = arith.constant 0 : i32
        %dma_start3A_525 = arith.constant 0 : i32
        %dma_start3A_526 = tpu.memref_slice %arg12[%dma_start3A_524, %dma_start3A_525] : memref<10112x128xf32, #tpu.memory_space<vmem_shared>> -> memref<10112x128xf32, #tpu.memory_space<vmem_shared>>
        tpu.enqueue_indirect_dma source(%arg10 : memref<128x128xf32, #tpu.memory_space<vmem>>) target(%dma_start3A_526 : memref<10112x128xf32, #tpu.memory_space<vmem_shared>>) offsets(%arg7 : memref<128xi32, #tpu.memory_space<vmem>>) semaphore(%run_scoped3A : memref<!tpu.dma_semaphore, #tpu.memory_space<semaphore_mem>>) {add = true}
        %dma_wait3A_527 = arith.constant 0 : i32
        %dma_wait3A_528 = arith.constant 0 : i32
        %dma_wait3A_529 = tpu.memref_slice %arg12[%dma_wait3A_527, %dma_wait3A_528] : memref<10112x128xf32, #tpu.memory_space<vmem_shared>> -> memref<10112x128xf32, #tpu.memory_space<vmem_shared>>
        tpu.wait_indirect_dma semaphore(%run_scoped3A : memref<!tpu.dma_semaphore, #tpu.memory_space<semaphore_mem>>) src(%arg10 : memref<128x128xf32, #tpu.memory_space<vmem>>) dst(%dma_wait3A_529 : memref<10112x128xf32, #tpu.memory_space<vmem_shared>>)
        tpu.yield
      }) : () -> ()
      %add3A_370 = arith.constant 2 : i32
      %add3A_371 = arith.addi %mul3A_217, %add3A_370 : i32
      %sub3A_372 = arith.constant 1 : i32
      %sub3A_373 = arith.subi %select_n3A, %sub3A_372 : i32
      %min3A = arith.minsi %add3A_371, %sub3A_373 : i32
      %get3A_374 = arith.index_cast %min3A : i32 to index
      %get3A_375 = arith.constant 0 : index
      %get3A_376 = tpu.vector_load %arg5[%get3A_374, %get3A_375] {strides = array<i32>} : memref<128x128xi32, #tpu.memory_space<vmem>>, vector<1x16xi32>,
      %get3A_377 = vector.shape_cast %get3A_376 : vector<1x16xi32> to vector<16xi32>
      %shift_right_logical3A_378 = arith.constant 14 : i32
      %shift_right_logical3A_379 = vector.broadcast %shift_right_logical3A_378 : i32 to vector<16xi32>
      %shift_right_logical3A_380 = arith.shrui %get3A_377, %shift_right_logical3A_379 : vector<16xi32>
      %swap3A_381 = arith.constant 0 : index
      %swap3A_382 = tpu.vector_load %arg6[%swap3A_381] {strides = array<i32>} : memref<128xi32, #tpu.memory_space<vmem>>, vector<16xi32>,
      %swap3A_383 = vector.shape_cast %swap3A_382 : vector<16xi32> to vector<16xi32>
      %swap3A_384 = vector.shape_cast %shift_right_logical3A_380 : vector<16xi32> to vector<16xi32>
      tpu.vector_store %arg6[%swap3A_381], %swap3A_384 {strides = array<i32>} : memref<128xi32, #tpu.memory_space<vmem>>, vector<16xi32>,
      %and3A_385 = arith.constant 16383 : i32
      %and3A_386 = vector.broadcast %and3A_385 : i32 to vector<16xi32>
      %and3A_387 = arith.andi %get3A_377, %and3A_386 : vector<16xi32>
      %swap3A_388 = arith.constant 0 : index
      %swap3A_389 = tpu.vector_load %arg7[%swap3A_388] {strides = array<i32>} : memref<128xi32, #tpu.memory_space<vmem>>, vector<16xi32>,
      %swap3A_390 = vector.shape_cast %swap3A_389 : vector<16xi32> to vector<16xi32>
      %swap3A_391 = vector.shape_cast %and3A_387 : vector<16xi32> to vector<16xi32>
      tpu.vector_store %arg7[%swap3A_388], %swap3A_391 {strides = array<i32>} : memref<128xi32, #tpu.memory_space<vmem>>, vector<16xi32>,
      %get3A_392 = arith.index_cast %min3A : i32 to index
      %get3A_393 = arith.constant 16 : index
      %get3A_394 = tpu.vector_load %arg5[%get3A_392, %get3A_393] {strides = array<i32>} : memref<128x128xi32, #tpu.memory_space<vmem>>, vector<1x16xi32>,
      %get3A_395 = vector.shape_cast %get3A_394 : vector<1x16xi32> to vector<16xi32>
      %shift_right_logical3A_396 = arith.constant 14 : i32
      %shift_right_logical3A_397 = vector.broadcast %shift_right_logical3A_396 : i32 to vector<16xi32>
      %shift_right_logical3A_398 = arith.shrui %get3A_395, %shift_right_logical3A_397 : vector<16xi32>
      %swap3A_399 = arith.constant 16 : index
      %swap3A_400 = tpu.vector_load %arg6[%swap3A_399] {strides = array<i32>} : memref<128xi32, #tpu.memory_space<vmem>>, vector<16xi32>,
      %swap3A_401 = vector.shape_cast %swap3A_400 : vector<16xi32> to vector<16xi32>
      %swap3A_402 = vector.shape_cast %shift_right_logical3A_398 : vector<16xi32> to vector<16xi32>
      tpu.vector_store %arg6[%swap3A_399], %swap3A_402 {strides = array<i32>} : memref<128xi32, #tpu.memory_space<vmem>>, vector<16xi32>,
      %and3A_403 = arith.constant 16383 : i32
      %and3A_404 = vector.broadcast %and3A_403 : i32 to vector<16xi32>
      %and3A_405 = arith.andi %get3A_395, %and3A_404 : vector<16xi32>
      %swap3A_406 = arith.constant 16 : index
      %swap3A_407 = tpu.vector_load %arg7[%swap3A_406] {strides = array<i32>} : memref<128xi32, #tpu.memory_space<vmem>>, vector<16xi32>,
      %swap3A_408 = vector.shape_cast %swap3A_407 : vector<16xi32> to vector<16xi32>
      %swap3A_409 = vector.shape_cast %and3A_405 : vector<16xi32> to vector<16xi32>
      tpu.vector_store %arg7[%swap3A_406], %swap3A_409 {strides = array<i32>} : memref<128xi32, #tpu.memory_space<vmem>>, vector<16xi32>,
      %get3A_410 = arith.index_cast %min3A : i32 to index
      %get3A_411 = arith.constant 32 : index
      %get3A_412 = tpu.vector_load %arg5[%get3A_410, %get3A_411] {strides = array<i32>} : memref<128x128xi32, #tpu.memory_space<vmem>>, vector<1x16xi32>,
      %get3A_413 = vector.shape_cast %get3A_412 : vector<1x16xi32> to vector<16xi32>
      %shift_right_logical3A_414 = arith.constant 14 : i32
      %shift_right_logical3A_415 = vector.broadcast %shift_right_logical3A_414 : i32 to vector<16xi32>
      %shift_right_logical3A_416 = arith.shrui %get3A_413, %shift_right_logical3A_415 : vector<16xi32>
      %swap3A_417 = arith.constant 32 : index
      %swap3A_418 = tpu.vector_load %arg6[%swap3A_417] {strides = array<i32>} : memref<128xi32, #tpu.memory_space<vmem>>, vector<16xi32>,
      %swap3A_419 = vector.shape_cast %swap3A_418 : vector<16xi32> to vector<16xi32>
      %swap3A_420 = vector.shape_cast %shift_right_logical3A_416 : vector<16xi32> to vector<16xi32>
      tpu.vector_store %arg6[%swap3A_417], %swap3A_420 {strides = array<i32>} : memref<128xi32, #tpu.memory_space<vmem>>, vector<16xi32>,
      %and3A_421 = arith.constant 16383 : i32
      %and3A_422 = vector.broadcast %and3A_421 : i32 to vector<16xi32>
      %and3A_423 = arith.andi %get3A_413, %and3A_422 : vector<16xi32>
      %swap3A_424 = arith.constant 32 : index
      %swap3A_425 = tpu.vector_load %arg7[%swap3A_424] {strides = array<i32>} : memref<128xi32, #tpu.memory_space<vmem>>, vector<16xi32>,
      %swap3A_426 = vector.shape_cast %swap3A_425 : vector<16xi32> to vector<16xi32>
      %swap3A_427 = vector.shape_cast %and3A_423 : vector<16xi32> to vector<16xi32>
      tpu.vector_store %arg7[%swap3A_424], %swap3A_427 {strides = array<i32>} : memref<128xi32, #tpu.memory_space<vmem>>, vector<16xi32>,
      %get3A_428 = arith.index_cast %min3A : i32 to index
      %get3A_429 = arith.constant 48 : index
      %get3A_430 = tpu.vector_load %arg5[%get3A_428, %get3A_429] {strides = array<i32>} : memref<128x128xi32, #tpu.memory_space<vmem>>, vector<1x16xi32>,
      %get3A_431 = vector.shape_cast %get3A_430 : vector<1x16xi32> to vector<16xi32>
      %shift_right_logical3A_432 = arith.constant 14 : i32
      %shift_right_logical3A_433 = vector.broadcast %shift_right_logical3A_432 : i32 to vector<16xi32>
      %shift_right_logical3A_434 = arith.shrui %get3A_431, %shift_right_logical3A_433 : vector<16xi32>
      %swap3A_435 = arith.constant 48 : index
      %swap3A_436 = tpu.vector_load %arg6[%swap3A_435] {strides = array<i32>} : memref<128xi32, #tpu.memory_space<vmem>>, vector<16xi32>,
      %swap3A_437 = vector.shape_cast %swap3A_436 : vector<16xi32> to vector<16xi32>
      %swap3A_438 = vector.shape_cast %shift_right_logical3A_434 : vector<16xi32> to vector<16xi32>
      tpu.vector_store %arg6[%swap3A_435], %swap3A_438 {strides = array<i32>} : memref<128xi32, #tpu.memory_space<vmem>>, vector<16xi32>,
      %and3A_439 = arith.constant 16383 : i32
      %and3A_440 = vector.broadcast %and3A_439 : i32 to vector<16xi32>
      %and3A_441 = arith.andi %get3A_431, %and3A_440 : vector<16xi32>
      %swap3A_442 = arith.constant 48 : index
      %swap3A_443 = tpu.vector_load %arg7[%swap3A_442] {strides = array<i32>} : memref<128xi32, #tpu.memory_space<vmem>>, vector<16xi32>,
      %swap3A_444 = vector.shape_cast %swap3A_443 : vector<16xi32> to vector<16xi32>
      %swap3A_445 = vector.shape_cast %and3A_441 : vector<16xi32> to vector<16xi32>
      tpu.vector_store %arg7[%swap3A_442], %swap3A_445 {strides = array<i32>} : memref<128xi32, #tpu.memory_space<vmem>>, vector<16xi32>,
      %get3A_446 = arith.index_cast %min3A : i32 to index
      %get3A_447 = arith.constant 64 : index
      %get3A_448 = tpu.vector_load %arg5[%get3A_446, %get3A_447] {strides = array<i32>} : memref<128x128xi32, #tpu.memory_space<vmem>>, vector<1x16xi32>,
      %get3A_449 = vector.shape_cast %get3A_448 : vector<1x16xi32> to vector<16xi32>
      %shift_right_logical3A_450 = arith.constant 14 : i32
      %shift_right_logical3A_451 = vector.broadcast %shift_right_logical3A_450 : i32 to vector<16xi32>
      %shift_right_logical3A_452 = arith.shrui %get3A_449, %shift_right_logical3A_451 : vector<16xi32>
      %swap3A_453 = arith.constant 64 : index
      %swap3A_454 = tpu.vector_load %arg6[%swap3A_453] {strides = array<i32>} : memref<128xi32, #tpu.memory_space<vmem>>, vector<16xi32>,
      %swap3A_455 = vector.shape_cast %swap3A_454 : vector<16xi32> to vector<16xi32>
      %swap3A_456 = vector.shape_cast %shift_right_logical3A_452 : vector<16xi32> to vector<16xi32>
      tpu.vector_store %arg6[%swap3A_453], %swap3A_456 {strides = array<i32>} : memref<128xi32, #tpu.memory_space<vmem>>, vector<16xi32>,
      %and3A_457 = arith.constant 16383 : i32
      %and3A_458 = vector.broadcast %and3A_457 : i32 to vector<16xi32>
      %and3A_459 = arith.andi %get3A_449, %and3A_458 : vector<16xi32>
      %swap3A_460 = arith.constant 64 : index
      %swap3A_461 = tpu.vector_load %arg7[%swap3A_460] {strides = array<i32>} : memref<128xi32, #tpu.memory_space<vmem>>, vector<16xi32>,
      %swap3A_462 = vector.shape_cast %swap3A_461 : vector<16xi32> to vector<16xi32>
      %swap3A_463 = vector.shape_cast %and3A_459 : vector<16xi32> to vector<16xi32>
      tpu.vector_store %arg7[%swap3A_460], %swap3A_463 {strides = array<i32>} : memref<128xi32, #tpu.memory_space<vmem>>, vector<16xi32>,
      %get3A_464 = arith.index_cast %min3A : i32 to index
      %get3A_465 = arith.constant 80 : index
      %get3A_466 = tpu.vector_load %arg5[%get3A_464, %get3A_465] {strides = array<i32>} : memref<128x128xi32, #tpu.memory_space<vmem>>, vector<1x16xi32>,
      %get3A_467 = vector.shape_cast %get3A_466 : vector<1x16xi32> to vector<16xi32>
      %shift_right_logical3A_468 = arith.constant 14 : i32
      %shift_right_logical3A_469 = vector.broadcast %shift_right_logical3A_468 : i32 to vector<16xi32>
      %shift_right_logical3A_470 = arith.shrui %get3A_467, %shift_right_logical3A_469 : vector<16xi32>
      %swap3A_471 = arith.constant 80 : index
      %swap3A_472 = tpu.vector_load %arg6[%swap3A_471] {strides = array<i32>} : memref<128xi32, #tpu.memory_space<vmem>>, vector<16xi32>,
      %swap3A_473 = vector.shape_cast %swap3A_472 : vector<16xi32> to vector<16xi32>
      %swap3A_474 = vector.shape_cast %shift_right_logical3A_470 : vector<16xi32> to vector<16xi32>
      tpu.vector_store %arg6[%swap3A_471], %swap3A_474 {strides = array<i32>} : memref<128xi32, #tpu.memory_space<vmem>>, vector<16xi32>,
      %and3A_475 = arith.constant 16383 : i32
      %and3A_476 = vector.broadcast %and3A_475 : i32 to vector<16xi32>
      %and3A_477 = arith.andi %get3A_467, %and3A_476 : vector<16xi32>
      %swap3A_478 = arith.constant 80 : index
      %swap3A_479 = tpu.vector_load %arg7[%swap3A_478] {strides = array<i32>} : memref<128xi32, #tpu.memory_space<vmem>>, vector<16xi32>,
      %swap3A_480 = vector.shape_cast %swap3A_479 : vector<16xi32> to vector<16xi32>
      %swap3A_481 = vector.shape_cast %and3A_477 : vector<16xi32> to vector<16xi32>
      tpu.vector_store %arg7[%swap3A_478], %swap3A_481 {strides = array<i32>} : memref<128xi32, #tpu.memory_space<vmem>>, vector<16xi32>,
      %get3A_482 = arith.index_cast %min3A : i32 to index
      %get3A_483 = arith.constant 96 : index
      %get3A_484 = tpu.vector_load %arg5[%get3A_482, %get3A_483] {strides = array<i32>} : memref<128x128xi32, #tpu.memory_space<vmem>>, vector<1x16xi32>,
      %get3A_485 = vector.shape_cast %get3A_484 : vector<1x16xi32> to vector<16xi32>
      %shift_right_logical3A_486 = arith.constant 14 : i32
      %shift_right_logical3A_487 = vector.broadcast %shift_right_logical3A_486 : i32 to vector<16xi32>
      %shift_right_logical3A_488 = arith.shrui %get3A_485, %shift_right_logical3A_487 : vector<16xi32>
      %swap3A_489 = arith.constant 96 : index
      %swap3A_490 = tpu.vector_load %arg6[%swap3A_489] {strides = array<i32>} : memref<128xi32, #tpu.memory_space<vmem>>, vector<16xi32>,
      %swap3A_491 = vector.shape_cast %swap3A_490 : vector<16xi32> to vector<16xi32>
      %swap3A_492 = vector.shape_cast %shift_right_logical3A_488 : vector<16xi32> to vector<16xi32>
      tpu.vector_store %arg6[%swap3A_489], %swap3A_492 {strides = array<i32>} : memref<128xi32, #tpu.memory_space<vmem>>, vector<16xi32>,
      %and3A_493 = arith.constant 16383 : i32
      %and3A_494 = vector.broadcast %and3A_493 : i32 to vector<16xi32>
      %and3A_495 = arith.andi %get3A_485, %and3A_494 : vector<16xi32>
      %swap3A_496 = arith.constant 96 : index
      %swap3A_497 = tpu.vector_load %arg7[%swap3A_496] {strides = array<i32>} : memref<128xi32, #tpu.memory_space<vmem>>, vector<16xi32>,
      %swap3A_498 = vector.shape_cast %swap3A_497 : vector<16xi32> to vector<16xi32>
      %swap3A_499 = vector.shape_cast %and3A_495 : vector<16xi32> to vector<16xi32>
      tpu.vector_store %arg7[%swap3A_496], %swap3A_499 {strides = array<i32>} : memref<128xi32, #tpu.memory_space<vmem>>, vector<16xi32>,
      %get3A_500 = arith.index_cast %min3A : i32 to index
      %get3A_501 = arith.constant 112 : index
      %get3A_502 = tpu.vector_load %arg5[%get3A_500, %get3A_501] {strides = array<i32>} : memref<128x128xi32, #tpu.memory_space<vmem>>, vector<1x16xi32>,
      %get3A_503 = vector.shape_cast %get3A_502 : vector<1x16xi32> to vector<16xi32>
      %shift_right_logical3A_504 = arith.constant 14 : i32
      %shift_right_logical3A_505 = vector.broadcast %shift_right_logical3A_504 : i32 to vector<16xi32>
      %shift_right_logical3A_506 = arith.shrui %get3A_503, %shift_right_logical3A_505 : vector<16xi32>
      %swap3A_507 = arith.constant 112 : index
      %swap3A_508 = tpu.vector_load %arg6[%swap3A_507] {strides = array<i32>} : memref<128xi32, #tpu.memory_space<vmem>>, vector<16xi32>,
      %swap3A_509 = vector.shape_cast %swap3A_508 : vector<16xi32> to vector<16xi32>
      %swap3A_510 = vector.shape_cast %shift_right_logical3A_506 : vector<16xi32> to vector<16xi32>
      tpu.vector_store %arg6[%swap3A_507], %swap3A_510 {strides = array<i32>} : memref<128xi32, #tpu.memory_space<vmem>>, vector<16xi32>,
      %and3A_511 = arith.constant 16383 : i32
      %and3A_512 = vector.broadcast %and3A_511 : i32 to vector<16xi32>
      %and3A_513 = arith.andi %get3A_503, %and3A_512 : vector<16xi32>
      %swap3A_514 = arith.constant 112 : index
      %swap3A_515 = tpu.vector_load %arg7[%swap3A_514] {strides = array<i32>} : memref<128xi32, #tpu.memory_space<vmem>>, vector<16xi32>,
      %swap3A_516 = vector.shape_cast %swap3A_515 : vector<16xi32> to vector<16xi32>
      %swap3A_517 = vector.shape_cast %and3A_513 : vector<16xi32> to vector<16xi32>
      tpu.vector_store %arg7[%swap3A_514], %swap3A_517 {strides = array<i32>} : memref<128xi32, #tpu.memory_space<vmem>>, vector<16xi32>,
      %dma_start3A_518 = arith.constant 0 : i32
      %dma_start3A_519 = arith.constant 0 : i32
      %dma_start3A_520 = tpu.memref_slice %arg2[%dma_start3A_518, %dma_start3A_519] : memref<10112x128xf32, #tpu.memory_space<hbm>> -> memref<10112x128xf32, #tpu.memory_space<hbm>>
      tpu.enqueue_indirect_dma source(%dma_start3A_520 : memref<10112x128xf32, #tpu.memory_space<hbm>>) target(%arg10 : memref<128x128xf32, #tpu.memory_space<vmem>>) offsets(%arg6 : memref<128xi32, #tpu.memory_space<vmem>>) semaphore(%arg13 : memref<!tpu.dma_semaphore, #tpu.memory_space<semaphore_mem>>)
      %dma_wait3A_521 = arith.constant 0 : i32
      %dma_wait3A_522 = arith.constant 0 : i32
      %dma_wait3A_523 = tpu.memref_slice %arg2[%dma_wait3A_521, %dma_wait3A_522] : memref<10112x128xf32, #tpu.memory_space<hbm>> -> memref<10112x128xf32, #tpu.memory_space<hbm>>
      tpu.wait_indirect_dma semaphore(%arg14 : memref<!tpu.dma_semaphore, #tpu.memory_space<semaphore_mem>>) src(%dma_wait3A_523 : memref<10112x128xf32, #tpu.memory_space<hbm>>) dst(%arg11 : memref<128x128xf32, #tpu.memory_space<vmem>>)
      "tpu.region"() ({
        %run_scoped3A = tpu.sem_alloc : memref<!tpu.dma_semaphore, #tpu.memory_space<semaphore_mem>>
        %dma_start3A_524 = arith.constant 0 : i32
        %dma_start3A_525 = arith.constant 0 : i32
        %dma_start3A_526 = tpu.memref_slice %arg12[%dma_start3A_524, %dma_start3A_525] : memref<10112x128xf32, #tpu.memory_space<vmem_shared>> -> memref<10112x128xf32, #tpu.memory_space<vmem_shared>>
        tpu.enqueue_indirect_dma source(%arg11 : memref<128x128xf32, #tpu.memory_space<vmem>>) target(%dma_start3A_526 : memref<10112x128xf32, #tpu.memory_space<vmem_shared>>) offsets(%arg9 : memref<128xi32, #tpu.memory_space<vmem>>) semaphore(%run_scoped3A : memref<!tpu.dma_semaphore, #tpu.memory_space<semaphore_mem>>) {add = true}
        %dma_wait3A_527 = arith.constant 0 : i32
        %dma_wait3A_528 = arith.constant 0 : i32
        %dma_wait3A_529 = tpu.memref_slice %arg12[%dma_wait3A_527, %dma_wait3A_528] : memref<10112x128xf32, #tpu.memory_space<vmem_shared>> -> memref<10112x128xf32, #tpu.memory_space<vmem_shared>>
        tpu.wait_indirect_dma semaphore(%run_scoped3A : memref<!tpu.dma_semaphore, #tpu.memory_space<semaphore_mem>>) src(%arg11 : memref<128x128xf32, #tpu.memory_space<vmem>>) dst(%dma_wait3A_529 : memref<10112x128xf32, #tpu.memory_space<vmem_shared>>)
        tpu.yield
      }) : () -> ()
    }
    %dma_wait3A = arith.constant 0 : i32
    %dma_wait3A_208 = arith.constant 0 : i32
    %dma_wait3A_209 = tpu.memref_slice %arg2[%dma_wait3A, %dma_wait3A_208] : memref<10112x128xf32, #tpu.memory_space<hbm>> -> memref<10112x128xf32, #tpu.memory_space<hbm>>
    tpu.wait_indirect_dma semaphore(%arg13 : memref<!tpu.dma_semaphore, #tpu.memory_space<semaphore_mem>>) src(%dma_wait3A_209 : memref<10112x128xf32, #tpu.memory_space<hbm>>) dst(%arg10 : memref<128x128xf32, #tpu.memory_space<vmem>>)
    %barrier3A_210 = arith.constant 0 : index
    tpu.barrier barrier_id(%barrier3A_210)
    %mul3A_211 = arith.constant 632 : i32
    %mul3A_212 = arith.muli %arg1, %mul3A_211 : i32
    %mul3A_213 = arith.constant 632 : i32
    %mul3A_214 = arith.muli %arg1, %mul3A_213 : i32
    "tpu.region"() ({
      %run_scoped3A = tpu.sem_alloc : memref<!tpu.dma_semaphore, #tpu.memory_space<semaphore_mem>>
      %dma_start3A_215 = arith.constant 0 : i32
      %dma_start3A_216 = tpu.memref_slice %arg4[%arg0, %mul3A_214, %dma_start3A_215] : memref<2x10112x128xf32, #tpu.memory_space<hbm>> -> memref<1x632x128xf32, #tpu.memory_space<hbm>>
      %dma_start3A_217 = tpu.memref_squeeze %dma_start3A_216 : memref<1x632x128xf32, #tpu.memory_space<hbm>> -> memref<632x128xf32, #tpu.memory_space<hbm>>
      %dma_start3A_218 = arith.constant 0 : i32
      %dma_start3A_219 = tpu.memref_slice %arg12[%mul3A_212, %dma_start3A_218] : memref<10112x128xf32, #tpu.memory_space<vmem_shared>> -> memref<632x128xf32, #tpu.memory_space<vmem_shared>>
      tpu.enqueue_dma source(%dma_start3A_219 : memref<632x128xf32, #tpu.memory_space<vmem_shared>>) target(%dma_start3A_217 : memref<632x128xf32, #tpu.memory_space<hbm>>) target_semaphore(%run_scoped3A : memref<!tpu.dma_semaphore, #tpu.memory_space<semaphore_mem>>)
      %dma_wait3A_220 = arith.constant 0 : i32
      %dma_wait3A_221 = tpu.memref_slice %arg4[%arg0, %mul3A_214, %dma_wait3A_220] : memref<2x10112x128xf32, #tpu.memory_space<hbm>> -> memref<1x632x128xf32, #tpu.memory_space<hbm>>
      %dma_wait3A_222 = tpu.memref_squeeze %dma_wait3A_221 : memref<1x632x128xf32, #tpu.memory_space<hbm>> -> memref<632x128xf32, #tpu.memory_space<hbm>>
      %dma_wait3A_223 = arith.constant 0 : i32
      %dma_wait3A_224 = tpu.memref_slice %arg12[%mul3A_212, %dma_wait3A_223] : memref<10112x128xf32, #tpu.memory_space<vmem_shared>> -> memref<632x128xf32, #tpu.memory_space<vmem_shared>>
      tpu.wait_dma2 semaphore(%run_scoped3A : memref<!tpu.dma_semaphore, #tpu.memory_space<semaphore_mem>>) src(%dma_wait3A_224 : memref<632x128xf32, #tpu.memory_space<vmem_shared>>) dst(%dma_wait3A_222 : memref<632x128xf32, #tpu.memory_space<hbm>>)
      tpu.yield
    }) : () -> ()
    return
  }
}

#map = affine_map<(d0, d1) -> (0, 0)>
#map1 = affine_map<(d0, d1) -> (0, 0, 0)>
module attributes {stable_mosaic.version = 14 : i64} {
  func.func @k(%arg0: i32, %arg1: i32, %arg2: memref<2688x128xi32, #tpu.memory_space<hbm>>, %arg3: memref<2x10112x128xf32, #tpu.memory_space<hbm>>, %arg4: memref<80x128xi32, #tpu.memory_space<vmem>>, %arg5: memref<80x128xi32, #tpu.memory_space<vmem>>, %arg6: memref<128x128xf32, #tpu.memory_space<vmem>>, %arg7: memref<10112x128xf32, #tpu.memory_space<vmem_shared>>) attributes {dimension_semantics = [#tpu.dimension_semantics<core_parallel>, #tpu.dimension_semantics<subcore_parallel>], iteration_bounds = array<i64: 2, 16>, scalar_prefetch = 0 : i64, scratch_operands = 4 : i64, tpu.core_type = #tpu.core_type<sc_vector_subcore>, window_params = [{transform_indices = #map}, {transform_indices = #map1}]} {
    %mul3A = arith.constant 16 : i32
    %mul3A_0 = arith.muli %arg0, %mul3A : i32
    %add3A = arith.addi %mul3A_0, %arg1 : i32
    %scan3A = arith.constant 0 : i32
    %scan3A_1 = arith.constant 0 : i32
    %scan3A_2 = arith.constant 128 : i32
    %scan3A_3 = arith.addi %scan3A_1, %scan3A_2 : i32
    %scan3A_4 = arith.constant 1 : i32
    scf.for %scan3A_51 = %scan3A_1 to %scan3A_3 step %scan3A_4  : i32 {
      %broadcast_in_dim3A = arith.constant 0.000000e+00 : f32
      %broadcast_in_dim3A_52 = vector.broadcast %broadcast_in_dim3A : f32 to vector<16xf32>
      %swap3A = arith.index_cast %scan3A_51 : i32 to index
      %swap3A_53 = arith.constant 0 : index
      %swap3A_54 = tpu.vector_load %arg6[%swap3A, %swap3A_53] {strides = array<i32>} : memref<128x128xf32, #tpu.memory_space<vmem>>, vector<1x16xf32>,
      %swap3A_55 = vector.shape_cast %swap3A_54 : vector<1x16xf32> to vector<16xf32>
      %swap3A_56 = vector.shape_cast %broadcast_in_dim3A_52 : vector<16xf32> to vector<1x16xf32>
      tpu.vector_store %arg6[%swap3A, %swap3A_53], %swap3A_56 {strides = array<i32>} : memref<128x128xf32, #tpu.memory_space<vmem>>, vector<1x16xf32>,
      %broadcast_in_dim3A_57 = arith.constant 0.000000e+00 : f32
      %broadcast_in_dim3A_58 = vector.broadcast %broadcast_in_dim3A_57 : f32 to vector<16xf32>
      %swap3A_59 = arith.index_cast %scan3A_51 : i32 to index
      %swap3A_60 = arith.constant 16 : index
      %swap3A_61 = tpu.vector_load %arg6[%swap3A_59, %swap3A_60] {strides = array<i32>} : memref<128x128xf32, #tpu.memory_space<vmem>>, vector<1x16xf32>,
      %swap3A_62 = vector.shape_cast %swap3A_61 : vector<1x16xf32> to vector<16xf32>
      %swap3A_63 = vector.shape_cast %broadcast_in_dim3A_58 : vector<16xf32> to vector<1x16xf32>
      tpu.vector_store %arg6[%swap3A_59, %swap3A_60], %swap3A_63 {strides = array<i32>} : memref<128x128xf32, #tpu.memory_space<vmem>>, vector<1x16xf32>,
      %broadcast_in_dim3A_64 = arith.constant 0.000000e+00 : f32
      %broadcast_in_dim3A_65 = vector.broadcast %broadcast_in_dim3A_64 : f32 to vector<16xf32>
      %swap3A_66 = arith.index_cast %scan3A_51 : i32 to index
      %swap3A_67 = arith.constant 32 : index
      %swap3A_68 = tpu.vector_load %arg6[%swap3A_66, %swap3A_67] {strides = array<i32>} : memref<128x128xf32, #tpu.memory_space<vmem>>, vector<1x16xf32>,
      %swap3A_69 = vector.shape_cast %swap3A_68 : vector<1x16xf32> to vector<16xf32>
      %swap3A_70 = vector.shape_cast %broadcast_in_dim3A_65 : vector<16xf32> to vector<1x16xf32>
      tpu.vector_store %arg6[%swap3A_66, %swap3A_67], %swap3A_70 {strides = array<i32>} : memref<128x128xf32, #tpu.memory_space<vmem>>, vector<1x16xf32>,
      %broadcast_in_dim3A_71 = arith.constant 0.000000e+00 : f32
      %broadcast_in_dim3A_72 = vector.broadcast %broadcast_in_dim3A_71 : f32 to vector<16xf32>
      %swap3A_73 = arith.index_cast %scan3A_51 : i32 to index
      %swap3A_74 = arith.constant 48 : index
      %swap3A_75 = tpu.vector_load %arg6[%swap3A_73, %swap3A_74] {strides = array<i32>} : memref<128x128xf32, #tpu.memory_space<vmem>>, vector<1x16xf32>,
      %swap3A_76 = vector.shape_cast %swap3A_75 : vector<1x16xf32> to vector<16xf32>
      %swap3A_77 = vector.shape_cast %broadcast_in_dim3A_72 : vector<16xf32> to vector<1x16xf32>
      tpu.vector_store %arg6[%swap3A_73, %swap3A_74], %swap3A_77 {strides = array<i32>} : memref<128x128xf32, #tpu.memory_space<vmem>>, vector<1x16xf32>,
      %broadcast_in_dim3A_78 = arith.constant 0.000000e+00 : f32
      %broadcast_in_dim3A_79 = vector.broadcast %broadcast_in_dim3A_78 : f32 to vector<16xf32>
      %swap3A_80 = arith.index_cast %scan3A_51 : i32 to index
      %swap3A_81 = arith.constant 64 : index
      %swap3A_82 = tpu.vector_load %arg6[%swap3A_80, %swap3A_81] {strides = array<i32>} : memref<128x128xf32, #tpu.memory_space<vmem>>, vector<1x16xf32>,
      %swap3A_83 = vector.shape_cast %swap3A_82 : vector<1x16xf32> to vector<16xf32>
      %swap3A_84 = vector.shape_cast %broadcast_in_dim3A_79 : vector<16xf32> to vector<1x16xf32>
      tpu.vector_store %arg6[%swap3A_80, %swap3A_81], %swap3A_84 {strides = array<i32>} : memref<128x128xf32, #tpu.memory_space<vmem>>, vector<1x16xf32>,
      %broadcast_in_dim3A_85 = arith.constant 0.000000e+00 : f32
      %broadcast_in_dim3A_86 = vector.broadcast %broadcast_in_dim3A_85 : f32 to vector<16xf32>
      %swap3A_87 = arith.index_cast %scan3A_51 : i32 to index
      %swap3A_88 = arith.constant 80 : index
      %swap3A_89 = tpu.vector_load %arg6[%swap3A_87, %swap3A_88] {strides = array<i32>} : memref<128x128xf32, #tpu.memory_space<vmem>>, vector<1x16xf32>,
      %swap3A_90 = vector.shape_cast %swap3A_89 : vector<1x16xf32> to vector<16xf32>
      %swap3A_91 = vector.shape_cast %broadcast_in_dim3A_86 : vector<16xf32> to vector<1x16xf32>
      tpu.vector_store %arg6[%swap3A_87, %swap3A_88], %swap3A_91 {strides = array<i32>} : memref<128x128xf32, #tpu.memory_space<vmem>>, vector<1x16xf32>,
      %broadcast_in_dim3A_92 = arith.constant 0.000000e+00 : f32
      %broadcast_in_dim3A_93 = vector.broadcast %broadcast_in_dim3A_92 : f32 to vector<16xf32>
      %swap3A_94 = arith.index_cast %scan3A_51 : i32 to index
      %swap3A_95 = arith.constant 96 : index
      %swap3A_96 = tpu.vector_load %arg6[%swap3A_94, %swap3A_95] {strides = array<i32>} : memref<128x128xf32, #tpu.memory_space<vmem>>, vector<1x16xf32>,
      %swap3A_97 = vector.shape_cast %swap3A_96 : vector<1x16xf32> to vector<16xf32>
      %swap3A_98 = vector.shape_cast %broadcast_in_dim3A_93 : vector<16xf32> to vector<1x16xf32>
      tpu.vector_store %arg6[%swap3A_94, %swap3A_95], %swap3A_98 {strides = array<i32>} : memref<128x128xf32, #tpu.memory_space<vmem>>, vector<1x16xf32>,
      %broadcast_in_dim3A_99 = arith.constant 0.000000e+00 : f32
      %broadcast_in_dim3A_100 = vector.broadcast %broadcast_in_dim3A_99 : f32 to vector<16xf32>
      %swap3A_101 = arith.index_cast %scan3A_51 : i32 to index
      %swap3A_102 = arith.constant 112 : index
      %swap3A_103 = tpu.vector_load %arg6[%swap3A_101, %swap3A_102] {strides = array<i32>} : memref<128x128xf32, #tpu.memory_space<vmem>>, vector<1x16xf32>,
      %swap3A_104 = vector.shape_cast %swap3A_103 : vector<1x16xf32> to vector<16xf32>
      %swap3A_105 = vector.shape_cast %broadcast_in_dim3A_100 : vector<16xf32> to vector<1x16xf32>
      tpu.vector_store %arg6[%swap3A_101, %swap3A_102], %swap3A_105 {strides = array<i32>} : memref<128x128xf32, #tpu.memory_space<vmem>>, vector<1x16xf32>,
    }
    %scan3A_5 = arith.constant 128 : i32
    %mul3A_6 = arith.constant 632 : i32
    %mul3A_7 = arith.muli %arg1, %mul3A_6 : i32
    %add3A_8 = arith.constant 0 : i32
    %add3A_9 = arith.addi %mul3A_7, %add3A_8 : i32
    "tpu.region"() ({
      %run_scoped3A = tpu.sem_alloc : memref<!tpu.dma_semaphore, #tpu.memory_space<semaphore_mem>>
      %dma_start3A = arith.constant 0 : i32
      %dma_start3A_51 = tpu.memref_slice %arg7[%add3A_9, %dma_start3A] : memref<10112x128xf32, #tpu.memory_space<vmem_shared>> -> memref<128x128xf32, #tpu.memory_space<vmem_shared>>
      %dma_start3A_52 = arith.constant 0 : i32
      %dma_start3A_53 = tpu.memref_slice %arg7[%add3A_9, %dma_start3A_52] : memref<10112x128xf32, #tpu.memory_space<vmem_shared>> -> memref<128x128xf32, #tpu.memory_space<vmem_shared>>
      tpu.enqueue_dma source(%arg6 : memref<128x128xf32, #tpu.memory_space<vmem>>) target(%dma_start3A_53 : memref<128x128xf32, #tpu.memory_space<vmem_shared>>) target_semaphore(%run_scoped3A : memref<!tpu.dma_semaphore, #tpu.memory_space<semaphore_mem>>)
      %dma_wait3A = arith.constant 0 : i32
      %dma_wait3A_54 = tpu.memref_slice %arg7[%add3A_9, %dma_wait3A] : memref<10112x128xf32, #tpu.memory_space<vmem_shared>> -> memref<128x128xf32, #tpu.memory_space<vmem_shared>>
      %dma_wait3A_55 = arith.constant 0 : i32
      %dma_wait3A_56 = tpu.memref_slice %arg7[%add3A_9, %dma_wait3A_55] : memref<10112x128xf32, #tpu.memory_space<vmem_shared>> -> memref<128x128xf32, #tpu.memory_space<vmem_shared>>
      tpu.wait_dma2 semaphore(%run_scoped3A : memref<!tpu.dma_semaphore, #tpu.memory_space<semaphore_mem>>) src(%arg6 : memref<128x128xf32, #tpu.memory_space<vmem>>) dst(%dma_wait3A_56 : memref<128x128xf32, #tpu.memory_space<vmem_shared>>)
      tpu.yield
    }) : () -> ()
    %mul3A_10 = arith.constant 632 : i32
    %mul3A_11 = arith.muli %arg1, %mul3A_10 : i32
    %add3A_12 = arith.constant 128 : i32
    %add3A_13 = arith.addi %mul3A_11, %add3A_12 : i32
    "tpu.region"() ({
      %run_scoped3A = tpu.sem_alloc : memref<!tpu.dma_semaphore, #tpu.memory_space<semaphore_mem>>
      %dma_start3A = arith.constant 0 : i32
      %dma_start3A_51 = tpu.memref_slice %arg7[%add3A_13, %dma_start3A] : memref<10112x128xf32, #tpu.memory_space<vmem_shared>> -> memref<128x128xf32, #tpu.memory_space<vmem_shared>>
      %dma_start3A_52 = arith.constant 0 : i32
      %dma_start3A_53 = tpu.memref_slice %arg7[%add3A_13, %dma_start3A_52] : memref<10112x128xf32, #tpu.memory_space<vmem_shared>> -> memref<128x128xf32, #tpu.memory_space<vmem_shared>>
      tpu.enqueue_dma source(%arg6 : memref<128x128xf32, #tpu.memory_space<vmem>>) target(%dma_start3A_53 : memref<128x128xf32, #tpu.memory_space<vmem_shared>>) target_semaphore(%run_scoped3A : memref<!tpu.dma_semaphore, #tpu.memory_space<semaphore_mem>>)
      %dma_wait3A = arith.constant 0 : i32
      %dma_wait3A_54 = tpu.memref_slice %arg7[%add3A_13, %dma_wait3A] : memref<10112x128xf32, #tpu.memory_space<vmem_shared>> -> memref<128x128xf32, #tpu.memory_space<vmem_shared>>
      %dma_wait3A_55 = arith.constant 0 : i32
      %dma_wait3A_56 = tpu.memref_slice %arg7[%add3A_13, %dma_wait3A_55] : memref<10112x128xf32, #tpu.memory_space<vmem_shared>> -> memref<128x128xf32, #tpu.memory_space<vmem_shared>>
      tpu.wait_dma2 semaphore(%run_scoped3A : memref<!tpu.dma_semaphore, #tpu.memory_space<semaphore_mem>>) src(%arg6 : memref<128x128xf32, #tpu.memory_space<vmem>>) dst(%dma_wait3A_56 : memref<128x128xf32, #tpu.memory_space<vmem_shared>>)
      tpu.yield
    }) : () -> ()
    %mul3A_14 = arith.constant 632 : i32
    %mul3A_15 = arith.muli %arg1, %mul3A_14 : i32
    %add3A_16 = arith.constant 256 : i32
    %add3A_17 = arith.addi %mul3A_15, %add3A_16 : i32
    "tpu.region"() ({
      %run_scoped3A = tpu.sem_alloc : memref<!tpu.dma_semaphore, #tpu.memory_space<semaphore_mem>>
      %dma_start3A = arith.constant 0 : i32
      %dma_start3A_51 = tpu.memref_slice %arg7[%add3A_17, %dma_start3A] : memref<10112x128xf32, #tpu.memory_space<vmem_shared>> -> memref<128x128xf32, #tpu.memory_space<vmem_shared>>
      %dma_start3A_52 = arith.constant 0 : i32
      %dma_start3A_53 = tpu.memref_slice %arg7[%add3A_17, %dma_start3A_52] : memref<10112x128xf32, #tpu.memory_space<vmem_shared>> -> memref<128x128xf32, #tpu.memory_space<vmem_shared>>
      tpu.enqueue_dma source(%arg6 : memref<128x128xf32, #tpu.memory_space<vmem>>) target(%dma_start3A_53 : memref<128x128xf32, #tpu.memory_space<vmem_shared>>) target_semaphore(%run_scoped3A : memref<!tpu.dma_semaphore, #tpu.memory_space<semaphore_mem>>)
      %dma_wait3A = arith.constant 0 : i32
      %dma_wait3A_54 = tpu.memref_slice %arg7[%add3A_17, %dma_wait3A] : memref<10112x128xf32, #tpu.memory_space<vmem_shared>> -> memref<128x128xf32, #tpu.memory_space<vmem_shared>>
      %dma_wait3A_55 = arith.constant 0 : i32
      %dma_wait3A_56 = tpu.memref_slice %arg7[%add3A_17, %dma_wait3A_55] : memref<10112x128xf32, #tpu.memory_space<vmem_shared>> -> memref<128x128xf32, #tpu.memory_space<vmem_shared>>
      tpu.wait_dma2 semaphore(%run_scoped3A : memref<!tpu.dma_semaphore, #tpu.memory_space<semaphore_mem>>) src(%arg6 : memref<128x128xf32, #tpu.memory_space<vmem>>) dst(%dma_wait3A_56 : memref<128x128xf32, #tpu.memory_space<vmem_shared>>)
      tpu.yield
    }) : () -> ()
    %mul3A_18 = arith.constant 632 : i32
    %mul3A_19 = arith.muli %arg1, %mul3A_18 : i32
    %add3A_20 = arith.constant 384 : i32
    %add3A_21 = arith.addi %mul3A_19, %add3A_20 : i32
    "tpu.region"() ({
      %run_scoped3A = tpu.sem_alloc : memref<!tpu.dma_semaphore, #tpu.memory_space<semaphore_mem>>
      %dma_start3A = arith.constant 0 : i32
      %dma_start3A_51 = tpu.memref_slice %arg7[%add3A_21, %dma_start3A] : memref<10112x128xf32, #tpu.memory_space<vmem_shared>> -> memref<128x128xf32, #tpu.memory_space<vmem_shared>>
      %dma_start3A_52 = arith.constant 0 : i32
      %dma_start3A_53 = tpu.memref_slice %arg7[%add3A_21, %dma_start3A_52] : memref<10112x128xf32, #tpu.memory_space<vmem_shared>> -> memref<128x128xf32, #tpu.memory_space<vmem_shared>>
      tpu.enqueue_dma source(%arg6 : memref<128x128xf32, #tpu.memory_space<vmem>>) target(%dma_start3A_53 : memref<128x128xf32, #tpu.memory_space<vmem_shared>>) target_semaphore(%run_scoped3A : memref<!tpu.dma_semaphore, #tpu.memory_space<semaphore_mem>>)
      %dma_wait3A = arith.constant 0 : i32
      %dma_wait3A_54 = tpu.memref_slice %arg7[%add3A_21, %dma_wait3A] : memref<10112x128xf32, #tpu.memory_space<vmem_shared>> -> memref<128x128xf32, #tpu.memory_space<vmem_shared>>
      %dma_wait3A_55 = arith.constant 0 : i32
      %dma_wait3A_56 = tpu.memref_slice %arg7[%add3A_21, %dma_wait3A_55] : memref<10112x128xf32, #tpu.memory_space<vmem_shared>> -> memref<128x128xf32, #tpu.memory_space<vmem_shared>>
      tpu.wait_dma2 semaphore(%run_scoped3A : memref<!tpu.dma_semaphore, #tpu.memory_space<semaphore_mem>>) src(%arg6 : memref<128x128xf32, #tpu.memory_space<vmem>>) dst(%dma_wait3A_56 : memref<128x128xf32, #tpu.memory_space<vmem_shared>>)
      tpu.yield
    }) : () -> ()
    %mul3A_22 = arith.constant 632 : i32
    %mul3A_23 = arith.muli %arg1, %mul3A_22 : i32
    %add3A_24 = arith.constant 512 : i32
    %add3A_25 = arith.addi %mul3A_23, %add3A_24 : i32
    "tpu.region"() ({
      %run_scoped3A = tpu.sem_alloc : memref<!tpu.dma_semaphore, #tpu.memory_space<semaphore_mem>>
      %dma_start3A = arith.constant 0 : i32
      %dma_start3A_51 = arith.constant 0 : i32
      %dma_start3A_52 = tpu.memref_slice %arg6[%dma_start3A, %dma_start3A_51] : memref<128x128xf32, #tpu.memory_space<vmem>> -> memref<120x128xf32, #tpu.memory_space<vmem>>
      %dma_start3A_53 = arith.constant 0 : i32
      %dma_start3A_54 = tpu.memref_slice %arg7[%add3A_25, %dma_start3A_53] : memref<10112x128xf32, #tpu.memory_space<vmem_shared>> -> memref<120x128xf32, #tpu.memory_space<vmem_shared>>
      %dma_start3A_55 = arith.constant 0 : i32
      %dma_start3A_56 = tpu.memref_slice %arg7[%add3A_25, %dma_start3A_55] : memref<10112x128xf32, #tpu.memory_space<vmem_shared>> -> memref<120x128xf32, #tpu.memory_space<vmem_shared>>
      %dma_start3A_57 = arith.constant 0 : i32
      %dma_start3A_58 = arith.constant 0 : i32
      %dma_start3A_59 = tpu.memref_slice %arg6[%dma_start3A_57, %dma_start3A_58] : memref<128x128xf32, #tpu.memory_space<vmem>> -> memref<120x128xf32, #tpu.memory_space<vmem>>
      tpu.enqueue_dma source(%dma_start3A_59 : memref<120x128xf32, #tpu.memory_space<vmem>>) target(%dma_start3A_56 : memref<120x128xf32, #tpu.memory_space<vmem_shared>>) target_semaphore(%run_scoped3A : memref<!tpu.dma_semaphore, #tpu.memory_space<semaphore_mem>>)
      %dma_wait3A = arith.constant 0 : i32
      %dma_wait3A_60 = arith.constant 0 : i32
      %dma_wait3A_61 = tpu.memref_slice %arg6[%dma_wait3A, %dma_wait3A_60] : memref<128x128xf32, #tpu.memory_space<vmem>> -> memref<120x128xf32, #tpu.memory_space<vmem>>
      %dma_wait3A_62 = arith.constant 0 : i32
      %dma_wait3A_63 = tpu.memref_slice %arg7[%add3A_25, %dma_wait3A_62] : memref<10112x128xf32, #tpu.memory_space<vmem_shared>> -> memref<120x128xf32, #tpu.memory_space<vmem_shared>>
      %dma_wait3A_64 = arith.constant 0 : i32
      %dma_wait3A_65 = tpu.memref_slice %arg7[%add3A_25, %dma_wait3A_64] : memref<10112x128xf32, #tpu.memory_space<vmem_shared>> -> memref<120x128xf32, #tpu.memory_space<vmem_shared>>
      %dma_wait3A_66 = arith.constant 0 : i32
      %dma_wait3A_67 = arith.constant 0 : i32
      %dma_wait3A_68 = tpu.memref_slice %arg6[%dma_wait3A_66, %dma_wait3A_67] : memref<128x128xf32, #tpu.memory_space<vmem>> -> memref<120x128xf32, #tpu.memory_space<vmem>>
      tpu.wait_dma2 semaphore(%run_scoped3A : memref<!tpu.dma_semaphore, #tpu.memory_space<semaphore_mem>>) src(%dma_wait3A_68 : memref<120x128xf32, #tpu.memory_space<vmem>>) dst(%dma_wait3A_65 : memref<120x128xf32, #tpu.memory_space<vmem_shared>>)
      tpu.yield
    }) : () -> ()
    %scan3A_26 = arith.constant 0 : i32
    %scan3A_27 = arith.constant 0 : i32
    %scan3A_28 = arith.constant 128 : i32
    %scan3A_29 = arith.addi %scan3A_27, %scan3A_28 : i32
    %scan3A_30 = arith.constant 1 : i32
    scf.for %scan3A_51 = %scan3A_27 to %scan3A_29 step %scan3A_30  : i32 {
      %broadcast_in_dim3A = arith.constant 1.000000e+00 : f32
      %broadcast_in_dim3A_52 = vector.broadcast %broadcast_in_dim3A : f32 to vector<16xf32>
      %swap3A = arith.index_cast %scan3A_51 : i32 to index
      %swap3A_53 = arith.constant 0 : index
      %swap3A_54 = tpu.vector_load %arg6[%swap3A, %swap3A_53] {strides = array<i32>} : memref<128x128xf32, #tpu.memory_space<vmem>>, vector<1x16xf32>,
      %swap3A_55 = vector.shape_cast %swap3A_54 : vector<1x16xf32> to vector<16xf32>
      %swap3A_56 = vector.shape_cast %broadcast_in_dim3A_52 : vector<16xf32> to vector<1x16xf32>
      tpu.vector_store %arg6[%swap3A, %swap3A_53], %swap3A_56 {strides = array<i32>} : memref<128x128xf32, #tpu.memory_space<vmem>>, vector<1x16xf32>,
    }
    %scan3A_31 = arith.constant 128 : i32
    %mul3A_32 = arith.constant 80 : i32
    %mul3A_33 = arith.muli %add3A, %mul3A_32 : i32
    "tpu.region"() ({
      %run_scoped3A = tpu.sem_alloc : memref<!tpu.dma_semaphore, #tpu.memory_space<semaphore_mem>>
      %dma_start3A = arith.constant 0 : i32
      %dma_start3A_51 = tpu.memref_slice %arg2[%mul3A_33, %dma_start3A] : memref<2688x128xi32, #tpu.memory_space<hbm>> -> memref<80x128xi32, #tpu.memory_space<hbm>>
      %dma_start3A_52 = arith.constant 0 : i32
      %dma_start3A_53 = tpu.memref_slice %arg2[%mul3A_33, %dma_start3A_52] : memref<2688x128xi32, #tpu.memory_space<hbm>> -> memref<80x128xi32, #tpu.memory_space<hbm>>
      tpu.enqueue_dma source(%dma_start3A_53 : memref<80x128xi32, #tpu.memory_space<hbm>>) target(%arg4 : memref<80x128xi32, #tpu.memory_space<vmem>>) target_semaphore(%run_scoped3A : memref<!tpu.dma_semaphore, #tpu.memory_space<semaphore_mem>>)
      %dma_wait3A = arith.constant 0 : i32
      %dma_wait3A_54 = tpu.memref_slice %arg2[%mul3A_33, %dma_wait3A] : memref<2688x128xi32, #tpu.memory_space<hbm>> -> memref<80x128xi32, #tpu.memory_space<hbm>>
      %dma_wait3A_55 = arith.constant 0 : i32
      %dma_wait3A_56 = tpu.memref_slice %arg2[%mul3A_33, %dma_wait3A_55] : memref<2688x128xi32, #tpu.memory_space<hbm>> -> memref<80x128xi32, #tpu.memory_space<hbm>>
      tpu.wait_dma2 semaphore(%run_scoped3A : memref<!tpu.dma_semaphore, #tpu.memory_space<semaphore_mem>>) src(%dma_wait3A_56 : memref<80x128xi32, #tpu.memory_space<hbm>>) dst(%arg4 : memref<80x128xi32, #tpu.memory_space<vmem>>)
      tpu.yield
    }) : () -> ()
    %scan3A_34 = arith.constant 0 : i32
    %scan3A_35 = arith.constant 0 : i32
    %scan3A_36 = arith.constant 80 : i32
    %scan3A_37 = arith.addi %scan3A_35, %scan3A_36 : i32
    %scan3A_38 = arith.constant 1 : i32
    scf.for %scan3A_51 = %scan3A_35 to %scan3A_37 step %scan3A_38  : i32 {
      %get3A = arith.index_cast %scan3A_51 : i32 to index
      %get3A_52 = arith.constant 0 : index
      %get3A_53 = tpu.vector_load %arg4[%get3A, %get3A_52] {strides = array<i32>} : memref<80x128xi32, #tpu.memory_space<vmem>>, vector<1x16xi32>,
      %get3A_54 = vector.shape_cast %get3A_53 : vector<1x16xi32> to vector<16xi32>
      %and3A = arith.constant 16383 : i32
      %and3A_55 = vector.broadcast %and3A : i32 to vector<16xi32>
      %and3A_56 = arith.andi %get3A_54, %and3A_55 : vector<16xi32>
      %swap3A = arith.index_cast %scan3A_51 : i32 to index
      %swap3A_57 = arith.constant 0 : index
      %swap3A_58 = tpu.vector_load %arg5[%swap3A, %swap3A_57] {strides = array<i32>} : memref<80x128xi32, #tpu.memory_space<vmem>>, vector<1x16xi32>,
      %swap3A_59 = vector.shape_cast %swap3A_58 : vector<1x16xi32> to vector<16xi32>
      %swap3A_60 = vector.shape_cast %and3A_56 : vector<16xi32> to vector<1x16xi32>
      tpu.vector_store %arg5[%swap3A, %swap3A_57], %swap3A_60 {strides = array<i32>} : memref<80x128xi32, #tpu.memory_space<vmem>>, vector<1x16xi32>,
      %get3A_61 = arith.index_cast %scan3A_51 : i32 to index
      %get3A_62 = arith.constant 16 : index
      %get3A_63 = tpu.vector_load %arg4[%get3A_61, %get3A_62] {strides = array<i32>} : memref<80x128xi32, #tpu.memory_space<vmem>>, vector<1x16xi32>,
      %get3A_64 = vector.shape_cast %get3A_63 : vector<1x16xi32> to vector<16xi32>
      %and3A_65 = arith.constant 16383 : i32
      %and3A_66 = vector.broadcast %and3A_65 : i32 to vector<16xi32>
      %and3A_67 = arith.andi %get3A_64, %and3A_66 : vector<16xi32>
      %swap3A_68 = arith.index_cast %scan3A_51 : i32 to index
      %swap3A_69 = arith.constant 16 : index
      %swap3A_70 = tpu.vector_load %arg5[%swap3A_68, %swap3A_69] {strides = array<i32>} : memref<80x128xi32, #tpu.memory_space<vmem>>, vector<1x16xi32>,
      %swap3A_71 = vector.shape_cast %swap3A_70 : vector<1x16xi32> to vector<16xi32>
      %swap3A_72 = vector.shape_cast %and3A_67 : vector<16xi32> to vector<1x16xi32>
      tpu.vector_store %arg5[%swap3A_68, %swap3A_69], %swap3A_72 {strides = array<i32>} : memref<80x128xi32, #tpu.memory_space<vmem>>, vector<1x16xi32>,
      %get3A_73 = arith.index_cast %scan3A_51 : i32 to index
      %get3A_74 = arith.constant 32 : index
      %get3A_75 = tpu.vector_load %arg4[%get3A_73, %get3A_74] {strides = array<i32>} : memref<80x128xi32, #tpu.memory_space<vmem>>, vector<1x16xi32>,
      %get3A_76 = vector.shape_cast %get3A_75 : vector<1x16xi32> to vector<16xi32>
      %and3A_77 = arith.constant 16383 : i32
      %and3A_78 = vector.broadcast %and3A_77 : i32 to vector<16xi32>
      %and3A_79 = arith.andi %get3A_76, %and3A_78 : vector<16xi32>
      %swap3A_80 = arith.index_cast %scan3A_51 : i32 to index
      %swap3A_81 = arith.constant 32 : index
      %swap3A_82 = tpu.vector_load %arg5[%swap3A_80, %swap3A_81] {strides = array<i32>} : memref<80x128xi32, #tpu.memory_space<vmem>>, vector<1x16xi32>,
      %swap3A_83 = vector.shape_cast %swap3A_82 : vector<1x16xi32> to vector<16xi32>
      %swap3A_84 = vector.shape_cast %and3A_79 : vector<16xi32> to vector<1x16xi32>
      tpu.vector_store %arg5[%swap3A_80, %swap3A_81], %swap3A_84 {strides = array<i32>} : memref<80x128xi32, #tpu.memory_space<vmem>>, vector<1x16xi32>,
      %get3A_85 = arith.index_cast %scan3A_51 : i32 to index
      %get3A_86 = arith.constant 48 : index
      %get3A_87 = tpu.vector_load %arg4[%get3A_85, %get3A_86] {strides = array<i32>} : memref<80x128xi32, #tpu.memory_space<vmem>>, vector<1x16xi32>,
      %get3A_88 = vector.shape_cast %get3A_87 : vector<1x16xi32> to vector<16xi32>
      %and3A_89 = arith.constant 16383 : i32
      %and3A_90 = vector.broadcast %and3A_89 : i32 to vector<16xi32>
      %and3A_91 = arith.andi %get3A_88, %and3A_90 : vector<16xi32>
      %swap3A_92 = arith.index_cast %scan3A_51 : i32 to index
      %swap3A_93 = arith.constant 48 : index
      %swap3A_94 = tpu.vector_load %arg5[%swap3A_92, %swap3A_93] {strides = array<i32>} : memref<80x128xi32, #tpu.memory_space<vmem>>, vector<1x16xi32>,
      %swap3A_95 = vector.shape_cast %swap3A_94 : vector<1x16xi32> to vector<16xi32>
      %swap3A_96 = vector.shape_cast %and3A_91 : vector<16xi32> to vector<1x16xi32>
      tpu.vector_store %arg5[%swap3A_92, %swap3A_93], %swap3A_96 {strides = array<i32>} : memref<80x128xi32, #tpu.memory_space<vmem>>, vector<1x16xi32>,
      %get3A_97 = arith.index_cast %scan3A_51 : i32 to index
      %get3A_98 = arith.constant 64 : index
      %get3A_99 = tpu.vector_load %arg4[%get3A_97, %get3A_98] {strides = array<i32>} : memref<80x128xi32, #tpu.memory_space<vmem>>, vector<1x16xi32>,
      %get3A_100 = vector.shape_cast %get3A_99 : vector<1x16xi32> to vector<16xi32>
      %and3A_101 = arith.constant 16383 : i32
      %and3A_102 = vector.broadcast %and3A_101 : i32 to vector<16xi32>
      %and3A_103 = arith.andi %get3A_100, %and3A_102 : vector<16xi32>
      %swap3A_104 = arith.index_cast %scan3A_51 : i32 to index
      %swap3A_105 = arith.constant 64 : index
      %swap3A_106 = tpu.vector_load %arg5[%swap3A_104, %swap3A_105] {strides = array<i32>} : memref<80x128xi32, #tpu.memory_space<vmem>>, vector<1x16xi32>,
      %swap3A_107 = vector.shape_cast %swap3A_106 : vector<1x16xi32> to vector<16xi32>
      %swap3A_108 = vector.shape_cast %and3A_103 : vector<16xi32> to vector<1x16xi32>
      tpu.vector_store %arg5[%swap3A_104, %swap3A_105], %swap3A_108 {strides = array<i32>} : memref<80x128xi32, #tpu.memory_space<vmem>>, vector<1x16xi32>,
      %get3A_109 = arith.index_cast %scan3A_51 : i32 to index
      %get3A_110 = arith.constant 80 : index
      %get3A_111 = tpu.vector_load %arg4[%get3A_109, %get3A_110] {strides = array<i32>} : memref<80x128xi32, #tpu.memory_space<vmem>>, vector<1x16xi32>,
      %get3A_112 = vector.shape_cast %get3A_111 : vector<1x16xi32> to vector<16xi32>
      %and3A_113 = arith.constant 16383 : i32
      %and3A_114 = vector.broadcast %and3A_113 : i32 to vector<16xi32>
      %and3A_115 = arith.andi %get3A_112, %and3A_114 : vector<16xi32>
      %swap3A_116 = arith.index_cast %scan3A_51 : i32 to index
      %swap3A_117 = arith.constant 80 : index
      %swap3A_118 = tpu.vector_load %arg5[%swap3A_116, %swap3A_117] {strides = array<i32>} : memref<80x128xi32, #tpu.memory_space<vmem>>, vector<1x16xi32>,
      %swap3A_119 = vector.shape_cast %swap3A_118 : vector<1x16xi32> to vector<16xi32>
      %swap3A_120 = vector.shape_cast %and3A_115 : vector<16xi32> to vector<1x16xi32>
      tpu.vector_store %arg5[%swap3A_116, %swap3A_117], %swap3A_120 {strides = array<i32>} : memref<80x128xi32, #tpu.memory_space<vmem>>, vector<1x16xi32>,
      %get3A_121 = arith.index_cast %scan3A_51 : i32 to index
      %get3A_122 = arith.constant 96 : index
      %get3A_123 = tpu.vector_load %arg4[%get3A_121, %get3A_122] {strides = array<i32>} : memref<80x128xi32, #tpu.memory_space<vmem>>, vector<1x16xi32>,
      %get3A_124 = vector.shape_cast %get3A_123 : vector<1x16xi32> to vector<16xi32>
      %and3A_125 = arith.constant 16383 : i32
      %and3A_126 = vector.broadcast %and3A_125 : i32 to vector<16xi32>
      %and3A_127 = arith.andi %get3A_124, %and3A_126 : vector<16xi32>
      %swap3A_128 = arith.index_cast %scan3A_51 : i32 to index
      %swap3A_129 = arith.constant 96 : index
      %swap3A_130 = tpu.vector_load %arg5[%swap3A_128, %swap3A_129] {strides = array<i32>} : memref<80x128xi32, #tpu.memory_space<vmem>>, vector<1x16xi32>,
      %swap3A_131 = vector.shape_cast %swap3A_130 : vector<1x16xi32> to vector<16xi32>
      %swap3A_132 = vector.shape_cast %and3A_127 : vector<16xi32> to vector<1x16xi32>
      tpu.vector_store %arg5[%swap3A_128, %swap3A_129], %swap3A_132 {strides = array<i32>} : memref<80x128xi32, #tpu.memory_space<vmem>>, vector<1x16xi32>,
      %get3A_133 = arith.index_cast %scan3A_51 : i32 to index
      %get3A_134 = arith.constant 112 : index
      %get3A_135 = tpu.vector_load %arg4[%get3A_133, %get3A_134] {strides = array<i32>} : memref<80x128xi32, #tpu.memory_space<vmem>>, vector<1x16xi32>,
      %get3A_136 = vector.shape_cast %get3A_135 : vector<1x16xi32> to vector<16xi32>
      %and3A_137 = arith.constant 16383 : i32
      %and3A_138 = vector.broadcast %and3A_137 : i32 to vector<16xi32>
      %and3A_139 = arith.andi %get3A_136, %and3A_138 : vector<16xi32>
      %swap3A_140 = arith.index_cast %scan3A_51 : i32 to index
      %swap3A_141 = arith.constant 112 : index
      %swap3A_142 = tpu.vector_load %arg5[%swap3A_140, %swap3A_141] {strides = array<i32>} : memref<80x128xi32, #tpu.memory_space<vmem>>, vector<1x16xi32>,
      %swap3A_143 = vector.shape_cast %swap3A_142 : vector<1x16xi32> to vector<16xi32>
      %swap3A_144 = vector.shape_cast %and3A_139 : vector<16xi32> to vector<1x16xi32>
      tpu.vector_store %arg5[%swap3A_140, %swap3A_141], %swap3A_144 {strides = array<i32>} : memref<80x128xi32, #tpu.memory_space<vmem>>, vector<1x16xi32>,
    }
    %scan3A_39 = arith.constant 80 : i32
    %barrier3A = arith.constant 0 : index
    tpu.barrier barrier_id(%barrier3A)
    %scan3A_40 = arith.constant 0 : i32
    %scan3A_41 = arith.constant 0 : i32
    %scan3A_42 = arith.constant 80 : i32
    %scan3A_43 = arith.addi %scan3A_41, %scan3A_42 : i32
    %scan3A_44 = arith.constant 1 : i32
    scf.for %scan3A_51 = %scan3A_41 to %scan3A_43 step %scan3A_44  : i32 {
      "tpu.region"() ({
        %run_scoped3A = tpu.sem_alloc : memref<!tpu.dma_semaphore, #tpu.memory_space<semaphore_mem>>
        %dma_start3A = arith.constant 0 : i32
        %dma_start3A_52 = tpu.memref_slice %arg5[%scan3A_51, %dma_start3A] : memref<80x128xi32, #tpu.memory_space<vmem>> -> memref<1x128xi32, #tpu.memory_space<vmem>>
        %dma_start3A_53 = tpu.memref_squeeze %dma_start3A_52 : memref<1x128xi32, #tpu.memory_space<vmem>> -> memref<128xi32, #tpu.memory_space<vmem>>
        %dma_start3A_54 = arith.constant 0 : i32
        %dma_start3A_55 = arith.constant 0 : i32
        %dma_start3A_56 = tpu.memref_slice %arg7[%dma_start3A_54, %dma_start3A_55] : memref<10112x128xf32, #tpu.memory_space<vmem_shared>> -> memref<10112x128xf32, #tpu.memory_space<vmem_shared>>
        tpu.enqueue_indirect_dma source(%arg6 : memref<128x128xf32, #tpu.memory_space<vmem>>) target(%dma_start3A_56 : memref<10112x128xf32, #tpu.memory_space<vmem_shared>>) offsets(%dma_start3A_53 : memref<128xi32, #tpu.memory_space<vmem>>) semaphore(%run_scoped3A : memref<!tpu.dma_semaphore, #tpu.memory_space<semaphore_mem>>) {add = true}
        %dma_wait3A = arith.constant 0 : i32
        %dma_wait3A_57 = tpu.memref_slice %arg5[%scan3A_51, %dma_wait3A] : memref<80x128xi32, #tpu.memory_space<vmem>> -> memref<1x128xi32, #tpu.memory_space<vmem>>
        %dma_wait3A_58 = tpu.memref_squeeze %dma_wait3A_57 : memref<1x128xi32, #tpu.memory_space<vmem>> -> memref<128xi32, #tpu.memory_space<vmem>>
        %dma_wait3A_59 = arith.constant 0 : i32
        %dma_wait3A_60 = arith.constant 0 : i32
        %dma_wait3A_61 = tpu.memref_slice %arg7[%dma_wait3A_59, %dma_wait3A_60] : memref<10112x128xf32, #tpu.memory_space<vmem_shared>> -> memref<10112x128xf32, #tpu.memory_space<vmem_shared>>
        tpu.wait_indirect_dma semaphore(%run_scoped3A : memref<!tpu.dma_semaphore, #tpu.memory_space<semaphore_mem>>) src(%arg6 : memref<128x128xf32, #tpu.memory_space<vmem>>) dst(%dma_wait3A_61 : memref<10112x128xf32, #tpu.memory_space<vmem_shared>>)
        tpu.yield
      }) : () -> ()
    }
    %scan3A_45 = arith.constant 80 : i32
    %barrier3A_46 = arith.constant 0 : index
    tpu.barrier barrier_id(%barrier3A_46)
    %mul3A_47 = arith.constant 632 : i32
    %mul3A_48 = arith.muli %arg1, %mul3A_47 : i32
    %mul3A_49 = arith.constant 632 : i32
    %mul3A_50 = arith.muli %arg1, %mul3A_49 : i32
    "tpu.region"() ({
      %run_scoped3A = tpu.sem_alloc : memref<!tpu.dma_semaphore, #tpu.memory_space<semaphore_mem>>
      %dma_start3A = arith.constant 0 : i32
      %dma_start3A_51 = tpu.memref_slice %arg3[%arg0, %mul3A_50, %dma_start3A] : memref<2x10112x128xf32, #tpu.memory_space<hbm>> -> memref<1x632x128xf32, #tpu.memory_space<hbm>>
      %dma_start3A_52 = tpu.memref_squeeze %dma_start3A_51 : memref<1x632x128xf32, #tpu.memory_space<hbm>> -> memref<632x128xf32, #tpu.memory_space<hbm>>
      %dma_start3A_53 = arith.constant 0 : i32
      %dma_start3A_54 = tpu.memref_slice %arg7[%mul3A_48, %dma_start3A_53] : memref<10112x128xf32, #tpu.memory_space<vmem_shared>> -> memref<632x128xf32, #tpu.memory_space<vmem_shared>>
      tpu.enqueue_dma source(%dma_start3A_54 : memref<632x128xf32, #tpu.memory_space<vmem_shared>>) target(%dma_start3A_52 : memref<632x128xf32, #tpu.memory_space<hbm>>) target_semaphore(%run_scoped3A : memref<!tpu.dma_semaphore, #tpu.memory_space<semaphore_mem>>)
      %dma_wait3A = arith.constant 0 : i32
      %dma_wait3A_55 = tpu.memref_slice %arg3[%arg0, %mul3A_50, %dma_wait3A] : memref<2x10112x128xf32, #tpu.memory_space<hbm>> -> memref<1x632x128xf32, #tpu.memory_space<hbm>>
      %dma_wait3A_56 = tpu.memref_squeeze %dma_wait3A_55 : memref<1x632x128xf32, #tpu.memory_space<hbm>> -> memref<632x128xf32, #tpu.memory_space<hbm>>
      %dma_wait3A_57 = arith.constant 0 : i32
      %dma_wait3A_58 = tpu.memref_slice %arg7[%mul3A_48, %dma_wait3A_57] : memref<10112x128xf32, #tpu.memory_space<vmem_shared>> -> memref<632x128xf32, #tpu.memory_space<vmem_shared>>
      tpu.wait_dma2 semaphore(%run_scoped3A : memref<!tpu.dma_semaphore, #tpu.memory_space<semaphore_mem>>) src(%dma_wait3A_58 : memref<632x128xf32, #tpu.memory_space<vmem_shared>>) dst(%dma_wait3A_56 : memref<632x128xf32, #tpu.memory_space<hbm>>)
      tpu.yield
    }) : () -> ()
    return
  }
}

#map = affine_map<(d0, d1) -> (0, 0)>
#map1 = affine_map<(d0, d1) -> (0, 0, 0)>
module attributes {stable_mosaic.version = 14 : i64} {
  func.func @k(%arg0: i32, %arg1: i32, %arg2: memref<10112x128xf32, #tpu.memory_space<hbm>>, %arg3: memref<2688x128xi32, #tpu.memory_space<hbm>>, %arg4: memref<2x10112x128xf32, #tpu.memory_space<hbm>>, %arg5: memref<128x128xi32, #tpu.memory_space<vmem>>, %arg6: memref<128xi32, #tpu.memory_space<vmem>>, %arg7: memref<128xi32, #tpu.memory_space<vmem>>, %arg8: memref<128xi32, #tpu.memory_space<vmem>>, %arg9: memref<128xi32, #tpu.memory_space<vmem>>, %arg10: memref<128x128xf32, #tpu.memory_space<vmem>>, %arg11: memref<128x128xf32, #tpu.memory_space<vmem>>, %arg12: memref<10112x128xf32, #tpu.memory_space<vmem_shared>>, %arg13: memref<!tpu.dma_semaphore, #tpu.memory_space<semaphore_mem>>, %arg14: memref<!tpu.dma_semaphore, #tpu.memory_space<semaphore_mem>>) attributes {dimension_semantics = [#tpu.dimension_semantics<core_parallel>, #tpu.dimension_semantics<subcore_parallel>], iteration_bounds = array<i64: 2, 16>, scalar_prefetch = 0 : i64, scratch_operands = 10 : i64, tpu.core_type = #tpu.core_type<sc_vector_subcore>, window_params = [{transform_indices = #map}, {transform_indices = #map}, {transform_indices = #map1}]} {
    %mul3A = arith.constant 160 : i32
    %mul3A_0 = arith.muli %arg1, %mul3A : i32
    %mul3A_1 = arith.constant 128 : i32
    %mul3A_2 = arith.muli %arg0, %mul3A_1 : i32
    %add3A = arith.addi %mul3A_0, %mul3A_2 : i32
    %eq3A = arith.constant 0 : i32
    %eq3A_3 = arith.cmpi eq, %arg0, %eq3A : i32
    %jit3A = arith.constant 128 : i32
    %jit3A_4 = arith.constant 32 : i32
    %select_n3A = arith.select %eq3A_3, %jit3A, %jit3A_4 : i32
    %scan3A = arith.constant 0 : i32
    %scan3A_5 = arith.constant 0 : i32
    %scan3A_6 = arith.constant 128 : i32
    %scan3A_7 = arith.addi %scan3A_5, %scan3A_6 : i32
    %scan3A_8 = arith.constant 1 : i32
    scf.for %scan3A_215 = %scan3A_5 to %scan3A_7 step %scan3A_8  : i32 {
      %broadcast_in_dim3A = arith.constant 0.000000e+00 : f32
      %broadcast_in_dim3A_216 = vector.broadcast %broadcast_in_dim3A : f32 to vector<16xf32>
      %swap3A_217 = arith.index_cast %scan3A_215 : i32 to index
      %swap3A_218 = arith.constant 0 : index
      %swap3A_219 = tpu.vector_load %arg10[%swap3A_217, %swap3A_218] {strides = array<i32>} : memref<128x128xf32, #tpu.memory_space<vmem>>, vector<1x16xf32>,
      %swap3A_220 = vector.shape_cast %swap3A_219 : vector<1x16xf32> to vector<16xf32>
      %swap3A_221 = vector.shape_cast %broadcast_in_dim3A_216 : vector<16xf32> to vector<1x16xf32>
      tpu.vector_store %arg10[%swap3A_217, %swap3A_218], %swap3A_221 {strides = array<i32>} : memref<128x128xf32, #tpu.memory_space<vmem>>, vector<1x16xf32>,
      %broadcast_in_dim3A_222 = arith.constant 0.000000e+00 : f32
      %broadcast_in_dim3A_223 = vector.broadcast %broadcast_in_dim3A_222 : f32 to vector<16xf32>
      %swap3A_224 = arith.index_cast %scan3A_215 : i32 to index
      %swap3A_225 = arith.constant 16 : index
      %swap3A_226 = tpu.vector_load %arg10[%swap3A_224, %swap3A_225] {strides = array<i32>} : memref<128x128xf32, #tpu.memory_space<vmem>>, vector<1x16xf32>,
      %swap3A_227 = vector.shape_cast %swap3A_226 : vector<1x16xf32> to vector<16xf32>
      %swap3A_228 = vector.shape_cast %broadcast_in_dim3A_223 : vector<16xf32> to vector<1x16xf32>
      tpu.vector_store %arg10[%swap3A_224, %swap3A_225], %swap3A_228 {strides = array<i32>} : memref<128x128xf32, #tpu.memory_space<vmem>>, vector<1x16xf32>,
      %broadcast_in_dim3A_229 = arith.constant 0.000000e+00 : f32
      %broadcast_in_dim3A_230 = vector.broadcast %broadcast_in_dim3A_229 : f32 to vector<16xf32>
      %swap3A_231 = arith.index_cast %scan3A_215 : i32 to index
      %swap3A_232 = arith.constant 32 : index
      %swap3A_233 = tpu.vector_load %arg10[%swap3A_231, %swap3A_232] {strides = array<i32>} : memref<128x128xf32, #tpu.memory_space<vmem>>, vector<1x16xf32>,
      %swap3A_234 = vector.shape_cast %swap3A_233 : vector<1x16xf32> to vector<16xf32>
      %swap3A_235 = vector.shape_cast %broadcast_in_dim3A_230 : vector<16xf32> to vector<1x16xf32>
      tpu.vector_store %arg10[%swap3A_231, %swap3A_232], %swap3A_235 {strides = array<i32>} : memref<128x128xf32, #tpu.memory_space<vmem>>, vector<1x16xf32>,
      %broadcast_in_dim3A_236 = arith.constant 0.000000e+00 : f32
      %broadcast_in_dim3A_237 = vector.broadcast %broadcast_in_dim3A_236 : f32 to vector<16xf32>
      %swap3A_238 = arith.index_cast %scan3A_215 : i32 to index
      %swap3A_239 = arith.constant 48 : index
      %swap3A_240 = tpu.vector_load %arg10[%swap3A_238, %swap3A_239] {strides = array<i32>} : memref<128x128xf32, #tpu.memory_space<vmem>>, vector<1x16xf32>,
      %swap3A_241 = vector.shape_cast %swap3A_240 : vector<1x16xf32> to vector<16xf32>
      %swap3A_242 = vector.shape_cast %broadcast_in_dim3A_237 : vector<16xf32> to vector<1x16xf32>
      tpu.vector_store %arg10[%swap3A_238, %swap3A_239], %swap3A_242 {strides = array<i32>} : memref<128x128xf32, #tpu.memory_space<vmem>>, vector<1x16xf32>,
      %broadcast_in_dim3A_243 = arith.constant 0.000000e+00 : f32
      %broadcast_in_dim3A_244 = vector.broadcast %broadcast_in_dim3A_243 : f32 to vector<16xf32>
      %swap3A_245 = arith.index_cast %scan3A_215 : i32 to index
      %swap3A_246 = arith.constant 64 : index
      %swap3A_247 = tpu.vector_load %arg10[%swap3A_245, %swap3A_246] {strides = array<i32>} : memref<128x128xf32, #tpu.memory_space<vmem>>, vector<1x16xf32>,
      %swap3A_248 = vector.shape_cast %swap3A_247 : vector<1x16xf32> to vector<16xf32>
      %swap3A_249 = vector.shape_cast %broadcast_in_dim3A_244 : vector<16xf32> to vector<1x16xf32>
      tpu.vector_store %arg10[%swap3A_245, %swap3A_246], %swap3A_249 {strides = array<i32>} : memref<128x128xf32, #tpu.memory_space<vmem>>, vector<1x16xf32>,
      %broadcast_in_dim3A_250 = arith.constant 0.000000e+00 : f32
      %broadcast_in_dim3A_251 = vector.broadcast %broadcast_in_dim3A_250 : f32 to vector<16xf32>
      %swap3A_252 = arith.index_cast %scan3A_215 : i32 to index
      %swap3A_253 = arith.constant 80 : index
      %swap3A_254 = tpu.vector_load %arg10[%swap3A_252, %swap3A_253] {strides = array<i32>} : memref<128x128xf32, #tpu.memory_space<vmem>>, vector<1x16xf32>,
      %swap3A_255 = vector.shape_cast %swap3A_254 : vector<1x16xf32> to vector<16xf32>
      %swap3A_256 = vector.shape_cast %broadcast_in_dim3A_251 : vector<16xf32> to vector<1x16xf32>
      tpu.vector_store %arg10[%swap3A_252, %swap3A_253], %swap3A_256 {strides = array<i32>} : memref<128x128xf32, #tpu.memory_space<vmem>>, vector<1x16xf32>,
      %broadcast_in_dim3A_257 = arith.constant 0.000000e+00 : f32
      %broadcast_in_dim3A_258 = vector.broadcast %broadcast_in_dim3A_257 : f32 to vector<16xf32>
      %swap3A_259 = arith.index_cast %scan3A_215 : i32 to index
      %swap3A_260 = arith.constant 96 : index
      %swap3A_261 = tpu.vector_load %arg10[%swap3A_259, %swap3A_260] {strides = array<i32>} : memref<128x128xf32, #tpu.memory_space<vmem>>, vector<1x16xf32>,
      %swap3A_262 = vector.shape_cast %swap3A_261 : vector<1x16xf32> to vector<16xf32>
      %swap3A_263 = vector.shape_cast %broadcast_in_dim3A_258 : vector<16xf32> to vector<1x16xf32>
      tpu.vector_store %arg10[%swap3A_259, %swap3A_260], %swap3A_263 {strides = array<i32>} : memref<128x128xf32, #tpu.memory_space<vmem>>, vector<1x16xf32>,
      %broadcast_in_dim3A_264 = arith.constant 0.000000e+00 : f32
      %broadcast_in_dim3A_265 = vector.broadcast %broadcast_in_dim3A_264 : f32 to vector<16xf32>
      %swap3A_266 = arith.index_cast %scan3A_215 : i32 to index
      %swap3A_267 = arith.constant 112 : index
      %swap3A_268 = tpu.vector_load %arg10[%swap3A_266, %swap3A_267] {strides = array<i32>} : memref<128x128xf32, #tpu.memory_space<vmem>>, vector<1x16xf32>,
      %swap3A_269 = vector.shape_cast %swap3A_268 : vector<1x16xf32> to vector<16xf32>
      %swap3A_270 = vector.shape_cast %broadcast_in_dim3A_265 : vector<16xf32> to vector<1x16xf32>
      tpu.vector_store %arg10[%swap3A_266, %swap3A_267], %swap3A_270 {strides = array<i32>} : memref<128x128xf32, #tpu.memory_space<vmem>>, vector<1x16xf32>,
    }
    %scan3A_9 = arith.constant 128 : i32
    %mul3A_10 = arith.constant 632 : i32
    %mul3A_11 = arith.muli %arg1, %mul3A_10 : i32
    %add3A_12 = arith.constant 0 : i32
    %add3A_13 = arith.addi %mul3A_11, %add3A_12 : i32
    "tpu.region"() ({
      %run_scoped3A = tpu.sem_alloc : memref<!tpu.dma_semaphore, #tpu.memory_space<semaphore_mem>>
      %dma_start3A_215 = arith.constant 0 : i32
      %dma_start3A_216 = tpu.memref_slice %arg12[%add3A_13, %dma_start3A_215] : memref<10112x128xf32, #tpu.memory_space<vmem_shared>> -> memref<128x128xf32, #tpu.memory_space<vmem_shared>>
      %dma_start3A_217 = arith.constant 0 : i32
      %dma_start3A_218 = tpu.memref_slice %arg12[%add3A_13, %dma_start3A_217] : memref<10112x128xf32, #tpu.memory_space<vmem_shared>> -> memref<128x128xf32, #tpu.memory_space<vmem_shared>>
      tpu.enqueue_dma source(%arg10 : memref<128x128xf32, #tpu.memory_space<vmem>>) target(%dma_start3A_218 : memref<128x128xf32, #tpu.memory_space<vmem_shared>>) target_semaphore(%run_scoped3A : memref<!tpu.dma_semaphore, #tpu.memory_space<semaphore_mem>>)
      %dma_wait3A_219 = arith.constant 0 : i32
      %dma_wait3A_220 = tpu.memref_slice %arg12[%add3A_13, %dma_wait3A_219] : memref<10112x128xf32, #tpu.memory_space<vmem_shared>> -> memref<128x128xf32, #tpu.memory_space<vmem_shared>>
      %dma_wait3A_221 = arith.constant 0 : i32
      %dma_wait3A_222 = tpu.memref_slice %arg12[%add3A_13, %dma_wait3A_221] : memref<10112x128xf32, #tpu.memory_space<vmem_shared>> -> memref<128x128xf32, #tpu.memory_space<vmem_shared>>
      tpu.wait_dma2 semaphore(%run_scoped3A : memref<!tpu.dma_semaphore, #tpu.memory_space<semaphore_mem>>) src(%arg10 : memref<128x128xf32, #tpu.memory_space<vmem>>) dst(%dma_wait3A_222 : memref<128x128xf32, #tpu.memory_space<vmem_shared>>)
      tpu.yield
    }) : () -> ()
    %mul3A_14 = arith.constant 632 : i32
    %mul3A_15 = arith.muli %arg1, %mul3A_14 : i32
    %add3A_16 = arith.constant 128 : i32
    %add3A_17 = arith.addi %mul3A_15, %add3A_16 : i32
    "tpu.region"() ({
      %run_scoped3A = tpu.sem_alloc : memref<!tpu.dma_semaphore, #tpu.memory_space<semaphore_mem>>
      %dma_start3A_215 = arith.constant 0 : i32
      %dma_start3A_216 = tpu.memref_slice %arg12[%add3A_17, %dma_start3A_215] : memref<10112x128xf32, #tpu.memory_space<vmem_shared>> -> memref<128x128xf32, #tpu.memory_space<vmem_shared>>
      %dma_start3A_217 = arith.constant 0 : i32
      %dma_start3A_218 = tpu.memref_slice %arg12[%add3A_17, %dma_start3A_217] : memref<10112x128xf32, #tpu.memory_space<vmem_shared>> -> memref<128x128xf32, #tpu.memory_space<vmem_shared>>
      tpu.enqueue_dma source(%arg10 : memref<128x128xf32, #tpu.memory_space<vmem>>) target(%dma_start3A_218 : memref<128x128xf32, #tpu.memory_space<vmem_shared>>) target_semaphore(%run_scoped3A : memref<!tpu.dma_semaphore, #tpu.memory_space<semaphore_mem>>)
      %dma_wait3A_219 = arith.constant 0 : i32
      %dma_wait3A_220 = tpu.memref_slice %arg12[%add3A_17, %dma_wait3A_219] : memref<10112x128xf32, #tpu.memory_space<vmem_shared>> -> memref<128x128xf32, #tpu.memory_space<vmem_shared>>
      %dma_wait3A_221 = arith.constant 0 : i32
      %dma_wait3A_222 = tpu.memref_slice %arg12[%add3A_17, %dma_wait3A_221] : memref<10112x128xf32, #tpu.memory_space<vmem_shared>> -> memref<128x128xf32, #tpu.memory_space<vmem_shared>>
      tpu.wait_dma2 semaphore(%run_scoped3A : memref<!tpu.dma_semaphore, #tpu.memory_space<semaphore_mem>>) src(%arg10 : memref<128x128xf32, #tpu.memory_space<vmem>>) dst(%dma_wait3A_222 : memref<128x128xf32, #tpu.memory_space<vmem_shared>>)
      tpu.yield
    }) : () -> ()
    %mul3A_18 = arith.constant 632 : i32
    %mul3A_19 = arith.muli %arg1, %mul3A_18 : i32
    %add3A_20 = arith.constant 256 : i32
    %add3A_21 = arith.addi %mul3A_19, %add3A_20 : i32
    "tpu.region"() ({
      %run_scoped3A = tpu.sem_alloc : memref<!tpu.dma_semaphore, #tpu.memory_space<semaphore_mem>>
      %dma_start3A_215 = arith.constant 0 : i32
      %dma_start3A_216 = tpu.memref_slice %arg12[%add3A_21, %dma_start3A_215] : memref<10112x128xf32, #tpu.memory_space<vmem_shared>> -> memref<128x128xf32, #tpu.memory_space<vmem_shared>>
      %dma_start3A_217 = arith.constant 0 : i32
      %dma_start3A_218 = tpu.memref_slice %arg12[%add3A_21, %dma_start3A_217] : memref<10112x128xf32, #tpu.memory_space<vmem_shared>> -> memref<128x128xf32, #tpu.memory_space<vmem_shared>>
      tpu.enqueue_dma source(%arg10 : memref<128x128xf32, #tpu.memory_space<vmem>>) target(%dma_start3A_218 : memref<128x128xf32, #tpu.memory_space<vmem_shared>>) target_semaphore(%run_scoped3A : memref<!tpu.dma_semaphore, #tpu.memory_space<semaphore_mem>>)
      %dma_wait3A_219 = arith.constant 0 : i32
      %dma_wait3A_220 = tpu.memref_slice %arg12[%add3A_21, %dma_wait3A_219] : memref<10112x128xf32, #tpu.memory_space<vmem_shared>> -> memref<128x128xf32, #tpu.memory_space<vmem_shared>>
      %dma_wait3A_221 = arith.constant 0 : i32
      %dma_wait3A_222 = tpu.memref_slice %arg12[%add3A_21, %dma_wait3A_221] : memref<10112x128xf32, #tpu.memory_space<vmem_shared>> -> memref<128x128xf32, #tpu.memory_space<vmem_shared>>
      tpu.wait_dma2 semaphore(%run_scoped3A : memref<!tpu.dma_semaphore, #tpu.memory_space<semaphore_mem>>) src(%arg10 : memref<128x128xf32, #tpu.memory_space<vmem>>) dst(%dma_wait3A_222 : memref<128x128xf32, #tpu.memory_space<vmem_shared>>)
      tpu.yield
    }) : () -> ()
    %mul3A_22 = arith.constant 632 : i32
    %mul3A_23 = arith.muli %arg1, %mul3A_22 : i32
    %add3A_24 = arith.constant 384 : i32
    %add3A_25 = arith.addi %mul3A_23, %add3A_24 : i32
    "tpu.region"() ({
      %run_scoped3A = tpu.sem_alloc : memref<!tpu.dma_semaphore, #tpu.memory_space<semaphore_mem>>
      %dma_start3A_215 = arith.constant 0 : i32
      %dma_start3A_216 = tpu.memref_slice %arg12[%add3A_25, %dma_start3A_215] : memref<10112x128xf32, #tpu.memory_space<vmem_shared>> -> memref<128x128xf32, #tpu.memory_space<vmem_shared>>
      %dma_start3A_217 = arith.constant 0 : i32
      %dma_start3A_218 = tpu.memref_slice %arg12[%add3A_25, %dma_start3A_217] : memref<10112x128xf32, #tpu.memory_space<vmem_shared>> -> memref<128x128xf32, #tpu.memory_space<vmem_shared>>
      tpu.enqueue_dma source(%arg10 : memref<128x128xf32, #tpu.memory_space<vmem>>) target(%dma_start3A_218 : memref<128x128xf32, #tpu.memory_space<vmem_shared>>) target_semaphore(%run_scoped3A : memref<!tpu.dma_semaphore, #tpu.memory_space<semaphore_mem>>)
      %dma_wait3A_219 = arith.constant 0 : i32
      %dma_wait3A_220 = tpu.memref_slice %arg12[%add3A_25, %dma_wait3A_219] : memref<10112x128xf32, #tpu.memory_space<vmem_shared>> -> memref<128x128xf32, #tpu.memory_space<vmem_shared>>
      %dma_wait3A_221 = arith.constant 0 : i32
      %dma_wait3A_222 = tpu.memref_slice %arg12[%add3A_25, %dma_wait3A_221] : memref<10112x128xf32, #tpu.memory_space<vmem_shared>> -> memref<128x128xf32, #tpu.memory_space<vmem_shared>>
      tpu.wait_dma2 semaphore(%run_scoped3A : memref<!tpu.dma_semaphore, #tpu.memory_space<semaphore_mem>>) src(%arg10 : memref<128x128xf32, #tpu.memory_space<vmem>>) dst(%dma_wait3A_222 : memref<128x128xf32, #tpu.memory_space<vmem_shared>>)
      tpu.yield
    }) : () -> ()
    %mul3A_26 = arith.constant 632 : i32
    %mul3A_27 = arith.muli %arg1, %mul3A_26 : i32
    %add3A_28 = arith.constant 512 : i32
    %add3A_29 = arith.addi %mul3A_27, %add3A_28 : i32
    "tpu.region"() ({
      %run_scoped3A = tpu.sem_alloc : memref<!tpu.dma_semaphore, #tpu.memory_space<semaphore_mem>>
      %dma_start3A_215 = arith.constant 0 : i32
      %dma_start3A_216 = arith.constant 0 : i32
      %dma_start3A_217 = tpu.memref_slice %arg10[%dma_start3A_215, %dma_start3A_216] : memref<128x128xf32, #tpu.memory_space<vmem>> -> memref<120x128xf32, #tpu.memory_space<vmem>>
      %dma_start3A_218 = arith.constant 0 : i32
      %dma_start3A_219 = tpu.memref_slice %arg12[%add3A_29, %dma_start3A_218] : memref<10112x128xf32, #tpu.memory_space<vmem_shared>> -> memref<120x128xf32, #tpu.memory_space<vmem_shared>>
      %dma_start3A_220 = arith.constant 0 : i32
      %dma_start3A_221 = tpu.memref_slice %arg12[%add3A_29, %dma_start3A_220] : memref<10112x128xf32, #tpu.memory_space<vmem_shared>> -> memref<120x128xf32, #tpu.memory_space<vmem_shared>>
      %dma_start3A_222 = arith.constant 0 : i32
      %dma_start3A_223 = arith.constant 0 : i32
      %dma_start3A_224 = tpu.memref_slice %arg10[%dma_start3A_222, %dma_start3A_223] : memref<128x128xf32, #tpu.memory_space<vmem>> -> memref<120x128xf32, #tpu.memory_space<vmem>>
      tpu.enqueue_dma source(%dma_start3A_224 : memref<120x128xf32, #tpu.memory_space<vmem>>) target(%dma_start3A_221 : memref<120x128xf32, #tpu.memory_space<vmem_shared>>) target_semaphore(%run_scoped3A : memref<!tpu.dma_semaphore, #tpu.memory_space<semaphore_mem>>)
      %dma_wait3A_225 = arith.constant 0 : i32
      %dma_wait3A_226 = arith.constant 0 : i32
      %dma_wait3A_227 = tpu.memref_slice %arg10[%dma_wait3A_225, %dma_wait3A_226] : memref<128x128xf32, #tpu.memory_space<vmem>> -> memref<120x128xf32, #tpu.memory_space<vmem>>
      %dma_wait3A_228 = arith.constant 0 : i32
      %dma_wait3A_229 = tpu.memref_slice %arg12[%add3A_29, %dma_wait3A_228] : memref<10112x128xf32, #tpu.memory_space<vmem_shared>> -> memref<120x128xf32, #tpu.memory_space<vmem_shared>>
      %dma_wait3A_230 = arith.constant 0 : i32
      %dma_wait3A_231 = tpu.memref_slice %arg12[%add3A_29, %dma_wait3A_230] : memref<10112x128xf32, #tpu.memory_space<vmem_shared>> -> memref<120x128xf32, #tpu.memory_space<vmem_shared>>
      %dma_wait3A_232 = arith.constant 0 : i32
      %dma_wait3A_233 = arith.constant 0 : i32
      %dma_wait3A_234 = tpu.memref_slice %arg10[%dma_wait3A_232, %dma_wait3A_233] : memref<128x128xf32, #tpu.memory_space<vmem>> -> memref<120x128xf32, #tpu.memory_space<vmem>>
      tpu.wait_dma2 semaphore(%run_scoped3A : memref<!tpu.dma_semaphore, #tpu.memory_space<semaphore_mem>>) src(%dma_wait3A_234 : memref<120x128xf32, #tpu.memory_space<vmem>>) dst(%dma_wait3A_231 : memref<120x128xf32, #tpu.memory_space<vmem_shared>>)
      tpu.yield
    }) : () -> ()
    "tpu.region"() ({
      %run_scoped3A = tpu.sem_alloc : memref<!tpu.dma_semaphore, #tpu.memory_space<semaphore_mem>>
      %dma_start3A_215 = arith.constant 0 : i32
      %dma_start3A_216 = tpu.memref_slice %arg3[%add3A, %dma_start3A_215] : memref<2688x128xi32, #tpu.memory_space<hbm>> -> memref<128x128xi32, #tpu.memory_space<hbm>>
      %dma_start3A_217 = arith.constant 0 : i32
      %dma_start3A_218 = tpu.memref_slice %arg3[%add3A, %dma_start3A_217] : memref<2688x128xi32, #tpu.memory_space<hbm>> -> memref<128x128xi32, #tpu.memory_space<hbm>>
      tpu.enqueue_dma source(%dma_start3A_218 : memref<128x128xi32, #tpu.memory_space<hbm>>) target(%arg5 : memref<128x128xi32, #tpu.memory_space<vmem>>) target_semaphore(%run_scoped3A : memref<!tpu.dma_semaphore, #tpu.memory_space<semaphore_mem>>)
      %dma_wait3A_219 = arith.constant 0 : i32
      %dma_wait3A_220 = tpu.memref_slice %arg3[%add3A, %dma_wait3A_219] : memref<2688x128xi32, #tpu.memory_space<hbm>> -> memref<128x128xi32, #tpu.memory_space<hbm>>
      %dma_wait3A_221 = arith.constant 0 : i32
      %dma_wait3A_222 = tpu.memref_slice %arg3[%add3A, %dma_wait3A_221] : memref<2688x128xi32, #tpu.memory_space<hbm>> -> memref<128x128xi32, #tpu.memory_space<hbm>>
      tpu.wait_dma2 semaphore(%run_scoped3A : memref<!tpu.dma_semaphore, #tpu.memory_space<semaphore_mem>>) src(%dma_wait3A_222 : memref<128x128xi32, #tpu.memory_space<hbm>>) dst(%arg5 : memref<128x128xi32, #tpu.memory_space<vmem>>)
      tpu.yield
    }) : () -> ()
    %barrier3A = arith.constant 0 : index
    tpu.barrier barrier_id(%barrier3A)
    %get3A = arith.constant 0 : i32
    %get3A_30 = arith.index_cast %get3A : i32 to index
    %get3A_31 = arith.constant 0 : index
    %get3A_32 = tpu.vector_load %arg5[%get3A_30, %get3A_31] {strides = array<i32>} : memref<128x128xi32, #tpu.memory_space<vmem>>, vector<1x16xi32>,
    %get3A_33 = vector.shape_cast %get3A_32 : vector<1x16xi32> to vector<16xi32>
    %shift_right_logical3A = arith.constant 14 : i32
    %shift_right_logical3A_34 = vector.broadcast %shift_right_logical3A : i32 to vector<16xi32>
    %shift_right_logical3A_35 = arith.shrui %get3A_33, %shift_right_logical3A_34 : vector<16xi32>
    %swap3A = arith.constant 0 : index
    %swap3A_36 = tpu.vector_load %arg6[%swap3A] {strides = array<i32>} : memref<128xi32, #tpu.memory_space<vmem>>, vector<16xi32>,
    %swap3A_37 = vector.shape_cast %swap3A_36 : vector<16xi32> to vector<16xi32>
    %swap3A_38 = vector.shape_cast %shift_right_logical3A_35 : vector<16xi32> to vector<16xi32>
    tpu.vector_store %arg6[%swap3A], %swap3A_38 {strides = array<i32>} : memref<128xi32, #tpu.memory_space<vmem>>, vector<16xi32>,
    %and3A = arith.constant 16383 : i32
    %and3A_39 = vector.broadcast %and3A : i32 to vector<16xi32>
    %and3A_40 = arith.andi %get3A_33, %and3A_39 : vector<16xi32>
    %swap3A_41 = arith.constant 0 : index
    %swap3A_42 = tpu.vector_load %arg7[%swap3A_41] {strides = array<i32>} : memref<128xi32, #tpu.memory_space<vmem>>, vector<16xi32>,
    %swap3A_43 = vector.shape_cast %swap3A_42 : vector<16xi32> to vector<16xi32>
    %swap3A_44 = vector.shape_cast %and3A_40 : vector<16xi32> to vector<16xi32>
    tpu.vector_store %arg7[%swap3A_41], %swap3A_44 {strides = array<i32>} : memref<128xi32, #tpu.memory_space<vmem>>, vector<16xi32>,
    %get3A_45 = arith.constant 0 : i32
    %get3A_46 = arith.index_cast %get3A_45 : i32 to index
    %get3A_47 = arith.constant 16 : index
    %get3A_48 = tpu.vector_load %arg5[%get3A_46, %get3A_47] {strides = array<i32>} : memref<128x128xi32, #tpu.memory_space<vmem>>, vector<1x16xi32>,
    %get3A_49 = vector.shape_cast %get3A_48 : vector<1x16xi32> to vector<16xi32>
    %shift_right_logical3A_50 = arith.constant 14 : i32
    %shift_right_logical3A_51 = vector.broadcast %shift_right_logical3A_50 : i32 to vector<16xi32>
    %shift_right_logical3A_52 = arith.shrui %get3A_49, %shift_right_logical3A_51 : vector<16xi32>
    %swap3A_53 = arith.constant 16 : index
    %swap3A_54 = tpu.vector_load %arg6[%swap3A_53] {strides = array<i32>} : memref<128xi32, #tpu.memory_space<vmem>>, vector<16xi32>,
    %swap3A_55 = vector.shape_cast %swap3A_54 : vector<16xi32> to vector<16xi32>
    %swap3A_56 = vector.shape_cast %shift_right_logical3A_52 : vector<16xi32> to vector<16xi32>
    tpu.vector_store %arg6[%swap3A_53], %swap3A_56 {strides = array<i32>} : memref<128xi32, #tpu.memory_space<vmem>>, vector<16xi32>,
    %and3A_57 = arith.constant 16383 : i32
    %and3A_58 = vector.broadcast %and3A_57 : i32 to vector<16xi32>
    %and3A_59 = arith.andi %get3A_49, %and3A_58 : vector<16xi32>
    %swap3A_60 = arith.constant 16 : index
    %swap3A_61 = tpu.vector_load %arg7[%swap3A_60] {strides = array<i32>} : memref<128xi32, #tpu.memory_space<vmem>>, vector<16xi32>,
    %swap3A_62 = vector.shape_cast %swap3A_61 : vector<16xi32> to vector<16xi32>
    %swap3A_63 = vector.shape_cast %and3A_59 : vector<16xi32> to vector<16xi32>
    tpu.vector_store %arg7[%swap3A_60], %swap3A_63 {strides = array<i32>} : memref<128xi32, #tpu.memory_space<vmem>>, vector<16xi32>,
    %get3A_64 = arith.constant 0 : i32
    %get3A_65 = arith.index_cast %get3A_64 : i32 to index
    %get3A_66 = arith.constant 32 : index
    %get3A_67 = tpu.vector_load %arg5[%get3A_65, %get3A_66] {strides = array<i32>} : memref<128x128xi32, #tpu.memory_space<vmem>>, vector<1x16xi32>,
    %get3A_68 = vector.shape_cast %get3A_67 : vector<1x16xi32> to vector<16xi32>
    %shift_right_logical3A_69 = arith.constant 14 : i32
    %shift_right_logical3A_70 = vector.broadcast %shift_right_logical3A_69 : i32 to vector<16xi32>
    %shift_right_logical3A_71 = arith.shrui %get3A_68, %shift_right_logical3A_70 : vector<16xi32>
    %swap3A_72 = arith.constant 32 : index
    %swap3A_73 = tpu.vector_load %arg6[%swap3A_72] {strides = array<i32>} : memref<128xi32, #tpu.memory_space<vmem>>, vector<16xi32>,
    %swap3A_74 = vector.shape_cast %swap3A_73 : vector<16xi32> to vector<16xi32>
    %swap3A_75 = vector.shape_cast %shift_right_logical3A_71 : vector<16xi32> to vector<16xi32>
    tpu.vector_store %arg6[%swap3A_72], %swap3A_75 {strides = array<i32>} : memref<128xi32, #tpu.memory_space<vmem>>, vector<16xi32>,
    %and3A_76 = arith.constant 16383 : i32
    %and3A_77 = vector.broadcast %and3A_76 : i32 to vector<16xi32>
    %and3A_78 = arith.andi %get3A_68, %and3A_77 : vector<16xi32>
    %swap3A_79 = arith.constant 32 : index
    %swap3A_80 = tpu.vector_load %arg7[%swap3A_79] {strides = array<i32>} : memref<128xi32, #tpu.memory_space<vmem>>, vector<16xi32>,
    %swap3A_81 = vector.shape_cast %swap3A_80 : vector<16xi32> to vector<16xi32>
    %swap3A_82 = vector.shape_cast %and3A_78 : vector<16xi32> to vector<16xi32>
    tpu.vector_store %arg7[%swap3A_79], %swap3A_82 {strides = array<i32>} : memref<128xi32, #tpu.memory_space<vmem>>, vector<16xi32>,
    %get3A_83 = arith.constant 0 : i32
    %get3A_84 = arith.index_cast %get3A_83 : i32 to index
    %get3A_85 = arith.constant 48 : index
    %get3A_86 = tpu.vector_load %arg5[%get3A_84, %get3A_85] {strides = array<i32>} : memref<128x128xi32, #tpu.memory_space<vmem>>, vector<1x16xi32>,
    %get3A_87 = vector.shape_cast %get3A_86 : vector<1x16xi32> to vector<16xi32>
    %shift_right_logical3A_88 = arith.constant 14 : i32
    %shift_right_logical3A_89 = vector.broadcast %shift_right_logical3A_88 : i32 to vector<16xi32>
    %shift_right_logical3A_90 = arith.shrui %get3A_87, %shift_right_logical3A_89 : vector<16xi32>
    %swap3A_91 = arith.constant 48 : index
    %swap3A_92 = tpu.vector_load %arg6[%swap3A_91] {strides = array<i32>} : memref<128xi32, #tpu.memory_space<vmem>>, vector<16xi32>,
    %swap3A_93 = vector.shape_cast %swap3A_92 : vector<16xi32> to vector<16xi32>
    %swap3A_94 = vector.shape_cast %shift_right_logical3A_90 : vector<16xi32> to vector<16xi32>
    tpu.vector_store %arg6[%swap3A_91], %swap3A_94 {strides = array<i32>} : memref<128xi32, #tpu.memory_space<vmem>>, vector<16xi32>,
    %and3A_95 = arith.constant 16383 : i32
    %and3A_96 = vector.broadcast %and3A_95 : i32 to vector<16xi32>
    %and3A_97 = arith.andi %get3A_87, %and3A_96 : vector<16xi32>
    %swap3A_98 = arith.constant 48 : index
    %swap3A_99 = tpu.vector_load %arg7[%swap3A_98] {strides = array<i32>} : memref<128xi32, #tpu.memory_space<vmem>>, vector<16xi32>,
    %swap3A_100 = vector.shape_cast %swap3A_99 : vector<16xi32> to vector<16xi32>
    %swap3A_101 = vector.shape_cast %and3A_97 : vector<16xi32> to vector<16xi32>
    tpu.vector_store %arg7[%swap3A_98], %swap3A_101 {strides = array<i32>} : memref<128xi32, #tpu.memory_space<vmem>>, vector<16xi32>,
    %get3A_102 = arith.constant 0 : i32
    %get3A_103 = arith.index_cast %get3A_102 : i32 to index
    %get3A_104 = arith.constant 64 : index
    %get3A_105 = tpu.vector_load %arg5[%get3A_103, %get3A_104] {strides = array<i32>} : memref<128x128xi32, #tpu.memory_space<vmem>>, vector<1x16xi32>,
    %get3A_106 = vector.shape_cast %get3A_105 : vector<1x16xi32> to vector<16xi32>
    %shift_right_logical3A_107 = arith.constant 14 : i32
    %shift_right_logical3A_108 = vector.broadcast %shift_right_logical3A_107 : i32 to vector<16xi32>
    %shift_right_logical3A_109 = arith.shrui %get3A_106, %shift_right_logical3A_108 : vector<16xi32>
    %swap3A_110 = arith.constant 64 : index
    %swap3A_111 = tpu.vector_load %arg6[%swap3A_110] {strides = array<i32>} : memref<128xi32, #tpu.memory_space<vmem>>, vector<16xi32>,
    %swap3A_112 = vector.shape_cast %swap3A_111 : vector<16xi32> to vector<16xi32>
    %swap3A_113 = vector.shape_cast %shift_right_logical3A_109 : vector<16xi32> to vector<16xi32>
    tpu.vector_store %arg6[%swap3A_110], %swap3A_113 {strides = array<i32>} : memref<128xi32, #tpu.memory_space<vmem>>, vector<16xi32>,
    %and3A_114 = arith.constant 16383 : i32
    %and3A_115 = vector.broadcast %and3A_114 : i32 to vector<16xi32>
    %and3A_116 = arith.andi %get3A_106, %and3A_115 : vector<16xi32>
    %swap3A_117 = arith.constant 64 : index
    %swap3A_118 = tpu.vector_load %arg7[%swap3A_117] {strides = array<i32>} : memref<128xi32, #tpu.memory_space<vmem>>, vector<16xi32>,
    %swap3A_119 = vector.shape_cast %swap3A_118 : vector<16xi32> to vector<16xi32>
    %swap3A_120 = vector.shape_cast %and3A_116 : vector<16xi32> to vector<16xi32>
    tpu.vector_store %arg7[%swap3A_117], %swap3A_120 {strides = array<i32>} : memref<128xi32, #tpu.memory_space<vmem>>, vector<16xi32>,
    %get3A_121 = arith.constant 0 : i32
    %get3A_122 = arith.index_cast %get3A_121 : i32 to index
    %get3A_123 = arith.constant 80 : index
    %get3A_124 = tpu.vector_load %arg5[%get3A_122, %get3A_123] {strides = array<i32>} : memref<128x128xi32, #tpu.memory_space<vmem>>, vector<1x16xi32>,
    %get3A_125 = vector.shape_cast %get3A_124 : vector<1x16xi32> to vector<16xi32>
    %shift_right_logical3A_126 = arith.constant 14 : i32
    %shift_right_logical3A_127 = vector.broadcast %shift_right_logical3A_126 : i32 to vector<16xi32>
    %shift_right_logical3A_128 = arith.shrui %get3A_125, %shift_right_logical3A_127 : vector<16xi32>
    %swap3A_129 = arith.constant 80 : index
    %swap3A_130 = tpu.vector_load %arg6[%swap3A_129] {strides = array<i32>} : memref<128xi32, #tpu.memory_space<vmem>>, vector<16xi32>,
    %swap3A_131 = vector.shape_cast %swap3A_130 : vector<16xi32> to vector<16xi32>
    %swap3A_132 = vector.shape_cast %shift_right_logical3A_128 : vector<16xi32> to vector<16xi32>
    tpu.vector_store %arg6[%swap3A_129], %swap3A_132 {strides = array<i32>} : memref<128xi32, #tpu.memory_space<vmem>>, vector<16xi32>,
    %and3A_133 = arith.constant 16383 : i32
    %and3A_134 = vector.broadcast %and3A_133 : i32 to vector<16xi32>
    %and3A_135 = arith.andi %get3A_125, %and3A_134 : vector<16xi32>
    %swap3A_136 = arith.constant 80 : index
    %swap3A_137 = tpu.vector_load %arg7[%swap3A_136] {strides = array<i32>} : memref<128xi32, #tpu.memory_space<vmem>>, vector<16xi32>,
    %swap3A_138 = vector.shape_cast %swap3A_137 : vector<16xi32> to vector<16xi32>
    %swap3A_139 = vector.shape_cast %and3A_135 : vector<16xi32> to vector<16xi32>
    tpu.vector_store %arg7[%swap3A_136], %swap3A_139 {strides = array<i32>} : memref<128xi32, #tpu.memory_space<vmem>>, vector<16xi32>,
    %get3A_140 = arith.constant 0 : i32
    %get3A_141 = arith.index_cast %get3A_140 : i32 to index
    %get3A_142 = arith.constant 96 : index
    %get3A_143 = tpu.vector_load %arg5[%get3A_141, %get3A_142] {strides = array<i32>} : memref<128x128xi32, #tpu.memory_space<vmem>>, vector<1x16xi32>,
    %get3A_144 = vector.shape_cast %get3A_143 : vector<1x16xi32> to vector<16xi32>
    %shift_right_logical3A_145 = arith.constant 14 : i32
    %shift_right_logical3A_146 = vector.broadcast %shift_right_logical3A_145 : i32 to vector<16xi32>
    %shift_right_logical3A_147 = arith.shrui %get3A_144, %shift_right_logical3A_146 : vector<16xi32>
    %swap3A_148 = arith.constant 96 : index
    %swap3A_149 = tpu.vector_load %arg6[%swap3A_148] {strides = array<i32>} : memref<128xi32, #tpu.memory_space<vmem>>, vector<16xi32>,
    %swap3A_150 = vector.shape_cast %swap3A_149 : vector<16xi32> to vector<16xi32>
    %swap3A_151 = vector.shape_cast %shift_right_logical3A_147 : vector<16xi32> to vector<16xi32>
    tpu.vector_store %arg6[%swap3A_148], %swap3A_151 {strides = array<i32>} : memref<128xi32, #tpu.memory_space<vmem>>, vector<16xi32>,
    %and3A_152 = arith.constant 16383 : i32
    %and3A_153 = vector.broadcast %and3A_152 : i32 to vector<16xi32>
    %and3A_154 = arith.andi %get3A_144, %and3A_153 : vector<16xi32>
    %swap3A_155 = arith.constant 96 : index
    %swap3A_156 = tpu.vector_load %arg7[%swap3A_155] {strides = array<i32>} : memref<128xi32, #tpu.memory_space<vmem>>, vector<16xi32>,
    %swap3A_157 = vector.shape_cast %swap3A_156 : vector<16xi32> to vector<16xi32>
    %swap3A_158 = vector.shape_cast %and3A_154 : vector<16xi32> to vector<16xi32>
    tpu.vector_store %arg7[%swap3A_155], %swap3A_158 {strides = array<i32>} : memref<128xi32, #tpu.memory_space<vmem>>, vector<16xi32>,
    %get3A_159 = arith.constant 0 : i32
    %get3A_160 = arith.index_cast %get3A_159 : i32 to index
    %get3A_161 = arith.constant 112 : index
    %get3A_162 = tpu.vector_load %arg5[%get3A_160, %get3A_161] {strides = array<i32>} : memref<128x128xi32, #tpu.memory_space<vmem>>, vector<1x16xi32>,
    %get3A_163 = vector.shape_cast %get3A_162 : vector<1x16xi32> to vector<16xi32>
    %shift_right_logical3A_164 = arith.constant 14 : i32
    %shift_right_logical3A_165 = vector.broadcast %shift_right_logical3A_164 : i32 to vector<16xi32>
    %shift_right_logical3A_166 = arith.shrui %get3A_163, %shift_right_logical3A_165 : vector<16xi32>
    %swap3A_167 = arith.constant 112 : index
    %swap3A_168 = tpu.vector_load %arg6[%swap3A_167] {strides = array<i32>} : memref<128xi32, #tpu.memory_space<vmem>>, vector<16xi32>,
    %swap3A_169 = vector.shape_cast %swap3A_168 : vector<16xi32> to vector<16xi32>
    %swap3A_170 = vector.shape_cast %shift_right_logical3A_166 : vector<16xi32> to vector<16xi32>
    tpu.vector_store %arg6[%swap3A_167], %swap3A_170 {strides = array<i32>} : memref<128xi32, #tpu.memory_space<vmem>>, vector<16xi32>,
    %and3A_171 = arith.constant 16383 : i32
    %and3A_172 = vector.broadcast %and3A_171 : i32 to vector<16xi32>
    %and3A_173 = arith.andi %get3A_163, %and3A_172 : vector<16xi32>
    %swap3A_174 = arith.constant 112 : index
    %swap3A_175 = tpu.vector_load %arg7[%swap3A_174] {strides = array<i32>} : memref<128xi32, #tpu.memory_space<vmem>>, vector<16xi32>,
    %swap3A_176 = vector.shape_cast %swap3A_175 : vector<16xi32> to vector<16xi32>
    %swap3A_177 = vector.shape_cast %and3A_173 : vector<16xi32> to vector<16xi32>
    tpu.vector_store %arg7[%swap3A_174], %swap3A_177 {strides = array<i32>} : memref<128xi32, #tpu.memory_space<vmem>>, vector<16xi32>,
    %dma_start3A = arith.constant 0 : i32
    %dma_start3A_178 = arith.constant 0 : i32
    %dma_start3A_179 = tpu.memref_slice %arg2[%dma_start3A, %dma_start3A_178] : memref<10112x128xf32, #tpu.memory_space<hbm>> -> memref<10112x128xf32, #tpu.memory_space<hbm>>
    tpu.enqueue_indirect_dma source(%dma_start3A_179 : memref<10112x128xf32, #tpu.memory_space<hbm>>) target(%arg10 : memref<128x128xf32, #tpu.memory_space<vmem>>) offsets(%arg6 : memref<128xi32, #tpu.memory_space<vmem>>) semaphore(%arg13 : memref<!tpu.dma_semaphore, #tpu.memory_space<semaphore_mem>>)
    %jit3A_180 = arith.constant 2 : i32
    %div3A = arith.divsi %select_n3A, %jit3A_180 : i32
    %sign3A = arith.constant 0 : i32
    %sign3A_181 = arith.cmpi sgt, %select_n3A, %sign3A : i32
    %sign3A_182 = arith.extui %sign3A_181 : i1 to i32
    %sign3A_183 = arith.constant 0 : i32
    %sign3A_184 = arith.cmpi slt, %select_n3A, %sign3A_183 : i32
    %sign3A_185 = arith.extui %sign3A_184 : i1 to i32
    %sign3A_186 = arith.subi %sign3A_182, %sign3A_185 : i32
    %sign3A_187 = arith.constant 0 : i32
    %sign3A_188 = arith.cmpi sgt, %jit3A_180, %sign3A_187 : i32
    %sign3A_189 = arith.extui %sign3A_188 : i1 to i32
    %sign3A_190 = arith.constant 0 : i32
    %sign3A_191 = arith.cmpi slt, %jit3A_180, %sign3A_190 : i32
    %sign3A_192 = arith.extui %sign3A_191 : i1 to i32
    %sign3A_193 = arith.subi %sign3A_189, %sign3A_192 : i32
    %ne3A = arith.cmpi ne, %sign3A_186, %sign3A_193 : i32
    %rem3A = arith.remsi %select_n3A, %jit3A_180 : i32
    %ne3A_194 = arith.constant 0 : i32
    %ne3A_195 = arith.cmpi ne, %rem3A, %ne3A_194 : i32
    %and3A_196 = arith.andi %ne3A, %ne3A_195 : i1
    %sub3A = arith.constant 1 : i32
    %sub3A_197 = arith.subi %div3A, %sub3A : i32
    %select_n3A_198 = arith.select %and3A_196, %sub3A_197, %div3A : i32
    %while3A = arith.constant 0 : i32
    %while3A_199 = arith.constant 0 : i32
    %while3A_200 = arith.subi %select_n3A_198, %while3A_199 : i32
    %while3A_201 = arith.addi %while3A_199, %while3A_200 : i32
    %while3A_202 = arith.constant 1 : i32
    %while3A_203 = arith.divsi %while3A_200, %while3A_202 : i32
    %while3A_204 = arith.muli %while3A_203, %while3A_202 : i32
    %while3A_205 = arith.addi %while3A_199, %while3A_204 : i32
    %while3A_206 = arith.constant 1 : i32
    scf.for %while3A_215 = %while3A_199 to %while3A_205 step %while3A_206  : i32 {
      %mul3A_216 = arith.constant 2 : i32
      %mul3A_217 = arith.muli %while3A_215, %mul3A_216 : i32
      %add3A_218 = arith.constant 1 : i32
      %add3A_219 = arith.addi %mul3A_217, %add3A_218 : i32
      %get3A_220 = arith.index_cast %add3A_219 : i32 to index
      %get3A_221 = arith.constant 0 : index
      %get3A_222 = tpu.vector_load %arg5[%get3A_220, %get3A_221] {strides = array<i32>} : memref<128x128xi32, #tpu.memory_space<vmem>>, vector<1x16xi32>,
      %get3A_223 = vector.shape_cast %get3A_222 : vector<1x16xi32> to vector<16xi32>
      %shift_right_logical3A_224 = arith.constant 14 : i32
      %shift_right_logical3A_225 = vector.broadcast %shift_right_logical3A_224 : i32 to vector<16xi32>
      %shift_right_logical3A_226 = arith.shrui %get3A_223, %shift_right_logical3A_225 : vector<16xi32>
      %swap3A_227 = arith.constant 0 : index
      %swap3A_228 = tpu.vector_load %arg8[%swap3A_227] {strides = array<i32>} : memref<128xi32, #tpu.memory_space<vmem>>, vector<16xi32>,
      %swap3A_229 = vector.shape_cast %swap3A_228 : vector<16xi32> to vector<16xi32>
      %swap3A_230 = vector.shape_cast %shift_right_logical3A_226 : vector<16xi32> to vector<16xi32>
      tpu.vector_store %arg8[%swap3A_227], %swap3A_230 {strides = array<i32>} : memref<128xi32, #tpu.memory_space<vmem>>, vector<16xi32>,
      %and3A_231 = arith.constant 16383 : i32
      %and3A_232 = vector.broadcast %and3A_231 : i32 to vector<16xi32>
      %and3A_233 = arith.andi %get3A_223, %and3A_232 : vector<16xi32>
      %swap3A_234 = arith.constant 0 : index
      %swap3A_235 = tpu.vector_load %arg9[%swap3A_234] {strides = array<i32>} : memref<128xi32, #tpu.memory_space<vmem>>, vector<16xi32>,
      %swap3A_236 = vector.shape_cast %swap3A_235 : vector<16xi32> to vector<16xi32>
      %swap3A_237 = vector.shape_cast %and3A_233 : vector<16xi32> to vector<16xi32>
      tpu.vector_store %arg9[%swap3A_234], %swap3A_237 {strides = array<i32>} : memref<128xi32, #tpu.memory_space<vmem>>, vector<16xi32>,
      %get3A_238 = arith.index_cast %add3A_219 : i32 to index
      %get3A_239 = arith.constant 16 : index
      %get3A_240 = tpu.vector_load %arg5[%get3A_238, %get3A_239] {strides = array<i32>} : memref<128x128xi32, #tpu.memory_space<vmem>>, vector<1x16xi32>,
      %get3A_241 = vector.shape_cast %get3A_240 : vector<1x16xi32> to vector<16xi32>
      %shift_right_logical3A_242 = arith.constant 14 : i32
      %shift_right_logical3A_243 = vector.broadcast %shift_right_logical3A_242 : i32 to vector<16xi32>
      %shift_right_logical3A_244 = arith.shrui %get3A_241, %shift_right_logical3A_243 : vector<16xi32>
      %swap3A_245 = arith.constant 16 : index
      %swap3A_246 = tpu.vector_load %arg8[%swap3A_245] {strides = array<i32>} : memref<128xi32, #tpu.memory_space<vmem>>, vector<16xi32>,
      %swap3A_247 = vector.shape_cast %swap3A_246 : vector<16xi32> to vector<16xi32>
      %swap3A_248 = vector.shape_cast %shift_right_logical3A_244 : vector<16xi32> to vector<16xi32>
      tpu.vector_store %arg8[%swap3A_245], %swap3A_248 {strides = array<i32>} : memref<128xi32, #tpu.memory_space<vmem>>, vector<16xi32>,
      %and3A_249 = arith.constant 16383 : i32
      %and3A_250 = vector.broadcast %and3A_249 : i32 to vector<16xi32>
      %and3A_251 = arith.andi %get3A_241, %and3A_250 : vector<16xi32>
      %swap3A_252 = arith.constant 16 : index
      %swap3A_253 = tpu.vector_load %arg9[%swap3A_252] {strides = array<i32>} : memref<128xi32, #tpu.memory_space<vmem>>, vector<16xi32>,
      %swap3A_254 = vector.shape_cast %swap3A_253 : vector<16xi32> to vector<16xi32>
      %swap3A_255 = vector.shape_cast %and3A_251 : vector<16xi32> to vector<16xi32>
      tpu.vector_store %arg9[%swap3A_252], %swap3A_255 {strides = array<i32>} : memref<128xi32, #tpu.memory_space<vmem>>, vector<16xi32>,
      %get3A_256 = arith.index_cast %add3A_219 : i32 to index
      %get3A_257 = arith.constant 32 : index
      %get3A_258 = tpu.vector_load %arg5[%get3A_256, %get3A_257] {strides = array<i32>} : memref<128x128xi32, #tpu.memory_space<vmem>>, vector<1x16xi32>,
      %get3A_259 = vector.shape_cast %get3A_258 : vector<1x16xi32> to vector<16xi32>
      %shift_right_logical3A_260 = arith.constant 14 : i32
      %shift_right_logical3A_261 = vector.broadcast %shift_right_logical3A_260 : i32 to vector<16xi32>
      %shift_right_logical3A_262 = arith.shrui %get3A_259, %shift_right_logical3A_261 : vector<16xi32>
      %swap3A_263 = arith.constant 32 : index
      %swap3A_264 = tpu.vector_load %arg8[%swap3A_263] {strides = array<i32>} : memref<128xi32, #tpu.memory_space<vmem>>, vector<16xi32>,
      %swap3A_265 = vector.shape_cast %swap3A_264 : vector<16xi32> to vector<16xi32>
      %swap3A_266 = vector.shape_cast %shift_right_logical3A_262 : vector<16xi32> to vector<16xi32>
      tpu.vector_store %arg8[%swap3A_263], %swap3A_266 {strides = array<i32>} : memref<128xi32, #tpu.memory_space<vmem>>, vector<16xi32>,
      %and3A_267 = arith.constant 16383 : i32
      %and3A_268 = vector.broadcast %and3A_267 : i32 to vector<16xi32>
      %and3A_269 = arith.andi %get3A_259, %and3A_268 : vector<16xi32>
      %swap3A_270 = arith.constant 32 : index
      %swap3A_271 = tpu.vector_load %arg9[%swap3A_270] {strides = array<i32>} : memref<128xi32, #tpu.memory_space<vmem>>, vector<16xi32>,
      %swap3A_272 = vector.shape_cast %swap3A_271 : vector<16xi32> to vector<16xi32>
      %swap3A_273 = vector.shape_cast %and3A_269 : vector<16xi32> to vector<16xi32>
      tpu.vector_store %arg9[%swap3A_270], %swap3A_273 {strides = array<i32>} : memref<128xi32, #tpu.memory_space<vmem>>, vector<16xi32>,
      %get3A_274 = arith.index_cast %add3A_219 : i32 to index
      %get3A_275 = arith.constant 48 : index
      %get3A_276 = tpu.vector_load %arg5[%get3A_274, %get3A_275] {strides = array<i32>} : memref<128x128xi32, #tpu.memory_space<vmem>>, vector<1x16xi32>,
      %get3A_277 = vector.shape_cast %get3A_276 : vector<1x16xi32> to vector<16xi32>
      %shift_right_logical3A_278 = arith.constant 14 : i32
      %shift_right_logical3A_279 = vector.broadcast %shift_right_logical3A_278 : i32 to vector<16xi32>
      %shift_right_logical3A_280 = arith.shrui %get3A_277, %shift_right_logical3A_279 : vector<16xi32>
      %swap3A_281 = arith.constant 48 : index
      %swap3A_282 = tpu.vector_load %arg8[%swap3A_281] {strides = array<i32>} : memref<128xi32, #tpu.memory_space<vmem>>, vector<16xi32>,
      %swap3A_283 = vector.shape_cast %swap3A_282 : vector<16xi32> to vector<16xi32>
      %swap3A_284 = vector.shape_cast %shift_right_logical3A_280 : vector<16xi32> to vector<16xi32>
      tpu.vector_store %arg8[%swap3A_281], %swap3A_284 {strides = array<i32>} : memref<128xi32, #tpu.memory_space<vmem>>, vector<16xi32>,
      %and3A_285 = arith.constant 16383 : i32
      %and3A_286 = vector.broadcast %and3A_285 : i32 to vector<16xi32>
      %and3A_287 = arith.andi %get3A_277, %and3A_286 : vector<16xi32>
      %swap3A_288 = arith.constant 48 : index
      %swap3A_289 = tpu.vector_load %arg9[%swap3A_288] {strides = array<i32>} : memref<128xi32, #tpu.memory_space<vmem>>, vector<16xi32>,
      %swap3A_290 = vector.shape_cast %swap3A_289 : vector<16xi32> to vector<16xi32>
      %swap3A_291 = vector.shape_cast %and3A_287 : vector<16xi32> to vector<16xi32>
      tpu.vector_store %arg9[%swap3A_288], %swap3A_291 {strides = array<i32>} : memref<128xi32, #tpu.memory_space<vmem>>, vector<16xi32>,
      %get3A_292 = arith.index_cast %add3A_219 : i32 to index
      %get3A_293 = arith.constant 64 : index
      %get3A_294 = tpu.vector_load %arg5[%get3A_292, %get3A_293] {strides = array<i32>} : memref<128x128xi32, #tpu.memory_space<vmem>>, vector<1x16xi32>,
      %get3A_295 = vector.shape_cast %get3A_294 : vector<1x16xi32> to vector<16xi32>
      %shift_right_logical3A_296 = arith.constant 14 : i32
      %shift_right_logical3A_297 = vector.broadcast %shift_right_logical3A_296 : i32 to vector<16xi32>
      %shift_right_logical3A_298 = arith.shrui %get3A_295, %shift_right_logical3A_297 : vector<16xi32>
      %swap3A_299 = arith.constant 64 : index
      %swap3A_300 = tpu.vector_load %arg8[%swap3A_299] {strides = array<i32>} : memref<128xi32, #tpu.memory_space<vmem>>, vector<16xi32>,
      %swap3A_301 = vector.shape_cast %swap3A_300 : vector<16xi32> to vector<16xi32>
      %swap3A_302 = vector.shape_cast %shift_right_logical3A_298 : vector<16xi32> to vector<16xi32>
      tpu.vector_store %arg8[%swap3A_299], %swap3A_302 {strides = array<i32>} : memref<128xi32, #tpu.memory_space<vmem>>, vector<16xi32>,
      %and3A_303 = arith.constant 16383 : i32
      %and3A_304 = vector.broadcast %and3A_303 : i32 to vector<16xi32>
      %and3A_305 = arith.andi %get3A_295, %and3A_304 : vector<16xi32>
      %swap3A_306 = arith.constant 64 : index
      %swap3A_307 = tpu.vector_load %arg9[%swap3A_306] {strides = array<i32>} : memref<128xi32, #tpu.memory_space<vmem>>, vector<16xi32>,
      %swap3A_308 = vector.shape_cast %swap3A_307 : vector<16xi32> to vector<16xi32>
      %swap3A_309 = vector.shape_cast %and3A_305 : vector<16xi32> to vector<16xi32>
      tpu.vector_store %arg9[%swap3A_306], %swap3A_309 {strides = array<i32>} : memref<128xi32, #tpu.memory_space<vmem>>, vector<16xi32>,
      %get3A_310 = arith.index_cast %add3A_219 : i32 to index
      %get3A_311 = arith.constant 80 : index
      %get3A_312 = tpu.vector_load %arg5[%get3A_310, %get3A_311] {strides = array<i32>} : memref<128x128xi32, #tpu.memory_space<vmem>>, vector<1x16xi32>,
      %get3A_313 = vector.shape_cast %get3A_312 : vector<1x16xi32> to vector<16xi32>
      %shift_right_logical3A_314 = arith.constant 14 : i32
      %shift_right_logical3A_315 = vector.broadcast %shift_right_logical3A_314 : i32 to vector<16xi32>
      %shift_right_logical3A_316 = arith.shrui %get3A_313, %shift_right_logical3A_315 : vector<16xi32>
      %swap3A_317 = arith.constant 80 : index
      %swap3A_318 = tpu.vector_load %arg8[%swap3A_317] {strides = array<i32>} : memref<128xi32, #tpu.memory_space<vmem>>, vector<16xi32>,
      %swap3A_319 = vector.shape_cast %swap3A_318 : vector<16xi32> to vector<16xi32>
      %swap3A_320 = vector.shape_cast %shift_right_logical3A_316 : vector<16xi32> to vector<16xi32>
      tpu.vector_store %arg8[%swap3A_317], %swap3A_320 {strides = array<i32>} : memref<128xi32, #tpu.memory_space<vmem>>, vector<16xi32>,
      %and3A_321 = arith.constant 16383 : i32
      %and3A_322 = vector.broadcast %and3A_321 : i32 to vector<16xi32>
      %and3A_323 = arith.andi %get3A_313, %and3A_322 : vector<16xi32>
      %swap3A_324 = arith.constant 80 : index
      %swap3A_325 = tpu.vector_load %arg9[%swap3A_324] {strides = array<i32>} : memref<128xi32, #tpu.memory_space<vmem>>, vector<16xi32>,
      %swap3A_326 = vector.shape_cast %swap3A_325 : vector<16xi32> to vector<16xi32>
      %swap3A_327 = vector.shape_cast %and3A_323 : vector<16xi32> to vector<16xi32>
      tpu.vector_store %arg9[%swap3A_324], %swap3A_327 {strides = array<i32>} : memref<128xi32, #tpu.memory_space<vmem>>, vector<16xi32>,
      %get3A_328 = arith.index_cast %add3A_219 : i32 to index
      %get3A_329 = arith.constant 96 : index
      %get3A_330 = tpu.vector_load %arg5[%get3A_328, %get3A_329] {strides = array<i32>} : memref<128x128xi32, #tpu.memory_space<vmem>>, vector<1x16xi32>,
      %get3A_331 = vector.shape_cast %get3A_330 : vector<1x16xi32> to vector<16xi32>
      %shift_right_logical3A_332 = arith.constant 14 : i32
      %shift_right_logical3A_333 = vector.broadcast %shift_right_logical3A_332 : i32 to vector<16xi32>
      %shift_right_logical3A_334 = arith.shrui %get3A_331, %shift_right_logical3A_333 : vector<16xi32>
      %swap3A_335 = arith.constant 96 : index
      %swap3A_336 = tpu.vector_load %arg8[%swap3A_335] {strides = array<i32>} : memref<128xi32, #tpu.memory_space<vmem>>, vector<16xi32>,
      %swap3A_337 = vector.shape_cast %swap3A_336 : vector<16xi32> to vector<16xi32>
      %swap3A_338 = vector.shape_cast %shift_right_logical3A_334 : vector<16xi32> to vector<16xi32>
      tpu.vector_store %arg8[%swap3A_335], %swap3A_338 {strides = array<i32>} : memref<128xi32, #tpu.memory_space<vmem>>, vector<16xi32>,
      %and3A_339 = arith.constant 16383 : i32
      %and3A_340 = vector.broadcast %and3A_339 : i32 to vector<16xi32>
      %and3A_341 = arith.andi %get3A_331, %and3A_340 : vector<16xi32>
      %swap3A_342 = arith.constant 96 : index
      %swap3A_343 = tpu.vector_load %arg9[%swap3A_342] {strides = array<i32>} : memref<128xi32, #tpu.memory_space<vmem>>, vector<16xi32>,
      %swap3A_344 = vector.shape_cast %swap3A_343 : vector<16xi32> to vector<16xi32>
      %swap3A_345 = vector.shape_cast %and3A_341 : vector<16xi32> to vector<16xi32>
      tpu.vector_store %arg9[%swap3A_342], %swap3A_345 {strides = array<i32>} : memref<128xi32, #tpu.memory_space<vmem>>, vector<16xi32>,
      %get3A_346 = arith.index_cast %add3A_219 : i32 to index
      %get3A_347 = arith.constant 112 : index
      %get3A_348 = tpu.vector_load %arg5[%get3A_346, %get3A_347] {strides = array<i32>} : memref<128x128xi32, #tpu.memory_space<vmem>>, vector<1x16xi32>,
      %get3A_349 = vector.shape_cast %get3A_348 : vector<1x16xi32> to vector<16xi32>
      %shift_right_logical3A_350 = arith.constant 14 : i32
      %shift_right_logical3A_351 = vector.broadcast %shift_right_logical3A_350 : i32 to vector<16xi32>
      %shift_right_logical3A_352 = arith.shrui %get3A_349, %shift_right_logical3A_351 : vector<16xi32>
      %swap3A_353 = arith.constant 112 : index
      %swap3A_354 = tpu.vector_load %arg8[%swap3A_353] {strides = array<i32>} : memref<128xi32, #tpu.memory_space<vmem>>, vector<16xi32>,
      %swap3A_355 = vector.shape_cast %swap3A_354 : vector<16xi32> to vector<16xi32>
      %swap3A_356 = vector.shape_cast %shift_right_logical3A_352 : vector<16xi32> to vector<16xi32>
      tpu.vector_store %arg8[%swap3A_353], %swap3A_356 {strides = array<i32>} : memref<128xi32, #tpu.memory_space<vmem>>, vector<16xi32>,
      %and3A_357 = arith.constant 16383 : i32
      %and3A_358 = vector.broadcast %and3A_357 : i32 to vector<16xi32>
      %and3A_359 = arith.andi %get3A_349, %and3A_358 : vector<16xi32>
      %swap3A_360 = arith.constant 112 : index
      %swap3A_361 = tpu.vector_load %arg9[%swap3A_360] {strides = array<i32>} : memref<128xi32, #tpu.memory_space<vmem>>, vector<16xi32>,
      %swap3A_362 = vector.shape_cast %swap3A_361 : vector<16xi32> to vector<16xi32>
      %swap3A_363 = vector.shape_cast %and3A_359 : vector<16xi32> to vector<16xi32>
      tpu.vector_store %arg9[%swap3A_360], %swap3A_363 {strides = array<i32>} : memref<128xi32, #tpu.memory_space<vmem>>, vector<16xi32>,
      %dma_start3A_364 = arith.constant 0 : i32
      %dma_start3A_365 = arith.constant 0 : i32
      %dma_start3A_366 = tpu.memref_slice %arg2[%dma_start3A_364, %dma_start3A_365] : memref<10112x128xf32, #tpu.memory_space<hbm>> -> memref<10112x128xf32, #tpu.memory_space<hbm>>
      tpu.enqueue_indirect_dma source(%dma_start3A_366 : memref<10112x128xf32, #tpu.memory_space<hbm>>) target(%arg11 : memref<128x128xf32, #tpu.memory_space<vmem>>) offsets(%arg8 : memref<128xi32, #tpu.memory_space<vmem>>) semaphore(%arg14 : memref<!tpu.dma_semaphore, #tpu.memory_space<semaphore_mem>>)
      %dma_wait3A_367 = arith.constant 0 : i32
      %dma_wait3A_368 = arith.constant 0 : i32
      %dma_wait3A_369 = tpu.memref_slice %arg2[%dma_wait3A_367, %dma_wait3A_368] : memref<10112x128xf32, #tpu.memory_space<hbm>> -> memref<10112x128xf32, #tpu.memory_space<hbm>>
      tpu.wait_indirect_dma semaphore(%arg13 : memref<!tpu.dma_semaphore, #tpu.memory_space<semaphore_mem>>) src(%dma_wait3A_369 : memref<10112x128xf32, #tpu.memory_space<hbm>>) dst(%arg10 : memref<128x128xf32, #tpu.memory_space<vmem>>)
      "tpu.region"() ({
        %run_scoped3A = tpu.sem_alloc : memref<!tpu.dma_semaphore, #tpu.memory_space<semaphore_mem>>
        %dma_start3A_524 = arith.constant 0 : i32
        %dma_start3A_525 = arith.constant 0 : i32
        %dma_start3A_526 = tpu.memref_slice %arg12[%dma_start3A_524, %dma_start3A_525] : memref<10112x128xf32, #tpu.memory_space<vmem_shared>> -> memref<10112x128xf32, #tpu.memory_space<vmem_shared>>
        tpu.enqueue_indirect_dma source(%arg10 : memref<128x128xf32, #tpu.memory_space<vmem>>) target(%dma_start3A_526 : memref<10112x128xf32, #tpu.memory_space<vmem_shared>>) offsets(%arg7 : memref<128xi32, #tpu.memory_space<vmem>>) semaphore(%run_scoped3A : memref<!tpu.dma_semaphore, #tpu.memory_space<semaphore_mem>>) {add = true}
        %dma_wait3A_527 = arith.constant 0 : i32
        %dma_wait3A_528 = arith.constant 0 : i32
        %dma_wait3A_529 = tpu.memref_slice %arg12[%dma_wait3A_527, %dma_wait3A_528] : memref<10112x128xf32, #tpu.memory_space<vmem_shared>> -> memref<10112x128xf32, #tpu.memory_space<vmem_shared>>
        tpu.wait_indirect_dma semaphore(%run_scoped3A : memref<!tpu.dma_semaphore, #tpu.memory_space<semaphore_mem>>) src(%arg10 : memref<128x128xf32, #tpu.memory_space<vmem>>) dst(%dma_wait3A_529 : memref<10112x128xf32, #tpu.memory_space<vmem_shared>>)
        tpu.yield
      }) : () -> ()
      %add3A_370 = arith.constant 2 : i32
      %add3A_371 = arith.addi %mul3A_217, %add3A_370 : i32
      %sub3A_372 = arith.constant 1 : i32
      %sub3A_373 = arith.subi %select_n3A, %sub3A_372 : i32
      %min3A = arith.minsi %add3A_371, %sub3A_373 : i32
      %get3A_374 = arith.index_cast %min3A : i32 to index
      %get3A_375 = arith.constant 0 : index
      %get3A_376 = tpu.vector_load %arg5[%get3A_374, %get3A_375] {strides = array<i32>} : memref<128x128xi32, #tpu.memory_space<vmem>>, vector<1x16xi32>,
      %get3A_377 = vector.shape_cast %get3A_376 : vector<1x16xi32> to vector<16xi32>
      %shift_right_logical3A_378 = arith.constant 14 : i32
      %shift_right_logical3A_379 = vector.broadcast %shift_right_logical3A_378 : i32 to vector<16xi32>
      %shift_right_logical3A_380 = arith.shrui %get3A_377, %shift_right_logical3A_379 : vector<16xi32>
      %swap3A_381 = arith.constant 0 : index
      %swap3A_382 = tpu.vector_load %arg6[%swap3A_381] {strides = array<i32>} : memref<128xi32, #tpu.memory_space<vmem>>, vector<16xi32>,
      %swap3A_383 = vector.shape_cast %swap3A_382 : vector<16xi32> to vector<16xi32>
      %swap3A_384 = vector.shape_cast %shift_right_logical3A_380 : vector<16xi32> to vector<16xi32>
      tpu.vector_store %arg6[%swap3A_381], %swap3A_384 {strides = array<i32>} : memref<128xi32, #tpu.memory_space<vmem>>, vector<16xi32>,
      %and3A_385 = arith.constant 16383 : i32
      %and3A_386 = vector.broadcast %and3A_385 : i32 to vector<16xi32>
      %and3A_387 = arith.andi %get3A_377, %and3A_386 : vector<16xi32>
      %swap3A_388 = arith.constant 0 : index
      %swap3A_389 = tpu.vector_load %arg7[%swap3A_388] {strides = array<i32>} : memref<128xi32, #tpu.memory_space<vmem>>, vector<16xi32>,
      %swap3A_390 = vector.shape_cast %swap3A_389 : vector<16xi32> to vector<16xi32>
      %swap3A_391 = vector.shape_cast %and3A_387 : vector<16xi32> to vector<16xi32>
      tpu.vector_store %arg7[%swap3A_388], %swap3A_391 {strides = array<i32>} : memref<128xi32, #tpu.memory_space<vmem>>, vector<16xi32>,
      %get3A_392 = arith.index_cast %min3A : i32 to index
      %get3A_393 = arith.constant 16 : index
      %get3A_394 = tpu.vector_load %arg5[%get3A_392, %get3A_393] {strides = array<i32>} : memref<128x128xi32, #tpu.memory_space<vmem>>, vector<1x16xi32>,
      %get3A_395 = vector.shape_cast %get3A_394 : vector<1x16xi32> to vector<16xi32>
      %shift_right_logical3A_396 = arith.constant 14 : i32
      %shift_right_logical3A_397 = vector.broadcast %shift_right_logical3A_396 : i32 to vector<16xi32>
      %shift_right_logical3A_398 = arith.shrui %get3A_395, %shift_right_logical3A_397 : vector<16xi32>
      %swap3A_399 = arith.constant 16 : index
      %swap3A_400 = tpu.vector_load %arg6[%swap3A_399] {strides = array<i32>} : memref<128xi32, #tpu.memory_space<vmem>>, vector<16xi32>,
      %swap3A_401 = vector.shape_cast %swap3A_400 : vector<16xi32> to vector<16xi32>
      %swap3A_402 = vector.shape_cast %shift_right_logical3A_398 : vector<16xi32> to vector<16xi32>
      tpu.vector_store %arg6[%swap3A_399], %swap3A_402 {strides = array<i32>} : memref<128xi32, #tpu.memory_space<vmem>>, vector<16xi32>,
      %and3A_403 = arith.constant 16383 : i32
      %and3A_404 = vector.broadcast %and3A_403 : i32 to vector<16xi32>
      %and3A_405 = arith.andi %get3A_395, %and3A_404 : vector<16xi32>
      %swap3A_406 = arith.constant 16 : index
      %swap3A_407 = tpu.vector_load %arg7[%swap3A_406] {strides = array<i32>} : memref<128xi32, #tpu.memory_space<vmem>>, vector<16xi32>,
      %swap3A_408 = vector.shape_cast %swap3A_407 : vector<16xi32> to vector<16xi32>
      %swap3A_409 = vector.shape_cast %and3A_405 : vector<16xi32> to vector<16xi32>
      tpu.vector_store %arg7[%swap3A_406], %swap3A_409 {strides = array<i32>} : memref<128xi32, #tpu.memory_space<vmem>>, vector<16xi32>,
      %get3A_410 = arith.index_cast %min3A : i32 to index
      %get3A_411 = arith.constant 32 : index
      %get3A_412 = tpu.vector_load %arg5[%get3A_410, %get3A_411] {strides = array<i32>} : memref<128x128xi32, #tpu.memory_space<vmem>>, vector<1x16xi32>,
      %get3A_413 = vector.shape_cast %get3A_412 : vector<1x16xi32> to vector<16xi32>
      %shift_right_logical3A_414 = arith.constant 14 : i32
      %shift_right_logical3A_415 = vector.broadcast %shift_right_logical3A_414 : i32 to vector<16xi32>
      %shift_right_logical3A_416 = arith.shrui %get3A_413, %shift_right_logical3A_415 : vector<16xi32>
      %swap3A_417 = arith.constant 32 : index
      %swap3A_418 = tpu.vector_load %arg6[%swap3A_417] {strides = array<i32>} : memref<128xi32, #tpu.memory_space<vmem>>, vector<16xi32>,
      %swap3A_419 = vector.shape_cast %swap3A_418 : vector<16xi32> to vector<16xi32>
      %swap3A_420 = vector.shape_cast %shift_right_logical3A_416 : vector<16xi32> to vector<16xi32>
      tpu.vector_store %arg6[%swap3A_417], %swap3A_420 {strides = array<i32>} : memref<128xi32, #tpu.memory_space<vmem>>, vector<16xi32>,
      %and3A_421 = arith.constant 16383 : i32
      %and3A_422 = vector.broadcast %and3A_421 : i32 to vector<16xi32>
      %and3A_423 = arith.andi %get3A_413, %and3A_422 : vector<16xi32>
      %swap3A_424 = arith.constant 32 : index
      %swap3A_425 = tpu.vector_load %arg7[%swap3A_424] {strides = array<i32>} : memref<128xi32, #tpu.memory_space<vmem>>, vector<16xi32>,
      %swap3A_426 = vector.shape_cast %swap3A_425 : vector<16xi32> to vector<16xi32>
      %swap3A_427 = vector.shape_cast %and3A_423 : vector<16xi32> to vector<16xi32>
      tpu.vector_store %arg7[%swap3A_424], %swap3A_427 {strides = array<i32>} : memref<128xi32, #tpu.memory_space<vmem>>, vector<16xi32>,
      %get3A_428 = arith.index_cast %min3A : i32 to index
      %get3A_429 = arith.constant 48 : index
      %get3A_430 = tpu.vector_load %arg5[%get3A_428, %get3A_429] {strides = array<i32>} : memref<128x128xi32, #tpu.memory_space<vmem>>, vector<1x16xi32>,
      %get3A_431 = vector.shape_cast %get3A_430 : vector<1x16xi32> to vector<16xi32>
      %shift_right_logical3A_432 = arith.constant 14 : i32
      %shift_right_logical3A_433 = vector.broadcast %shift_right_logical3A_432 : i32 to vector<16xi32>
      %shift_right_logical3A_434 = arith.shrui %get3A_431, %shift_right_logical3A_433 : vector<16xi32>
      %swap3A_435 = arith.constant 48 : index
      %swap3A_436 = tpu.vector_load %arg6[%swap3A_435] {strides = array<i32>} : memref<128xi32, #tpu.memory_space<vmem>>, vector<16xi32>,
      %swap3A_437 = vector.shape_cast %swap3A_436 : vector<16xi32> to vector<16xi32>
      %swap3A_438 = vector.shape_cast %shift_right_logical3A_434 : vector<16xi32> to vector<16xi32>
      tpu.vector_store %arg6[%swap3A_435], %swap3A_438 {strides = array<i32>} : memref<128xi32, #tpu.memory_space<vmem>>, vector<16xi32>,
      %and3A_439 = arith.constant 16383 : i32
      %and3A_440 = vector.broadcast %and3A_439 : i32 to vector<16xi32>
      %and3A_441 = arith.andi %get3A_431, %and3A_440 : vector<16xi32>
      %swap3A_442 = arith.constant 48 : index
      %swap3A_443 = tpu.vector_load %arg7[%swap3A_442] {strides = array<i32>} : memref<128xi32, #tpu.memory_space<vmem>>, vector<16xi32>,
      %swap3A_444 = vector.shape_cast %swap3A_443 : vector<16xi32> to vector<16xi32>
      %swap3A_445 = vector.shape_cast %and3A_441 : vector<16xi32> to vector<16xi32>
      tpu.vector_store %arg7[%swap3A_442], %swap3A_445 {strides = array<i32>} : memref<128xi32, #tpu.memory_space<vmem>>, vector<16xi32>,
      %get3A_446 = arith.index_cast %min3A : i32 to index
      %get3A_447 = arith.constant 64 : index
      %get3A_448 = tpu.vector_load %arg5[%get3A_446, %get3A_447] {strides = array<i32>} : memref<128x128xi32, #tpu.memory_space<vmem>>, vector<1x16xi32>,
      %get3A_449 = vector.shape_cast %get3A_448 : vector<1x16xi32> to vector<16xi32>
      %shift_right_logical3A_450 = arith.constant 14 : i32
      %shift_right_logical3A_451 = vector.broadcast %shift_right_logical3A_450 : i32 to vector<16xi32>
      %shift_right_logical3A_452 = arith.shrui %get3A_449, %shift_right_logical3A_451 : vector<16xi32>
      %swap3A_453 = arith.constant 64 : index
      %swap3A_454 = tpu.vector_load %arg6[%swap3A_453] {strides = array<i32>} : memref<128xi32, #tpu.memory_space<vmem>>, vector<16xi32>,
      %swap3A_455 = vector.shape_cast %swap3A_454 : vector<16xi32> to vector<16xi32>
      %swap3A_456 = vector.shape_cast %shift_right_logical3A_452 : vector<16xi32> to vector<16xi32>
      tpu.vector_store %arg6[%swap3A_453], %swap3A_456 {strides = array<i32>} : memref<128xi32, #tpu.memory_space<vmem>>, vector<16xi32>,
      %and3A_457 = arith.constant 16383 : i32
      %and3A_458 = vector.broadcast %and3A_457 : i32 to vector<16xi32>
      %and3A_459 = arith.andi %get3A_449, %and3A_458 : vector<16xi32>
      %swap3A_460 = arith.constant 64 : index
      %swap3A_461 = tpu.vector_load %arg7[%swap3A_460] {strides = array<i32>} : memref<128xi32, #tpu.memory_space<vmem>>, vector<16xi32>,
      %swap3A_462 = vector.shape_cast %swap3A_461 : vector<16xi32> to vector<16xi32>
      %swap3A_463 = vector.shape_cast %and3A_459 : vector<16xi32> to vector<16xi32>
      tpu.vector_store %arg7[%swap3A_460], %swap3A_463 {strides = array<i32>} : memref<128xi32, #tpu.memory_space<vmem>>, vector<16xi32>,
      %get3A_464 = arith.index_cast %min3A : i32 to index
      %get3A_465 = arith.constant 80 : index
      %get3A_466 = tpu.vector_load %arg5[%get3A_464, %get3A_465] {strides = array<i32>} : memref<128x128xi32, #tpu.memory_space<vmem>>, vector<1x16xi32>,
      %get3A_467 = vector.shape_cast %get3A_466 : vector<1x16xi32> to vector<16xi32>
      %shift_right_logical3A_468 = arith.constant 14 : i32
      %shift_right_logical3A_469 = vector.broadcast %shift_right_logical3A_468 : i32 to vector<16xi32>
      %shift_right_logical3A_470 = arith.shrui %get3A_467, %shift_right_logical3A_469 : vector<16xi32>
      %swap3A_471 = arith.constant 80 : index
      %swap3A_472 = tpu.vector_load %arg6[%swap3A_471] {strides = array<i32>} : memref<128xi32, #tpu.memory_space<vmem>>, vector<16xi32>,
      %swap3A_473 = vector.shape_cast %swap3A_472 : vector<16xi32> to vector<16xi32>
      %swap3A_474 = vector.shape_cast %shift_right_logical3A_470 : vector<16xi32> to vector<16xi32>
      tpu.vector_store %arg6[%swap3A_471], %swap3A_474 {strides = array<i32>} : memref<128xi32, #tpu.memory_space<vmem>>, vector<16xi32>,
      %and3A_475 = arith.constant 16383 : i32
      %and3A_476 = vector.broadcast %and3A_475 : i32 to vector<16xi32>
      %and3A_477 = arith.andi %get3A_467, %and3A_476 : vector<16xi32>
      %swap3A_478 = arith.constant 80 : index
      %swap3A_479 = tpu.vector_load %arg7[%swap3A_478] {strides = array<i32>} : memref<128xi32, #tpu.memory_space<vmem>>, vector<16xi32>,
      %swap3A_480 = vector.shape_cast %swap3A_479 : vector<16xi32> to vector<16xi32>
      %swap3A_481 = vector.shape_cast %and3A_477 : vector<16xi32> to vector<16xi32>
      tpu.vector_store %arg7[%swap3A_478], %swap3A_481 {strides = array<i32>} : memref<128xi32, #tpu.memory_space<vmem>>, vector<16xi32>,
      %get3A_482 = arith.index_cast %min3A : i32 to index
      %get3A_483 = arith.constant 96 : index
      %get3A_484 = tpu.vector_load %arg5[%get3A_482, %get3A_483] {strides = array<i32>} : memref<128x128xi32, #tpu.memory_space<vmem>>, vector<1x16xi32>,
      %get3A_485 = vector.shape_cast %get3A_484 : vector<1x16xi32> to vector<16xi32>
      %shift_right_logical3A_486 = arith.constant 14 : i32
      %shift_right_logical3A_487 = vector.broadcast %shift_right_logical3A_486 : i32 to vector<16xi32>
      %shift_right_logical3A_488 = arith.shrui %get3A_485, %shift_right_logical3A_487 : vector<16xi32>
      %swap3A_489 = arith.constant 96 : index
      %swap3A_490 = tpu.vector_load %arg6[%swap3A_489] {strides = array<i32>} : memref<128xi32, #tpu.memory_space<vmem>>, vector<16xi32>,
      %swap3A_491 = vector.shape_cast %swap3A_490 : vector<16xi32> to vector<16xi32>
      %swap3A_492 = vector.shape_cast %shift_right_logical3A_488 : vector<16xi32> to vector<16xi32>
      tpu.vector_store %arg6[%swap3A_489], %swap3A_492 {strides = array<i32>} : memref<128xi32, #tpu.memory_space<vmem>>, vector<16xi32>,
      %and3A_493 = arith.constant 16383 : i32
      %and3A_494 = vector.broadcast %and3A_493 : i32 to vector<16xi32>
      %and3A_495 = arith.andi %get3A_485, %and3A_494 : vector<16xi32>
      %swap3A_496 = arith.constant 96 : index
      %swap3A_497 = tpu.vector_load %arg7[%swap3A_496] {strides = array<i32>} : memref<128xi32, #tpu.memory_space<vmem>>, vector<16xi32>,
      %swap3A_498 = vector.shape_cast %swap3A_497 : vector<16xi32> to vector<16xi32>
      %swap3A_499 = vector.shape_cast %and3A_495 : vector<16xi32> to vector<16xi32>
      tpu.vector_store %arg7[%swap3A_496], %swap3A_499 {strides = array<i32>} : memref<128xi32, #tpu.memory_space<vmem>>, vector<16xi32>,
      %get3A_500 = arith.index_cast %min3A : i32 to index
      %get3A_501 = arith.constant 112 : index
      %get3A_502 = tpu.vector_load %arg5[%get3A_500, %get3A_501] {strides = array<i32>} : memref<128x128xi32, #tpu.memory_space<vmem>>, vector<1x16xi32>,
      %get3A_503 = vector.shape_cast %get3A_502 : vector<1x16xi32> to vector<16xi32>
      %shift_right_logical3A_504 = arith.constant 14 : i32
      %shift_right_logical3A_505 = vector.broadcast %shift_right_logical3A_504 : i32 to vector<16xi32>
      %shift_right_logical3A_506 = arith.shrui %get3A_503, %shift_right_logical3A_505 : vector<16xi32>
      %swap3A_507 = arith.constant 112 : index
      %swap3A_508 = tpu.vector_load %arg6[%swap3A_507] {strides = array<i32>} : memref<128xi32, #tpu.memory_space<vmem>>, vector<16xi32>,
      %swap3A_509 = vector.shape_cast %swap3A_508 : vector<16xi32> to vector<16xi32>
      %swap3A_510 = vector.shape_cast %shift_right_logical3A_506 : vector<16xi32> to vector<16xi32>
      tpu.vector_store %arg6[%swap3A_507], %swap3A_510 {strides = array<i32>} : memref<128xi32, #tpu.memory_space<vmem>>, vector<16xi32>,
      %and3A_511 = arith.constant 16383 : i32
      %and3A_512 = vector.broadcast %and3A_511 : i32 to vector<16xi32>
      %and3A_513 = arith.andi %get3A_503, %and3A_512 : vector<16xi32>
      %swap3A_514 = arith.constant 112 : index
      %swap3A_515 = tpu.vector_load %arg7[%swap3A_514] {strides = array<i32>} : memref<128xi32, #tpu.memory_space<vmem>>, vector<16xi32>,
      %swap3A_516 = vector.shape_cast %swap3A_515 : vector<16xi32> to vector<16xi32>
      %swap3A_517 = vector.shape_cast %and3A_513 : vector<16xi32> to vector<16xi32>
      tpu.vector_store %arg7[%swap3A_514], %swap3A_517 {strides = array<i32>} : memref<128xi32, #tpu.memory_space<vmem>>, vector<16xi32>,
      %dma_start3A_518 = arith.constant 0 : i32
      %dma_start3A_519 = arith.constant 0 : i32
      %dma_start3A_520 = tpu.memref_slice %arg2[%dma_start3A_518, %dma_start3A_519] : memref<10112x128xf32, #tpu.memory_space<hbm>> -> memref<10112x128xf32, #tpu.memory_space<hbm>>
      tpu.enqueue_indirect_dma source(%dma_start3A_520 : memref<10112x128xf32, #tpu.memory_space<hbm>>) target(%arg10 : memref<128x128xf32, #tpu.memory_space<vmem>>) offsets(%arg6 : memref<128xi32, #tpu.memory_space<vmem>>) semaphore(%arg13 : memref<!tpu.dma_semaphore, #tpu.memory_space<semaphore_mem>>)
      %dma_wait3A_521 = arith.constant 0 : i32
      %dma_wait3A_522 = arith.constant 0 : i32
      %dma_wait3A_523 = tpu.memref_slice %arg2[%dma_wait3A_521, %dma_wait3A_522] : memref<10112x128xf32, #tpu.memory_space<hbm>> -> memref<10112x128xf32, #tpu.memory_space<hbm>>
      tpu.wait_indirect_dma semaphore(%arg14 : memref<!tpu.dma_semaphore, #tpu.memory_space<semaphore_mem>>) src(%dma_wait3A_523 : memref<10112x128xf32, #tpu.memory_space<hbm>>) dst(%arg11 : memref<128x128xf32, #tpu.memory_space<vmem>>)
      "tpu.region"() ({
        %run_scoped3A = tpu.sem_alloc : memref<!tpu.dma_semaphore, #tpu.memory_space<semaphore_mem>>
        %dma_start3A_524 = arith.constant 0 : i32
        %dma_start3A_525 = arith.constant 0 : i32
        %dma_start3A_526 = tpu.memref_slice %arg12[%dma_start3A_524, %dma_start3A_525] : memref<10112x128xf32, #tpu.memory_space<vmem_shared>> -> memref<10112x128xf32, #tpu.memory_space<vmem_shared>>
        tpu.enqueue_indirect_dma source(%arg11 : memref<128x128xf32, #tpu.memory_space<vmem>>) target(%dma_start3A_526 : memref<10112x128xf32, #tpu.memory_space<vmem_shared>>) offsets(%arg9 : memref<128xi32, #tpu.memory_space<vmem>>) semaphore(%run_scoped3A : memref<!tpu.dma_semaphore, #tpu.memory_space<semaphore_mem>>) {add = true}
        %dma_wait3A_527 = arith.constant 0 : i32
        %dma_wait3A_528 = arith.constant 0 : i32
        %dma_wait3A_529 = tpu.memref_slice %arg12[%dma_wait3A_527, %dma_wait3A_528] : memref<10112x128xf32, #tpu.memory_space<vmem_shared>> -> memref<10112x128xf32, #tpu.memory_space<vmem_shared>>
        tpu.wait_indirect_dma semaphore(%run_scoped3A : memref<!tpu.dma_semaphore, #tpu.memory_space<semaphore_mem>>) src(%arg11 : memref<128x128xf32, #tpu.memory_space<vmem>>) dst(%dma_wait3A_529 : memref<10112x128xf32, #tpu.memory_space<vmem_shared>>)
        tpu.yield
      }) : () -> ()
    }
    %while3A_207 = arith.constant 1 : i32
    scf.for %while3A_215 = %while3A_205 to %while3A_201 step %while3A_207  : i32 {
      %mul3A_216 = arith.constant 2 : i32
      %mul3A_217 = arith.muli %while3A_215, %mul3A_216 : i32
      %add3A_218 = arith.constant 1 : i32
      %add3A_219 = arith.addi %mul3A_217, %add3A_218 : i32
      %get3A_220 = arith.index_cast %add3A_219 : i32 to index
      %get3A_221 = arith.constant 0 : index
      %get3A_222 = tpu.vector_load %arg5[%get3A_220, %get3A_221] {strides = array<i32>} : memref<128x128xi32, #tpu.memory_space<vmem>>, vector<1x16xi32>,
      %get3A_223 = vector.shape_cast %get3A_222 : vector<1x16xi32> to vector<16xi32>
      %shift_right_logical3A_224 = arith.constant 14 : i32
      %shift_right_logical3A_225 = vector.broadcast %shift_right_logical3A_224 : i32 to vector<16xi32>
      %shift_right_logical3A_226 = arith.shrui %get3A_223, %shift_right_logical3A_225 : vector<16xi32>
      %swap3A_227 = arith.constant 0 : index
      %swap3A_228 = tpu.vector_load %arg8[%swap3A_227] {strides = array<i32>} : memref<128xi32, #tpu.memory_space<vmem>>, vector<16xi32>,
      %swap3A_229 = vector.shape_cast %swap3A_228 : vector<16xi32> to vector<16xi32>
      %swap3A_230 = vector.shape_cast %shift_right_logical3A_226 : vector<16xi32> to vector<16xi32>
      tpu.vector_store %arg8[%swap3A_227], %swap3A_230 {strides = array<i32>} : memref<128xi32, #tpu.memory_space<vmem>>, vector<16xi32>,
      %and3A_231 = arith.constant 16383 : i32
      %and3A_232 = vector.broadcast %and3A_231 : i32 to vector<16xi32>
      %and3A_233 = arith.andi %get3A_223, %and3A_232 : vector<16xi32>
      %swap3A_234 = arith.constant 0 : index
      %swap3A_235 = tpu.vector_load %arg9[%swap3A_234] {strides = array<i32>} : memref<128xi32, #tpu.memory_space<vmem>>, vector<16xi32>,
      %swap3A_236 = vector.shape_cast %swap3A_235 : vector<16xi32> to vector<16xi32>
      %swap3A_237 = vector.shape_cast %and3A_233 : vector<16xi32> to vector<16xi32>
      tpu.vector_store %arg9[%swap3A_234], %swap3A_237 {strides = array<i32>} : memref<128xi32, #tpu.memory_space<vmem>>, vector<16xi32>,
      %get3A_238 = arith.index_cast %add3A_219 : i32 to index
      %get3A_239 = arith.constant 16 : index
      %get3A_240 = tpu.vector_load %arg5[%get3A_238, %get3A_239] {strides = array<i32>} : memref<128x128xi32, #tpu.memory_space<vmem>>, vector<1x16xi32>,
      %get3A_241 = vector.shape_cast %get3A_240 : vector<1x16xi32> to vector<16xi32>
      %shift_right_logical3A_242 = arith.constant 14 : i32
      %shift_right_logical3A_243 = vector.broadcast %shift_right_logical3A_242 : i32 to vector<16xi32>
      %shift_right_logical3A_244 = arith.shrui %get3A_241, %shift_right_logical3A_243 : vector<16xi32>
      %swap3A_245 = arith.constant 16 : index
      %swap3A_246 = tpu.vector_load %arg8[%swap3A_245] {strides = array<i32>} : memref<128xi32, #tpu.memory_space<vmem>>, vector<16xi32>,
      %swap3A_247 = vector.shape_cast %swap3A_246 : vector<16xi32> to vector<16xi32>
      %swap3A_248 = vector.shape_cast %shift_right_logical3A_244 : vector<16xi32> to vector<16xi32>
      tpu.vector_store %arg8[%swap3A_245], %swap3A_248 {strides = array<i32>} : memref<128xi32, #tpu.memory_space<vmem>>, vector<16xi32>,
      %and3A_249 = arith.constant 16383 : i32
      %and3A_250 = vector.broadcast %and3A_249 : i32 to vector<16xi32>
      %and3A_251 = arith.andi %get3A_241, %and3A_250 : vector<16xi32>
      %swap3A_252 = arith.constant 16 : index
      %swap3A_253 = tpu.vector_load %arg9[%swap3A_252] {strides = array<i32>} : memref<128xi32, #tpu.memory_space<vmem>>, vector<16xi32>,
      %swap3A_254 = vector.shape_cast %swap3A_253 : vector<16xi32> to vector<16xi32>
      %swap3A_255 = vector.shape_cast %and3A_251 : vector<16xi32> to vector<16xi32>
      tpu.vector_store %arg9[%swap3A_252], %swap3A_255 {strides = array<i32>} : memref<128xi32, #tpu.memory_space<vmem>>, vector<16xi32>,
      %get3A_256 = arith.index_cast %add3A_219 : i32 to index
      %get3A_257 = arith.constant 32 : index
      %get3A_258 = tpu.vector_load %arg5[%get3A_256, %get3A_257] {strides = array<i32>} : memref<128x128xi32, #tpu.memory_space<vmem>>, vector<1x16xi32>,
      %get3A_259 = vector.shape_cast %get3A_258 : vector<1x16xi32> to vector<16xi32>
      %shift_right_logical3A_260 = arith.constant 14 : i32
      %shift_right_logical3A_261 = vector.broadcast %shift_right_logical3A_260 : i32 to vector<16xi32>
      %shift_right_logical3A_262 = arith.shrui %get3A_259, %shift_right_logical3A_261 : vector<16xi32>
      %swap3A_263 = arith.constant 32 : index
      %swap3A_264 = tpu.vector_load %arg8[%swap3A_263] {strides = array<i32>} : memref<128xi32, #tpu.memory_space<vmem>>, vector<16xi32>,
      %swap3A_265 = vector.shape_cast %swap3A_264 : vector<16xi32> to vector<16xi32>
      %swap3A_266 = vector.shape_cast %shift_right_logical3A_262 : vector<16xi32> to vector<16xi32>
      tpu.vector_store %arg8[%swap3A_263], %swap3A_266 {strides = array<i32>} : memref<128xi32, #tpu.memory_space<vmem>>, vector<16xi32>,
      %and3A_267 = arith.constant 16383 : i32
      %and3A_268 = vector.broadcast %and3A_267 : i32 to vector<16xi32>
      %and3A_269 = arith.andi %get3A_259, %and3A_268 : vector<16xi32>
      %swap3A_270 = arith.constant 32 : index
      %swap3A_271 = tpu.vector_load %arg9[%swap3A_270] {strides = array<i32>} : memref<128xi32, #tpu.memory_space<vmem>>, vector<16xi32>,
      %swap3A_272 = vector.shape_cast %swap3A_271 : vector<16xi32> to vector<16xi32>
      %swap3A_273 = vector.shape_cast %and3A_269 : vector<16xi32> to vector<16xi32>
      tpu.vector_store %arg9[%swap3A_270], %swap3A_273 {strides = array<i32>} : memref<128xi32, #tpu.memory_space<vmem>>, vector<16xi32>,
      %get3A_274 = arith.index_cast %add3A_219 : i32 to index
      %get3A_275 = arith.constant 48 : index
      %get3A_276 = tpu.vector_load %arg5[%get3A_274, %get3A_275] {strides = array<i32>} : memref<128x128xi32, #tpu.memory_space<vmem>>, vector<1x16xi32>,
      %get3A_277 = vector.shape_cast %get3A_276 : vector<1x16xi32> to vector<16xi32>
      %shift_right_logical3A_278 = arith.constant 14 : i32
      %shift_right_logical3A_279 = vector.broadcast %shift_right_logical3A_278 : i32 to vector<16xi32>
      %shift_right_logical3A_280 = arith.shrui %get3A_277, %shift_right_logical3A_279 : vector<16xi32>
      %swap3A_281 = arith.constant 48 : index
      %swap3A_282 = tpu.vector_load %arg8[%swap3A_281] {strides = array<i32>} : memref<128xi32, #tpu.memory_space<vmem>>, vector<16xi32>,
      %swap3A_283 = vector.shape_cast %swap3A_282 : vector<16xi32> to vector<16xi32>
      %swap3A_284 = vector.shape_cast %shift_right_logical3A_280 : vector<16xi32> to vector<16xi32>
      tpu.vector_store %arg8[%swap3A_281], %swap3A_284 {strides = array<i32>} : memref<128xi32, #tpu.memory_space<vmem>>, vector<16xi32>,
      %and3A_285 = arith.constant 16383 : i32
      %and3A_286 = vector.broadcast %and3A_285 : i32 to vector<16xi32>
      %and3A_287 = arith.andi %get3A_277, %and3A_286 : vector<16xi32>
      %swap3A_288 = arith.constant 48 : index
      %swap3A_289 = tpu.vector_load %arg9[%swap3A_288] {strides = array<i32>} : memref<128xi32, #tpu.memory_space<vmem>>, vector<16xi32>,
      %swap3A_290 = vector.shape_cast %swap3A_289 : vector<16xi32> to vector<16xi32>
      %swap3A_291 = vector.shape_cast %and3A_287 : vector<16xi32> to vector<16xi32>
      tpu.vector_store %arg9[%swap3A_288], %swap3A_291 {strides = array<i32>} : memref<128xi32, #tpu.memory_space<vmem>>, vector<16xi32>,
      %get3A_292 = arith.index_cast %add3A_219 : i32 to index
      %get3A_293 = arith.constant 64 : index
      %get3A_294 = tpu.vector_load %arg5[%get3A_292, %get3A_293] {strides = array<i32>} : memref<128x128xi32, #tpu.memory_space<vmem>>, vector<1x16xi32>,
      %get3A_295 = vector.shape_cast %get3A_294 : vector<1x16xi32> to vector<16xi32>
      %shift_right_logical3A_296 = arith.constant 14 : i32
      %shift_right_logical3A_297 = vector.broadcast %shift_right_logical3A_296 : i32 to vector<16xi32>
      %shift_right_logical3A_298 = arith.shrui %get3A_295, %shift_right_logical3A_297 : vector<16xi32>
      %swap3A_299 = arith.constant 64 : index
      %swap3A_300 = tpu.vector_load %arg8[%swap3A_299] {strides = array<i32>} : memref<128xi32, #tpu.memory_space<vmem>>, vector<16xi32>,
      %swap3A_301 = vector.shape_cast %swap3A_300 : vector<16xi32> to vector<16xi32>
      %swap3A_302 = vector.shape_cast %shift_right_logical3A_298 : vector<16xi32> to vector<16xi32>
      tpu.vector_store %arg8[%swap3A_299], %swap3A_302 {strides = array<i32>} : memref<128xi32, #tpu.memory_space<vmem>>, vector<16xi32>,
      %and3A_303 = arith.constant 16383 : i32
      %and3A_304 = vector.broadcast %and3A_303 : i32 to vector<16xi32>
      %and3A_305 = arith.andi %get3A_295, %and3A_304 : vector<16xi32>
      %swap3A_306 = arith.constant 64 : index
      %swap3A_307 = tpu.vector_load %arg9[%swap3A_306] {strides = array<i32>} : memref<128xi32, #tpu.memory_space<vmem>>, vector<16xi32>,
      %swap3A_308 = vector.shape_cast %swap3A_307 : vector<16xi32> to vector<16xi32>
      %swap3A_309 = vector.shape_cast %and3A_305 : vector<16xi32> to vector<16xi32>
      tpu.vector_store %arg9[%swap3A_306], %swap3A_309 {strides = array<i32>} : memref<128xi32, #tpu.memory_space<vmem>>, vector<16xi32>,
      %get3A_310 = arith.index_cast %add3A_219 : i32 to index
      %get3A_311 = arith.constant 80 : index
      %get3A_312 = tpu.vector_load %arg5[%get3A_310, %get3A_311] {strides = array<i32>} : memref<128x128xi32, #tpu.memory_space<vmem>>, vector<1x16xi32>,
      %get3A_313 = vector.shape_cast %get3A_312 : vector<1x16xi32> to vector<16xi32>
      %shift_right_logical3A_314 = arith.constant 14 : i32
      %shift_right_logical3A_315 = vector.broadcast %shift_right_logical3A_314 : i32 to vector<16xi32>
      %shift_right_logical3A_316 = arith.shrui %get3A_313, %shift_right_logical3A_315 : vector<16xi32>
      %swap3A_317 = arith.constant 80 : index
      %swap3A_318 = tpu.vector_load %arg8[%swap3A_317] {strides = array<i32>} : memref<128xi32, #tpu.memory_space<vmem>>, vector<16xi32>,
      %swap3A_319 = vector.shape_cast %swap3A_318 : vector<16xi32> to vector<16xi32>
      %swap3A_320 = vector.shape_cast %shift_right_logical3A_316 : vector<16xi32> to vector<16xi32>
      tpu.vector_store %arg8[%swap3A_317], %swap3A_320 {strides = array<i32>} : memref<128xi32, #tpu.memory_space<vmem>>, vector<16xi32>,
      %and3A_321 = arith.constant 16383 : i32
      %and3A_322 = vector.broadcast %and3A_321 : i32 to vector<16xi32>
      %and3A_323 = arith.andi %get3A_313, %and3A_322 : vector<16xi32>
      %swap3A_324 = arith.constant 80 : index
      %swap3A_325 = tpu.vector_load %arg9[%swap3A_324] {strides = array<i32>} : memref<128xi32, #tpu.memory_space<vmem>>, vector<16xi32>,
      %swap3A_326 = vector.shape_cast %swap3A_325 : vector<16xi32> to vector<16xi32>
      %swap3A_327 = vector.shape_cast %and3A_323 : vector<16xi32> to vector<16xi32>
      tpu.vector_store %arg9[%swap3A_324], %swap3A_327 {strides = array<i32>} : memref<128xi32, #tpu.memory_space<vmem>>, vector<16xi32>,
      %get3A_328 = arith.index_cast %add3A_219 : i32 to index
      %get3A_329 = arith.constant 96 : index
      %get3A_330 = tpu.vector_load %arg5[%get3A_328, %get3A_329] {strides = array<i32>} : memref<128x128xi32, #tpu.memory_space<vmem>>, vector<1x16xi32>,
      %get3A_331 = vector.shape_cast %get3A_330 : vector<1x16xi32> to vector<16xi32>
      %shift_right_logical3A_332 = arith.constant 14 : i32
      %shift_right_logical3A_333 = vector.broadcast %shift_right_logical3A_332 : i32 to vector<16xi32>
      %shift_right_logical3A_334 = arith.shrui %get3A_331, %shift_right_logical3A_333 : vector<16xi32>
      %swap3A_335 = arith.constant 96 : index
      %swap3A_336 = tpu.vector_load %arg8[%swap3A_335] {strides = array<i32>} : memref<128xi32, #tpu.memory_space<vmem>>, vector<16xi32>,
      %swap3A_337 = vector.shape_cast %swap3A_336 : vector<16xi32> to vector<16xi32>
      %swap3A_338 = vector.shape_cast %shift_right_logical3A_334 : vector<16xi32> to vector<16xi32>
      tpu.vector_store %arg8[%swap3A_335], %swap3A_338 {strides = array<i32>} : memref<128xi32, #tpu.memory_space<vmem>>, vector<16xi32>,
      %and3A_339 = arith.constant 16383 : i32
      %and3A_340 = vector.broadcast %and3A_339 : i32 to vector<16xi32>
      %and3A_341 = arith.andi %get3A_331, %and3A_340 : vector<16xi32>
      %swap3A_342 = arith.constant 96 : index
      %swap3A_343 = tpu.vector_load %arg9[%swap3A_342] {strides = array<i32>} : memref<128xi32, #tpu.memory_space<vmem>>, vector<16xi32>,
      %swap3A_344 = vector.shape_cast %swap3A_343 : vector<16xi32> to vector<16xi32>
      %swap3A_345 = vector.shape_cast %and3A_341 : vector<16xi32> to vector<16xi32>
      tpu.vector_store %arg9[%swap3A_342], %swap3A_345 {strides = array<i32>} : memref<128xi32, #tpu.memory_space<vmem>>, vector<16xi32>,
      %get3A_346 = arith.index_cast %add3A_219 : i32 to index
      %get3A_347 = arith.constant 112 : index
      %get3A_348 = tpu.vector_load %arg5[%get3A_346, %get3A_347] {strides = array<i32>} : memref<128x128xi32, #tpu.memory_space<vmem>>, vector<1x16xi32>,
      %get3A_349 = vector.shape_cast %get3A_348 : vector<1x16xi32> to vector<16xi32>
      %shift_right_logical3A_350 = arith.constant 14 : i32
      %shift_right_logical3A_351 = vector.broadcast %shift_right_logical3A_350 : i32 to vector<16xi32>
      %shift_right_logical3A_352 = arith.shrui %get3A_349, %shift_right_logical3A_351 : vector<16xi32>
      %swap3A_353 = arith.constant 112 : index
      %swap3A_354 = tpu.vector_load %arg8[%swap3A_353] {strides = array<i32>} : memref<128xi32, #tpu.memory_space<vmem>>, vector<16xi32>,
      %swap3A_355 = vector.shape_cast %swap3A_354 : vector<16xi32> to vector<16xi32>
      %swap3A_356 = vector.shape_cast %shift_right_logical3A_352 : vector<16xi32> to vector<16xi32>
      tpu.vector_store %arg8[%swap3A_353], %swap3A_356 {strides = array<i32>} : memref<128xi32, #tpu.memory_space<vmem>>, vector<16xi32>,
      %and3A_357 = arith.constant 16383 : i32
      %and3A_358 = vector.broadcast %and3A_357 : i32 to vector<16xi32>
      %and3A_359 = arith.andi %get3A_349, %and3A_358 : vector<16xi32>
      %swap3A_360 = arith.constant 112 : index
      %swap3A_361 = tpu.vector_load %arg9[%swap3A_360] {strides = array<i32>} : memref<128xi32, #tpu.memory_space<vmem>>, vector<16xi32>,
      %swap3A_362 = vector.shape_cast %swap3A_361 : vector<16xi32> to vector<16xi32>
      %swap3A_363 = vector.shape_cast %and3A_359 : vector<16xi32> to vector<16xi32>
      tpu.vector_store %arg9[%swap3A_360], %swap3A_363 {strides = array<i32>} : memref<128xi32, #tpu.memory_space<vmem>>, vector<16xi32>,
      %dma_start3A_364 = arith.constant 0 : i32
      %dma_start3A_365 = arith.constant 0 : i32
      %dma_start3A_366 = tpu.memref_slice %arg2[%dma_start3A_364, %dma_start3A_365] : memref<10112x128xf32, #tpu.memory_space<hbm>> -> memref<10112x128xf32, #tpu.memory_space<hbm>>
      tpu.enqueue_indirect_dma source(%dma_start3A_366 : memref<10112x128xf32, #tpu.memory_space<hbm>>) target(%arg11 : memref<128x128xf32, #tpu.memory_space<vmem>>) offsets(%arg8 : memref<128xi32, #tpu.memory_space<vmem>>) semaphore(%arg14 : memref<!tpu.dma_semaphore, #tpu.memory_space<semaphore_mem>>)
      %dma_wait3A_367 = arith.constant 0 : i32
      %dma_wait3A_368 = arith.constant 0 : i32
      %dma_wait3A_369 = tpu.memref_slice %arg2[%dma_wait3A_367, %dma_wait3A_368] : memref<10112x128xf32, #tpu.memory_space<hbm>> -> memref<10112x128xf32, #tpu.memory_space<hbm>>
      tpu.wait_indirect_dma semaphore(%arg13 : memref<!tpu.dma_semaphore, #tpu.memory_space<semaphore_mem>>) src(%dma_wait3A_369 : memref<10112x128xf32, #tpu.memory_space<hbm>>) dst(%arg10 : memref<128x128xf32, #tpu.memory_space<vmem>>)
      "tpu.region"() ({
        %run_scoped3A = tpu.sem_alloc : memref<!tpu.dma_semaphore, #tpu.memory_space<semaphore_mem>>
        %dma_start3A_524 = arith.constant 0 : i32
        %dma_start3A_525 = arith.constant 0 : i32
        %dma_start3A_526 = tpu.memref_slice %arg12[%dma_start3A_524, %dma_start3A_525] : memref<10112x128xf32, #tpu.memory_space<vmem_shared>> -> memref<10112x128xf32, #tpu.memory_space<vmem_shared>>
        tpu.enqueue_indirect_dma source(%arg10 : memref<128x128xf32, #tpu.memory_space<vmem>>) target(%dma_start3A_526 : memref<10112x128xf32, #tpu.memory_space<vmem_shared>>) offsets(%arg7 : memref<128xi32, #tpu.memory_space<vmem>>) semaphore(%run_scoped3A : memref<!tpu.dma_semaphore, #tpu.memory_space<semaphore_mem>>) {add = true}
        %dma_wait3A_527 = arith.constant 0 : i32
        %dma_wait3A_528 = arith.constant 0 : i32
        %dma_wait3A_529 = tpu.memref_slice %arg12[%dma_wait3A_527, %dma_wait3A_528] : memref<10112x128xf32, #tpu.memory_space<vmem_shared>> -> memref<10112x128xf32, #tpu.memory_space<vmem_shared>>
        tpu.wait_indirect_dma semaphore(%run_scoped3A : memref<!tpu.dma_semaphore, #tpu.memory_space<semaphore_mem>>) src(%arg10 : memref<128x128xf32, #tpu.memory_space<vmem>>) dst(%dma_wait3A_529 : memref<10112x128xf32, #tpu.memory_space<vmem_shared>>)
        tpu.yield
      }) : () -> ()
      %add3A_370 = arith.constant 2 : i32
      %add3A_371 = arith.addi %mul3A_217, %add3A_370 : i32
      %sub3A_372 = arith.constant 1 : i32
      %sub3A_373 = arith.subi %select_n3A, %sub3A_372 : i32
      %min3A = arith.minsi %add3A_371, %sub3A_373 : i32
      %get3A_374 = arith.index_cast %min3A : i32 to index
      %get3A_375 = arith.constant 0 : index
      %get3A_376 = tpu.vector_load %arg5[%get3A_374, %get3A_375] {strides = array<i32>} : memref<128x128xi32, #tpu.memory_space<vmem>>, vector<1x16xi32>,
      %get3A_377 = vector.shape_cast %get3A_376 : vector<1x16xi32> to vector<16xi32>
      %shift_right_logical3A_378 = arith.constant 14 : i32
      %shift_right_logical3A_379 = vector.broadcast %shift_right_logical3A_378 : i32 to vector<16xi32>
      %shift_right_logical3A_380 = arith.shrui %get3A_377, %shift_right_logical3A_379 : vector<16xi32>
      %swap3A_381 = arith.constant 0 : index
      %swap3A_382 = tpu.vector_load %arg6[%swap3A_381] {strides = array<i32>} : memref<128xi32, #tpu.memory_space<vmem>>, vector<16xi32>,
      %swap3A_383 = vector.shape_cast %swap3A_382 : vector<16xi32> to vector<16xi32>
      %swap3A_384 = vector.shape_cast %shift_right_logical3A_380 : vector<16xi32> to vector<16xi32>
      tpu.vector_store %arg6[%swap3A_381], %swap3A_384 {strides = array<i32>} : memref<128xi32, #tpu.memory_space<vmem>>, vector<16xi32>,
      %and3A_385 = arith.constant 16383 : i32
      %and3A_386 = vector.broadcast %and3A_385 : i32 to vector<16xi32>
      %and3A_387 = arith.andi %get3A_377, %and3A_386 : vector<16xi32>
      %swap3A_388 = arith.constant 0 : index
      %swap3A_389 = tpu.vector_load %arg7[%swap3A_388] {strides = array<i32>} : memref<128xi32, #tpu.memory_space<vmem>>, vector<16xi32>,
      %swap3A_390 = vector.shape_cast %swap3A_389 : vector<16xi32> to vector<16xi32>
      %swap3A_391 = vector.shape_cast %and3A_387 : vector<16xi32> to vector<16xi32>
      tpu.vector_store %arg7[%swap3A_388], %swap3A_391 {strides = array<i32>} : memref<128xi32, #tpu.memory_space<vmem>>, vector<16xi32>,
      %get3A_392 = arith.index_cast %min3A : i32 to index
      %get3A_393 = arith.constant 16 : index
      %get3A_394 = tpu.vector_load %arg5[%get3A_392, %get3A_393] {strides = array<i32>} : memref<128x128xi32, #tpu.memory_space<vmem>>, vector<1x16xi32>,
      %get3A_395 = vector.shape_cast %get3A_394 : vector<1x16xi32> to vector<16xi32>
      %shift_right_logical3A_396 = arith.constant 14 : i32
      %shift_right_logical3A_397 = vector.broadcast %shift_right_logical3A_396 : i32 to vector<16xi32>
      %shift_right_logical3A_398 = arith.shrui %get3A_395, %shift_right_logical3A_397 : vector<16xi32>
      %swap3A_399 = arith.constant 16 : index
      %swap3A_400 = tpu.vector_load %arg6[%swap3A_399] {strides = array<i32>} : memref<128xi32, #tpu.memory_space<vmem>>, vector<16xi32>,
      %swap3A_401 = vector.shape_cast %swap3A_400 : vector<16xi32> to vector<16xi32>
      %swap3A_402 = vector.shape_cast %shift_right_logical3A_398 : vector<16xi32> to vector<16xi32>
      tpu.vector_store %arg6[%swap3A_399], %swap3A_402 {strides = array<i32>} : memref<128xi32, #tpu.memory_space<vmem>>, vector<16xi32>,
      %and3A_403 = arith.constant 16383 : i32
      %and3A_404 = vector.broadcast %and3A_403 : i32 to vector<16xi32>
      %and3A_405 = arith.andi %get3A_395, %and3A_404 : vector<16xi32>
      %swap3A_406 = arith.constant 16 : index
      %swap3A_407 = tpu.vector_load %arg7[%swap3A_406] {strides = array<i32>} : memref<128xi32, #tpu.memory_space<vmem>>, vector<16xi32>,
      %swap3A_408 = vector.shape_cast %swap3A_407 : vector<16xi32> to vector<16xi32>
      %swap3A_409 = vector.shape_cast %and3A_405 : vector<16xi32> to vector<16xi32>
      tpu.vector_store %arg7[%swap3A_406], %swap3A_409 {strides = array<i32>} : memref<128xi32, #tpu.memory_space<vmem>>, vector<16xi32>,
      %get3A_410 = arith.index_cast %min3A : i32 to index
      %get3A_411 = arith.constant 32 : index
      %get3A_412 = tpu.vector_load %arg5[%get3A_410, %get3A_411] {strides = array<i32>} : memref<128x128xi32, #tpu.memory_space<vmem>>, vector<1x16xi32>,
      %get3A_413 = vector.shape_cast %get3A_412 : vector<1x16xi32> to vector<16xi32>
      %shift_right_logical3A_414 = arith.constant 14 : i32
      %shift_right_logical3A_415 = vector.broadcast %shift_right_logical3A_414 : i32 to vector<16xi32>
      %shift_right_logical3A_416 = arith.shrui %get3A_413, %shift_right_logical3A_415 : vector<16xi32>
      %swap3A_417 = arith.constant 32 : index
      %swap3A_418 = tpu.vector_load %arg6[%swap3A_417] {strides = array<i32>} : memref<128xi32, #tpu.memory_space<vmem>>, vector<16xi32>,
      %swap3A_419 = vector.shape_cast %swap3A_418 : vector<16xi32> to vector<16xi32>
      %swap3A_420 = vector.shape_cast %shift_right_logical3A_416 : vector<16xi32> to vector<16xi32>
      tpu.vector_store %arg6[%swap3A_417], %swap3A_420 {strides = array<i32>} : memref<128xi32, #tpu.memory_space<vmem>>, vector<16xi32>,
      %and3A_421 = arith.constant 16383 : i32
      %and3A_422 = vector.broadcast %and3A_421 : i32 to vector<16xi32>
      %and3A_423 = arith.andi %get3A_413, %and3A_422 : vector<16xi32>
      %swap3A_424 = arith.constant 32 : index
      %swap3A_425 = tpu.vector_load %arg7[%swap3A_424] {strides = array<i32>} : memref<128xi32, #tpu.memory_space<vmem>>, vector<16xi32>,
      %swap3A_426 = vector.shape_cast %swap3A_425 : vector<16xi32> to vector<16xi32>
      %swap3A_427 = vector.shape_cast %and3A_423 : vector<16xi32> to vector<16xi32>
      tpu.vector_store %arg7[%swap3A_424], %swap3A_427 {strides = array<i32>} : memref<128xi32, #tpu.memory_space<vmem>>, vector<16xi32>,
      %get3A_428 = arith.index_cast %min3A : i32 to index
      %get3A_429 = arith.constant 48 : index
      %get3A_430 = tpu.vector_load %arg5[%get3A_428, %get3A_429] {strides = array<i32>} : memref<128x128xi32, #tpu.memory_space<vmem>>, vector<1x16xi32>,
      %get3A_431 = vector.shape_cast %get3A_430 : vector<1x16xi32> to vector<16xi32>
      %shift_right_logical3A_432 = arith.constant 14 : i32
      %shift_right_logical3A_433 = vector.broadcast %shift_right_logical3A_432 : i32 to vector<16xi32>
      %shift_right_logical3A_434 = arith.shrui %get3A_431, %shift_right_logical3A_433 : vector<16xi32>
      %swap3A_435 = arith.constant 48 : index
      %swap3A_436 = tpu.vector_load %arg6[%swap3A_435] {strides = array<i32>} : memref<128xi32, #tpu.memory_space<vmem>>, vector<16xi32>,
      %swap3A_437 = vector.shape_cast %swap3A_436 : vector<16xi32> to vector<16xi32>
      %swap3A_438 = vector.shape_cast %shift_right_logical3A_434 : vector<16xi32> to vector<16xi32>
      tpu.vector_store %arg6[%swap3A_435], %swap3A_438 {strides = array<i32>} : memref<128xi32, #tpu.memory_space<vmem>>, vector<16xi32>,
      %and3A_439 = arith.constant 16383 : i32
      %and3A_440 = vector.broadcast %and3A_439 : i32 to vector<16xi32>
      %and3A_441 = arith.andi %get3A_431, %and3A_440 : vector<16xi32>
      %swap3A_442 = arith.constant 48 : index
      %swap3A_443 = tpu.vector_load %arg7[%swap3A_442] {strides = array<i32>} : memref<128xi32, #tpu.memory_space<vmem>>, vector<16xi32>,
      %swap3A_444 = vector.shape_cast %swap3A_443 : vector<16xi32> to vector<16xi32>
      %swap3A_445 = vector.shape_cast %and3A_441 : vector<16xi32> to vector<16xi32>
      tpu.vector_store %arg7[%swap3A_442], %swap3A_445 {strides = array<i32>} : memref<128xi32, #tpu.memory_space<vmem>>, vector<16xi32>,
      %get3A_446 = arith.index_cast %min3A : i32 to index
      %get3A_447 = arith.constant 64 : index
      %get3A_448 = tpu.vector_load %arg5[%get3A_446, %get3A_447] {strides = array<i32>} : memref<128x128xi32, #tpu.memory_space<vmem>>, vector<1x16xi32>,
      %get3A_449 = vector.shape_cast %get3A_448 : vector<1x16xi32> to vector<16xi32>
      %shift_right_logical3A_450 = arith.constant 14 : i32
      %shift_right_logical3A_451 = vector.broadcast %shift_right_logical3A_450 : i32 to vector<16xi32>
      %shift_right_logical3A_452 = arith.shrui %get3A_449, %shift_right_logical3A_451 : vector<16xi32>
      %swap3A_453 = arith.constant 64 : index
      %swap3A_454 = tpu.vector_load %arg6[%swap3A_453] {strides = array<i32>} : memref<128xi32, #tpu.memory_space<vmem>>, vector<16xi32>,
      %swap3A_455 = vector.shape_cast %swap3A_454 : vector<16xi32> to vector<16xi32>
      %swap3A_456 = vector.shape_cast %shift_right_logical3A_452 : vector<16xi32> to vector<16xi32>
      tpu.vector_store %arg6[%swap3A_453], %swap3A_456 {strides = array<i32>} : memref<128xi32, #tpu.memory_space<vmem>>, vector<16xi32>,
      %and3A_457 = arith.constant 16383 : i32
      %and3A_458 = vector.broadcast %and3A_457 : i32 to vector<16xi32>
      %and3A_459 = arith.andi %get3A_449, %and3A_458 : vector<16xi32>
      %swap3A_460 = arith.constant 64 : index
      %swap3A_461 = tpu.vector_load %arg7[%swap3A_460] {strides = array<i32>} : memref<128xi32, #tpu.memory_space<vmem>>, vector<16xi32>,
      %swap3A_462 = vector.shape_cast %swap3A_461 : vector<16xi32> to vector<16xi32>
      %swap3A_463 = vector.shape_cast %and3A_459 : vector<16xi32> to vector<16xi32>
      tpu.vector_store %arg7[%swap3A_460], %swap3A_463 {strides = array<i32>} : memref<128xi32, #tpu.memory_space<vmem>>, vector<16xi32>,
      %get3A_464 = arith.index_cast %min3A : i32 to index
      %get3A_465 = arith.constant 80 : index
      %get3A_466 = tpu.vector_load %arg5[%get3A_464, %get3A_465] {strides = array<i32>} : memref<128x128xi32, #tpu.memory_space<vmem>>, vector<1x16xi32>,
      %get3A_467 = vector.shape_cast %get3A_466 : vector<1x16xi32> to vector<16xi32>
      %shift_right_logical3A_468 = arith.constant 14 : i32
      %shift_right_logical3A_469 = vector.broadcast %shift_right_logical3A_468 : i32 to vector<16xi32>
      %shift_right_logical3A_470 = arith.shrui %get3A_467, %shift_right_logical3A_469 : vector<16xi32>
      %swap3A_471 = arith.constant 80 : index
      %swap3A_472 = tpu.vector_load %arg6[%swap3A_471] {strides = array<i32>} : memref<128xi32, #tpu.memory_space<vmem>>, vector<16xi32>,
      %swap3A_473 = vector.shape_cast %swap3A_472 : vector<16xi32> to vector<16xi32>
      %swap3A_474 = vector.shape_cast %shift_right_logical3A_470 : vector<16xi32> to vector<16xi32>
      tpu.vector_store %arg6[%swap3A_471], %swap3A_474 {strides = array<i32>} : memref<128xi32, #tpu.memory_space<vmem>>, vector<16xi32>,
      %and3A_475 = arith.constant 16383 : i32
      %and3A_476 = vector.broadcast %and3A_475 : i32 to vector<16xi32>
      %and3A_477 = arith.andi %get3A_467, %and3A_476 : vector<16xi32>
      %swap3A_478 = arith.constant 80 : index
      %swap3A_479 = tpu.vector_load %arg7[%swap3A_478] {strides = array<i32>} : memref<128xi32, #tpu.memory_space<vmem>>, vector<16xi32>,
      %swap3A_480 = vector.shape_cast %swap3A_479 : vector<16xi32> to vector<16xi32>
      %swap3A_481 = vector.shape_cast %and3A_477 : vector<16xi32> to vector<16xi32>
      tpu.vector_store %arg7[%swap3A_478], %swap3A_481 {strides = array<i32>} : memref<128xi32, #tpu.memory_space<vmem>>, vector<16xi32>,
      %get3A_482 = arith.index_cast %min3A : i32 to index
      %get3A_483 = arith.constant 96 : index
      %get3A_484 = tpu.vector_load %arg5[%get3A_482, %get3A_483] {strides = array<i32>} : memref<128x128xi32, #tpu.memory_space<vmem>>, vector<1x16xi32>,
      %get3A_485 = vector.shape_cast %get3A_484 : vector<1x16xi32> to vector<16xi32>
      %shift_right_logical3A_486 = arith.constant 14 : i32
      %shift_right_logical3A_487 = vector.broadcast %shift_right_logical3A_486 : i32 to vector<16xi32>
      %shift_right_logical3A_488 = arith.shrui %get3A_485, %shift_right_logical3A_487 : vector<16xi32>
      %swap3A_489 = arith.constant 96 : index
      %swap3A_490 = tpu.vector_load %arg6[%swap3A_489] {strides = array<i32>} : memref<128xi32, #tpu.memory_space<vmem>>, vector<16xi32>,
      %swap3A_491 = vector.shape_cast %swap3A_490 : vector<16xi32> to vector<16xi32>
      %swap3A_492 = vector.shape_cast %shift_right_logical3A_488 : vector<16xi32> to vector<16xi32>
      tpu.vector_store %arg6[%swap3A_489], %swap3A_492 {strides = array<i32>} : memref<128xi32, #tpu.memory_space<vmem>>, vector<16xi32>,
      %and3A_493 = arith.constant 16383 : i32
      %and3A_494 = vector.broadcast %and3A_493 : i32 to vector<16xi32>
      %and3A_495 = arith.andi %get3A_485, %and3A_494 : vector<16xi32>
      %swap3A_496 = arith.constant 96 : index
      %swap3A_497 = tpu.vector_load %arg7[%swap3A_496] {strides = array<i32>} : memref<128xi32, #tpu.memory_space<vmem>>, vector<16xi32>,
      %swap3A_498 = vector.shape_cast %swap3A_497 : vector<16xi32> to vector<16xi32>
      %swap3A_499 = vector.shape_cast %and3A_495 : vector<16xi32> to vector<16xi32>
      tpu.vector_store %arg7[%swap3A_496], %swap3A_499 {strides = array<i32>} : memref<128xi32, #tpu.memory_space<vmem>>, vector<16xi32>,
      %get3A_500 = arith.index_cast %min3A : i32 to index
      %get3A_501 = arith.constant 112 : index
      %get3A_502 = tpu.vector_load %arg5[%get3A_500, %get3A_501] {strides = array<i32>} : memref<128x128xi32, #tpu.memory_space<vmem>>, vector<1x16xi32>,
      %get3A_503 = vector.shape_cast %get3A_502 : vector<1x16xi32> to vector<16xi32>
      %shift_right_logical3A_504 = arith.constant 14 : i32
      %shift_right_logical3A_505 = vector.broadcast %shift_right_logical3A_504 : i32 to vector<16xi32>
      %shift_right_logical3A_506 = arith.shrui %get3A_503, %shift_right_logical3A_505 : vector<16xi32>
      %swap3A_507 = arith.constant 112 : index
      %swap3A_508 = tpu.vector_load %arg6[%swap3A_507] {strides = array<i32>} : memref<128xi32, #tpu.memory_space<vmem>>, vector<16xi32>,
      %swap3A_509 = vector.shape_cast %swap3A_508 : vector<16xi32> to vector<16xi32>
      %swap3A_510 = vector.shape_cast %shift_right_logical3A_506 : vector<16xi32> to vector<16xi32>
      tpu.vector_store %arg6[%swap3A_507], %swap3A_510 {strides = array<i32>} : memref<128xi32, #tpu.memory_space<vmem>>, vector<16xi32>,
      %and3A_511 = arith.constant 16383 : i32
      %and3A_512 = vector.broadcast %and3A_511 : i32 to vector<16xi32>
      %and3A_513 = arith.andi %get3A_503, %and3A_512 : vector<16xi32>
      %swap3A_514 = arith.constant 112 : index
      %swap3A_515 = tpu.vector_load %arg7[%swap3A_514] {strides = array<i32>} : memref<128xi32, #tpu.memory_space<vmem>>, vector<16xi32>,
      %swap3A_516 = vector.shape_cast %swap3A_515 : vector<16xi32> to vector<16xi32>
      %swap3A_517 = vector.shape_cast %and3A_513 : vector<16xi32> to vector<16xi32>
      tpu.vector_store %arg7[%swap3A_514], %swap3A_517 {strides = array<i32>} : memref<128xi32, #tpu.memory_space<vmem>>, vector<16xi32>,
      %dma_start3A_518 = arith.constant 0 : i32
      %dma_start3A_519 = arith.constant 0 : i32
      %dma_start3A_520 = tpu.memref_slice %arg2[%dma_start3A_518, %dma_start3A_519] : memref<10112x128xf32, #tpu.memory_space<hbm>> -> memref<10112x128xf32, #tpu.memory_space<hbm>>
      tpu.enqueue_indirect_dma source(%dma_start3A_520 : memref<10112x128xf32, #tpu.memory_space<hbm>>) target(%arg10 : memref<128x128xf32, #tpu.memory_space<vmem>>) offsets(%arg6 : memref<128xi32, #tpu.memory_space<vmem>>) semaphore(%arg13 : memref<!tpu.dma_semaphore, #tpu.memory_space<semaphore_mem>>)
      %dma_wait3A_521 = arith.constant 0 : i32
      %dma_wait3A_522 = arith.constant 0 : i32
      %dma_wait3A_523 = tpu.memref_slice %arg2[%dma_wait3A_521, %dma_wait3A_522] : memref<10112x128xf32, #tpu.memory_space<hbm>> -> memref<10112x128xf32, #tpu.memory_space<hbm>>
      tpu.wait_indirect_dma semaphore(%arg14 : memref<!tpu.dma_semaphore, #tpu.memory_space<semaphore_mem>>) src(%dma_wait3A_523 : memref<10112x128xf32, #tpu.memory_space<hbm>>) dst(%arg11 : memref<128x128xf32, #tpu.memory_space<vmem>>)
      "tpu.region"() ({
        %run_scoped3A = tpu.sem_alloc : memref<!tpu.dma_semaphore, #tpu.memory_space<semaphore_mem>>
        %dma_start3A_524 = arith.constant 0 : i32
        %dma_start3A_525 = arith.constant 0 : i32
        %dma_start3A_526 = tpu.memref_slice %arg12[%dma_start3A_524, %dma_start3A_525] : memref<10112x128xf32, #tpu.memory_space<vmem_shared>> -> memref<10112x128xf32, #tpu.memory_space<vmem_shared>>
        tpu.enqueue_indirect_dma source(%arg11 : memref<128x128xf32, #tpu.memory_space<vmem>>) target(%dma_start3A_526 : memref<10112x128xf32, #tpu.memory_space<vmem_shared>>) offsets(%arg9 : memref<128xi32, #tpu.memory_space<vmem>>) semaphore(%run_scoped3A : memref<!tpu.dma_semaphore, #tpu.memory_space<semaphore_mem>>) {add = true}
        %dma_wait3A_527 = arith.constant 0 : i32
        %dma_wait3A_528 = arith.constant 0 : i32
        %dma_wait3A_529 = tpu.memref_slice %arg12[%dma_wait3A_527, %dma_wait3A_528] : memref<10112x128xf32, #tpu.memory_space<vmem_shared>> -> memref<10112x128xf32, #tpu.memory_space<vmem_shared>>
        tpu.wait_indirect_dma semaphore(%run_scoped3A : memref<!tpu.dma_semaphore, #tpu.memory_space<semaphore_mem>>) src(%arg11 : memref<128x128xf32, #tpu.memory_space<vmem>>) dst(%dma_wait3A_529 : memref<10112x128xf32, #tpu.memory_space<vmem_shared>>)
        tpu.yield
      }) : () -> ()
    }
    %dma_wait3A = arith.constant 0 : i32
    %dma_wait3A_208 = arith.constant 0 : i32
    %dma_wait3A_209 = tpu.memref_slice %arg2[%dma_wait3A, %dma_wait3A_208] : memref<10112x128xf32, #tpu.memory_space<hbm>> -> memref<10112x128xf32, #tpu.memory_space<hbm>>
    tpu.wait_indirect_dma semaphore(%arg13 : memref<!tpu.dma_semaphore, #tpu.memory_space<semaphore_mem>>) src(%dma_wait3A_209 : memref<10112x128xf32, #tpu.memory_space<hbm>>) dst(%arg10 : memref<128x128xf32, #tpu.memory_space<vmem>>)
    %barrier3A_210 = arith.constant 0 : index
    tpu.barrier barrier_id(%barrier3A_210)
    %mul3A_211 = arith.constant 632 : i32
    %mul3A_212 = arith.muli %arg1, %mul3A_211 : i32
    %mul3A_213 = arith.constant 632 : i32
    %mul3A_214 = arith.muli %arg1, %mul3A_213 : i32
    "tpu.region"() ({
      %run_scoped3A = tpu.sem_alloc : memref<!tpu.dma_semaphore, #tpu.memory_space<semaphore_mem>>
      %dma_start3A_215 = arith.constant 0 : i32
      %dma_start3A_216 = tpu.memref_slice %arg4[%arg0, %mul3A_214, %dma_start3A_215] : memref<2x10112x128xf32, #tpu.memory_space<hbm>> -> memref<1x632x128xf32, #tpu.memory_space<hbm>>
      %dma_start3A_217 = tpu.memref_squeeze %dma_start3A_216 : memref<1x632x128xf32, #tpu.memory_space<hbm>> -> memref<632x128xf32, #tpu.memory_space<hbm>>
      %dma_start3A_218 = arith.constant 0 : i32
      %dma_start3A_219 = tpu.memref_slice %arg12[%mul3A_212, %dma_start3A_218] : memref<10112x128xf32, #tpu.memory_space<vmem_shared>> -> memref<632x128xf32, #tpu.memory_space<vmem_shared>>
      tpu.enqueue_dma source(%dma_start3A_219 : memref<632x128xf32, #tpu.memory_space<vmem_shared>>) target(%dma_start3A_217 : memref<632x128xf32, #tpu.memory_space<hbm>>) target_semaphore(%run_scoped3A : memref<!tpu.dma_semaphore, #tpu.memory_space<semaphore_mem>>)
      %dma_wait3A_220 = arith.constant 0 : i32
      %dma_wait3A_221 = tpu.memref_slice %arg4[%arg0, %mul3A_214, %dma_wait3A_220] : memref<2x10112x128xf32, #tpu.memory_space<hbm>> -> memref<1x632x128xf32, #tpu.memory_space<hbm>>
      %dma_wait3A_222 = tpu.memref_squeeze %dma_wait3A_221 : memref<1x632x128xf32, #tpu.memory_space<hbm>> -> memref<632x128xf32, #tpu.memory_space<hbm>>
      %dma_wait3A_223 = arith.constant 0 : i32
      %dma_wait3A_224 = tpu.memref_slice %arg12[%mul3A_212, %dma_wait3A_223] : memref<10112x128xf32, #tpu.memory_space<vmem_shared>> -> memref<632x128xf32, #tpu.memory_space<vmem_shared>>
      tpu.wait_dma2 semaphore(%run_scoped3A : memref<!tpu.dma_semaphore, #tpu.memory_space<semaphore_mem>>) src(%dma_wait3A_224 : memref<632x128xf32, #tpu.memory_space<vmem_shared>>) dst(%dma_wait3A_222 : memref<632x128xf32, #tpu.memory_space<hbm>>)
      tpu.yield
    }) : () -> ()
    return
  }
}

#map = affine_map<(d0, d1) -> (0, 0)>
#map1 = affine_map<(d0, d1) -> (0, 0, 0)>
module attributes {stable_mosaic.version = 14 : i64} {
  func.func @k(%arg0: i32, %arg1: i32, %arg2: memref<10112x128xf32, #tpu.memory_space<hbm>>, %arg3: memref<2688x128xi32, #tpu.memory_space<hbm>>, %arg4: memref<2x10112x128xf32, #tpu.memory_space<hbm>>, %arg5: memref<128x128xi32, #tpu.memory_space<vmem>>, %arg6: memref<128xi32, #tpu.memory_space<vmem>>, %arg7: memref<128xi32, #tpu.memory_space<vmem>>, %arg8: memref<128xi32, #tpu.memory_space<vmem>>, %arg9: memref<128xi32, #tpu.memory_space<vmem>>, %arg10: memref<128x128xf32, #tpu.memory_space<vmem>>, %arg11: memref<128x128xf32, #tpu.memory_space<vmem>>, %arg12: memref<10112x128xf32, #tpu.memory_space<vmem_shared>>, %arg13: memref<!tpu.dma_semaphore, #tpu.memory_space<semaphore_mem>>, %arg14: memref<!tpu.dma_semaphore, #tpu.memory_space<semaphore_mem>>) attributes {dimension_semantics = [#tpu.dimension_semantics<core_parallel>, #tpu.dimension_semantics<subcore_parallel>], iteration_bounds = array<i64: 2, 16>, scalar_prefetch = 0 : i64, scratch_operands = 10 : i64, tpu.core_type = #tpu.core_type<sc_vector_subcore>, window_params = [{transform_indices = #map}, {transform_indices = #map}, {transform_indices = #map1}]} {
    %mul3A = arith.constant 160 : i32
    %mul3A_0 = arith.muli %arg1, %mul3A : i32
    %mul3A_1 = arith.constant 128 : i32
    %mul3A_2 = arith.muli %arg0, %mul3A_1 : i32
    %add3A = arith.addi %mul3A_0, %mul3A_2 : i32
    %eq3A = arith.constant 0 : i32
    %eq3A_3 = arith.cmpi eq, %arg0, %eq3A : i32
    %jit3A = arith.constant 128 : i32
    %jit3A_4 = arith.constant 32 : i32
    %select_n3A = arith.select %eq3A_3, %jit3A, %jit3A_4 : i32
    %scan3A = arith.constant 0 : i32
    %scan3A_5 = arith.constant 0 : i32
    %scan3A_6 = arith.constant 128 : i32
    %scan3A_7 = arith.addi %scan3A_5, %scan3A_6 : i32
    %scan3A_8 = arith.constant 1 : i32
    scf.for %scan3A_215 = %scan3A_5 to %scan3A_7 step %scan3A_8  : i32 {
      %broadcast_in_dim3A = arith.constant 0.000000e+00 : f32
      %broadcast_in_dim3A_216 = vector.broadcast %broadcast_in_dim3A : f32 to vector<16xf32>
      %swap3A_217 = arith.index_cast %scan3A_215 : i32 to index
      %swap3A_218 = arith.constant 0 : index
      %swap3A_219 = tpu.vector_load %arg10[%swap3A_217, %swap3A_218] {strides = array<i32>} : memref<128x128xf32, #tpu.memory_space<vmem>>, vector<1x16xf32>,
      %swap3A_220 = vector.shape_cast %swap3A_219 : vector<1x16xf32> to vector<16xf32>
      %swap3A_221 = vector.shape_cast %broadcast_in_dim3A_216 : vector<16xf32> to vector<1x16xf32>
      tpu.vector_store %arg10[%swap3A_217, %swap3A_218], %swap3A_221 {strides = array<i32>} : memref<128x128xf32, #tpu.memory_space<vmem>>, vector<1x16xf32>,
      %broadcast_in_dim3A_222 = arith.constant 0.000000e+00 : f32
      %broadcast_in_dim3A_223 = vector.broadcast %broadcast_in_dim3A_222 : f32 to vector<16xf32>
      %swap3A_224 = arith.index_cast %scan3A_215 : i32 to index
      %swap3A_225 = arith.constant 16 : index
      %swap3A_226 = tpu.vector_load %arg10[%swap3A_224, %swap3A_225] {strides = array<i32>} : memref<128x128xf32, #tpu.memory_space<vmem>>, vector<1x16xf32>,
      %swap3A_227 = vector.shape_cast %swap3A_226 : vector<1x16xf32> to vector<16xf32>
      %swap3A_228 = vector.shape_cast %broadcast_in_dim3A_223 : vector<16xf32> to vector<1x16xf32>
      tpu.vector_store %arg10[%swap3A_224, %swap3A_225], %swap3A_228 {strides = array<i32>} : memref<128x128xf32, #tpu.memory_space<vmem>>, vector<1x16xf32>,
      %broadcast_in_dim3A_229 = arith.constant 0.000000e+00 : f32
      %broadcast_in_dim3A_230 = vector.broadcast %broadcast_in_dim3A_229 : f32 to vector<16xf32>
      %swap3A_231 = arith.index_cast %scan3A_215 : i32 to index
      %swap3A_232 = arith.constant 32 : index
      %swap3A_233 = tpu.vector_load %arg10[%swap3A_231, %swap3A_232] {strides = array<i32>} : memref<128x128xf32, #tpu.memory_space<vmem>>, vector<1x16xf32>,
      %swap3A_234 = vector.shape_cast %swap3A_233 : vector<1x16xf32> to vector<16xf32>
      %swap3A_235 = vector.shape_cast %broadcast_in_dim3A_230 : vector<16xf32> to vector<1x16xf32>
      tpu.vector_store %arg10[%swap3A_231, %swap3A_232], %swap3A_235 {strides = array<i32>} : memref<128x128xf32, #tpu.memory_space<vmem>>, vector<1x16xf32>,
      %broadcast_in_dim3A_236 = arith.constant 0.000000e+00 : f32
      %broadcast_in_dim3A_237 = vector.broadcast %broadcast_in_dim3A_236 : f32 to vector<16xf32>
      %swap3A_238 = arith.index_cast %scan3A_215 : i32 to index
      %swap3A_239 = arith.constant 48 : index
      %swap3A_240 = tpu.vector_load %arg10[%swap3A_238, %swap3A_239] {strides = array<i32>} : memref<128x128xf32, #tpu.memory_space<vmem>>, vector<1x16xf32>,
      %swap3A_241 = vector.shape_cast %swap3A_240 : vector<1x16xf32> to vector<16xf32>
      %swap3A_242 = vector.shape_cast %broadcast_in_dim3A_237 : vector<16xf32> to vector<1x16xf32>
      tpu.vector_store %arg10[%swap3A_238, %swap3A_239], %swap3A_242 {strides = array<i32>} : memref<128x128xf32, #tpu.memory_space<vmem>>, vector<1x16xf32>,
      %broadcast_in_dim3A_243 = arith.constant 0.000000e+00 : f32
      %broadcast_in_dim3A_244 = vector.broadcast %broadcast_in_dim3A_243 : f32 to vector<16xf32>
      %swap3A_245 = arith.index_cast %scan3A_215 : i32 to index
      %swap3A_246 = arith.constant 64 : index
      %swap3A_247 = tpu.vector_load %arg10[%swap3A_245, %swap3A_246] {strides = array<i32>} : memref<128x128xf32, #tpu.memory_space<vmem>>, vector<1x16xf32>,
      %swap3A_248 = vector.shape_cast %swap3A_247 : vector<1x16xf32> to vector<16xf32>
      %swap3A_249 = vector.shape_cast %broadcast_in_dim3A_244 : vector<16xf32> to vector<1x16xf32>
      tpu.vector_store %arg10[%swap3A_245, %swap3A_246], %swap3A_249 {strides = array<i32>} : memref<128x128xf32, #tpu.memory_space<vmem>>, vector<1x16xf32>,
      %broadcast_in_dim3A_250 = arith.constant 0.000000e+00 : f32
      %broadcast_in_dim3A_251 = vector.broadcast %broadcast_in_dim3A_250 : f32 to vector<16xf32>
      %swap3A_252 = arith.index_cast %scan3A_215 : i32 to index
      %swap3A_253 = arith.constant 80 : index
      %swap3A_254 = tpu.vector_load %arg10[%swap3A_252, %swap3A_253] {strides = array<i32>} : memref<128x128xf32, #tpu.memory_space<vmem>>, vector<1x16xf32>,
      %swap3A_255 = vector.shape_cast %swap3A_254 : vector<1x16xf32> to vector<16xf32>
      %swap3A_256 = vector.shape_cast %broadcast_in_dim3A_251 : vector<16xf32> to vector<1x16xf32>
      tpu.vector_store %arg10[%swap3A_252, %swap3A_253], %swap3A_256 {strides = array<i32>} : memref<128x128xf32, #tpu.memory_space<vmem>>, vector<1x16xf32>,
      %broadcast_in_dim3A_257 = arith.constant 0.000000e+00 : f32
      %broadcast_in_dim3A_258 = vector.broadcast %broadcast_in_dim3A_257 : f32 to vector<16xf32>
      %swap3A_259 = arith.index_cast %scan3A_215 : i32 to index
      %swap3A_260 = arith.constant 96 : index
      %swap3A_261 = tpu.vector_load %arg10[%swap3A_259, %swap3A_260] {strides = array<i32>} : memref<128x128xf32, #tpu.memory_space<vmem>>, vector<1x16xf32>,
      %swap3A_262 = vector.shape_cast %swap3A_261 : vector<1x16xf32> to vector<16xf32>
      %swap3A_263 = vector.shape_cast %broadcast_in_dim3A_258 : vector<16xf32> to vector<1x16xf32>
      tpu.vector_store %arg10[%swap3A_259, %swap3A_260], %swap3A_263 {strides = array<i32>} : memref<128x128xf32, #tpu.memory_space<vmem>>, vector<1x16xf32>,
      %broadcast_in_dim3A_264 = arith.constant 0.000000e+00 : f32
      %broadcast_in_dim3A_265 = vector.broadcast %broadcast_in_dim3A_264 : f32 to vector<16xf32>
      %swap3A_266 = arith.index_cast %scan3A_215 : i32 to index
      %swap3A_267 = arith.constant 112 : index
      %swap3A_268 = tpu.vector_load %arg10[%swap3A_266, %swap3A_267] {strides = array<i32>} : memref<128x128xf32, #tpu.memory_space<vmem>>, vector<1x16xf32>,
      %swap3A_269 = vector.shape_cast %swap3A_268 : vector<1x16xf32> to vector<16xf32>
      %swap3A_270 = vector.shape_cast %broadcast_in_dim3A_265 : vector<16xf32> to vector<1x16xf32>
      tpu.vector_store %arg10[%swap3A_266, %swap3A_267], %swap3A_270 {strides = array<i32>} : memref<128x128xf32, #tpu.memory_space<vmem>>, vector<1x16xf32>,
    }
    %scan3A_9 = arith.constant 128 : i32
    %mul3A_10 = arith.constant 632 : i32
    %mul3A_11 = arith.muli %arg1, %mul3A_10 : i32
    %add3A_12 = arith.constant 0 : i32
    %add3A_13 = arith.addi %mul3A_11, %add3A_12 : i32
    "tpu.region"() ({
      %run_scoped3A = tpu.sem_alloc : memref<!tpu.dma_semaphore, #tpu.memory_space<semaphore_mem>>
      %dma_start3A_215 = arith.constant 0 : i32
      %dma_start3A_216 = tpu.memref_slice %arg12[%add3A_13, %dma_start3A_215] : memref<10112x128xf32, #tpu.memory_space<vmem_shared>> -> memref<128x128xf32, #tpu.memory_space<vmem_shared>>
      %dma_start3A_217 = arith.constant 0 : i32
      %dma_start3A_218 = tpu.memref_slice %arg12[%add3A_13, %dma_start3A_217] : memref<10112x128xf32, #tpu.memory_space<vmem_shared>> -> memref<128x128xf32, #tpu.memory_space<vmem_shared>>
      tpu.enqueue_dma source(%arg10 : memref<128x128xf32, #tpu.memory_space<vmem>>) target(%dma_start3A_218 : memref<128x128xf32, #tpu.memory_space<vmem_shared>>) target_semaphore(%run_scoped3A : memref<!tpu.dma_semaphore, #tpu.memory_space<semaphore_mem>>)
      %dma_wait3A_219 = arith.constant 0 : i32
      %dma_wait3A_220 = tpu.memref_slice %arg12[%add3A_13, %dma_wait3A_219] : memref<10112x128xf32, #tpu.memory_space<vmem_shared>> -> memref<128x128xf32, #tpu.memory_space<vmem_shared>>
      %dma_wait3A_221 = arith.constant 0 : i32
      %dma_wait3A_222 = tpu.memref_slice %arg12[%add3A_13, %dma_wait3A_221] : memref<10112x128xf32, #tpu.memory_space<vmem_shared>> -> memref<128x128xf32, #tpu.memory_space<vmem_shared>>
      tpu.wait_dma2 semaphore(%run_scoped3A : memref<!tpu.dma_semaphore, #tpu.memory_space<semaphore_mem>>) src(%arg10 : memref<128x128xf32, #tpu.memory_space<vmem>>) dst(%dma_wait3A_222 : memref<128x128xf32, #tpu.memory_space<vmem_shared>>)
      tpu.yield
    }) : () -> ()
    %mul3A_14 = arith.constant 632 : i32
    %mul3A_15 = arith.muli %arg1, %mul3A_14 : i32
    %add3A_16 = arith.constant 128 : i32
    %add3A_17 = arith.addi %mul3A_15, %add3A_16 : i32
    "tpu.region"() ({
      %run_scoped3A = tpu.sem_alloc : memref<!tpu.dma_semaphore, #tpu.memory_space<semaphore_mem>>
      %dma_start3A_215 = arith.constant 0 : i32
      %dma_start3A_216 = tpu.memref_slice %arg12[%add3A_17, %dma_start3A_215] : memref<10112x128xf32, #tpu.memory_space<vmem_shared>> -> memref<128x128xf32, #tpu.memory_space<vmem_shared>>
      %dma_start3A_217 = arith.constant 0 : i32
      %dma_start3A_218 = tpu.memref_slice %arg12[%add3A_17, %dma_start3A_217] : memref<10112x128xf32, #tpu.memory_space<vmem_shared>> -> memref<128x128xf32, #tpu.memory_space<vmem_shared>>
      tpu.enqueue_dma source(%arg10 : memref<128x128xf32, #tpu.memory_space<vmem>>) target(%dma_start3A_218 : memref<128x128xf32, #tpu.memory_space<vmem_shared>>) target_semaphore(%run_scoped3A : memref<!tpu.dma_semaphore, #tpu.memory_space<semaphore_mem>>)
      %dma_wait3A_219 = arith.constant 0 : i32
      %dma_wait3A_220 = tpu.memref_slice %arg12[%add3A_17, %dma_wait3A_219] : memref<10112x128xf32, #tpu.memory_space<vmem_shared>> -> memref<128x128xf32, #tpu.memory_space<vmem_shared>>
      %dma_wait3A_221 = arith.constant 0 : i32
      %dma_wait3A_222 = tpu.memref_slice %arg12[%add3A_17, %dma_wait3A_221] : memref<10112x128xf32, #tpu.memory_space<vmem_shared>> -> memref<128x128xf32, #tpu.memory_space<vmem_shared>>
      tpu.wait_dma2 semaphore(%run_scoped3A : memref<!tpu.dma_semaphore, #tpu.memory_space<semaphore_mem>>) src(%arg10 : memref<128x128xf32, #tpu.memory_space<vmem>>) dst(%dma_wait3A_222 : memref<128x128xf32, #tpu.memory_space<vmem_shared>>)
      tpu.yield
    }) : () -> ()
    %mul3A_18 = arith.constant 632 : i32
    %mul3A_19 = arith.muli %arg1, %mul3A_18 : i32
    %add3A_20 = arith.constant 256 : i32
    %add3A_21 = arith.addi %mul3A_19, %add3A_20 : i32
    "tpu.region"() ({
      %run_scoped3A = tpu.sem_alloc : memref<!tpu.dma_semaphore, #tpu.memory_space<semaphore_mem>>
      %dma_start3A_215 = arith.constant 0 : i32
      %dma_start3A_216 = tpu.memref_slice %arg12[%add3A_21, %dma_start3A_215] : memref<10112x128xf32, #tpu.memory_space<vmem_shared>> -> memref<128x128xf32, #tpu.memory_space<vmem_shared>>
      %dma_start3A_217 = arith.constant 0 : i32
      %dma_start3A_218 = tpu.memref_slice %arg12[%add3A_21, %dma_start3A_217] : memref<10112x128xf32, #tpu.memory_space<vmem_shared>> -> memref<128x128xf32, #tpu.memory_space<vmem_shared>>
      tpu.enqueue_dma source(%arg10 : memref<128x128xf32, #tpu.memory_space<vmem>>) target(%dma_start3A_218 : memref<128x128xf32, #tpu.memory_space<vmem_shared>>) target_semaphore(%run_scoped3A : memref<!tpu.dma_semaphore, #tpu.memory_space<semaphore_mem>>)
      %dma_wait3A_219 = arith.constant 0 : i32
      %dma_wait3A_220 = tpu.memref_slice %arg12[%add3A_21, %dma_wait3A_219] : memref<10112x128xf32, #tpu.memory_space<vmem_shared>> -> memref<128x128xf32, #tpu.memory_space<vmem_shared>>
      %dma_wait3A_221 = arith.constant 0 : i32
      %dma_wait3A_222 = tpu.memref_slice %arg12[%add3A_21, %dma_wait3A_221] : memref<10112x128xf32, #tpu.memory_space<vmem_shared>> -> memref<128x128xf32, #tpu.memory_space<vmem_shared>>
      tpu.wait_dma2 semaphore(%run_scoped3A : memref<!tpu.dma_semaphore, #tpu.memory_space<semaphore_mem>>) src(%arg10 : memref<128x128xf32, #tpu.memory_space<vmem>>) dst(%dma_wait3A_222 : memref<128x128xf32, #tpu.memory_space<vmem_shared>>)
      tpu.yield
    }) : () -> ()
    %mul3A_22 = arith.constant 632 : i32
    %mul3A_23 = arith.muli %arg1, %mul3A_22 : i32
    %add3A_24 = arith.constant 384 : i32
    %add3A_25 = arith.addi %mul3A_23, %add3A_24 : i32
    "tpu.region"() ({
      %run_scoped3A = tpu.sem_alloc : memref<!tpu.dma_semaphore, #tpu.memory_space<semaphore_mem>>
      %dma_start3A_215 = arith.constant 0 : i32
      %dma_start3A_216 = tpu.memref_slice %arg12[%add3A_25, %dma_start3A_215] : memref<10112x128xf32, #tpu.memory_space<vmem_shared>> -> memref<128x128xf32, #tpu.memory_space<vmem_shared>>
      %dma_start3A_217 = arith.constant 0 : i32
      %dma_start3A_218 = tpu.memref_slice %arg12[%add3A_25, %dma_start3A_217] : memref<10112x128xf32, #tpu.memory_space<vmem_shared>> -> memref<128x128xf32, #tpu.memory_space<vmem_shared>>
      tpu.enqueue_dma source(%arg10 : memref<128x128xf32, #tpu.memory_space<vmem>>) target(%dma_start3A_218 : memref<128x128xf32, #tpu.memory_space<vmem_shared>>) target_semaphore(%run_scoped3A : memref<!tpu.dma_semaphore, #tpu.memory_space<semaphore_mem>>)
      %dma_wait3A_219 = arith.constant 0 : i32
      %dma_wait3A_220 = tpu.memref_slice %arg12[%add3A_25, %dma_wait3A_219] : memref<10112x128xf32, #tpu.memory_space<vmem_shared>> -> memref<128x128xf32, #tpu.memory_space<vmem_shared>>
      %dma_wait3A_221 = arith.constant 0 : i32
      %dma_wait3A_222 = tpu.memref_slice %arg12[%add3A_25, %dma_wait3A_221] : memref<10112x128xf32, #tpu.memory_space<vmem_shared>> -> memref<128x128xf32, #tpu.memory_space<vmem_shared>>
      tpu.wait_dma2 semaphore(%run_scoped3A : memref<!tpu.dma_semaphore, #tpu.memory_space<semaphore_mem>>) src(%arg10 : memref<128x128xf32, #tpu.memory_space<vmem>>) dst(%dma_wait3A_222 : memref<128x128xf32, #tpu.memory_space<vmem_shared>>)
      tpu.yield
    }) : () -> ()
    %mul3A_26 = arith.constant 632 : i32
    %mul3A_27 = arith.muli %arg1, %mul3A_26 : i32
    %add3A_28 = arith.constant 512 : i32
    %add3A_29 = arith.addi %mul3A_27, %add3A_28 : i32
    "tpu.region"() ({
      %run_scoped3A = tpu.sem_alloc : memref<!tpu.dma_semaphore, #tpu.memory_space<semaphore_mem>>
      %dma_start3A_215 = arith.constant 0 : i32
      %dma_start3A_216 = arith.constant 0 : i32
      %dma_start3A_217 = tpu.memref_slice %arg10[%dma_start3A_215, %dma_start3A_216] : memref<128x128xf32, #tpu.memory_space<vmem>> -> memref<120x128xf32, #tpu.memory_space<vmem>>
      %dma_start3A_218 = arith.constant 0 : i32
      %dma_start3A_219 = tpu.memref_slice %arg12[%add3A_29, %dma_start3A_218] : memref<10112x128xf32, #tpu.memory_space<vmem_shared>> -> memref<120x128xf32, #tpu.memory_space<vmem_shared>>
      %dma_start3A_220 = arith.constant 0 : i32
      %dma_start3A_221 = tpu.memref_slice %arg12[%add3A_29, %dma_start3A_220] : memref<10112x128xf32, #tpu.memory_space<vmem_shared>> -> memref<120x128xf32, #tpu.memory_space<vmem_shared>>
      %dma_start3A_222 = arith.constant 0 : i32
      %dma_start3A_223 = arith.constant 0 : i32
      %dma_start3A_224 = tpu.memref_slice %arg10[%dma_start3A_222, %dma_start3A_223] : memref<128x128xf32, #tpu.memory_space<vmem>> -> memref<120x128xf32, #tpu.memory_space<vmem>>
      tpu.enqueue_dma source(%dma_start3A_224 : memref<120x128xf32, #tpu.memory_space<vmem>>) target(%dma_start3A_221 : memref<120x128xf32, #tpu.memory_space<vmem_shared>>) target_semaphore(%run_scoped3A : memref<!tpu.dma_semaphore, #tpu.memory_space<semaphore_mem>>)
      %dma_wait3A_225 = arith.constant 0 : i32
      %dma_wait3A_226 = arith.constant 0 : i32
      %dma_wait3A_227 = tpu.memref_slice %arg10[%dma_wait3A_225, %dma_wait3A_226] : memref<128x128xf32, #tpu.memory_space<vmem>> -> memref<120x128xf32, #tpu.memory_space<vmem>>
      %dma_wait3A_228 = arith.constant 0 : i32
      %dma_wait3A_229 = tpu.memref_slice %arg12[%add3A_29, %dma_wait3A_228] : memref<10112x128xf32, #tpu.memory_space<vmem_shared>> -> memref<120x128xf32, #tpu.memory_space<vmem_shared>>
      %dma_wait3A_230 = arith.constant 0 : i32
      %dma_wait3A_231 = tpu.memref_slice %arg12[%add3A_29, %dma_wait3A_230] : memref<10112x128xf32, #tpu.memory_space<vmem_shared>> -> memref<120x128xf32, #tpu.memory_space<vmem_shared>>
      %dma_wait3A_232 = arith.constant 0 : i32
      %dma_wait3A_233 = arith.constant 0 : i32
      %dma_wait3A_234 = tpu.memref_slice %arg10[%dma_wait3A_232, %dma_wait3A_233] : memref<128x128xf32, #tpu.memory_space<vmem>> -> memref<120x128xf32, #tpu.memory_space<vmem>>
      tpu.wait_dma2 semaphore(%run_scoped3A : memref<!tpu.dma_semaphore, #tpu.memory_space<semaphore_mem>>) src(%dma_wait3A_234 : memref<120x128xf32, #tpu.memory_space<vmem>>) dst(%dma_wait3A_231 : memref<120x128xf32, #tpu.memory_space<vmem_shared>>)
      tpu.yield
    }) : () -> ()
    "tpu.region"() ({
      %run_scoped3A = tpu.sem_alloc : memref<!tpu.dma_semaphore, #tpu.memory_space<semaphore_mem>>
      %dma_start3A_215 = arith.constant 0 : i32
      %dma_start3A_216 = tpu.memref_slice %arg3[%add3A, %dma_start3A_215] : memref<2688x128xi32, #tpu.memory_space<hbm>> -> memref<128x128xi32, #tpu.memory_space<hbm>>
      %dma_start3A_217 = arith.constant 0 : i32
      %dma_start3A_218 = tpu.memref_slice %arg3[%add3A, %dma_start3A_217] : memref<2688x128xi32, #tpu.memory_space<hbm>> -> memref<128x128xi32, #tpu.memory_space<hbm>>
      tpu.enqueue_dma source(%dma_start3A_218 : memref<128x128xi32, #tpu.memory_space<hbm>>) target(%arg5 : memref<128x128xi32, #tpu.memory_space<vmem>>) target_semaphore(%run_scoped3A : memref<!tpu.dma_semaphore, #tpu.memory_space<semaphore_mem>>)
      %dma_wait3A_219 = arith.constant 0 : i32
      %dma_wait3A_220 = tpu.memref_slice %arg3[%add3A, %dma_wait3A_219] : memref<2688x128xi32, #tpu.memory_space<hbm>> -> memref<128x128xi32, #tpu.memory_space<hbm>>
      %dma_wait3A_221 = arith.constant 0 : i32
      %dma_wait3A_222 = tpu.memref_slice %arg3[%add3A, %dma_wait3A_221] : memref<2688x128xi32, #tpu.memory_space<hbm>> -> memref<128x128xi32, #tpu.memory_space<hbm>>
      tpu.wait_dma2 semaphore(%run_scoped3A : memref<!tpu.dma_semaphore, #tpu.memory_space<semaphore_mem>>) src(%dma_wait3A_222 : memref<128x128xi32, #tpu.memory_space<hbm>>) dst(%arg5 : memref<128x128xi32, #tpu.memory_space<vmem>>)
      tpu.yield
    }) : () -> ()
    %barrier3A = arith.constant 0 : index
    tpu.barrier barrier_id(%barrier3A)
    %get3A = arith.constant 0 : i32
    %get3A_30 = arith.index_cast %get3A : i32 to index
    %get3A_31 = arith.constant 0 : index
    %get3A_32 = tpu.vector_load %arg5[%get3A_30, %get3A_31] {strides = array<i32>} : memref<128x128xi32, #tpu.memory_space<vmem>>, vector<1x16xi32>,
    %get3A_33 = vector.shape_cast %get3A_32 : vector<1x16xi32> to vector<16xi32>
    %shift_right_logical3A = arith.constant 14 : i32
    %shift_right_logical3A_34 = vector.broadcast %shift_right_logical3A : i32 to vector<16xi32>
    %shift_right_logical3A_35 = arith.shrui %get3A_33, %shift_right_logical3A_34 : vector<16xi32>
    %swap3A = arith.constant 0 : index
    %swap3A_36 = tpu.vector_load %arg6[%swap3A] {strides = array<i32>} : memref<128xi32, #tpu.memory_space<vmem>>, vector<16xi32>,
    %swap3A_37 = vector.shape_cast %swap3A_36 : vector<16xi32> to vector<16xi32>
    %swap3A_38 = vector.shape_cast %shift_right_logical3A_35 : vector<16xi32> to vector<16xi32>
    tpu.vector_store %arg6[%swap3A], %swap3A_38 {strides = array<i32>} : memref<128xi32, #tpu.memory_space<vmem>>, vector<16xi32>,
    %and3A = arith.constant 16383 : i32
    %and3A_39 = vector.broadcast %and3A : i32 to vector<16xi32>
    %and3A_40 = arith.andi %get3A_33, %and3A_39 : vector<16xi32>
    %swap3A_41 = arith.constant 0 : index
    %swap3A_42 = tpu.vector_load %arg7[%swap3A_41] {strides = array<i32>} : memref<128xi32, #tpu.memory_space<vmem>>, vector<16xi32>,
    %swap3A_43 = vector.shape_cast %swap3A_42 : vector<16xi32> to vector<16xi32>
    %swap3A_44 = vector.shape_cast %and3A_40 : vector<16xi32> to vector<16xi32>
    tpu.vector_store %arg7[%swap3A_41], %swap3A_44 {strides = array<i32>} : memref<128xi32, #tpu.memory_space<vmem>>, vector<16xi32>,
    %get3A_45 = arith.constant 0 : i32
    %get3A_46 = arith.index_cast %get3A_45 : i32 to index
    %get3A_47 = arith.constant 16 : index
    %get3A_48 = tpu.vector_load %arg5[%get3A_46, %get3A_47] {strides = array<i32>} : memref<128x128xi32, #tpu.memory_space<vmem>>, vector<1x16xi32>,
    %get3A_49 = vector.shape_cast %get3A_48 : vector<1x16xi32> to vector<16xi32>
    %shift_right_logical3A_50 = arith.constant 14 : i32
    %shift_right_logical3A_51 = vector.broadcast %shift_right_logical3A_50 : i32 to vector<16xi32>
    %shift_right_logical3A_52 = arith.shrui %get3A_49, %shift_right_logical3A_51 : vector<16xi32>
    %swap3A_53 = arith.constant 16 : index
    %swap3A_54 = tpu.vector_load %arg6[%swap3A_53] {strides = array<i32>} : memref<128xi32, #tpu.memory_space<vmem>>, vector<16xi32>,
    %swap3A_55 = vector.shape_cast %swap3A_54 : vector<16xi32> to vector<16xi32>
    %swap3A_56 = vector.shape_cast %shift_right_logical3A_52 : vector<16xi32> to vector<16xi32>
    tpu.vector_store %arg6[%swap3A_53], %swap3A_56 {strides = array<i32>} : memref<128xi32, #tpu.memory_space<vmem>>, vector<16xi32>,
    %and3A_57 = arith.constant 16383 : i32
    %and3A_58 = vector.broadcast %and3A_57 : i32 to vector<16xi32>
    %and3A_59 = arith.andi %get3A_49, %and3A_58 : vector<16xi32>
    %swap3A_60 = arith.constant 16 : index
    %swap3A_61 = tpu.vector_load %arg7[%swap3A_60] {strides = array<i32>} : memref<128xi32, #tpu.memory_space<vmem>>, vector<16xi32>,
    %swap3A_62 = vector.shape_cast %swap3A_61 : vector<16xi32> to vector<16xi32>
    %swap3A_63 = vector.shape_cast %and3A_59 : vector<16xi32> to vector<16xi32>
    tpu.vector_store %arg7[%swap3A_60], %swap3A_63 {strides = array<i32>} : memref<128xi32, #tpu.memory_space<vmem>>, vector<16xi32>,
    %get3A_64 = arith.constant 0 : i32
    %get3A_65 = arith.index_cast %get3A_64 : i32 to index
    %get3A_66 = arith.constant 32 : index
    %get3A_67 = tpu.vector_load %arg5[%get3A_65, %get3A_66] {strides = array<i32>} : memref<128x128xi32, #tpu.memory_space<vmem>>, vector<1x16xi32>,
    %get3A_68 = vector.shape_cast %get3A_67 : vector<1x16xi32> to vector<16xi32>
    %shift_right_logical3A_69 = arith.constant 14 : i32
    %shift_right_logical3A_70 = vector.broadcast %shift_right_logical3A_69 : i32 to vector<16xi32>
    %shift_right_logical3A_71 = arith.shrui %get3A_68, %shift_right_logical3A_70 : vector<16xi32>
    %swap3A_72 = arith.constant 32 : index
    %swap3A_73 = tpu.vector_load %arg6[%swap3A_72] {strides = array<i32>} : memref<128xi32, #tpu.memory_space<vmem>>, vector<16xi32>,
    %swap3A_74 = vector.shape_cast %swap3A_73 : vector<16xi32> to vector<16xi32>
    %swap3A_75 = vector.shape_cast %shift_right_logical3A_71 : vector<16xi32> to vector<16xi32>
    tpu.vector_store %arg6[%swap3A_72], %swap3A_75 {strides = array<i32>} : memref<128xi32, #tpu.memory_space<vmem>>, vector<16xi32>,
    %and3A_76 = arith.constant 16383 : i32
    %and3A_77 = vector.broadcast %and3A_76 : i32 to vector<16xi32>
    %and3A_78 = arith.andi %get3A_68, %and3A_77 : vector<16xi32>
    %swap3A_79 = arith.constant 32 : index
    %swap3A_80 = tpu.vector_load %arg7[%swap3A_79] {strides = array<i32>} : memref<128xi32, #tpu.memory_space<vmem>>, vector<16xi32>,
    %swap3A_81 = vector.shape_cast %swap3A_80 : vector<16xi32> to vector<16xi32>
    %swap3A_82 = vector.shape_cast %and3A_78 : vector<16xi32> to vector<16xi32>
    tpu.vector_store %arg7[%swap3A_79], %swap3A_82 {strides = array<i32>} : memref<128xi32, #tpu.memory_space<vmem>>, vector<16xi32>,
    %get3A_83 = arith.constant 0 : i32
    %get3A_84 = arith.index_cast %get3A_83 : i32 to index
    %get3A_85 = arith.constant 48 : index
    %get3A_86 = tpu.vector_load %arg5[%get3A_84, %get3A_85] {strides = array<i32>} : memref<128x128xi32, #tpu.memory_space<vmem>>, vector<1x16xi32>,
    %get3A_87 = vector.shape_cast %get3A_86 : vector<1x16xi32> to vector<16xi32>
    %shift_right_logical3A_88 = arith.constant 14 : i32
    %shift_right_logical3A_89 = vector.broadcast %shift_right_logical3A_88 : i32 to vector<16xi32>
    %shift_right_logical3A_90 = arith.shrui %get3A_87, %shift_right_logical3A_89 : vector<16xi32>
    %swap3A_91 = arith.constant 48 : index
    %swap3A_92 = tpu.vector_load %arg6[%swap3A_91] {strides = array<i32>} : memref<128xi32, #tpu.memory_space<vmem>>, vector<16xi32>,
    %swap3A_93 = vector.shape_cast %swap3A_92 : vector<16xi32> to vector<16xi32>
    %swap3A_94 = vector.shape_cast %shift_right_logical3A_90 : vector<16xi32> to vector<16xi32>
    tpu.vector_store %arg6[%swap3A_91], %swap3A_94 {strides = array<i32>} : memref<128xi32, #tpu.memory_space<vmem>>, vector<16xi32>,
    %and3A_95 = arith.constant 16383 : i32
    %and3A_96 = vector.broadcast %and3A_95 : i32 to vector<16xi32>
    %and3A_97 = arith.andi %get3A_87, %and3A_96 : vector<16xi32>
    %swap3A_98 = arith.constant 48 : index
    %swap3A_99 = tpu.vector_load %arg7[%swap3A_98] {strides = array<i32>} : memref<128xi32, #tpu.memory_space<vmem>>, vector<16xi32>,
    %swap3A_100 = vector.shape_cast %swap3A_99 : vector<16xi32> to vector<16xi32>
    %swap3A_101 = vector.shape_cast %and3A_97 : vector<16xi32> to vector<16xi32>
    tpu.vector_store %arg7[%swap3A_98], %swap3A_101 {strides = array<i32>} : memref<128xi32, #tpu.memory_space<vmem>>, vector<16xi32>,
    %get3A_102 = arith.constant 0 : i32
    %get3A_103 = arith.index_cast %get3A_102 : i32 to index
    %get3A_104 = arith.constant 64 : index
    %get3A_105 = tpu.vector_load %arg5[%get3A_103, %get3A_104] {strides = array<i32>} : memref<128x128xi32, #tpu.memory_space<vmem>>, vector<1x16xi32>,
    %get3A_106 = vector.shape_cast %get3A_105 : vector<1x16xi32> to vector<16xi32>
    %shift_right_logical3A_107 = arith.constant 14 : i32
    %shift_right_logical3A_108 = vector.broadcast %shift_right_logical3A_107 : i32 to vector<16xi32>
    %shift_right_logical3A_109 = arith.shrui %get3A_106, %shift_right_logical3A_108 : vector<16xi32>
    %swap3A_110 = arith.constant 64 : index
    %swap3A_111 = tpu.vector_load %arg6[%swap3A_110] {strides = array<i32>} : memref<128xi32, #tpu.memory_space<vmem>>, vector<16xi32>,
    %swap3A_112 = vector.shape_cast %swap3A_111 : vector<16xi32> to vector<16xi32>
    %swap3A_113 = vector.shape_cast %shift_right_logical3A_109 : vector<16xi32> to vector<16xi32>
    tpu.vector_store %arg6[%swap3A_110], %swap3A_113 {strides = array<i32>} : memref<128xi32, #tpu.memory_space<vmem>>, vector<16xi32>,
    %and3A_114 = arith.constant 16383 : i32
    %and3A_115 = vector.broadcast %and3A_114 : i32 to vector<16xi32>
    %and3A_116 = arith.andi %get3A_106, %and3A_115 : vector<16xi32>
    %swap3A_117 = arith.constant 64 : index
    %swap3A_118 = tpu.vector_load %arg7[%swap3A_117] {strides = array<i32>} : memref<128xi32, #tpu.memory_space<vmem>>, vector<16xi32>,
    %swap3A_119 = vector.shape_cast %swap3A_118 : vector<16xi32> to vector<16xi32>
    %swap3A_120 = vector.shape_cast %and3A_116 : vector<16xi32> to vector<16xi32>
    tpu.vector_store %arg7[%swap3A_117], %swap3A_120 {strides = array<i32>} : memref<128xi32, #tpu.memory_space<vmem>>, vector<16xi32>,
    %get3A_121 = arith.constant 0 : i32
    %get3A_122 = arith.index_cast %get3A_121 : i32 to index
    %get3A_123 = arith.constant 80 : index
    %get3A_124 = tpu.vector_load %arg5[%get3A_122, %get3A_123] {strides = array<i32>} : memref<128x128xi32, #tpu.memory_space<vmem>>, vector<1x16xi32>,
    %get3A_125 = vector.shape_cast %get3A_124 : vector<1x16xi32> to vector<16xi32>
    %shift_right_logical3A_126 = arith.constant 14 : i32
    %shift_right_logical3A_127 = vector.broadcast %shift_right_logical3A_126 : i32 to vector<16xi32>
    %shift_right_logical3A_128 = arith.shrui %get3A_125, %shift_right_logical3A_127 : vector<16xi32>
    %swap3A_129 = arith.constant 80 : index
    %swap3A_130 = tpu.vector_load %arg6[%swap3A_129] {strides = array<i32>} : memref<128xi32, #tpu.memory_space<vmem>>, vector<16xi32>,
    %swap3A_131 = vector.shape_cast %swap3A_130 : vector<16xi32> to vector<16xi32>
    %swap3A_132 = vector.shape_cast %shift_right_logical3A_128 : vector<16xi32> to vector<16xi32>
    tpu.vector_store %arg6[%swap3A_129], %swap3A_132 {strides = array<i32>} : memref<128xi32, #tpu.memory_space<vmem>>, vector<16xi32>,
    %and3A_133 = arith.constant 16383 : i32
    %and3A_134 = vector.broadcast %and3A_133 : i32 to vector<16xi32>
    %and3A_135 = arith.andi %get3A_125, %and3A_134 : vector<16xi32>
    %swap3A_136 = arith.constant 80 : index
    %swap3A_137 = tpu.vector_load %arg7[%swap3A_136] {strides = array<i32>} : memref<128xi32, #tpu.memory_space<vmem>>, vector<16xi32>,
    %swap3A_138 = vector.shape_cast %swap3A_137 : vector<16xi32> to vector<16xi32>
    %swap3A_139 = vector.shape_cast %and3A_135 : vector<16xi32> to vector<16xi32>
    tpu.vector_store %arg7[%swap3A_136], %swap3A_139 {strides = array<i32>} : memref<128xi32, #tpu.memory_space<vmem>>, vector<16xi32>,
    %get3A_140 = arith.constant 0 : i32
    %get3A_141 = arith.index_cast %get3A_140 : i32 to index
    %get3A_142 = arith.constant 96 : index
    %get3A_143 = tpu.vector_load %arg5[%get3A_141, %get3A_142] {strides = array<i32>} : memref<128x128xi32, #tpu.memory_space<vmem>>, vector<1x16xi32>,
    %get3A_144 = vector.shape_cast %get3A_143 : vector<1x16xi32> to vector<16xi32>
    %shift_right_logical3A_145 = arith.constant 14 : i32
    %shift_right_logical3A_146 = vector.broadcast %shift_right_logical3A_145 : i32 to vector<16xi32>
    %shift_right_logical3A_147 = arith.shrui %get3A_144, %shift_right_logical3A_146 : vector<16xi32>
    %swap3A_148 = arith.constant 96 : index
    %swap3A_149 = tpu.vector_load %arg6[%swap3A_148] {strides = array<i32>} : memref<128xi32, #tpu.memory_space<vmem>>, vector<16xi32>,
    %swap3A_150 = vector.shape_cast %swap3A_149 : vector<16xi32> to vector<16xi32>
    %swap3A_151 = vector.shape_cast %shift_right_logical3A_147 : vector<16xi32> to vector<16xi32>
    tpu.vector_store %arg6[%swap3A_148], %swap3A_151 {strides = array<i32>} : memref<128xi32, #tpu.memory_space<vmem>>, vector<16xi32>,
    %and3A_152 = arith.constant 16383 : i32
    %and3A_153 = vector.broadcast %and3A_152 : i32 to vector<16xi32>
    %and3A_154 = arith.andi %get3A_144, %and3A_153 : vector<16xi32>
    %swap3A_155 = arith.constant 96 : index
    %swap3A_156 = tpu.vector_load %arg7[%swap3A_155] {strides = array<i32>} : memref<128xi32, #tpu.memory_space<vmem>>, vector<16xi32>,
    %swap3A_157 = vector.shape_cast %swap3A_156 : vector<16xi32> to vector<16xi32>
    %swap3A_158 = vector.shape_cast %and3A_154 : vector<16xi32> to vector<16xi32>
    tpu.vector_store %arg7[%swap3A_155], %swap3A_158 {strides = array<i32>} : memref<128xi32, #tpu.memory_space<vmem>>, vector<16xi32>,
    %get3A_159 = arith.constant 0 : i32
    %get3A_160 = arith.index_cast %get3A_159 : i32 to index
    %get3A_161 = arith.constant 112 : index
    %get3A_162 = tpu.vector_load %arg5[%get3A_160, %get3A_161] {strides = array<i32>} : memref<128x128xi32, #tpu.memory_space<vmem>>, vector<1x16xi32>,
    %get3A_163 = vector.shape_cast %get3A_162 : vector<1x16xi32> to vector<16xi32>
    %shift_right_logical3A_164 = arith.constant 14 : i32
    %shift_right_logical3A_165 = vector.broadcast %shift_right_logical3A_164 : i32 to vector<16xi32>
    %shift_right_logical3A_166 = arith.shrui %get3A_163, %shift_right_logical3A_165 : vector<16xi32>
    %swap3A_167 = arith.constant 112 : index
    %swap3A_168 = tpu.vector_load %arg6[%swap3A_167] {strides = array<i32>} : memref<128xi32, #tpu.memory_space<vmem>>, vector<16xi32>,
    %swap3A_169 = vector.shape_cast %swap3A_168 : vector<16xi32> to vector<16xi32>
    %swap3A_170 = vector.shape_cast %shift_right_logical3A_166 : vector<16xi32> to vector<16xi32>
    tpu.vector_store %arg6[%swap3A_167], %swap3A_170 {strides = array<i32>} : memref<128xi32, #tpu.memory_space<vmem>>, vector<16xi32>,
    %and3A_171 = arith.constant 16383 : i32
    %and3A_172 = vector.broadcast %and3A_171 : i32 to vector<16xi32>
    %and3A_173 = arith.andi %get3A_163, %and3A_172 : vector<16xi32>
    %swap3A_174 = arith.constant 112 : index
    %swap3A_175 = tpu.vector_load %arg7[%swap3A_174] {strides = array<i32>} : memref<128xi32, #tpu.memory_space<vmem>>, vector<16xi32>,
    %swap3A_176 = vector.shape_cast %swap3A_175 : vector<16xi32> to vector<16xi32>
    %swap3A_177 = vector.shape_cast %and3A_173 : vector<16xi32> to vector<16xi32>
    tpu.vector_store %arg7[%swap3A_174], %swap3A_177 {strides = array<i32>} : memref<128xi32, #tpu.memory_space<vmem>>, vector<16xi32>,
    %dma_start3A = arith.constant 0 : i32
    %dma_start3A_178 = arith.constant 0 : i32
    %dma_start3A_179 = tpu.memref_slice %arg2[%dma_start3A, %dma_start3A_178] : memref<10112x128xf32, #tpu.memory_space<hbm>> -> memref<10112x128xf32, #tpu.memory_space<hbm>>
    tpu.enqueue_indirect_dma source(%dma_start3A_179 : memref<10112x128xf32, #tpu.memory_space<hbm>>) target(%arg10 : memref<128x128xf32, #tpu.memory_space<vmem>>) offsets(%arg6 : memref<128xi32, #tpu.memory_space<vmem>>) semaphore(%arg13 : memref<!tpu.dma_semaphore, #tpu.memory_space<semaphore_mem>>)
    %jit3A_180 = arith.constant 2 : i32
    %div3A = arith.divsi %select_n3A, %jit3A_180 : i32
    %sign3A = arith.constant 0 : i32
    %sign3A_181 = arith.cmpi sgt, %select_n3A, %sign3A : i32
    %sign3A_182 = arith.extui %sign3A_181 : i1 to i32
    %sign3A_183 = arith.constant 0 : i32
    %sign3A_184 = arith.cmpi slt, %select_n3A, %sign3A_183 : i32
    %sign3A_185 = arith.extui %sign3A_184 : i1 to i32
    %sign3A_186 = arith.subi %sign3A_182, %sign3A_185 : i32
    %sign3A_187 = arith.constant 0 : i32
    %sign3A_188 = arith.cmpi sgt, %jit3A_180, %sign3A_187 : i32
    %sign3A_189 = arith.extui %sign3A_188 : i1 to i32
    %sign3A_190 = arith.constant 0 : i32
    %sign3A_191 = arith.cmpi slt, %jit3A_180, %sign3A_190 : i32
    %sign3A_192 = arith.extui %sign3A_191 : i1 to i32
    %sign3A_193 = arith.subi %sign3A_189, %sign3A_192 : i32
    %ne3A = arith.cmpi ne, %sign3A_186, %sign3A_193 : i32
    %rem3A = arith.remsi %select_n3A, %jit3A_180 : i32
    %ne3A_194 = arith.constant 0 : i32
    %ne3A_195 = arith.cmpi ne, %rem3A, %ne3A_194 : i32
    %and3A_196 = arith.andi %ne3A, %ne3A_195 : i1
    %sub3A = arith.constant 1 : i32
    %sub3A_197 = arith.subi %div3A, %sub3A : i32
    %select_n3A_198 = arith.select %and3A_196, %sub3A_197, %div3A : i32
    %while3A = arith.constant 0 : i32
    %while3A_199 = arith.constant 0 : i32
    %while3A_200 = arith.subi %select_n3A_198, %while3A_199 : i32
    %while3A_201 = arith.addi %while3A_199, %while3A_200 : i32
    %while3A_202 = arith.constant 1 : i32
    %while3A_203 = arith.divsi %while3A_200, %while3A_202 : i32
    %while3A_204 = arith.muli %while3A_203, %while3A_202 : i32
    %while3A_205 = arith.addi %while3A_199, %while3A_204 : i32
    %while3A_206 = arith.constant 1 : i32
    scf.for %while3A_215 = %while3A_199 to %while3A_205 step %while3A_206  : i32 {
      %mul3A_216 = arith.constant 2 : i32
      %mul3A_217 = arith.muli %while3A_215, %mul3A_216 : i32
      %add3A_218 = arith.constant 1 : i32
      %add3A_219 = arith.addi %mul3A_217, %add3A_218 : i32
      %get3A_220 = arith.index_cast %add3A_219 : i32 to index
      %get3A_221 = arith.constant 0 : index
      %get3A_222 = tpu.vector_load %arg5[%get3A_220, %get3A_221] {strides = array<i32>} : memref<128x128xi32, #tpu.memory_space<vmem>>, vector<1x16xi32>,
      %get3A_223 = vector.shape_cast %get3A_222 : vector<1x16xi32> to vector<16xi32>
      %shift_right_logical3A_224 = arith.constant 14 : i32
      %shift_right_logical3A_225 = vector.broadcast %shift_right_logical3A_224 : i32 to vector<16xi32>
      %shift_right_logical3A_226 = arith.shrui %get3A_223, %shift_right_logical3A_225 : vector<16xi32>
      %swap3A_227 = arith.constant 0 : index
      %swap3A_228 = tpu.vector_load %arg8[%swap3A_227] {strides = array<i32>} : memref<128xi32, #tpu.memory_space<vmem>>, vector<16xi32>,
      %swap3A_229 = vector.shape_cast %swap3A_228 : vector<16xi32> to vector<16xi32>
      %swap3A_230 = vector.shape_cast %shift_right_logical3A_226 : vector<16xi32> to vector<16xi32>
      tpu.vector_store %arg8[%swap3A_227], %swap3A_230 {strides = array<i32>} : memref<128xi32, #tpu.memory_space<vmem>>, vector<16xi32>,
      %and3A_231 = arith.constant 16383 : i32
      %and3A_232 = vector.broadcast %and3A_231 : i32 to vector<16xi32>
      %and3A_233 = arith.andi %get3A_223, %and3A_232 : vector<16xi32>
      %swap3A_234 = arith.constant 0 : index
      %swap3A_235 = tpu.vector_load %arg9[%swap3A_234] {strides = array<i32>} : memref<128xi32, #tpu.memory_space<vmem>>, vector<16xi32>,
      %swap3A_236 = vector.shape_cast %swap3A_235 : vector<16xi32> to vector<16xi32>
      %swap3A_237 = vector.shape_cast %and3A_233 : vector<16xi32> to vector<16xi32>
      tpu.vector_store %arg9[%swap3A_234], %swap3A_237 {strides = array<i32>} : memref<128xi32, #tpu.memory_space<vmem>>, vector<16xi32>,
      %get3A_238 = arith.index_cast %add3A_219 : i32 to index
      %get3A_239 = arith.constant 16 : index
      %get3A_240 = tpu.vector_load %arg5[%get3A_238, %get3A_239] {strides = array<i32>} : memref<128x128xi32, #tpu.memory_space<vmem>>, vector<1x16xi32>,
      %get3A_241 = vector.shape_cast %get3A_240 : vector<1x16xi32> to vector<16xi32>
      %shift_right_logical3A_242 = arith.constant 14 : i32
      %shift_right_logical3A_243 = vector.broadcast %shift_right_logical3A_242 : i32 to vector<16xi32>
      %shift_right_logical3A_244 = arith.shrui %get3A_241, %shift_right_logical3A_243 : vector<16xi32>
      %swap3A_245 = arith.constant 16 : index
      %swap3A_246 = tpu.vector_load %arg8[%swap3A_245] {strides = array<i32>} : memref<128xi32, #tpu.memory_space<vmem>>, vector<16xi32>,
      %swap3A_247 = vector.shape_cast %swap3A_246 : vector<16xi32> to vector<16xi32>
      %swap3A_248 = vector.shape_cast %shift_right_logical3A_244 : vector<16xi32> to vector<16xi32>
      tpu.vector_store %arg8[%swap3A_245], %swap3A_248 {strides = array<i32>} : memref<128xi32, #tpu.memory_space<vmem>>, vector<16xi32>,
      %and3A_249 = arith.constant 16383 : i32
      %and3A_250 = vector.broadcast %and3A_249 : i32 to vector<16xi32>
      %and3A_251 = arith.andi %get3A_241, %and3A_250 : vector<16xi32>
      %swap3A_252 = arith.constant 16 : index
      %swap3A_253 = tpu.vector_load %arg9[%swap3A_252] {strides = array<i32>} : memref<128xi32, #tpu.memory_space<vmem>>, vector<16xi32>,
      %swap3A_254 = vector.shape_cast %swap3A_253 : vector<16xi32> to vector<16xi32>
      %swap3A_255 = vector.shape_cast %and3A_251 : vector<16xi32> to vector<16xi32>
      tpu.vector_store %arg9[%swap3A_252], %swap3A_255 {strides = array<i32>} : memref<128xi32, #tpu.memory_space<vmem>>, vector<16xi32>,
      %get3A_256 = arith.index_cast %add3A_219 : i32 to index
      %get3A_257 = arith.constant 32 : index
      %get3A_258 = tpu.vector_load %arg5[%get3A_256, %get3A_257] {strides = array<i32>} : memref<128x128xi32, #tpu.memory_space<vmem>>, vector<1x16xi32>,
      %get3A_259 = vector.shape_cast %get3A_258 : vector<1x16xi32> to vector<16xi32>
      %shift_right_logical3A_260 = arith.constant 14 : i32
      %shift_right_logical3A_261 = vector.broadcast %shift_right_logical3A_260 : i32 to vector<16xi32>
      %shift_right_logical3A_262 = arith.shrui %get3A_259, %shift_right_logical3A_261 : vector<16xi32>
      %swap3A_263 = arith.constant 32 : index
      %swap3A_264 = tpu.vector_load %arg8[%swap3A_263] {strides = array<i32>} : memref<128xi32, #tpu.memory_space<vmem>>, vector<16xi32>,
      %swap3A_265 = vector.shape_cast %swap3A_264 : vector<16xi32> to vector<16xi32>
      %swap3A_266 = vector.shape_cast %shift_right_logical3A_262 : vector<16xi32> to vector<16xi32>
      tpu.vector_store %arg8[%swap3A_263], %swap3A_266 {strides = array<i32>} : memref<128xi32, #tpu.memory_space<vmem>>, vector<16xi32>,
      %and3A_267 = arith.constant 16383 : i32
      %and3A_268 = vector.broadcast %and3A_267 : i32 to vector<16xi32>
      %and3A_269 = arith.andi %get3A_259, %and3A_268 : vector<16xi32>
      %swap3A_270 = arith.constant 32 : index
      %swap3A_271 = tpu.vector_load %arg9[%swap3A_270] {strides = array<i32>} : memref<128xi32, #tpu.memory_space<vmem>>, vector<16xi32>,
      %swap3A_272 = vector.shape_cast %swap3A_271 : vector<16xi32> to vector<16xi32>
      %swap3A_273 = vector.shape_cast %and3A_269 : vector<16xi32> to vector<16xi32>
      tpu.vector_store %arg9[%swap3A_270], %swap3A_273 {strides = array<i32>} : memref<128xi32, #tpu.memory_space<vmem>>, vector<16xi32>,
      %get3A_274 = arith.index_cast %add3A_219 : i32 to index
      %get3A_275 = arith.constant 48 : index
      %get3A_276 = tpu.vector_load %arg5[%get3A_274, %get3A_275] {strides = array<i32>} : memref<128x128xi32, #tpu.memory_space<vmem>>, vector<1x16xi32>,
      %get3A_277 = vector.shape_cast %get3A_276 : vector<1x16xi32> to vector<16xi32>
      %shift_right_logical3A_278 = arith.constant 14 : i32
      %shift_right_logical3A_279 = vector.broadcast %shift_right_logical3A_278 : i32 to vector<16xi32>
      %shift_right_logical3A_280 = arith.shrui %get3A_277, %shift_right_logical3A_279 : vector<16xi32>
      %swap3A_281 = arith.constant 48 : index
      %swap3A_282 = tpu.vector_load %arg8[%swap3A_281] {strides = array<i32>} : memref<128xi32, #tpu.memory_space<vmem>>, vector<16xi32>,
      %swap3A_283 = vector.shape_cast %swap3A_282 : vector<16xi32> to vector<16xi32>
      %swap3A_284 = vector.shape_cast %shift_right_logical3A_280 : vector<16xi32> to vector<16xi32>
      tpu.vector_store %arg8[%swap3A_281], %swap3A_284 {strides = array<i32>} : memref<128xi32, #tpu.memory_space<vmem>>, vector<16xi32>,
      %and3A_285 = arith.constant 16383 : i32
      %and3A_286 = vector.broadcast %and3A_285 : i32 to vector<16xi32>
      %and3A_287 = arith.andi %get3A_277, %and3A_286 : vector<16xi32>
      %swap3A_288 = arith.constant 48 : index
      %swap3A_289 = tpu.vector_load %arg9[%swap3A_288] {strides = array<i32>} : memref<128xi32, #tpu.memory_space<vmem>>, vector<16xi32>,
      %swap3A_290 = vector.shape_cast %swap3A_289 : vector<16xi32> to vector<16xi32>
      %swap3A_291 = vector.shape_cast %and3A_287 : vector<16xi32> to vector<16xi32>
      tpu.vector_store %arg9[%swap3A_288], %swap3A_291 {strides = array<i32>} : memref<128xi32, #tpu.memory_space<vmem>>, vector<16xi32>,
      %get3A_292 = arith.index_cast %add3A_219 : i32 to index
      %get3A_293 = arith.constant 64 : index
      %get3A_294 = tpu.vector_load %arg5[%get3A_292, %get3A_293] {strides = array<i32>} : memref<128x128xi32, #tpu.memory_space<vmem>>, vector<1x16xi32>,
      %get3A_295 = vector.shape_cast %get3A_294 : vector<1x16xi32> to vector<16xi32>
      %shift_right_logical3A_296 = arith.constant 14 : i32
      %shift_right_logical3A_297 = vector.broadcast %shift_right_logical3A_296 : i32 to vector<16xi32>
      %shift_right_logical3A_298 = arith.shrui %get3A_295, %shift_right_logical3A_297 : vector<16xi32>
      %swap3A_299 = arith.constant 64 : index
      %swap3A_300 = tpu.vector_load %arg8[%swap3A_299] {strides = array<i32>} : memref<128xi32, #tpu.memory_space<vmem>>, vector<16xi32>,
      %swap3A_301 = vector.shape_cast %swap3A_300 : vector<16xi32> to vector<16xi32>
      %swap3A_302 = vector.shape_cast %shift_right_logical3A_298 : vector<16xi32> to vector<16xi32>
      tpu.vector_store %arg8[%swap3A_299], %swap3A_302 {strides = array<i32>} : memref<128xi32, #tpu.memory_space<vmem>>, vector<16xi32>,
      %and3A_303 = arith.constant 16383 : i32
      %and3A_304 = vector.broadcast %and3A_303 : i32 to vector<16xi32>
      %and3A_305 = arith.andi %get3A_295, %and3A_304 : vector<16xi32>
      %swap3A_306 = arith.constant 64 : index
      %swap3A_307 = tpu.vector_load %arg9[%swap3A_306] {strides = array<i32>} : memref<128xi32, #tpu.memory_space<vmem>>, vector<16xi32>,
      %swap3A_308 = vector.shape_cast %swap3A_307 : vector<16xi32> to vector<16xi32>
      %swap3A_309 = vector.shape_cast %and3A_305 : vector<16xi32> to vector<16xi32>
      tpu.vector_store %arg9[%swap3A_306], %swap3A_309 {strides = array<i32>} : memref<128xi32, #tpu.memory_space<vmem>>, vector<16xi32>,
      %get3A_310 = arith.index_cast %add3A_219 : i32 to index
      %get3A_311 = arith.constant 80 : index
      %get3A_312 = tpu.vector_load %arg5[%get3A_310, %get3A_311] {strides = array<i32>} : memref<128x128xi32, #tpu.memory_space<vmem>>, vector<1x16xi32>,
      %get3A_313 = vector.shape_cast %get3A_312 : vector<1x16xi32> to vector<16xi32>
      %shift_right_logical3A_314 = arith.constant 14 : i32
      %shift_right_logical3A_315 = vector.broadcast %shift_right_logical3A_314 : i32 to vector<16xi32>
      %shift_right_logical3A_316 = arith.shrui %get3A_313, %shift_right_logical3A_315 : vector<16xi32>
      %swap3A_317 = arith.constant 80 : index
      %swap3A_318 = tpu.vector_load %arg8[%swap3A_317] {strides = array<i32>} : memref<128xi32, #tpu.memory_space<vmem>>, vector<16xi32>,
      %swap3A_319 = vector.shape_cast %swap3A_318 : vector<16xi32> to vector<16xi32>
      %swap3A_320 = vector.shape_cast %shift_right_logical3A_316 : vector<16xi32> to vector<16xi32>
      tpu.vector_store %arg8[%swap3A_317], %swap3A_320 {strides = array<i32>} : memref<128xi32, #tpu.memory_space<vmem>>, vector<16xi32>,
      %and3A_321 = arith.constant 16383 : i32
      %and3A_322 = vector.broadcast %and3A_321 : i32 to vector<16xi32>
      %and3A_323 = arith.andi %get3A_313, %and3A_322 : vector<16xi32>
      %swap3A_324 = arith.constant 80 : index
      %swap3A_325 = tpu.vector_load %arg9[%swap3A_324] {strides = array<i32>} : memref<128xi32, #tpu.memory_space<vmem>>, vector<16xi32>,
      %swap3A_326 = vector.shape_cast %swap3A_325 : vector<16xi32> to vector<16xi32>
      %swap3A_327 = vector.shape_cast %and3A_323 : vector<16xi32> to vector<16xi32>
      tpu.vector_store %arg9[%swap3A_324], %swap3A_327 {strides = array<i32>} : memref<128xi32, #tpu.memory_space<vmem>>, vector<16xi32>,
      %get3A_328 = arith.index_cast %add3A_219 : i32 to index
      %get3A_329 = arith.constant 96 : index
      %get3A_330 = tpu.vector_load %arg5[%get3A_328, %get3A_329] {strides = array<i32>} : memref<128x128xi32, #tpu.memory_space<vmem>>, vector<1x16xi32>,
      %get3A_331 = vector.shape_cast %get3A_330 : vector<1x16xi32> to vector<16xi32>
      %shift_right_logical3A_332 = arith.constant 14 : i32
      %shift_right_logical3A_333 = vector.broadcast %shift_right_logical3A_332 : i32 to vector<16xi32>
      %shift_right_logical3A_334 = arith.shrui %get3A_331, %shift_right_logical3A_333 : vector<16xi32>
      %swap3A_335 = arith.constant 96 : index
      %swap3A_336 = tpu.vector_load %arg8[%swap3A_335] {strides = array<i32>} : memref<128xi32, #tpu.memory_space<vmem>>, vector<16xi32>,
      %swap3A_337 = vector.shape_cast %swap3A_336 : vector<16xi32> to vector<16xi32>
      %swap3A_338 = vector.shape_cast %shift_right_logical3A_334 : vector<16xi32> to vector<16xi32>
      tpu.vector_store %arg8[%swap3A_335], %swap3A_338 {strides = array<i32>} : memref<128xi32, #tpu.memory_space<vmem>>, vector<16xi32>,
      %and3A_339 = arith.constant 16383 : i32
      %and3A_340 = vector.broadcast %and3A_339 : i32 to vector<16xi32>
      %and3A_341 = arith.andi %get3A_331, %and3A_340 : vector<16xi32>
      %swap3A_342 = arith.constant 96 : index
      %swap3A_343 = tpu.vector_load %arg9[%swap3A_342] {strides = array<i32>} : memref<128xi32, #tpu.memory_space<vmem>>, vector<16xi32>,
      %swap3A_344 = vector.shape_cast %swap3A_343 : vector<16xi32> to vector<16xi32>
      %swap3A_345 = vector.shape_cast %and3A_341 : vector<16xi32> to vector<16xi32>
      tpu.vector_store %arg9[%swap3A_342], %swap3A_345 {strides = array<i32>} : memref<128xi32, #tpu.memory_space<vmem>>, vector<16xi32>,
      %get3A_346 = arith.index_cast %add3A_219 : i32 to index
      %get3A_347 = arith.constant 112 : index
      %get3A_348 = tpu.vector_load %arg5[%get3A_346, %get3A_347] {strides = array<i32>} : memref<128x128xi32, #tpu.memory_space<vmem>>, vector<1x16xi32>,
      %get3A_349 = vector.shape_cast %get3A_348 : vector<1x16xi32> to vector<16xi32>
      %shift_right_logical3A_350 = arith.constant 14 : i32
      %shift_right_logical3A_351 = vector.broadcast %shift_right_logical3A_350 : i32 to vector<16xi32>
      %shift_right_logical3A_352 = arith.shrui %get3A_349, %shift_right_logical3A_351 : vector<16xi32>
      %swap3A_353 = arith.constant 112 : index
      %swap3A_354 = tpu.vector_load %arg8[%swap3A_353] {strides = array<i32>} : memref<128xi32, #tpu.memory_space<vmem>>, vector<16xi32>,
      %swap3A_355 = vector.shape_cast %swap3A_354 : vector<16xi32> to vector<16xi32>
      %swap3A_356 = vector.shape_cast %shift_right_logical3A_352 : vector<16xi32> to vector<16xi32>
      tpu.vector_store %arg8[%swap3A_353], %swap3A_356 {strides = array<i32>} : memref<128xi32, #tpu.memory_space<vmem>>, vector<16xi32>,
      %and3A_357 = arith.constant 16383 : i32
      %and3A_358 = vector.broadcast %and3A_357 : i32 to vector<16xi32>
      %and3A_359 = arith.andi %get3A_349, %and3A_358 : vector<16xi32>
      %swap3A_360 = arith.constant 112 : index
      %swap3A_361 = tpu.vector_load %arg9[%swap3A_360] {strides = array<i32>} : memref<128xi32, #tpu.memory_space<vmem>>, vector<16xi32>,
      %swap3A_362 = vector.shape_cast %swap3A_361 : vector<16xi32> to vector<16xi32>
      %swap3A_363 = vector.shape_cast %and3A_359 : vector<16xi32> to vector<16xi32>
      tpu.vector_store %arg9[%swap3A_360], %swap3A_363 {strides = array<i32>} : memref<128xi32, #tpu.memory_space<vmem>>, vector<16xi32>,
      %dma_start3A_364 = arith.constant 0 : i32
      %dma_start3A_365 = arith.constant 0 : i32
      %dma_start3A_366 = tpu.memref_slice %arg2[%dma_start3A_364, %dma_start3A_365] : memref<10112x128xf32, #tpu.memory_space<hbm>> -> memref<10112x128xf32, #tpu.memory_space<hbm>>
      tpu.enqueue_indirect_dma source(%dma_start3A_366 : memref<10112x128xf32, #tpu.memory_space<hbm>>) target(%arg11 : memref<128x128xf32, #tpu.memory_space<vmem>>) offsets(%arg8 : memref<128xi32, #tpu.memory_space<vmem>>) semaphore(%arg14 : memref<!tpu.dma_semaphore, #tpu.memory_space<semaphore_mem>>)
      %dma_wait3A_367 = arith.constant 0 : i32
      %dma_wait3A_368 = arith.constant 0 : i32
      %dma_wait3A_369 = tpu.memref_slice %arg2[%dma_wait3A_367, %dma_wait3A_368] : memref<10112x128xf32, #tpu.memory_space<hbm>> -> memref<10112x128xf32, #tpu.memory_space<hbm>>
      tpu.wait_indirect_dma semaphore(%arg13 : memref<!tpu.dma_semaphore, #tpu.memory_space<semaphore_mem>>) src(%dma_wait3A_369 : memref<10112x128xf32, #tpu.memory_space<hbm>>) dst(%arg10 : memref<128x128xf32, #tpu.memory_space<vmem>>)
      "tpu.region"() ({
        %run_scoped3A = tpu.sem_alloc : memref<!tpu.dma_semaphore, #tpu.memory_space<semaphore_mem>>
        %dma_start3A_524 = arith.constant 0 : i32
        %dma_start3A_525 = arith.constant 0 : i32
        %dma_start3A_526 = tpu.memref_slice %arg12[%dma_start3A_524, %dma_start3A_525] : memref<10112x128xf32, #tpu.memory_space<vmem_shared>> -> memref<10112x128xf32, #tpu.memory_space<vmem_shared>>
        tpu.enqueue_indirect_dma source(%arg10 : memref<128x128xf32, #tpu.memory_space<vmem>>) target(%dma_start3A_526 : memref<10112x128xf32, #tpu.memory_space<vmem_shared>>) offsets(%arg7 : memref<128xi32, #tpu.memory_space<vmem>>) semaphore(%run_scoped3A : memref<!tpu.dma_semaphore, #tpu.memory_space<semaphore_mem>>) {add = true}
        %dma_wait3A_527 = arith.constant 0 : i32
        %dma_wait3A_528 = arith.constant 0 : i32
        %dma_wait3A_529 = tpu.memref_slice %arg12[%dma_wait3A_527, %dma_wait3A_528] : memref<10112x128xf32, #tpu.memory_space<vmem_shared>> -> memref<10112x128xf32, #tpu.memory_space<vmem_shared>>
        tpu.wait_indirect_dma semaphore(%run_scoped3A : memref<!tpu.dma_semaphore, #tpu.memory_space<semaphore_mem>>) src(%arg10 : memref<128x128xf32, #tpu.memory_space<vmem>>) dst(%dma_wait3A_529 : memref<10112x128xf32, #tpu.memory_space<vmem_shared>>)
        tpu.yield
      }) : () -> ()
      %add3A_370 = arith.constant 2 : i32
      %add3A_371 = arith.addi %mul3A_217, %add3A_370 : i32
      %sub3A_372 = arith.constant 1 : i32
      %sub3A_373 = arith.subi %select_n3A, %sub3A_372 : i32
      %min3A = arith.minsi %add3A_371, %sub3A_373 : i32
      %get3A_374 = arith.index_cast %min3A : i32 to index
      %get3A_375 = arith.constant 0 : index
      %get3A_376 = tpu.vector_load %arg5[%get3A_374, %get3A_375] {strides = array<i32>} : memref<128x128xi32, #tpu.memory_space<vmem>>, vector<1x16xi32>,
      %get3A_377 = vector.shape_cast %get3A_376 : vector<1x16xi32> to vector<16xi32>
      %shift_right_logical3A_378 = arith.constant 14 : i32
      %shift_right_logical3A_379 = vector.broadcast %shift_right_logical3A_378 : i32 to vector<16xi32>
      %shift_right_logical3A_380 = arith.shrui %get3A_377, %shift_right_logical3A_379 : vector<16xi32>
      %swap3A_381 = arith.constant 0 : index
      %swap3A_382 = tpu.vector_load %arg6[%swap3A_381] {strides = array<i32>} : memref<128xi32, #tpu.memory_space<vmem>>, vector<16xi32>,
      %swap3A_383 = vector.shape_cast %swap3A_382 : vector<16xi32> to vector<16xi32>
      %swap3A_384 = vector.shape_cast %shift_right_logical3A_380 : vector<16xi32> to vector<16xi32>
      tpu.vector_store %arg6[%swap3A_381], %swap3A_384 {strides = array<i32>} : memref<128xi32, #tpu.memory_space<vmem>>, vector<16xi32>,
      %and3A_385 = arith.constant 16383 : i32
      %and3A_386 = vector.broadcast %and3A_385 : i32 to vector<16xi32>
      %and3A_387 = arith.andi %get3A_377, %and3A_386 : vector<16xi32>
      %swap3A_388 = arith.constant 0 : index
      %swap3A_389 = tpu.vector_load %arg7[%swap3A_388] {strides = array<i32>} : memref<128xi32, #tpu.memory_space<vmem>>, vector<16xi32>,
      %swap3A_390 = vector.shape_cast %swap3A_389 : vector<16xi32> to vector<16xi32>
      %swap3A_391 = vector.shape_cast %and3A_387 : vector<16xi32> to vector<16xi32>
      tpu.vector_store %arg7[%swap3A_388], %swap3A_391 {strides = array<i32>} : memref<128xi32, #tpu.memory_space<vmem>>, vector<16xi32>,
      %get3A_392 = arith.index_cast %min3A : i32 to index
      %get3A_393 = arith.constant 16 : index
      %get3A_394 = tpu.vector_load %arg5[%get3A_392, %get3A_393] {strides = array<i32>} : memref<128x128xi32, #tpu.memory_space<vmem>>, vector<1x16xi32>,
      %get3A_395 = vector.shape_cast %get3A_394 : vector<1x16xi32> to vector<16xi32>
      %shift_right_logical3A_396 = arith.constant 14 : i32
      %shift_right_logical3A_397 = vector.broadcast %shift_right_logical3A_396 : i32 to vector<16xi32>
      %shift_right_logical3A_398 = arith.shrui %get3A_395, %shift_right_logical3A_397 : vector<16xi32>
      %swap3A_399 = arith.constant 16 : index
      %swap3A_400 = tpu.vector_load %arg6[%swap3A_399] {strides = array<i32>} : memref<128xi32, #tpu.memory_space<vmem>>, vector<16xi32>,
      %swap3A_401 = vector.shape_cast %swap3A_400 : vector<16xi32> to vector<16xi32>
      %swap3A_402 = vector.shape_cast %shift_right_logical3A_398 : vector<16xi32> to vector<16xi32>
      tpu.vector_store %arg6[%swap3A_399], %swap3A_402 {strides = array<i32>} : memref<128xi32, #tpu.memory_space<vmem>>, vector<16xi32>,
      %and3A_403 = arith.constant 16383 : i32
      %and3A_404 = vector.broadcast %and3A_403 : i32 to vector<16xi32>
      %and3A_405 = arith.andi %get3A_395, %and3A_404 : vector<16xi32>
      %swap3A_406 = arith.constant 16 : index
      %swap3A_407 = tpu.vector_load %arg7[%swap3A_406] {strides = array<i32>} : memref<128xi32, #tpu.memory_space<vmem>>, vector<16xi32>,
      %swap3A_408 = vector.shape_cast %swap3A_407 : vector<16xi32> to vector<16xi32>
      %swap3A_409 = vector.shape_cast %and3A_405 : vector<16xi32> to vector<16xi32>
      tpu.vector_store %arg7[%swap3A_406], %swap3A_409 {strides = array<i32>} : memref<128xi32, #tpu.memory_space<vmem>>, vector<16xi32>,
      %get3A_410 = arith.index_cast %min3A : i32 to index
      %get3A_411 = arith.constant 32 : index
      %get3A_412 = tpu.vector_load %arg5[%get3A_410, %get3A_411] {strides = array<i32>} : memref<128x128xi32, #tpu.memory_space<vmem>>, vector<1x16xi32>,
      %get3A_413 = vector.shape_cast %get3A_412 : vector<1x16xi32> to vector<16xi32>
      %shift_right_logical3A_414 = arith.constant 14 : i32
      %shift_right_logical3A_415 = vector.broadcast %shift_right_logical3A_414 : i32 to vector<16xi32>
      %shift_right_logical3A_416 = arith.shrui %get3A_413, %shift_right_logical3A_415 : vector<16xi32>
      %swap3A_417 = arith.constant 32 : index
      %swap3A_418 = tpu.vector_load %arg6[%swap3A_417] {strides = array<i32>} : memref<128xi32, #tpu.memory_space<vmem>>, vector<16xi32>,
      %swap3A_419 = vector.shape_cast %swap3A_418 : vector<16xi32> to vector<16xi32>
      %swap3A_420 = vector.shape_cast %shift_right_logical3A_416 : vector<16xi32> to vector<16xi32>
      tpu.vector_store %arg6[%swap3A_417], %swap3A_420 {strides = array<i32>} : memref<128xi32, #tpu.memory_space<vmem>>, vector<16xi32>,
      %and3A_421 = arith.constant 16383 : i32
      %and3A_422 = vector.broadcast %and3A_421 : i32 to vector<16xi32>
      %and3A_423 = arith.andi %get3A_413, %and3A_422 : vector<16xi32>
      %swap3A_424 = arith.constant 32 : index
      %swap3A_425 = tpu.vector_load %arg7[%swap3A_424] {strides = array<i32>} : memref<128xi32, #tpu.memory_space<vmem>>, vector<16xi32>,
      %swap3A_426 = vector.shape_cast %swap3A_425 : vector<16xi32> to vector<16xi32>
      %swap3A_427 = vector.shape_cast %and3A_423 : vector<16xi32> to vector<16xi32>
      tpu.vector_store %arg7[%swap3A_424], %swap3A_427 {strides = array<i32>} : memref<128xi32, #tpu.memory_space<vmem>>, vector<16xi32>,
      %get3A_428 = arith.index_cast %min3A : i32 to index
      %get3A_429 = arith.constant 48 : index
      %get3A_430 = tpu.vector_load %arg5[%get3A_428, %get3A_429] {strides = array<i32>} : memref<128x128xi32, #tpu.memory_space<vmem>>, vector<1x16xi32>,
      %get3A_431 = vector.shape_cast %get3A_430 : vector<1x16xi32> to vector<16xi32>
      %shift_right_logical3A_432 = arith.constant 14 : i32
      %shift_right_logical3A_433 = vector.broadcast %shift_right_logical3A_432 : i32 to vector<16xi32>
      %shift_right_logical3A_434 = arith.shrui %get3A_431, %shift_right_logical3A_433 : vector<16xi32>
      %swap3A_435 = arith.constant 48 : index
      %swap3A_436 = tpu.vector_load %arg6[%swap3A_435] {strides = array<i32>} : memref<128xi32, #tpu.memory_space<vmem>>, vector<16xi32>,
      %swap3A_437 = vector.shape_cast %swap3A_436 : vector<16xi32> to vector<16xi32>
      %swap3A_438 = vector.shape_cast %shift_right_logical3A_434 : vector<16xi32> to vector<16xi32>
      tpu.vector_store %arg6[%swap3A_435], %swap3A_438 {strides = array<i32>} : memref<128xi32, #tpu.memory_space<vmem>>, vector<16xi32>,
      %and3A_439 = arith.constant 16383 : i32
      %and3A_440 = vector.broadcast %and3A_439 : i32 to vector<16xi32>
      %and3A_441 = arith.andi %get3A_431, %and3A_440 : vector<16xi32>
      %swap3A_442 = arith.constant 48 : index
      %swap3A_443 = tpu.vector_load %arg7[%swap3A_442] {strides = array<i32>} : memref<128xi32, #tpu.memory_space<vmem>>, vector<16xi32>,
      %swap3A_444 = vector.shape_cast %swap3A_443 : vector<16xi32> to vector<16xi32>
      %swap3A_445 = vector.shape_cast %and3A_441 : vector<16xi32> to vector<16xi32>
      tpu.vector_store %arg7[%swap3A_442], %swap3A_445 {strides = array<i32>} : memref<128xi32, #tpu.memory_space<vmem>>, vector<16xi32>,
      %get3A_446 = arith.index_cast %min3A : i32 to index
      %get3A_447 = arith.constant 64 : index
      %get3A_448 = tpu.vector_load %arg5[%get3A_446, %get3A_447] {strides = array<i32>} : memref<128x128xi32, #tpu.memory_space<vmem>>, vector<1x16xi32>,
      %get3A_449 = vector.shape_cast %get3A_448 : vector<1x16xi32> to vector<16xi32>
      %shift_right_logical3A_450 = arith.constant 14 : i32
      %shift_right_logical3A_451 = vector.broadcast %shift_right_logical3A_450 : i32 to vector<16xi32>
      %shift_right_logical3A_452 = arith.shrui %get3A_449, %shift_right_logical3A_451 : vector<16xi32>
      %swap3A_453 = arith.constant 64 : index
      %swap3A_454 = tpu.vector_load %arg6[%swap3A_453] {strides = array<i32>} : memref<128xi32, #tpu.memory_space<vmem>>, vector<16xi32>,
      %swap3A_455 = vector.shape_cast %swap3A_454 : vector<16xi32> to vector<16xi32>
      %swap3A_456 = vector.shape_cast %shift_right_logical3A_452 : vector<16xi32> to vector<16xi32>
      tpu.vector_store %arg6[%swap3A_453], %swap3A_456 {strides = array<i32>} : memref<128xi32, #tpu.memory_space<vmem>>, vector<16xi32>,
      %and3A_457 = arith.constant 16383 : i32
      %and3A_458 = vector.broadcast %and3A_457 : i32 to vector<16xi32>
      %and3A_459 = arith.andi %get3A_449, %and3A_458 : vector<16xi32>
      %swap3A_460 = arith.constant 64 : index
      %swap3A_461 = tpu.vector_load %arg7[%swap3A_460] {strides = array<i32>} : memref<128xi32, #tpu.memory_space<vmem>>, vector<16xi32>,
      %swap3A_462 = vector.shape_cast %swap3A_461 : vector<16xi32> to vector<16xi32>
      %swap3A_463 = vector.shape_cast %and3A_459 : vector<16xi32> to vector<16xi32>
      tpu.vector_store %arg7[%swap3A_460], %swap3A_463 {strides = array<i32>} : memref<128xi32, #tpu.memory_space<vmem>>, vector<16xi32>,
      %get3A_464 = arith.index_cast %min3A : i32 to index
      %get3A_465 = arith.constant 80 : index
      %get3A_466 = tpu.vector_load %arg5[%get3A_464, %get3A_465] {strides = array<i32>} : memref<128x128xi32, #tpu.memory_space<vmem>>, vector<1x16xi32>,
      %get3A_467 = vector.shape_cast %get3A_466 : vector<1x16xi32> to vector<16xi32>
      %shift_right_logical3A_468 = arith.constant 14 : i32
      %shift_right_logical3A_469 = vector.broadcast %shift_right_logical3A_468 : i32 to vector<16xi32>
      %shift_right_logical3A_470 = arith.shrui %get3A_467, %shift_right_logical3A_469 : vector<16xi32>
      %swap3A_471 = arith.constant 80 : index
      %swap3A_472 = tpu.vector_load %arg6[%swap3A_471] {strides = array<i32>} : memref<128xi32, #tpu.memory_space<vmem>>, vector<16xi32>,
      %swap3A_473 = vector.shape_cast %swap3A_472 : vector<16xi32> to vector<16xi32>
      %swap3A_474 = vector.shape_cast %shift_right_logical3A_470 : vector<16xi32> to vector<16xi32>
      tpu.vector_store %arg6[%swap3A_471], %swap3A_474 {strides = array<i32>} : memref<128xi32, #tpu.memory_space<vmem>>, vector<16xi32>,
      %and3A_475 = arith.constant 16383 : i32
      %and3A_476 = vector.broadcast %and3A_475 : i32 to vector<16xi32>
      %and3A_477 = arith.andi %get3A_467, %and3A_476 : vector<16xi32>
      %swap3A_478 = arith.constant 80 : index
      %swap3A_479 = tpu.vector_load %arg7[%swap3A_478] {strides = array<i32>} : memref<128xi32, #tpu.memory_space<vmem>>, vector<16xi32>,
      %swap3A_480 = vector.shape_cast %swap3A_479 : vector<16xi32> to vector<16xi32>
      %swap3A_481 = vector.shape_cast %and3A_477 : vector<16xi32> to vector<16xi32>
      tpu.vector_store %arg7[%swap3A_478], %swap3A_481 {strides = array<i32>} : memref<128xi32, #tpu.memory_space<vmem>>, vector<16xi32>,
      %get3A_482 = arith.index_cast %min3A : i32 to index
      %get3A_483 = arith.constant 96 : index
      %get3A_484 = tpu.vector_load %arg5[%get3A_482, %get3A_483] {strides = array<i32>} : memref<128x128xi32, #tpu.memory_space<vmem>>, vector<1x16xi32>,
      %get3A_485 = vector.shape_cast %get3A_484 : vector<1x16xi32> to vector<16xi32>
      %shift_right_logical3A_486 = arith.constant 14 : i32
      %shift_right_logical3A_487 = vector.broadcast %shift_right_logical3A_486 : i32 to vector<16xi32>
      %shift_right_logical3A_488 = arith.shrui %get3A_485, %shift_right_logical3A_487 : vector<16xi32>
      %swap3A_489 = arith.constant 96 : index
      %swap3A_490 = tpu.vector_load %arg6[%swap3A_489] {strides = array<i32>} : memref<128xi32, #tpu.memory_space<vmem>>, vector<16xi32>,
      %swap3A_491 = vector.shape_cast %swap3A_490 : vector<16xi32> to vector<16xi32>
      %swap3A_492 = vector.shape_cast %shift_right_logical3A_488 : vector<16xi32> to vector<16xi32>
      tpu.vector_store %arg6[%swap3A_489], %swap3A_492 {strides = array<i32>} : memref<128xi32, #tpu.memory_space<vmem>>, vector<16xi32>,
      %and3A_493 = arith.constant 16383 : i32
      %and3A_494 = vector.broadcast %and3A_493 : i32 to vector<16xi32>
      %and3A_495 = arith.andi %get3A_485, %and3A_494 : vector<16xi32>
      %swap3A_496 = arith.constant 96 : index
      %swap3A_497 = tpu.vector_load %arg7[%swap3A_496] {strides = array<i32>} : memref<128xi32, #tpu.memory_space<vmem>>, vector<16xi32>,
      %swap3A_498 = vector.shape_cast %swap3A_497 : vector<16xi32> to vector<16xi32>
      %swap3A_499 = vector.shape_cast %and3A_495 : vector<16xi32> to vector<16xi32>
      tpu.vector_store %arg7[%swap3A_496], %swap3A_499 {strides = array<i32>} : memref<128xi32, #tpu.memory_space<vmem>>, vector<16xi32>,
      %get3A_500 = arith.index_cast %min3A : i32 to index
      %get3A_501 = arith.constant 112 : index
      %get3A_502 = tpu.vector_load %arg5[%get3A_500, %get3A_501] {strides = array<i32>} : memref<128x128xi32, #tpu.memory_space<vmem>>, vector<1x16xi32>,
      %get3A_503 = vector.shape_cast %get3A_502 : vector<1x16xi32> to vector<16xi32>
      %shift_right_logical3A_504 = arith.constant 14 : i32
      %shift_right_logical3A_505 = vector.broadcast %shift_right_logical3A_504 : i32 to vector<16xi32>
      %shift_right_logical3A_506 = arith.shrui %get3A_503, %shift_right_logical3A_505 : vector<16xi32>
      %swap3A_507 = arith.constant 112 : index
      %swap3A_508 = tpu.vector_load %arg6[%swap3A_507] {strides = array<i32>} : memref<128xi32, #tpu.memory_space<vmem>>, vector<16xi32>,
      %swap3A_509 = vector.shape_cast %swap3A_508 : vector<16xi32> to vector<16xi32>
      %swap3A_510 = vector.shape_cast %shift_right_logical3A_506 : vector<16xi32> to vector<16xi32>
      tpu.vector_store %arg6[%swap3A_507], %swap3A_510 {strides = array<i32>} : memref<128xi32, #tpu.memory_space<vmem>>, vector<16xi32>,
      %and3A_511 = arith.constant 16383 : i32
      %and3A_512 = vector.broadcast %and3A_511 : i32 to vector<16xi32>
      %and3A_513 = arith.andi %get3A_503, %and3A_512 : vector<16xi32>
      %swap3A_514 = arith.constant 112 : index
      %swap3A_515 = tpu.vector_load %arg7[%swap3A_514] {strides = array<i32>} : memref<128xi32, #tpu.memory_space<vmem>>, vector<16xi32>,
      %swap3A_516 = vector.shape_cast %swap3A_515 : vector<16xi32> to vector<16xi32>
      %swap3A_517 = vector.shape_cast %and3A_513 : vector<16xi32> to vector<16xi32>
      tpu.vector_store %arg7[%swap3A_514], %swap3A_517 {strides = array<i32>} : memref<128xi32, #tpu.memory_space<vmem>>, vector<16xi32>,
      %dma_start3A_518 = arith.constant 0 : i32
      %dma_start3A_519 = arith.constant 0 : i32
      %dma_start3A_520 = tpu.memref_slice %arg2[%dma_start3A_518, %dma_start3A_519] : memref<10112x128xf32, #tpu.memory_space<hbm>> -> memref<10112x128xf32, #tpu.memory_space<hbm>>
      tpu.enqueue_indirect_dma source(%dma_start3A_520 : memref<10112x128xf32, #tpu.memory_space<hbm>>) target(%arg10 : memref<128x128xf32, #tpu.memory_space<vmem>>) offsets(%arg6 : memref<128xi32, #tpu.memory_space<vmem>>) semaphore(%arg13 : memref<!tpu.dma_semaphore, #tpu.memory_space<semaphore_mem>>)
      %dma_wait3A_521 = arith.constant 0 : i32
      %dma_wait3A_522 = arith.constant 0 : i32
      %dma_wait3A_523 = tpu.memref_slice %arg2[%dma_wait3A_521, %dma_wait3A_522] : memref<10112x128xf32, #tpu.memory_space<hbm>> -> memref<10112x128xf32, #tpu.memory_space<hbm>>
      tpu.wait_indirect_dma semaphore(%arg14 : memref<!tpu.dma_semaphore, #tpu.memory_space<semaphore_mem>>) src(%dma_wait3A_523 : memref<10112x128xf32, #tpu.memory_space<hbm>>) dst(%arg11 : memref<128x128xf32, #tpu.memory_space<vmem>>)
      "tpu.region"() ({
        %run_scoped3A = tpu.sem_alloc : memref<!tpu.dma_semaphore, #tpu.memory_space<semaphore_mem>>
        %dma_start3A_524 = arith.constant 0 : i32
        %dma_start3A_525 = arith.constant 0 : i32
        %dma_start3A_526 = tpu.memref_slice %arg12[%dma_start3A_524, %dma_start3A_525] : memref<10112x128xf32, #tpu.memory_space<vmem_shared>> -> memref<10112x128xf32, #tpu.memory_space<vmem_shared>>
        tpu.enqueue_indirect_dma source(%arg11 : memref<128x128xf32, #tpu.memory_space<vmem>>) target(%dma_start3A_526 : memref<10112x128xf32, #tpu.memory_space<vmem_shared>>) offsets(%arg9 : memref<128xi32, #tpu.memory_space<vmem>>) semaphore(%run_scoped3A : memref<!tpu.dma_semaphore, #tpu.memory_space<semaphore_mem>>) {add = true}
        %dma_wait3A_527 = arith.constant 0 : i32
        %dma_wait3A_528 = arith.constant 0 : i32
        %dma_wait3A_529 = tpu.memref_slice %arg12[%dma_wait3A_527, %dma_wait3A_528] : memref<10112x128xf32, #tpu.memory_space<vmem_shared>> -> memref<10112x128xf32, #tpu.memory_space<vmem_shared>>
        tpu.wait_indirect_dma semaphore(%run_scoped3A : memref<!tpu.dma_semaphore, #tpu.memory_space<semaphore_mem>>) src(%arg11 : memref<128x128xf32, #tpu.memory_space<vmem>>) dst(%dma_wait3A_529 : memref<10112x128xf32, #tpu.memory_space<vmem_shared>>)
        tpu.yield
      }) : () -> ()
    }
    %while3A_207 = arith.constant 1 : i32
    scf.for %while3A_215 = %while3A_205 to %while3A_201 step %while3A_207  : i32 {
      %mul3A_216 = arith.constant 2 : i32
      %mul3A_217 = arith.muli %while3A_215, %mul3A_216 : i32
      %add3A_218 = arith.constant 1 : i32
      %add3A_219 = arith.addi %mul3A_217, %add3A_218 : i32
      %get3A_220 = arith.index_cast %add3A_219 : i32 to index
      %get3A_221 = arith.constant 0 : index
      %get3A_222 = tpu.vector_load %arg5[%get3A_220, %get3A_221] {strides = array<i32>} : memref<128x128xi32, #tpu.memory_space<vmem>>, vector<1x16xi32>,
      %get3A_223 = vector.shape_cast %get3A_222 : vector<1x16xi32> to vector<16xi32>
      %shift_right_logical3A_224 = arith.constant 14 : i32
      %shift_right_logical3A_225 = vector.broadcast %shift_right_logical3A_224 : i32 to vector<16xi32>
      %shift_right_logical3A_226 = arith.shrui %get3A_223, %shift_right_logical3A_225 : vector<16xi32>
      %swap3A_227 = arith.constant 0 : index
      %swap3A_228 = tpu.vector_load %arg8[%swap3A_227] {strides = array<i32>} : memref<128xi32, #tpu.memory_space<vmem>>, vector<16xi32>,
      %swap3A_229 = vector.shape_cast %swap3A_228 : vector<16xi32> to vector<16xi32>
      %swap3A_230 = vector.shape_cast %shift_right_logical3A_226 : vector<16xi32> to vector<16xi32>
      tpu.vector_store %arg8[%swap3A_227], %swap3A_230 {strides = array<i32>} : memref<128xi32, #tpu.memory_space<vmem>>, vector<16xi32>,
      %and3A_231 = arith.constant 16383 : i32
      %and3A_232 = vector.broadcast %and3A_231 : i32 to vector<16xi32>
      %and3A_233 = arith.andi %get3A_223, %and3A_232 : vector<16xi32>
      %swap3A_234 = arith.constant 0 : index
      %swap3A_235 = tpu.vector_load %arg9[%swap3A_234] {strides = array<i32>} : memref<128xi32, #tpu.memory_space<vmem>>, vector<16xi32>,
      %swap3A_236 = vector.shape_cast %swap3A_235 : vector<16xi32> to vector<16xi32>
      %swap3A_237 = vector.shape_cast %and3A_233 : vector<16xi32> to vector<16xi32>
      tpu.vector_store %arg9[%swap3A_234], %swap3A_237 {strides = array<i32>} : memref<128xi32, #tpu.memory_space<vmem>>, vector<16xi32>,
      %get3A_238 = arith.index_cast %add3A_219 : i32 to index
      %get3A_239 = arith.constant 16 : index
      %get3A_240 = tpu.vector_load %arg5[%get3A_238, %get3A_239] {strides = array<i32>} : memref<128x128xi32, #tpu.memory_space<vmem>>, vector<1x16xi32>,
      %get3A_241 = vector.shape_cast %get3A_240 : vector<1x16xi32> to vector<16xi32>
      %shift_right_logical3A_242 = arith.constant 14 : i32
      %shift_right_logical3A_243 = vector.broadcast %shift_right_logical3A_242 : i32 to vector<16xi32>
      %shift_right_logical3A_244 = arith.shrui %get3A_241, %shift_right_logical3A_243 : vector<16xi32>
      %swap3A_245 = arith.constant 16 : index
      %swap3A_246 = tpu.vector_load %arg8[%swap3A_245] {strides = array<i32>} : memref<128xi32, #tpu.memory_space<vmem>>, vector<16xi32>,
      %swap3A_247 = vector.shape_cast %swap3A_246 : vector<16xi32> to vector<16xi32>
      %swap3A_248 = vector.shape_cast %shift_right_logical3A_244 : vector<16xi32> to vector<16xi32>
      tpu.vector_store %arg8[%swap3A_245], %swap3A_248 {strides = array<i32>} : memref<128xi32, #tpu.memory_space<vmem>>, vector<16xi32>,
      %and3A_249 = arith.constant 16383 : i32
      %and3A_250 = vector.broadcast %and3A_249 : i32 to vector<16xi32>
      %and3A_251 = arith.andi %get3A_241, %and3A_250 : vector<16xi32>
      %swap3A_252 = arith.constant 16 : index
      %swap3A_253 = tpu.vector_load %arg9[%swap3A_252] {strides = array<i32>} : memref<128xi32, #tpu.memory_space<vmem>>, vector<16xi32>,
      %swap3A_254 = vector.shape_cast %swap3A_253 : vector<16xi32> to vector<16xi32>
      %swap3A_255 = vector.shape_cast %and3A_251 : vector<16xi32> to vector<16xi32>
      tpu.vector_store %arg9[%swap3A_252], %swap3A_255 {strides = array<i32>} : memref<128xi32, #tpu.memory_space<vmem>>, vector<16xi32>,
      %get3A_256 = arith.index_cast %add3A_219 : i32 to index
      %get3A_257 = arith.constant 32 : index
      %get3A_258 = tpu.vector_load %arg5[%get3A_256, %get3A_257] {strides = array<i32>} : memref<128x128xi32, #tpu.memory_space<vmem>>, vector<1x16xi32>,
      %get3A_259 = vector.shape_cast %get3A_258 : vector<1x16xi32> to vector<16xi32>
      %shift_right_logical3A_260 = arith.constant 14 : i32
      %shift_right_logical3A_261 = vector.broadcast %shift_right_logical3A_260 : i32 to vector<16xi32>
      %shift_right_logical3A_262 = arith.shrui %get3A_259, %shift_right_logical3A_261 : vector<16xi32>
      %swap3A_263 = arith.constant 32 : index
      %swap3A_264 = tpu.vector_load %arg8[%swap3A_263] {strides = array<i32>} : memref<128xi32, #tpu.memory_space<vmem>>, vector<16xi32>,
      %swap3A_265 = vector.shape_cast %swap3A_264 : vector<16xi32> to vector<16xi32>
      %swap3A_266 = vector.shape_cast %shift_right_logical3A_262 : vector<16xi32> to vector<16xi32>
      tpu.vector_store %arg8[%swap3A_263], %swap3A_266 {strides = array<i32>} : memref<128xi32, #tpu.memory_space<vmem>>, vector<16xi32>,
      %and3A_267 = arith.constant 16383 : i32
      %and3A_268 = vector.broadcast %and3A_267 : i32 to vector<16xi32>
      %and3A_269 = arith.andi %get3A_259, %and3A_268 : vector<16xi32>
      %swap3A_270 = arith.constant 32 : index
      %swap3A_271 = tpu.vector_load %arg9[%swap3A_270] {strides = array<i32>} : memref<128xi32, #tpu.memory_space<vmem>>, vector<16xi32>,
      %swap3A_272 = vector.shape_cast %swap3A_271 : vector<16xi32> to vector<16xi32>
      %swap3A_273 = vector.shape_cast %and3A_269 : vector<16xi32> to vector<16xi32>
      tpu.vector_store %arg9[%swap3A_270], %swap3A_273 {strides = array<i32>} : memref<128xi32, #tpu.memory_space<vmem>>, vector<16xi32>,
      %get3A_274 = arith.index_cast %add3A_219 : i32 to index
      %get3A_275 = arith.constant 48 : index
      %get3A_276 = tpu.vector_load %arg5[%get3A_274, %get3A_275] {strides = array<i32>} : memref<128x128xi32, #tpu.memory_space<vmem>>, vector<1x16xi32>,
      %get3A_277 = vector.shape_cast %get3A_276 : vector<1x16xi32> to vector<16xi32>
      %shift_right_logical3A_278 = arith.constant 14 : i32
      %shift_right_logical3A_279 = vector.broadcast %shift_right_logical3A_278 : i32 to vector<16xi32>
      %shift_right_logical3A_280 = arith.shrui %get3A_277, %shift_right_logical3A_279 : vector<16xi32>
      %swap3A_281 = arith.constant 48 : index
      %swap3A_282 = tpu.vector_load %arg8[%swap3A_281] {strides = array<i32>} : memref<128xi32, #tpu.memory_space<vmem>>, vector<16xi32>,
      %swap3A_283 = vector.shape_cast %swap3A_282 : vector<16xi32> to vector<16xi32>
      %swap3A_284 = vector.shape_cast %shift_right_logical3A_280 : vector<16xi32> to vector<16xi32>
      tpu.vector_store %arg8[%swap3A_281], %swap3A_284 {strides = array<i32>} : memref<128xi32, #tpu.memory_space<vmem>>, vector<16xi32>,
      %and3A_285 = arith.constant 16383 : i32
      %and3A_286 = vector.broadcast %and3A_285 : i32 to vector<16xi32>
      %and3A_287 = arith.andi %get3A_277, %and3A_286 : vector<16xi32>
      %swap3A_288 = arith.constant 48 : index
      %swap3A_289 = tpu.vector_load %arg9[%swap3A_288] {strides = array<i32>} : memref<128xi32, #tpu.memory_space<vmem>>, vector<16xi32>,
      %swap3A_290 = vector.shape_cast %swap3A_289 : vector<16xi32> to vector<16xi32>
      %swap3A_291 = vector.shape_cast %and3A_287 : vector<16xi32> to vector<16xi32>
      tpu.vector_store %arg9[%swap3A_288], %swap3A_291 {strides = array<i32>} : memref<128xi32, #tpu.memory_space<vmem>>, vector<16xi32>,
      %get3A_292 = arith.index_cast %add3A_219 : i32 to index
      %get3A_293 = arith.constant 64 : index
      %get3A_294 = tpu.vector_load %arg5[%get3A_292, %get3A_293] {strides = array<i32>} : memref<128x128xi32, #tpu.memory_space<vmem>>, vector<1x16xi32>,
      %get3A_295 = vector.shape_cast %get3A_294 : vector<1x16xi32> to vector<16xi32>
      %shift_right_logical3A_296 = arith.constant 14 : i32
      %shift_right_logical3A_297 = vector.broadcast %shift_right_logical3A_296 : i32 to vector<16xi32>
      %shift_right_logical3A_298 = arith.shrui %get3A_295, %shift_right_logical3A_297 : vector<16xi32>
      %swap3A_299 = arith.constant 64 : index
      %swap3A_300 = tpu.vector_load %arg8[%swap3A_299] {strides = array<i32>} : memref<128xi32, #tpu.memory_space<vmem>>, vector<16xi32>,
      %swap3A_301 = vector.shape_cast %swap3A_300 : vector<16xi32> to vector<16xi32>
      %swap3A_302 = vector.shape_cast %shift_right_logical3A_298 : vector<16xi32> to vector<16xi32>
      tpu.vector_store %arg8[%swap3A_299], %swap3A_302 {strides = array<i32>} : memref<128xi32, #tpu.memory_space<vmem>>, vector<16xi32>,
      %and3A_303 = arith.constant 16383 : i32
      %and3A_304 = vector.broadcast %and3A_303 : i32 to vector<16xi32>
      %and3A_305 = arith.andi %get3A_295, %and3A_304 : vector<16xi32>
      %swap3A_306 = arith.constant 64 : index
      %swap3A_307 = tpu.vector_load %arg9[%swap3A_306] {strides = array<i32>} : memref<128xi32, #tpu.memory_space<vmem>>, vector<16xi32>,
      %swap3A_308 = vector.shape_cast %swap3A_307 : vector<16xi32> to vector<16xi32>
      %swap3A_309 = vector.shape_cast %and3A_305 : vector<16xi32> to vector<16xi32>
      tpu.vector_store %arg9[%swap3A_306], %swap3A_309 {strides = array<i32>} : memref<128xi32, #tpu.memory_space<vmem>>, vector<16xi32>,
      %get3A_310 = arith.index_cast %add3A_219 : i32 to index
      %get3A_311 = arith.constant 80 : index
      %get3A_312 = tpu.vector_load %arg5[%get3A_310, %get3A_311] {strides = array<i32>} : memref<128x128xi32, #tpu.memory_space<vmem>>, vector<1x16xi32>,
      %get3A_313 = vector.shape_cast %get3A_312 : vector<1x16xi32> to vector<16xi32>
      %shift_right_logical3A_314 = arith.constant 14 : i32
      %shift_right_logical3A_315 = vector.broadcast %shift_right_logical3A_314 : i32 to vector<16xi32>
      %shift_right_logical3A_316 = arith.shrui %get3A_313, %shift_right_logical3A_315 : vector<16xi32>
      %swap3A_317 = arith.constant 80 : index
      %swap3A_318 = tpu.vector_load %arg8[%swap3A_317] {strides = array<i32>} : memref<128xi32, #tpu.memory_space<vmem>>, vector<16xi32>,
      %swap3A_319 = vector.shape_cast %swap3A_318 : vector<16xi32> to vector<16xi32>
      %swap3A_320 = vector.shape_cast %shift_right_logical3A_316 : vector<16xi32> to vector<16xi32>
      tpu.vector_store %arg8[%swap3A_317], %swap3A_320 {strides = array<i32>} : memref<128xi32, #tpu.memory_space<vmem>>, vector<16xi32>,
      %and3A_321 = arith.constant 16383 : i32
      %and3A_322 = vector.broadcast %and3A_321 : i32 to vector<16xi32>
      %and3A_323 = arith.andi %get3A_313, %and3A_322 : vector<16xi32>
      %swap3A_324 = arith.constant 80 : index
      %swap3A_325 = tpu.vector_load %arg9[%swap3A_324] {strides = array<i32>} : memref<128xi32, #tpu.memory_space<vmem>>, vector<16xi32>,
      %swap3A_326 = vector.shape_cast %swap3A_325 : vector<16xi32> to vector<16xi32>
      %swap3A_327 = vector.shape_cast %and3A_323 : vector<16xi32> to vector<16xi32>
      tpu.vector_store %arg9[%swap3A_324], %swap3A_327 {strides = array<i32>} : memref<128xi32, #tpu.memory_space<vmem>>, vector<16xi32>,
      %get3A_328 = arith.index_cast %add3A_219 : i32 to index
      %get3A_329 = arith.constant 96 : index
      %get3A_330 = tpu.vector_load %arg5[%get3A_328, %get3A_329] {strides = array<i32>} : memref<128x128xi32, #tpu.memory_space<vmem>>, vector<1x16xi32>,
      %get3A_331 = vector.shape_cast %get3A_330 : vector<1x16xi32> to vector<16xi32>
      %shift_right_logical3A_332 = arith.constant 14 : i32
      %shift_right_logical3A_333 = vector.broadcast %shift_right_logical3A_332 : i32 to vector<16xi32>
      %shift_right_logical3A_334 = arith.shrui %get3A_331, %shift_right_logical3A_333 : vector<16xi32>
      %swap3A_335 = arith.constant 96 : index
      %swap3A_336 = tpu.vector_load %arg8[%swap3A_335] {strides = array<i32>} : memref<128xi32, #tpu.memory_space<vmem>>, vector<16xi32>,
      %swap3A_337 = vector.shape_cast %swap3A_336 : vector<16xi32> to vector<16xi32>
      %swap3A_338 = vector.shape_cast %shift_right_logical3A_334 : vector<16xi32> to vector<16xi32>
      tpu.vector_store %arg8[%swap3A_335], %swap3A_338 {strides = array<i32>} : memref<128xi32, #tpu.memory_space<vmem>>, vector<16xi32>,
      %and3A_339 = arith.constant 16383 : i32
      %and3A_340 = vector.broadcast %and3A_339 : i32 to vector<16xi32>
      %and3A_341 = arith.andi %get3A_331, %and3A_340 : vector<16xi32>
      %swap3A_342 = arith.constant 96 : index
      %swap3A_343 = tpu.vector_load %arg9[%swap3A_342] {strides = array<i32>} : memref<128xi32, #tpu.memory_space<vmem>>, vector<16xi32>,
      %swap3A_344 = vector.shape_cast %swap3A_343 : vector<16xi32> to vector<16xi32>
      %swap3A_345 = vector.shape_cast %and3A_341 : vector<16xi32> to vector<16xi32>
      tpu.vector_store %arg9[%swap3A_342], %swap3A_345 {strides = array<i32>} : memref<128xi32, #tpu.memory_space<vmem>>, vector<16xi32>,
      %get3A_346 = arith.index_cast %add3A_219 : i32 to index
      %get3A_347 = arith.constant 112 : index
      %get3A_348 = tpu.vector_load %arg5[%get3A_346, %get3A_347] {strides = array<i32>} : memref<128x128xi32, #tpu.memory_space<vmem>>, vector<1x16xi32>,
      %get3A_349 = vector.shape_cast %get3A_348 : vector<1x16xi32> to vector<16xi32>
      %shift_right_logical3A_350 = arith.constant 14 : i32
      %shift_right_logical3A_351 = vector.broadcast %shift_right_logical3A_350 : i32 to vector<16xi32>
      %shift_right_logical3A_352 = arith.shrui %get3A_349, %shift_right_logical3A_351 : vector<16xi32>
      %swap3A_353 = arith.constant 112 : index
      %swap3A_354 = tpu.vector_load %arg8[%swap3A_353] {strides = array<i32>} : memref<128xi32, #tpu.memory_space<vmem>>, vector<16xi32>,
      %swap3A_355 = vector.shape_cast %swap3A_354 : vector<16xi32> to vector<16xi32>
      %swap3A_356 = vector.shape_cast %shift_right_logical3A_352 : vector<16xi32> to vector<16xi32>
      tpu.vector_store %arg8[%swap3A_353], %swap3A_356 {strides = array<i32>} : memref<128xi32, #tpu.memory_space<vmem>>, vector<16xi32>,
      %and3A_357 = arith.constant 16383 : i32
      %and3A_358 = vector.broadcast %and3A_357 : i32 to vector<16xi32>
      %and3A_359 = arith.andi %get3A_349, %and3A_358 : vector<16xi32>
      %swap3A_360 = arith.constant 112 : index
      %swap3A_361 = tpu.vector_load %arg9[%swap3A_360] {strides = array<i32>} : memref<128xi32, #tpu.memory_space<vmem>>, vector<16xi32>,
      %swap3A_362 = vector.shape_cast %swap3A_361 : vector<16xi32> to vector<16xi32>
      %swap3A_363 = vector.shape_cast %and3A_359 : vector<16xi32> to vector<16xi32>
      tpu.vector_store %arg9[%swap3A_360], %swap3A_363 {strides = array<i32>} : memref<128xi32, #tpu.memory_space<vmem>>, vector<16xi32>,
      %dma_start3A_364 = arith.constant 0 : i32
      %dma_start3A_365 = arith.constant 0 : i32
      %dma_start3A_366 = tpu.memref_slice %arg2[%dma_start3A_364, %dma_start3A_365] : memref<10112x128xf32, #tpu.memory_space<hbm>> -> memref<10112x128xf32, #tpu.memory_space<hbm>>
      tpu.enqueue_indirect_dma source(%dma_start3A_366 : memref<10112x128xf32, #tpu.memory_space<hbm>>) target(%arg11 : memref<128x128xf32, #tpu.memory_space<vmem>>) offsets(%arg8 : memref<128xi32, #tpu.memory_space<vmem>>) semaphore(%arg14 : memref<!tpu.dma_semaphore, #tpu.memory_space<semaphore_mem>>)
      %dma_wait3A_367 = arith.constant 0 : i32
      %dma_wait3A_368 = arith.constant 0 : i32
      %dma_wait3A_369 = tpu.memref_slice %arg2[%dma_wait3A_367, %dma_wait3A_368] : memref<10112x128xf32, #tpu.memory_space<hbm>> -> memref<10112x128xf32, #tpu.memory_space<hbm>>
      tpu.wait_indirect_dma semaphore(%arg13 : memref<!tpu.dma_semaphore, #tpu.memory_space<semaphore_mem>>) src(%dma_wait3A_369 : memref<10112x128xf32, #tpu.memory_space<hbm>>) dst(%arg10 : memref<128x128xf32, #tpu.memory_space<vmem>>)
      "tpu.region"() ({
        %run_scoped3A = tpu.sem_alloc : memref<!tpu.dma_semaphore, #tpu.memory_space<semaphore_mem>>
        %dma_start3A_524 = arith.constant 0 : i32
        %dma_start3A_525 = arith.constant 0 : i32
        %dma_start3A_526 = tpu.memref_slice %arg12[%dma_start3A_524, %dma_start3A_525] : memref<10112x128xf32, #tpu.memory_space<vmem_shared>> -> memref<10112x128xf32, #tpu.memory_space<vmem_shared>>
        tpu.enqueue_indirect_dma source(%arg10 : memref<128x128xf32, #tpu.memory_space<vmem>>) target(%dma_start3A_526 : memref<10112x128xf32, #tpu.memory_space<vmem_shared>>) offsets(%arg7 : memref<128xi32, #tpu.memory_space<vmem>>) semaphore(%run_scoped3A : memref<!tpu.dma_semaphore, #tpu.memory_space<semaphore_mem>>) {add = true}
        %dma_wait3A_527 = arith.constant 0 : i32
        %dma_wait3A_528 = arith.constant 0 : i32
        %dma_wait3A_529 = tpu.memref_slice %arg12[%dma_wait3A_527, %dma_wait3A_528] : memref<10112x128xf32, #tpu.memory_space<vmem_shared>> -> memref<10112x128xf32, #tpu.memory_space<vmem_shared>>
        tpu.wait_indirect_dma semaphore(%run_scoped3A : memref<!tpu.dma_semaphore, #tpu.memory_space<semaphore_mem>>) src(%arg10 : memref<128x128xf32, #tpu.memory_space<vmem>>) dst(%dma_wait3A_529 : memref<10112x128xf32, #tpu.memory_space<vmem_shared>>)
        tpu.yield
      }) : () -> ()
      %add3A_370 = arith.constant 2 : i32
      %add3A_371 = arith.addi %mul3A_217, %add3A_370 : i32
      %sub3A_372 = arith.constant 1 : i32
      %sub3A_373 = arith.subi %select_n3A, %sub3A_372 : i32
      %min3A = arith.minsi %add3A_371, %sub3A_373 : i32
      %get3A_374 = arith.index_cast %min3A : i32 to index
      %get3A_375 = arith.constant 0 : index
      %get3A_376 = tpu.vector_load %arg5[%get3A_374, %get3A_375] {strides = array<i32>} : memref<128x128xi32, #tpu.memory_space<vmem>>, vector<1x16xi32>,
      %get3A_377 = vector.shape_cast %get3A_376 : vector<1x16xi32> to vector<16xi32>
      %shift_right_logical3A_378 = arith.constant 14 : i32
      %shift_right_logical3A_379 = vector.broadcast %shift_right_logical3A_378 : i32 to vector<16xi32>
      %shift_right_logical3A_380 = arith.shrui %get3A_377, %shift_right_logical3A_379 : vector<16xi32>
      %swap3A_381 = arith.constant 0 : index
      %swap3A_382 = tpu.vector_load %arg6[%swap3A_381] {strides = array<i32>} : memref<128xi32, #tpu.memory_space<vmem>>, vector<16xi32>,
      %swap3A_383 = vector.shape_cast %swap3A_382 : vector<16xi32> to vector<16xi32>
      %swap3A_384 = vector.shape_cast %shift_right_logical3A_380 : vector<16xi32> to vector<16xi32>
      tpu.vector_store %arg6[%swap3A_381], %swap3A_384 {strides = array<i32>} : memref<128xi32, #tpu.memory_space<vmem>>, vector<16xi32>,
      %and3A_385 = arith.constant 16383 : i32
      %and3A_386 = vector.broadcast %and3A_385 : i32 to vector<16xi32>
      %and3A_387 = arith.andi %get3A_377, %and3A_386 : vector<16xi32>
      %swap3A_388 = arith.constant 0 : index
      %swap3A_389 = tpu.vector_load %arg7[%swap3A_388] {strides = array<i32>} : memref<128xi32, #tpu.memory_space<vmem>>, vector<16xi32>,
      %swap3A_390 = vector.shape_cast %swap3A_389 : vector<16xi32> to vector<16xi32>
      %swap3A_391 = vector.shape_cast %and3A_387 : vector<16xi32> to vector<16xi32>
      tpu.vector_store %arg7[%swap3A_388], %swap3A_391 {strides = array<i32>} : memref<128xi32, #tpu.memory_space<vmem>>, vector<16xi32>,
      %get3A_392 = arith.index_cast %min3A : i32 to index
      %get3A_393 = arith.constant 16 : index
      %get3A_394 = tpu.vector_load %arg5[%get3A_392, %get3A_393] {strides = array<i32>} : memref<128x128xi32, #tpu.memory_space<vmem>>, vector<1x16xi32>,
      %get3A_395 = vector.shape_cast %get3A_394 : vector<1x16xi32> to vector<16xi32>
      %shift_right_logical3A_396 = arith.constant 14 : i32
      %shift_right_logical3A_397 = vector.broadcast %shift_right_logical3A_396 : i32 to vector<16xi32>
      %shift_right_logical3A_398 = arith.shrui %get3A_395, %shift_right_logical3A_397 : vector<16xi32>
      %swap3A_399 = arith.constant 16 : index
      %swap3A_400 = tpu.vector_load %arg6[%swap3A_399] {strides = array<i32>} : memref<128xi32, #tpu.memory_space<vmem>>, vector<16xi32>,
      %swap3A_401 = vector.shape_cast %swap3A_400 : vector<16xi32> to vector<16xi32>
      %swap3A_402 = vector.shape_cast %shift_right_logical3A_398 : vector<16xi32> to vector<16xi32>
      tpu.vector_store %arg6[%swap3A_399], %swap3A_402 {strides = array<i32>} : memref<128xi32, #tpu.memory_space<vmem>>, vector<16xi32>,
      %and3A_403 = arith.constant 16383 : i32
      %and3A_404 = vector.broadcast %and3A_403 : i32 to vector<16xi32>
      %and3A_405 = arith.andi %get3A_395, %and3A_404 : vector<16xi32>
      %swap3A_406 = arith.constant 16 : index
      %swap3A_407 = tpu.vector_load %arg7[%swap3A_406] {strides = array<i32>} : memref<128xi32, #tpu.memory_space<vmem>>, vector<16xi32>,
      %swap3A_408 = vector.shape_cast %swap3A_407 : vector<16xi32> to vector<16xi32>
      %swap3A_409 = vector.shape_cast %and3A_405 : vector<16xi32> to vector<16xi32>
      tpu.vector_store %arg7[%swap3A_406], %swap3A_409 {strides = array<i32>} : memref<128xi32, #tpu.memory_space<vmem>>, vector<16xi32>,
      %get3A_410 = arith.index_cast %min3A : i32 to index
      %get3A_411 = arith.constant 32 : index
      %get3A_412 = tpu.vector_load %arg5[%get3A_410, %get3A_411] {strides = array<i32>} : memref<128x128xi32, #tpu.memory_space<vmem>>, vector<1x16xi32>,
      %get3A_413 = vector.shape_cast %get3A_412 : vector<1x16xi32> to vector<16xi32>
      %shift_right_logical3A_414 = arith.constant 14 : i32
      %shift_right_logical3A_415 = vector.broadcast %shift_right_logical3A_414 : i32 to vector<16xi32>
      %shift_right_logical3A_416 = arith.shrui %get3A_413, %shift_right_logical3A_415 : vector<16xi32>
      %swap3A_417 = arith.constant 32 : index
      %swap3A_418 = tpu.vector_load %arg6[%swap3A_417] {strides = array<i32>} : memref<128xi32, #tpu.memory_space<vmem>>, vector<16xi32>,
      %swap3A_419 = vector.shape_cast %swap3A_418 : vector<16xi32> to vector<16xi32>
      %swap3A_420 = vector.shape_cast %shift_right_logical3A_416 : vector<16xi32> to vector<16xi32>
      tpu.vector_store %arg6[%swap3A_417], %swap3A_420 {strides = array<i32>} : memref<128xi32, #tpu.memory_space<vmem>>, vector<16xi32>,
      %and3A_421 = arith.constant 16383 : i32
      %and3A_422 = vector.broadcast %and3A_421 : i32 to vector<16xi32>
      %and3A_423 = arith.andi %get3A_413, %and3A_422 : vector<16xi32>
      %swap3A_424 = arith.constant 32 : index
      %swap3A_425 = tpu.vector_load %arg7[%swap3A_424] {strides = array<i32>} : memref<128xi32, #tpu.memory_space<vmem>>, vector<16xi32>,
      %swap3A_426 = vector.shape_cast %swap3A_425 : vector<16xi32> to vector<16xi32>
      %swap3A_427 = vector.shape_cast %and3A_423 : vector<16xi32> to vector<16xi32>
      tpu.vector_store %arg7[%swap3A_424], %swap3A_427 {strides = array<i32>} : memref<128xi32, #tpu.memory_space<vmem>>, vector<16xi32>,
      %get3A_428 = arith.index_cast %min3A : i32 to index
      %get3A_429 = arith.constant 48 : index
      %get3A_430 = tpu.vector_load %arg5[%get3A_428, %get3A_429] {strides = array<i32>} : memref<128x128xi32, #tpu.memory_space<vmem>>, vector<1x16xi32>,
      %get3A_431 = vector.shape_cast %get3A_430 : vector<1x16xi32> to vector<16xi32>
      %shift_right_logical3A_432 = arith.constant 14 : i32
      %shift_right_logical3A_433 = vector.broadcast %shift_right_logical3A_432 : i32 to vector<16xi32>
      %shift_right_logical3A_434 = arith.shrui %get3A_431, %shift_right_logical3A_433 : vector<16xi32>
      %swap3A_435 = arith.constant 48 : index
      %swap3A_436 = tpu.vector_load %arg6[%swap3A_435] {strides = array<i32>} : memref<128xi32, #tpu.memory_space<vmem>>, vector<16xi32>,
      %swap3A_437 = vector.shape_cast %swap3A_436 : vector<16xi32> to vector<16xi32>
      %swap3A_438 = vector.shape_cast %shift_right_logical3A_434 : vector<16xi32> to vector<16xi32>
      tpu.vector_store %arg6[%swap3A_435], %swap3A_438 {strides = array<i32>} : memref<128xi32, #tpu.memory_space<vmem>>, vector<16xi32>,
      %and3A_439 = arith.constant 16383 : i32
      %and3A_440 = vector.broadcast %and3A_439 : i32 to vector<16xi32>
      %and3A_441 = arith.andi %get3A_431, %and3A_440 : vector<16xi32>
      %swap3A_442 = arith.constant 48 : index
      %swap3A_443 = tpu.vector_load %arg7[%swap3A_442] {strides = array<i32>} : memref<128xi32, #tpu.memory_space<vmem>>, vector<16xi32>,
      %swap3A_444 = vector.shape_cast %swap3A_443 : vector<16xi32> to vector<16xi32>
      %swap3A_445 = vector.shape_cast %and3A_441 : vector<16xi32> to vector<16xi32>
      tpu.vector_store %arg7[%swap3A_442], %swap3A_445 {strides = array<i32>} : memref<128xi32, #tpu.memory_space<vmem>>, vector<16xi32>,
      %get3A_446 = arith.index_cast %min3A : i32 to index
      %get3A_447 = arith.constant 64 : index
      %get3A_448 = tpu.vector_load %arg5[%get3A_446, %get3A_447] {strides = array<i32>} : memref<128x128xi32, #tpu.memory_space<vmem>>, vector<1x16xi32>,
      %get3A_449 = vector.shape_cast %get3A_448 : vector<1x16xi32> to vector<16xi32>
      %shift_right_logical3A_450 = arith.constant 14 : i32
      %shift_right_logical3A_451 = vector.broadcast %shift_right_logical3A_450 : i32 to vector<16xi32>
      %shift_right_logical3A_452 = arith.shrui %get3A_449, %shift_right_logical3A_451 : vector<16xi32>
      %swap3A_453 = arith.constant 64 : index
      %swap3A_454 = tpu.vector_load %arg6[%swap3A_453] {strides = array<i32>} : memref<128xi32, #tpu.memory_space<vmem>>, vector<16xi32>,
      %swap3A_455 = vector.shape_cast %swap3A_454 : vector<16xi32> to vector<16xi32>
      %swap3A_456 = vector.shape_cast %shift_right_logical3A_452 : vector<16xi32> to vector<16xi32>
      tpu.vector_store %arg6[%swap3A_453], %swap3A_456 {strides = array<i32>} : memref<128xi32, #tpu.memory_space<vmem>>, vector<16xi32>,
      %and3A_457 = arith.constant 16383 : i32
      %and3A_458 = vector.broadcast %and3A_457 : i32 to vector<16xi32>
      %and3A_459 = arith.andi %get3A_449, %and3A_458 : vector<16xi32>
      %swap3A_460 = arith.constant 64 : index
      %swap3A_461 = tpu.vector_load %arg7[%swap3A_460] {strides = array<i32>} : memref<128xi32, #tpu.memory_space<vmem>>, vector<16xi32>,
      %swap3A_462 = vector.shape_cast %swap3A_461 : vector<16xi32> to vector<16xi32>
      %swap3A_463 = vector.shape_cast %and3A_459 : vector<16xi32> to vector<16xi32>
      tpu.vector_store %arg7[%swap3A_460], %swap3A_463 {strides = array<i32>} : memref<128xi32, #tpu.memory_space<vmem>>, vector<16xi32>,
      %get3A_464 = arith.index_cast %min3A : i32 to index
      %get3A_465 = arith.constant 80 : index
      %get3A_466 = tpu.vector_load %arg5[%get3A_464, %get3A_465] {strides = array<i32>} : memref<128x128xi32, #tpu.memory_space<vmem>>, vector<1x16xi32>,
      %get3A_467 = vector.shape_cast %get3A_466 : vector<1x16xi32> to vector<16xi32>
      %shift_right_logical3A_468 = arith.constant 14 : i32
      %shift_right_logical3A_469 = vector.broadcast %shift_right_logical3A_468 : i32 to vector<16xi32>
      %shift_right_logical3A_470 = arith.shrui %get3A_467, %shift_right_logical3A_469 : vector<16xi32>
      %swap3A_471 = arith.constant 80 : index
      %swap3A_472 = tpu.vector_load %arg6[%swap3A_471] {strides = array<i32>} : memref<128xi32, #tpu.memory_space<vmem>>, vector<16xi32>,
      %swap3A_473 = vector.shape_cast %swap3A_472 : vector<16xi32> to vector<16xi32>
      %swap3A_474 = vector.shape_cast %shift_right_logical3A_470 : vector<16xi32> to vector<16xi32>
      tpu.vector_store %arg6[%swap3A_471], %swap3A_474 {strides = array<i32>} : memref<128xi32, #tpu.memory_space<vmem>>, vector<16xi32>,
      %and3A_475 = arith.constant 16383 : i32
      %and3A_476 = vector.broadcast %and3A_475 : i32 to vector<16xi32>
      %and3A_477 = arith.andi %get3A_467, %and3A_476 : vector<16xi32>
      %swap3A_478 = arith.constant 80 : index
      %swap3A_479 = tpu.vector_load %arg7[%swap3A_478] {strides = array<i32>} : memref<128xi32, #tpu.memory_space<vmem>>, vector<16xi32>,
      %swap3A_480 = vector.shape_cast %swap3A_479 : vector<16xi32> to vector<16xi32>
      %swap3A_481 = vector.shape_cast %and3A_477 : vector<16xi32> to vector<16xi32>
      tpu.vector_store %arg7[%swap3A_478], %swap3A_481 {strides = array<i32>} : memref<128xi32, #tpu.memory_space<vmem>>, vector<16xi32>,
      %get3A_482 = arith.index_cast %min3A : i32 to index
      %get3A_483 = arith.constant 96 : index
      %get3A_484 = tpu.vector_load %arg5[%get3A_482, %get3A_483] {strides = array<i32>} : memref<128x128xi32, #tpu.memory_space<vmem>>, vector<1x16xi32>,
      %get3A_485 = vector.shape_cast %get3A_484 : vector<1x16xi32> to vector<16xi32>
      %shift_right_logical3A_486 = arith.constant 14 : i32
      %shift_right_logical3A_487 = vector.broadcast %shift_right_logical3A_486 : i32 to vector<16xi32>
      %shift_right_logical3A_488 = arith.shrui %get3A_485, %shift_right_logical3A_487 : vector<16xi32>
      %swap3A_489 = arith.constant 96 : index
      %swap3A_490 = tpu.vector_load %arg6[%swap3A_489] {strides = array<i32>} : memref<128xi32, #tpu.memory_space<vmem>>, vector<16xi32>,
      %swap3A_491 = vector.shape_cast %swap3A_490 : vector<16xi32> to vector<16xi32>
      %swap3A_492 = vector.shape_cast %shift_right_logical3A_488 : vector<16xi32> to vector<16xi32>
      tpu.vector_store %arg6[%swap3A_489], %swap3A_492 {strides = array<i32>} : memref<128xi32, #tpu.memory_space<vmem>>, vector<16xi32>,
      %and3A_493 = arith.constant 16383 : i32
      %and3A_494 = vector.broadcast %and3A_493 : i32 to vector<16xi32>
      %and3A_495 = arith.andi %get3A_485, %and3A_494 : vector<16xi32>
      %swap3A_496 = arith.constant 96 : index
      %swap3A_497 = tpu.vector_load %arg7[%swap3A_496] {strides = array<i32>} : memref<128xi32, #tpu.memory_space<vmem>>, vector<16xi32>,
      %swap3A_498 = vector.shape_cast %swap3A_497 : vector<16xi32> to vector<16xi32>
      %swap3A_499 = vector.shape_cast %and3A_495 : vector<16xi32> to vector<16xi32>
      tpu.vector_store %arg7[%swap3A_496], %swap3A_499 {strides = array<i32>} : memref<128xi32, #tpu.memory_space<vmem>>, vector<16xi32>,
      %get3A_500 = arith.index_cast %min3A : i32 to index
      %get3A_501 = arith.constant 112 : index
      %get3A_502 = tpu.vector_load %arg5[%get3A_500, %get3A_501] {strides = array<i32>} : memref<128x128xi32, #tpu.memory_space<vmem>>, vector<1x16xi32>,
      %get3A_503 = vector.shape_cast %get3A_502 : vector<1x16xi32> to vector<16xi32>
      %shift_right_logical3A_504 = arith.constant 14 : i32
      %shift_right_logical3A_505 = vector.broadcast %shift_right_logical3A_504 : i32 to vector<16xi32>
      %shift_right_logical3A_506 = arith.shrui %get3A_503, %shift_right_logical3A_505 : vector<16xi32>
      %swap3A_507 = arith.constant 112 : index
      %swap3A_508 = tpu.vector_load %arg6[%swap3A_507] {strides = array<i32>} : memref<128xi32, #tpu.memory_space<vmem>>, vector<16xi32>,
      %swap3A_509 = vector.shape_cast %swap3A_508 : vector<16xi32> to vector<16xi32>
      %swap3A_510 = vector.shape_cast %shift_right_logical3A_506 : vector<16xi32> to vector<16xi32>
      tpu.vector_store %arg6[%swap3A_507], %swap3A_510 {strides = array<i32>} : memref<128xi32, #tpu.memory_space<vmem>>, vector<16xi32>,
      %and3A_511 = arith.constant 16383 : i32
      %and3A_512 = vector.broadcast %and3A_511 : i32 to vector<16xi32>
      %and3A_513 = arith.andi %get3A_503, %and3A_512 : vector<16xi32>
      %swap3A_514 = arith.constant 112 : index
      %swap3A_515 = tpu.vector_load %arg7[%swap3A_514] {strides = array<i32>} : memref<128xi32, #tpu.memory_space<vmem>>, vector<16xi32>,
      %swap3A_516 = vector.shape_cast %swap3A_515 : vector<16xi32> to vector<16xi32>
      %swap3A_517 = vector.shape_cast %and3A_513 : vector<16xi32> to vector<16xi32>
      tpu.vector_store %arg7[%swap3A_514], %swap3A_517 {strides = array<i32>} : memref<128xi32, #tpu.memory_space<vmem>>, vector<16xi32>,
      %dma_start3A_518 = arith.constant 0 : i32
      %dma_start3A_519 = arith.constant 0 : i32
      %dma_start3A_520 = tpu.memref_slice %arg2[%dma_start3A_518, %dma_start3A_519] : memref<10112x128xf32, #tpu.memory_space<hbm>> -> memref<10112x128xf32, #tpu.memory_space<hbm>>
      tpu.enqueue_indirect_dma source(%dma_start3A_520 : memref<10112x128xf32, #tpu.memory_space<hbm>>) target(%arg10 : memref<128x128xf32, #tpu.memory_space<vmem>>) offsets(%arg6 : memref<128xi32, #tpu.memory_space<vmem>>) semaphore(%arg13 : memref<!tpu.dma_semaphore, #tpu.memory_space<semaphore_mem>>)
      %dma_wait3A_521 = arith.constant 0 : i32
      %dma_wait3A_522 = arith.constant 0 : i32
      %dma_wait3A_523 = tpu.memref_slice %arg2[%dma_wait3A_521, %dma_wait3A_522] : memref<10112x128xf32, #tpu.memory_space<hbm>> -> memref<10112x128xf32, #tpu.memory_space<hbm>>
      tpu.wait_indirect_dma semaphore(%arg14 : memref<!tpu.dma_semaphore, #tpu.memory_space<semaphore_mem>>) src(%dma_wait3A_523 : memref<10112x128xf32, #tpu.memory_space<hbm>>) dst(%arg11 : memref<128x128xf32, #tpu.memory_space<vmem>>)
      "tpu.region"() ({
        %run_scoped3A = tpu.sem_alloc : memref<!tpu.dma_semaphore, #tpu.memory_space<semaphore_mem>>
        %dma_start3A_524 = arith.constant 0 : i32
        %dma_start3A_525 = arith.constant 0 : i32
        %dma_start3A_526 = tpu.memref_slice %arg12[%dma_start3A_524, %dma_start3A_525] : memref<10112x128xf32, #tpu.memory_space<vmem_shared>> -> memref<10112x128xf32, #tpu.memory_space<vmem_shared>>
        tpu.enqueue_indirect_dma source(%arg11 : memref<128x128xf32, #tpu.memory_space<vmem>>) target(%dma_start3A_526 : memref<10112x128xf32, #tpu.memory_space<vmem_shared>>) offsets(%arg9 : memref<128xi32, #tpu.memory_space<vmem>>) semaphore(%run_scoped3A : memref<!tpu.dma_semaphore, #tpu.memory_space<semaphore_mem>>) {add = true}
        %dma_wait3A_527 = arith.constant 0 : i32
        %dma_wait3A_528 = arith.constant 0 : i32
        %dma_wait3A_529 = tpu.memref_slice %arg12[%dma_wait3A_527, %dma_wait3A_528] : memref<10112x128xf32, #tpu.memory_space<vmem_shared>> -> memref<10112x128xf32, #tpu.memory_space<vmem_shared>>
        tpu.wait_indirect_dma semaphore(%run_scoped3A : memref<!tpu.dma_semaphore, #tpu.memory_space<semaphore_mem>>) src(%arg11 : memref<128x128xf32, #tpu.memory_space<vmem>>) dst(%dma_wait3A_529 : memref<10112x128xf32, #tpu.memory_space<vmem_shared>>)
        tpu.yield
      }) : () -> ()
    }
    %dma_wait3A = arith.constant 0 : i32
    %dma_wait3A_208 = arith.constant 0 : i32
    %dma_wait3A_209 = tpu.memref_slice %arg2[%dma_wait3A, %dma_wait3A_208] : memref<10112x128xf32, #tpu.memory_space<hbm>> -> memref<10112x128xf32, #tpu.memory_space<hbm>>
    tpu.wait_indirect_dma semaphore(%arg13 : memref<!tpu.dma_semaphore, #tpu.memory_space<semaphore_mem>>) src(%dma_wait3A_209 : memref<10112x128xf32, #tpu.memory_space<hbm>>) dst(%arg10 : memref<128x128xf32, #tpu.memory_space<vmem>>)
    %barrier3A_210 = arith.constant 0 : index
    tpu.barrier barrier_id(%barrier3A_210)
    %mul3A_211 = arith.constant 632 : i32
    %mul3A_212 = arith.muli %arg1, %mul3A_211 : i32
    %mul3A_213 = arith.constant 632 : i32
    %mul3A_214 = arith.muli %arg1, %mul3A_213 : i32
    "tpu.region"() ({
      %run_scoped3A = tpu.sem_alloc : memref<!tpu.dma_semaphore, #tpu.memory_space<semaphore_mem>>
      %dma_start3A_215 = arith.constant 0 : i32
      %dma_start3A_216 = tpu.memref_slice %arg4[%arg0, %mul3A_214, %dma_start3A_215] : memref<2x10112x128xf32, #tpu.memory_space<hbm>> -> memref<1x632x128xf32, #tpu.memory_space<hbm>>
      %dma_start3A_217 = tpu.memref_squeeze %dma_start3A_216 : memref<1x632x128xf32, #tpu.memory_space<hbm>> -> memref<632x128xf32, #tpu.memory_space<hbm>>
      %dma_start3A_218 = arith.constant 0 : i32
      %dma_start3A_219 = tpu.memref_slice %arg12[%mul3A_212, %dma_start3A_218] : memref<10112x128xf32, #tpu.memory_space<vmem_shared>> -> memref<632x128xf32, #tpu.memory_space<vmem_shared>>
      tpu.enqueue_dma source(%dma_start3A_219 : memref<632x128xf32, #tpu.memory_space<vmem_shared>>) target(%dma_start3A_217 : memref<632x128xf32, #tpu.memory_space<hbm>>) target_semaphore(%run_scoped3A : memref<!tpu.dma_semaphore, #tpu.memory_space<semaphore_mem>>)
      %dma_wait3A_220 = arith.constant 0 : i32
      %dma_wait3A_221 = tpu.memref_slice %arg4[%arg0, %mul3A_214, %dma_wait3A_220] : memref<2x10112x128xf32, #tpu.memory_space<hbm>> -> memref<1x632x128xf32, #tpu.memory_space<hbm>>
      %dma_wait3A_222 = tpu.memref_squeeze %dma_wait3A_221 : memref<1x632x128xf32, #tpu.memory_space<hbm>> -> memref<632x128xf32, #tpu.memory_space<hbm>>
      %dma_wait3A_223 = arith.constant 0 : i32
      %dma_wait3A_224 = tpu.memref_slice %arg12[%mul3A_212, %dma_wait3A_223] : memref<10112x128xf32, #tpu.memory_space<vmem_shared>> -> memref<632x128xf32, #tpu.memory_space<vmem_shared>>
      tpu.wait_dma2 semaphore(%run_scoped3A : memref<!tpu.dma_semaphore, #tpu.memory_space<semaphore_mem>>) src(%dma_wait3A_224 : memref<632x128xf32, #tpu.memory_space<vmem_shared>>) dst(%dma_wait3A_222 : memref<632x128xf32, #tpu.memory_space<hbm>>)
      tpu.yield
    }) : () -> ()
    return
  }
}

module attributes {stable_mosaic.version = 14 : i64} {
  func.func @body(%arg0: i32, %arg1: memref<1264x128xf32, #tpu.memory_space<vmem>>, %arg2: memref<1x128xf32, #tpu.memory_space<vmem>>, %arg3: memref<128x128xf32, #tpu.memory_space<vmem>>, %arg4: memref<2x1264x16xf32, #tpu.memory_space<vmem>>, %arg5: memref<1264x128xf32, #tpu.memory_space<vmem>>) attributes {dimension_semantics = [#tpu.dimension_semantics<arbitrary>], iteration_bounds = array<i64: 8>, scalar_prefetch = 0 : i64, scratch_operands = 0 : i64, tpu.core_type = #tpu.core_type<tc>, window_params = [{transform_indices = @transform_0, window_bounds = array<i64: 1264, 128>}, {pipeline_mode = #tpu.pipeline_mode<synchronous>, transform_indices = @transform_1, window_bounds = array<i64: 1, 128>}, {pipeline_mode = #tpu.pipeline_mode<synchronous>, transform_indices = @transform_2, window_bounds = array<i64: 128, 128>}, {transform_indices = @transform_3, window_bounds = array<i64: 2, 1264, 16>}, {transform_indices = @transform_4, window_bounds = array<i64: 1264, 128>}]} {
    %get3A = arith.constant 0 : index
    %get3A_0 = arith.constant 0 : index
    %get3A_1 = arith.constant 0 : index
    %get3A_2 = vector.load %arg4[%get3A, %get3A_0, %get3A_1] : memref<2x1264x16xf32, #tpu.memory_space<vmem>>, vector<1x1264x16xf32>
    %get3A_3 = vector.shape_cast %get3A_2 : vector<1x1264x16xf32> to vector<1264x16xf32>
    %slice3A = vector.extract_strided_slice %get3A_3 {offsets = [0, 0], sizes = [1264, 1], strides = [1, 1]} : vector<1264x16xf32> to vector<1264x1xf32>
    %get3A_4 = arith.constant 1 : index
    %get3A_5 = arith.constant 0 : index
    %get3A_6 = arith.constant 0 : index
    %get3A_7 = vector.load %arg4[%get3A_4, %get3A_5, %get3A_6] : memref<2x1264x16xf32, #tpu.memory_space<vmem>>, vector<1x1264x16xf32>
    %get3A_8 = vector.shape_cast %get3A_7 : vector<1x1264x16xf32> to vector<1264x16xf32>
    %slice3A_9 = vector.extract_strided_slice %get3A_8 {offsets = [0, 0], sizes = [1264, 1], strides = [1, 1]} : vector<1264x16xf32> to vector<1264x1xf32>
    %add3A = arith.addf %slice3A, %slice3A_9 : vector<1264x1xf32>
    %add3A_10 = arith.constant 1.000000e+00 : f32
    %add3A_11 = vector.broadcast %add3A_10 : f32 to vector<1264x1xf32>
    %add3A_12 = arith.addf %add3A, %add3A_11 : vector<1264x1xf32>
    %rsqrt3A = math.rsqrt %add3A_12 : vector<1264x1xf32>
    %get3A_13 = arith.constant 0 : index
    %get3A_14 = arith.constant 0 : index
    %get3A_15 = vector.load %arg1[%get3A_13, %get3A_14] : memref<1264x128xf32, #tpu.memory_space<vmem>>, vector<1264x128xf32>
    %get3A_16 = arith.constant 0 : index
    %get3A_17 = arith.constant 0 : index
    %get3A_18 = vector.load %arg2[%get3A_16, %get3A_17] : memref<1x128xf32, #tpu.memory_space<vmem>>, vector<1x128xf32>
    %mul3A = vector.broadcast %get3A_18 : vector<1x128xf32> to vector<1264x128xf32>
    %mul3A_19 = arith.mulf %get3A_15, %mul3A : vector<1264x128xf32>
    %get3A_20 = arith.constant 0 : index
    %get3A_21 = arith.constant 0 : index
    %get3A_22 = vector.load %arg3[%get3A_20, %get3A_21] : memref<128x128xf32, #tpu.memory_space<vmem>>, vector<128x128xf32>
    %dot_general3A = arith.constant dense<0.000000e+00> : vector<1264x128xf32>
    %dot_general3A_23 = tpu.matmul %mul3A_19, %get3A_22, %dot_general3A {dimension_numbers = #tpu.dot_dimension_numbers<[1], [1], [0], [0], [0, 0, 1, 0], [], []>, transpose_lhs_hint = false} : vector<1264x128xf32>, vector<128x128xf32>, vector<1264x128xf32> -> vector<1264x128xf32>
    %mul3A_24 = vector.broadcast %rsqrt3A : vector<1264x1xf32> to vector<1264x128xf32>
    %mul3A_25 = arith.mulf %dot_general3A_23, %mul3A_24 : vector<1264x128xf32>
    %swap3A = arith.constant 0 : index
    %swap3A_26 = arith.constant 0 : index
    %swap3A_27 = vector.load %arg5[%swap3A, %swap3A_26] : memref<1264x128xf32, #tpu.memory_space<vmem>>, vector<1264x128xf32>
    tpu.vector_store %arg5[%swap3A, %swap3A_26], %mul3A_25 {strides = array<i32>} : memref<1264x128xf32, #tpu.memory_space<vmem>>, vector<1264x128xf32>,
    return
  }
  func.func @transform_0(%arg0: i32) -> (i32, i32) {
    %c0_i32 = arith.constant 0 : i32
    %c0_i32_0 = arith.constant 0 : i32
    return %arg0, %c0_i32 : i32, i32
  }
  func.func @transform_1(%arg0: i32) -> (i32, i32) {
    %c0_i32 = arith.constant 0 : i32
    %c0_i32_0 = arith.constant 0 : i32
    %c0_i32_1 = arith.constant 0 : i32
    return %c0_i32, %c0_i32_0 : i32, i32
  }
  func.func @transform_2(%arg0: i32) -> (i32, i32) {
    %c0_i32 = arith.constant 0 : i32
    %c0_i32_0 = arith.constant 0 : i32
    %c0_i32_1 = arith.constant 0 : i32
    return %c0_i32, %c0_i32_0 : i32, i32
  }
  func.func @transform_3(%arg0: i32) -> (i32, i32, i32) {
    %c0_i32 = arith.constant 0 : i32
    %c0_i32_0 = arith.constant 0 : i32
    %c0_i32_1 = arith.constant 0 : i32
    return %c0_i32, %arg0, %c0_i32_0 : i32, i32, i32
  }
  func.func @transform_4(%arg0: i32) -> (i32, i32) {
    %c0_i32 = arith.constant 0 : i32
    %c0_i32_0 = arith.constant 0 : i32
    return %arg0, %c0_i32 : i32, i32
  }
}

module attributes {stable_mosaic.version = 14 : i64} {
  func.func @body(%arg0: i32, %arg1: memref<2x1264x128xf32, #tpu.memory_space<vmem>>, %arg2: memref<1264x128xf32, #tpu.memory_space<vmem>>, %arg3: memref<2x1264x16xf32, #tpu.memory_space<vmem>>, %arg4: memref<1x128xf32, #tpu.memory_space<vmem>>, %arg5: memref<128x128xf32, #tpu.memory_space<vmem>>, %arg6: memref<1264x128xf32, #tpu.memory_space<vmem>>) attributes {dimension_semantics = [#tpu.dimension_semantics<arbitrary>], iteration_bounds = array<i64: 8>, scalar_prefetch = 0 : i64, scratch_operands = 0 : i64, tpu.core_type = #tpu.core_type<tc>, window_params = [{transform_indices = @transform_0, window_bounds = array<i64: 2, 1264, 128>}, {transform_indices = @transform_1, window_bounds = array<i64: 1264, 128>}, {transform_indices = @transform_2, window_bounds = array<i64: 2, 1264, 16>}, {pipeline_mode = #tpu.pipeline_mode<synchronous>, transform_indices = @transform_3, window_bounds = array<i64: 1, 128>}, {pipeline_mode = #tpu.pipeline_mode<synchronous>, transform_indices = @transform_4, window_bounds = array<i64: 128, 128>}, {transform_indices = @transform_5, window_bounds = array<i64: 1264, 128>}]} {
    %get3A = arith.constant 0 : index
    %get3A_0 = arith.constant 0 : index
    %get3A_1 = arith.constant 0 : index
    %get3A_2 = vector.load %arg3[%get3A, %get3A_0, %get3A_1] : memref<2x1264x16xf32, #tpu.memory_space<vmem>>, vector<1x1264x16xf32>
    %get3A_3 = vector.shape_cast %get3A_2 : vector<1x1264x16xf32> to vector<1264x16xf32>
    %slice3A = vector.extract_strided_slice %get3A_3 {offsets = [0, 0], sizes = [1264, 1], strides = [1, 1]} : vector<1264x16xf32> to vector<1264x1xf32>
    %get3A_4 = arith.constant 1 : index
    %get3A_5 = arith.constant 0 : index
    %get3A_6 = arith.constant 0 : index
    %get3A_7 = vector.load %arg3[%get3A_4, %get3A_5, %get3A_6] : memref<2x1264x16xf32, #tpu.memory_space<vmem>>, vector<1x1264x16xf32>
    %get3A_8 = vector.shape_cast %get3A_7 : vector<1x1264x16xf32> to vector<1264x16xf32>
    %slice3A_9 = vector.extract_strided_slice %get3A_8 {offsets = [0, 0], sizes = [1264, 1], strides = [1, 1]} : vector<1264x16xf32> to vector<1264x1xf32>
    %add3A = arith.addf %slice3A, %slice3A_9 : vector<1264x1xf32>
    %add3A_10 = arith.constant 1.000000e+00 : f32
    %add3A_11 = vector.broadcast %add3A_10 : f32 to vector<1264x1xf32>
    %add3A_12 = arith.addf %add3A, %add3A_11 : vector<1264x1xf32>
    %rsqrt3A = math.rsqrt %add3A_12 : vector<1264x1xf32>
    %get3A_13 = arith.constant 0 : index
    %get3A_14 = arith.constant 0 : index
    %get3A_15 = arith.constant 0 : index
    %get3A_16 = vector.load %arg1[%get3A_13, %get3A_14, %get3A_15] : memref<2x1264x128xf32, #tpu.memory_space<vmem>>, vector<1x1264x128xf32>
    %get3A_17 = vector.shape_cast %get3A_16 : vector<1x1264x128xf32> to vector<1264x128xf32>
    %get3A_18 = arith.constant 1 : index
    %get3A_19 = arith.constant 0 : index
    %get3A_20 = arith.constant 0 : index
    %get3A_21 = vector.load %arg1[%get3A_18, %get3A_19, %get3A_20] : memref<2x1264x128xf32, #tpu.memory_space<vmem>>, vector<1x1264x128xf32>
    %get3A_22 = vector.shape_cast %get3A_21 : vector<1x1264x128xf32> to vector<1264x128xf32>
    %add3A_23 = arith.addf %get3A_17, %get3A_22 : vector<1264x128xf32>
    %get3A_24 = arith.constant 0 : index
    %get3A_25 = arith.constant 0 : index
    %get3A_26 = vector.load %arg2[%get3A_24, %get3A_25] : memref<1264x128xf32, #tpu.memory_space<vmem>>, vector<1264x128xf32>
    %add3A_27 = arith.addf %add3A_23, %get3A_26 : vector<1264x128xf32>
    %mul3A = vector.broadcast %rsqrt3A : vector<1264x1xf32> to vector<1264x128xf32>
    %mul3A_28 = arith.mulf %add3A_27, %mul3A : vector<1264x128xf32>
    %get3A_29 = arith.constant 0 : index
    %get3A_30 = arith.constant 0 : index
    %get3A_31 = vector.load %arg4[%get3A_29, %get3A_30] : memref<1x128xf32, #tpu.memory_space<vmem>>, vector<1x128xf32>
    %add3A_32 = vector.broadcast %get3A_31 : vector<1x128xf32> to vector<1264x128xf32>
    %add3A_33 = arith.addf %mul3A_28, %add3A_32 : vector<1264x128xf32>
    %mul3A_34 = arith.constant 5.000000e-01 : f32
    %mul3A_35 = vector.broadcast %mul3A_34 : f32 to vector<1264x128xf32>
    %mul3A_36 = arith.mulf %add3A_33, %mul3A_35 : vector<1264x128xf32>
    %mul3A_37 = arith.constant 0.707106769 : f32
    %mul3A_38 = vector.broadcast %mul3A_37 : f32 to vector<1264x128xf32>
    %mul3A_39 = arith.mulf %add3A_33, %mul3A_38 : vector<1264x128xf32>
    %erf3A = math.erf %mul3A_39 : vector<1264x128xf32>
    %add3A_40 = arith.constant 1.000000e+00 : f32
    %add3A_41 = vector.broadcast %add3A_40 : f32 to vector<1264x128xf32>
    %add3A_42 = arith.addf %add3A_41, %erf3A : vector<1264x128xf32>
    %mul3A_43 = arith.mulf %mul3A_36, %add3A_42 : vector<1264x128xf32>
    %get3A_44 = arith.constant 0 : index
    %get3A_45 = arith.constant 0 : index
    %get3A_46 = vector.load %arg5[%get3A_44, %get3A_45] : memref<128x128xf32, #tpu.memory_space<vmem>>, vector<128x128xf32>
    %dot_general3A = arith.constant dense<0.000000e+00> : vector<1264x128xf32>
    %dot_general3A_47 = tpu.matmul %mul3A_43, %get3A_46, %dot_general3A {dimension_numbers = #tpu.dot_dimension_numbers<[1], [1], [0], [0], [0, 0, 1, 0], [], []>, transpose_lhs_hint = false} : vector<1264x128xf32>, vector<128x128xf32>, vector<1264x128xf32> -> vector<1264x128xf32>
    %mul3A_48 = vector.broadcast %rsqrt3A : vector<1264x1xf32> to vector<1264x128xf32>
    %mul3A_49 = arith.mulf %dot_general3A_47, %mul3A_48 : vector<1264x128xf32>
    %swap3A = arith.constant 0 : index
    %swap3A_50 = arith.constant 0 : index
    %swap3A_51 = vector.load %arg6[%swap3A, %swap3A_50] : memref<1264x128xf32, #tpu.memory_space<vmem>>, vector<1264x128xf32>
    tpu.vector_store %arg6[%swap3A, %swap3A_50], %mul3A_49 {strides = array<i32>} : memref<1264x128xf32, #tpu.memory_space<vmem>>, vector<1264x128xf32>,
    return
  }
  func.func @transform_0(%arg0: i32) -> (i32, i32, i32) {
    %c0_i32 = arith.constant 0 : i32
    %c0_i32_0 = arith.constant 0 : i32
    %c0_i32_1 = arith.constant 0 : i32
    return %c0_i32, %arg0, %c0_i32_0 : i32, i32, i32
  }
  func.func @transform_1(%arg0: i32) -> (i32, i32) {
    %c0_i32 = arith.constant 0 : i32
    %c0_i32_0 = arith.constant 0 : i32
    return %arg0, %c0_i32 : i32, i32
  }
  func.func @transform_2(%arg0: i32) -> (i32, i32, i32) {
    %c0_i32 = arith.constant 0 : i32
    %c0_i32_0 = arith.constant 0 : i32
    %c0_i32_1 = arith.constant 0 : i32
    return %c0_i32, %arg0, %c0_i32_0 : i32, i32, i32
  }
  func.func @transform_3(%arg0: i32) -> (i32, i32) {
    %c0_i32 = arith.constant 0 : i32
    %c0_i32_0 = arith.constant 0 : i32
    %c0_i32_1 = arith.constant 0 : i32
    return %c0_i32, %c0_i32_0 : i32, i32
  }
  func.func @transform_4(%arg0: i32) -> (i32, i32) {
    %c0_i32 = arith.constant 0 : i32
    %c0_i32_0 = arith.constant 0 : i32
    %c0_i32_1 = arith.constant 0 : i32
    return %c0_i32, %c0_i32_0 : i32, i32
  }
  func.func @transform_5(%arg0: i32) -> (i32, i32) {
    %c0_i32 = arith.constant 0 : i32
    %c0_i32_0 = arith.constant 0 : i32
    return %arg0, %c0_i32 : i32, i32
  }
}

module attributes {stable_mosaic.version = 14 : i64} {
  func.func @body(%arg0: i32, %arg1: memref<2x1264x128xf32, #tpu.memory_space<vmem>>, %arg2: memref<1264x128xf32, #tpu.memory_space<vmem>>, %arg3: memref<2x1264x16xf32, #tpu.memory_space<vmem>>, %arg4: memref<1x128xf32, #tpu.memory_space<vmem>>, %arg5: memref<128x128xf32, #tpu.memory_space<vmem>>, %arg6: memref<1x128xf32, #tpu.memory_space<vmem>>, %arg7: memref<64x128xf32, #tpu.memory_space<vmem>>, %arg8: memref<1x64xf32, #tpu.memory_space<vmem>>, %arg9: memref<1264x64xf32, #tpu.memory_space<vmem>>) attributes {dimension_semantics = [#tpu.dimension_semantics<arbitrary>], iteration_bounds = array<i64: 8>, scalar_prefetch = 0 : i64, scratch_operands = 0 : i64, tpu.core_type = #tpu.core_type<tc>, window_params = [{transform_indices = @transform_0, window_bounds = array<i64: 2, 1264, 128>}, {transform_indices = @transform_1, window_bounds = array<i64: 1264, 128>}, {transform_indices = @transform_2, window_bounds = array<i64: 2, 1264, 16>}, {pipeline_mode = #tpu.pipeline_mode<synchronous>, transform_indices = @transform_3, window_bounds = array<i64: 1, 128>}, {pipeline_mode = #tpu.pipeline_mode<synchronous>, transform_indices = @transform_4, window_bounds = array<i64: 128, 128>}, {pipeline_mode = #tpu.pipeline_mode<synchronous>, transform_indices = @transform_5, window_bounds = array<i64: 1, 128>}, {pipeline_mode = #tpu.pipeline_mode<synchronous>, transform_indices = @transform_6, window_bounds = array<i64: 64, 128>}, {pipeline_mode = #tpu.pipeline_mode<synchronous>, transform_indices = @transform_7, window_bounds = array<i64: 1, 64>}, {transform_indices = @transform_8, window_bounds = array<i64: 1264, 64>}]} {
    %get3A = arith.constant 0 : index
    %get3A_0 = arith.constant 0 : index
    %get3A_1 = arith.constant 0 : index
    %get3A_2 = vector.load %arg3[%get3A, %get3A_0, %get3A_1] : memref<2x1264x16xf32, #tpu.memory_space<vmem>>, vector<1x1264x16xf32>
    %get3A_3 = vector.shape_cast %get3A_2 : vector<1x1264x16xf32> to vector<1264x16xf32>
    %slice3A = vector.extract_strided_slice %get3A_3 {offsets = [0, 0], sizes = [1264, 1], strides = [1, 1]} : vector<1264x16xf32> to vector<1264x1xf32>
    %get3A_4 = arith.constant 1 : index
    %get3A_5 = arith.constant 0 : index
    %get3A_6 = arith.constant 0 : index
    %get3A_7 = vector.load %arg3[%get3A_4, %get3A_5, %get3A_6] : memref<2x1264x16xf32, #tpu.memory_space<vmem>>, vector<1x1264x16xf32>
    %get3A_8 = vector.shape_cast %get3A_7 : vector<1x1264x16xf32> to vector<1264x16xf32>
    %slice3A_9 = vector.extract_strided_slice %get3A_8 {offsets = [0, 0], sizes = [1264, 1], strides = [1, 1]} : vector<1264x16xf32> to vector<1264x1xf32>
    %add3A = arith.addf %slice3A, %slice3A_9 : vector<1264x1xf32>
    %add3A_10 = arith.constant 1.000000e+00 : f32
    %add3A_11 = vector.broadcast %add3A_10 : f32 to vector<1264x1xf32>
    %add3A_12 = arith.addf %add3A, %add3A_11 : vector<1264x1xf32>
    %rsqrt3A = math.rsqrt %add3A_12 : vector<1264x1xf32>
    %get3A_13 = arith.constant 0 : index
    %get3A_14 = arith.constant 0 : index
    %get3A_15 = arith.constant 0 : index
    %get3A_16 = vector.load %arg1[%get3A_13, %get3A_14, %get3A_15] : memref<2x1264x128xf32, #tpu.memory_space<vmem>>, vector<1x1264x128xf32>
    %get3A_17 = vector.shape_cast %get3A_16 : vector<1x1264x128xf32> to vector<1264x128xf32>
    %get3A_18 = arith.constant 1 : index
    %get3A_19 = arith.constant 0 : index
    %get3A_20 = arith.constant 0 : index
    %get3A_21 = vector.load %arg1[%get3A_18, %get3A_19, %get3A_20] : memref<2x1264x128xf32, #tpu.memory_space<vmem>>, vector<1x1264x128xf32>
    %get3A_22 = vector.shape_cast %get3A_21 : vector<1x1264x128xf32> to vector<1264x128xf32>
    %add3A_23 = arith.addf %get3A_17, %get3A_22 : vector<1264x128xf32>
    %get3A_24 = arith.constant 0 : index
    %get3A_25 = arith.constant 0 : index
    %get3A_26 = vector.load %arg2[%get3A_24, %get3A_25] : memref<1264x128xf32, #tpu.memory_space<vmem>>, vector<1264x128xf32>
    %add3A_27 = arith.addf %add3A_23, %get3A_26 : vector<1264x128xf32>
    %mul3A = vector.broadcast %rsqrt3A : vector<1264x1xf32> to vector<1264x128xf32>
    %mul3A_28 = arith.mulf %add3A_27, %mul3A : vector<1264x128xf32>
    %get3A_29 = arith.constant 0 : index
    %get3A_30 = arith.constant 0 : index
    %get3A_31 = vector.load %arg4[%get3A_29, %get3A_30] : memref<1x128xf32, #tpu.memory_space<vmem>>, vector<1x128xf32>
    %add3A_32 = vector.broadcast %get3A_31 : vector<1x128xf32> to vector<1264x128xf32>
    %add3A_33 = arith.addf %mul3A_28, %add3A_32 : vector<1264x128xf32>
    %mul3A_34 = arith.constant 5.000000e-01 : f32
    %mul3A_35 = vector.broadcast %mul3A_34 : f32 to vector<1264x128xf32>
    %mul3A_36 = arith.mulf %add3A_33, %mul3A_35 : vector<1264x128xf32>
    %mul3A_37 = arith.constant 0.707106769 : f32
    %mul3A_38 = vector.broadcast %mul3A_37 : f32 to vector<1264x128xf32>
    %mul3A_39 = arith.mulf %add3A_33, %mul3A_38 : vector<1264x128xf32>
    %erf3A = math.erf %mul3A_39 : vector<1264x128xf32>
    %add3A_40 = arith.constant 1.000000e+00 : f32
    %add3A_41 = vector.broadcast %add3A_40 : f32 to vector<1264x128xf32>
    %add3A_42 = arith.addf %add3A_41, %erf3A : vector<1264x128xf32>
    %mul3A_43 = arith.mulf %mul3A_36, %add3A_42 : vector<1264x128xf32>
    %get3A_44 = arith.constant 0 : index
    %get3A_45 = arith.constant 0 : index
    %get3A_46 = vector.load %arg5[%get3A_44, %get3A_45] : memref<128x128xf32, #tpu.memory_space<vmem>>, vector<128x128xf32>
    %dot_general3A = arith.constant dense<0.000000e+00> : vector<1264x128xf32>
    %dot_general3A_47 = tpu.matmul %mul3A_43, %get3A_46, %dot_general3A {dimension_numbers = #tpu.dot_dimension_numbers<[1], [1], [0], [0], [0, 0, 1, 0], [], []>, transpose_lhs_hint = false} : vector<1264x128xf32>, vector<128x128xf32>, vector<1264x128xf32> -> vector<1264x128xf32>
    %get3A_48 = arith.constant 0 : index
    %get3A_49 = arith.constant 0 : index
    %get3A_50 = vector.load %arg6[%get3A_48, %get3A_49] : memref<1x128xf32, #tpu.memory_space<vmem>>, vector<1x128xf32>
    %add3A_51 = vector.broadcast %get3A_50 : vector<1x128xf32> to vector<1264x128xf32>
    %add3A_52 = arith.addf %dot_general3A_47, %add3A_51 : vector<1264x128xf32>
    %mul3A_53 = arith.constant 5.000000e-01 : f32
    %mul3A_54 = vector.broadcast %mul3A_53 : f32 to vector<1264x128xf32>
    %mul3A_55 = arith.mulf %add3A_52, %mul3A_54 : vector<1264x128xf32>
    %mul3A_56 = arith.constant 0.707106769 : f32
    %mul3A_57 = vector.broadcast %mul3A_56 : f32 to vector<1264x128xf32>
    %mul3A_58 = arith.mulf %add3A_52, %mul3A_57 : vector<1264x128xf32>
    %erf3A_59 = math.erf %mul3A_58 : vector<1264x128xf32>
    %add3A_60 = arith.constant 1.000000e+00 : f32
    %add3A_61 = vector.broadcast %add3A_60 : f32 to vector<1264x128xf32>
    %add3A_62 = arith.addf %add3A_61, %erf3A_59 : vector<1264x128xf32>
    %mul3A_63 = arith.mulf %mul3A_55, %add3A_62 : vector<1264x128xf32>
    %get3A_64 = arith.constant 0 : index
    %get3A_65 = arith.constant 0 : index
    %get3A_66 = vector.load %arg7[%get3A_64, %get3A_65] : memref<64x128xf32, #tpu.memory_space<vmem>>, vector<64x128xf32>
    %dot_general3A_67 = arith.constant dense<0.000000e+00> : vector<1264x64xf32>
    %dot_general3A_68 = tpu.matmul %mul3A_63, %get3A_66, %dot_general3A_67 {dimension_numbers = #tpu.dot_dimension_numbers<[1], [1], [0], [0], [0, 0, 1, 0], [], []>, transpose_lhs_hint = false} : vector<1264x128xf32>, vector<64x128xf32>, vector<1264x64xf32> -> vector<1264x64xf32>
    %get3A_69 = arith.constant 0 : index
    %get3A_70 = arith.constant 0 : index
    %get3A_71 = vector.load %arg8[%get3A_69, %get3A_70] : memref<1x64xf32, #tpu.memory_space<vmem>>, vector<1x64xf32>
    %add3A_72 = vector.broadcast %get3A_71 : vector<1x64xf32> to vector<1264x64xf32>
    %add3A_73 = arith.addf %dot_general3A_68, %add3A_72 : vector<1264x64xf32>
    %swap3A = arith.constant 0 : index
    %swap3A_74 = arith.constant 0 : index
    %swap3A_75 = vector.load %arg9[%swap3A, %swap3A_74] : memref<1264x64xf32, #tpu.memory_space<vmem>>, vector<1264x64xf32>
    tpu.vector_store %arg9[%swap3A, %swap3A_74], %add3A_73 {strides = array<i32>} : memref<1264x64xf32, #tpu.memory_space<vmem>>, vector<1264x64xf32>,
    return
  }
  func.func @transform_0(%arg0: i32) -> (i32, i32, i32) {
    %c0_i32 = arith.constant 0 : i32
    %c0_i32_0 = arith.constant 0 : i32
    %c0_i32_1 = arith.constant 0 : i32
    return %c0_i32, %arg0, %c0_i32_0 : i32, i32, i32
  }
  func.func @transform_1(%arg0: i32) -> (i32, i32) {
    %c0_i32 = arith.constant 0 : i32
    %c0_i32_0 = arith.constant 0 : i32
    return %arg0, %c0_i32 : i32, i32
  }
  func.func @transform_2(%arg0: i32) -> (i32, i32, i32) {
    %c0_i32 = arith.constant 0 : i32
    %c0_i32_0 = arith.constant 0 : i32
    %c0_i32_1 = arith.constant 0 : i32
    return %c0_i32, %arg0, %c0_i32_0 : i32, i32, i32
  }
  func.func @transform_3(%arg0: i32) -> (i32, i32) {
    %c0_i32 = arith.constant 0 : i32
    %c0_i32_0 = arith.constant 0 : i32
    %c0_i32_1 = arith.constant 0 : i32
    return %c0_i32, %c0_i32_0 : i32, i32
  }
  func.func @transform_4(%arg0: i32) -> (i32, i32) {
    %c0_i32 = arith.constant 0 : i32
    %c0_i32_0 = arith.constant 0 : i32
    %c0_i32_1 = arith.constant 0 : i32
    return %c0_i32, %c0_i32_0 : i32, i32
  }
  func.func @transform_5(%arg0: i32) -> (i32, i32) {
    %c0_i32 = arith.constant 0 : i32
    %c0_i32_0 = arith.constant 0 : i32
    %c0_i32_1 = arith.constant 0 : i32
    return %c0_i32, %c0_i32_0 : i32, i32
  }
  func.func @transform_6(%arg0: i32) -> (i32, i32) {
    %c0_i32 = arith.constant 0 : i32
    %c0_i32_0 = arith.constant 0 : i32
    %c0_i32_1 = arith.constant 0 : i32
    return %c0_i32, %c0_i32_0 : i32, i32
  }
  func.func @transform_7(%arg0: i32) -> (i32, i32) {
    %c0_i32 = arith.constant 0 : i32
    %c0_i32_0 = arith.constant 0 : i32
    %c0_i32_1 = arith.constant 0 : i32
    return %c0_i32, %c0_i32_0 : i32, i32
  }
  func.func @transform_8(%arg0: i32) -> (i32, i32) {
    %c0_i32 = arith.constant 0 : i32
    %c0_i32_0 = arith.constant 0 : i32
    return %arg0, %c0_i32 : i32, i32
  }
}

</mosaic_0001>

<sc_bundles>
// kernel: kernel.10.cloned.1.call-start
scs
__scs_entry_jumppad:
0x0: {  	(pc) =	sbr.rel $0x88, $3  }
0x1: {  	(tag) =	ssettag $0x0;
	lr =	simm.s32 $0x1  }
0x2: {  	[smem:$0x3F94] =	sst lr;
	_ =	strace $0xD0000000  }
0x3: {  	_ = 	snop  }
0x4: {  	_ = 	snop  }
0x5: {  	_ = 	snop  }
0x6: {  	_ = 	snop  }
0x7: {  	_ = 	snop  }
__scs_overlays_trampoline_lowered:
0x8: {  	[smem:$0x3FA3] =	sst s0  }
0x9: {  	[smem:$0x3FA4] =	sst s1  }
0xa: {  	[smem:$0x3FA5] =	sst s2  }
0xb: {  	[smem:$0x3FA6] =	sst s3  }
0xc: {  	[smem:$0x3FA7] =	sst s4  }
0xd: {  	[smem:$0x3FA8] =	sst s5  }
0xe: {  	[smem:$0x3FA9] =	sst s6  }
0xf: {  	[smem:$0x3FAA] =	sst s7  }
0x10: {  	[smem:$0x3FAB] =	sst s8  }
0x11: {  	[smem:$0x3FAC] =	sst s9;
	s0 =	simm.s32 @!p0 $0x0  }
0x12: {  	s1 =	sld [smem:$0x3F92];
	s0 =	simm.s32 @p0 $0x1  }
0x13: {  	[smem:$0x3FAD] =	sst s0;
	s0 =	simm.s32 @!p1 $0x0  }
0x14: {  	s2 =	sld [smem:$0x3F91];
	s0 =	simm.s32 @p1 $0x1  }
0x15: {  	[smem:$0x3FAE] =	sst s0;
	s0 =	simm.s32 @!p2 $0x0  }
0x16: {  	s3 =	sld [smem:$0x3FDB];
	s0 =	simm.s32 @p2 $0x1  }
0x17: {  	s4 =	simm.s32 $0x1BF5;
	[smem:$0x3FB0] =	sst s0  }
0x18: {  	s0 =	sld [smem:$0x3F93];
	_ =	swait.ge [sflag:s4], $0x0  }
0x19: {  	s7 =	sld [smem:$0x3F94]  }
0x1a: {  	s8 =	sadd.s32 $0xFFFFE003, lr  }
0x1b: {  	s9 =	sadd.s32 $0xFFFFFEF7, lr;
	s5 =	simm.s32 $0xFFFFFFFF;
	p2 =	slt.u32 s8, $0xFFFFF086  }
0x1c: {  	p1 =	slt.u32 s9, $0xF7A;
	s5 =	simm.s32 @!p2 $0x0  }
0x1d: {  	s5 =	simm.s32 @p1 $0x1;
	p0 =	seq.s32 s7, s2  }
0x1e: {  	s7 =	smul.u32 @!p0 $0xF7A, s2;
	p2 =	seq.s32 @!p0 s5, $0x0  }
0x1f: {  	s9 =	smul.u32 $0xF7A, s1;
	s8 =	simm.s32 @!p0 $0x1BF5;
	p2 =	por !p2, p0  }
0x20: {  	[sflag:s8] =	ssyncset.s32 @!p0 $0xFFFFF086;
	s6 =	sadd.s32 @!p0 s3, s7;
	s7 =	simm.s32 @!p0 $0x108  }
0x21: {  	s3 =	sadd.s32 s3, s9;
	s6 =	sadd.s32 @!p0 $0x88, s6;
	s7 =	simm.s32 @p2 $0x1082  }
0x22: {  	[simem:s7], [sflag:s8] =	dma.local @!p0 [hbm:s6], $0xF7A  }
0x23: {  	s9 =	sor.u32 $0xD0000000, s2;
	s6 =	simm.s32 $0x108;
	_ =	swait.ge @!p0 [sflag:s8], $0x0  }
0x24: {  	s3 =	sadd.s32 $0x88, s3;
	s6 =	simm.s32 @!p1 $0x1082;
	[sflag:s4] =	ssyncset.s32 $0xFFFFF086  }
0x25: {  	[simem:s6], [sflag:s4] =	dma.local [hbm:s3], $0xF7A  }
0x26: {  	[smem:$0x3F94] =	sst s1;
	(tag) =	ssettag s2;
	_ =	strace s9  }
0x27: {  	s1 =	sld [smem:$0x3FA4]  }
0x28: {  	s2 =	sld [smem:$0x3FA5]  }
0x29: {  	s4 =	sld [smem:$0x3FA7]  }
0x2a: {  	p0 =	seq.s32 s5, $0x0;
	s5 =	sld [smem:$0x3FA8]  }
0x2b: {  	s6 =	sld [smem:$0x3FA9]  }
0x2c: {  	s7 =	sld [smem:$0x3FAA]  }
0x2d: {  	s3 =	simm.s32 $0x108;
	s8 =	sld [smem:$0x3FAB]  }
0x2e: {  	s3 =	simm.s32 @!p0 $0x1082;
	s9 =	sld [smem:$0x3FAC]  }
0x2f: {  	lr =	sadd.s32 s0, s3;
	s0 =	sld [smem:$0x3FA3]  }
0x30: {  	s3 =	sld [smem:$0x3FA6]  }
0x31: {  	[smem:$0x3FAF] =	sst s10  }
0x32: {  	s10 =	sld [smem:$0x3FAD];
	_ =	sdelay $0x3  }
0x33: {  	p0 =	seq.s32 s10, $0x1;
	s10 =	sld [smem:$0x3FAF];
	_ =	sdelay $0x3  }
0x34: {  	[smem:$0x3FAF] =	sst s10  }
0x35: {  	s10 =	sld [smem:$0x3FAE];
	_ =	sdelay $0x3  }
0x36: {  	p1 =	seq.s32 s10, $0x1;
	s10 =	sld [smem:$0x3FAF];
	_ =	sdelay $0x3  }
0x37: {  	[smem:$0x3FAF] =	sst s10  }
0x38: {  	s10 =	sld [smem:$0x3FB0]  }
0x39: {  	_ = 	snop;
	(pc) =	sbr.ind lr, $3  }
0x3a: {  	_ = 	snop  }
0x3b: {  	_ = 	snop  }
0x3c: {  	p2 =	seq.s32 s10, $0x1;
	s10 =	sld [smem:$0x3FAF]  }
0x3d: {  	_ =	shalt  }
0x3e: {  	_ =	shalt  }
0x3f: {  	_ =	shalt  }
0x40: {  	_ =	shalt  }
0x41: {  	_ =	shalt  }
0x42: {  	_ =	shalt  }
0x43: {  	_ =	shalt  }
0x44: {  	_ =	shalt  }
0x45: {  	_ =	shalt  }
0x46: {  	_ =	shalt  }
0x47: {  	_ =	shalt  }
0x48: {  	_ =	shalt  }
0x49: {  	_ =	shalt  }
0x4a: {  	_ =	shalt  }
0x4b: {  	_ =	shalt  }
0x4c: {  	_ =	shalt  }
0x4d: {  	_ =	shalt  }
0x4e: {  	_ =	shalt  }
0x4f: {  	_ =	shalt  }
0x50: {  	_ =	shalt  }
0x51: {  	_ =	shalt  }
0x52: {  	_ =	shalt  }
0x53: {  	_ =	shalt  }
0x54: {  	_ =	shalt  }
0x55: {  	_ =	shalt  }
0x56: {  	_ =	shalt  }
0x57: {  	_ =	shalt  }
0x58: {  	_ =	shalt  }
0x59: {  	_ =	shalt  }
0x5a: {  	_ =	shalt  }
0x5b: {  	_ =	shalt  }
0x5c: {  	_ =	shalt  }
0x5d: {  	_ =	shalt  }
0x5e: {  	_ =	shalt  }
0x5f: {  	_ =	shalt  }
0x60: {  	_ =	shalt  }
0x61: {  	_ =	shalt  }
0x62: {  	_ =	shalt  }
0x63: {  	_ =	shalt  }
0x64: {  	_ =	shalt  }
0x65: {  	_ =	shalt  }
0x66: {  	_ =	shalt  }
0x67: {  	_ =	shalt  }
0x68: {  	_ =	shalt  }
0x69: {  	_ =	shalt  }
0x6a: {  	_ =	shalt  }
0x6b: {  	_ =	shalt  }
0x6c: {  	_ =	shalt  }
0x6d: {  	_ =	shalt  }
0x6e: {  	_ =	shalt  }
0x6f: {  	_ =	shalt  }
0x70: {  	_ =	shalt  }
0x71: {  	_ =	shalt  }
0x72: {  	_ =	shalt  }
0x73: {  	_ =	shalt  }
0x74: {  	_ =	shalt  }
0x75: {  	_ =	shalt  }
0x76: {  	_ =	shalt  }
0x77: {  	_ =	shalt  }
0x78: {  	_ =	shalt  }
0x79: {  	_ =	shalt  }
0x7a: {  	_ =	shalt  }
0x7b: {  	_ =	shalt  }
0x7c: {  	_ =	shalt  }
0x7d: {  	_ =	shalt  }
0x7e: {  	_ =	shalt  }
0x7f: {  	_ =	shalt  }
0x80: {  	_ =	shalt  }
0x81: {  	_ =	shalt  }
0x82: {  	_ =	shalt  }
0x83: {  	_ =	shalt  }
0x84: {  	_ =	shalt  }
0x85: {  	_ =	shalt  }
0x86: {  	_ =	shalt  }
0x87: {  	_ =	shalt  }
.Lfunc_end0:
.L_simem_size_0:
called_computation_lowered:
.L_overlay_start_0:
0x88: {  	s2 =	sld [smem:$0x3FD9]  }
0x89: {  	s3 =	sld [smem:$0x3FFE];
	_ =	sdelay $0x1  }
0x8a: {  	s1 =	srdreg.scid  }
0x8b: {  	s0 =	sand.u32 $0x1, s1  }
0x8c: {  	s17 =	sshll.u32 s0, $0xA;
	s2 =	sadd.s32 s3, s2  }
0x8d: {  	s2 =	sadd.s32 s2, s17  }
0x8e: {  	[smem:$0x3FBB] =	sst s2  }
0x8f: {  	_ = 	snop  }
0x90: {  	s2 =	sld [smem:$0x3FD0];
	(tm) =	ssettm $0x1  }
0x91: {  	s18 =	sld [smem:$0x3FFB];
	_ =	sdelay $0x3  }
0x92: {  	_ =	strace s18  }
0x93: {  	s3 =	sld [smem:$0x3FFC];
	_ =	sdelay $0x3  }
0x94: {  	_ =	strace s3  }
0x95: {  	s3 =	sld [smem:$0x3FFD];
	_ =	sdelay $0x3  }
0x96: {  	_ =	strace s3  }
0x97: {  	_ =	strace $0x8FFFFFFF  }
0x98: {  	s19 =	sld [smem:$0x3FDB];
	_ =	sdelay $0x1  }
0x99: {  	s4 =	simm.s32 $_scs_section_size  }
0x9a: {  	s5 =	simm.s32 $_size__tile_overlayer_lowered;
	s6 =	simm.s32 $_tile_overlayer_lowered  }
0x9b: {  	s22 =	simm.s32 $0x1BFF;
	s21 =	sshll.u32 s6, $0x1;
	s3 =	sadd.s32 s4, s19  }
0x9c: {  	s7 =	simm.s32 $0x0;
	s20 =	sshll.u32 s5, $0x1;
	s5 =	sadd.s32 s21, s3  }
0x9d: {  	[timem:s7], [sflag:s22] =	dma.local [hbm:s5], s20  }
0x9e: {  	_ =	swait.ge [sflag:s22], s20  }
0x9f: {  	s4 =	ssub.s32 $0x0, s20;
	[sflag:s22] =	ssyncset.done $0x0  }
0xa0: {  	[sflag:s22] =	ssyncadd.s32 s4;
	_ =	sdelay $0x1  }
0xa1: {  	s23 =	simm.s32 $0x1B8B  }
0xa2: {  	_ =	swait.ge [sflag:s23], $0x1  }
0xa3: {  	[sflag:s23] =	ssyncset.done $0x0  }
0xa4: {  	s25 =	simm.s32 $0x1B8E;
	s24 =	sld [smem:$0x3FFE];
	[sflag:s23] =	ssyncadd.s32 $0xFFFFFFFF  }
0xa5: {  	s26 =	simm.s32 $execute0_lowered;
	[smem:$0x3FD2] =	sst s25  }
0xa6: {  	s5 =	sshll.u32 s26, $0x1;
	_ =	strace $0x80000046;
	[dreg:$0x1] =	wrdreg $0xFFFFFFFF  }
0xa7: {  	s28 =	simm.s32 $_size_execute0_lowered;
	s3 =	sadd.s32 s3, s5;
	[dreg:$0x0] =	wrdreg $0x0  }
0xa8: {  	s5 =	sshll.u32 s28, $0x1;
	[dreg:$0x2] =	wrdreg s3  }
0xa9: {  	[dreg:$0x3] =	wrdreg s5  }
0xaa: {  	[dreg:$0x4] =	wrdreg $0xC0  }
0xab: {  	_ =	task [dreg:s7], $0x5FFFF  }
0xac: {  	[dreg:$0x1] =	wrdreg $0xFFFFFFFF  }
0xad: {  	[dreg:$0x0] =	wrdreg $0x60  }
0xae: {  	[dreg:$0x2] =	wrdreg s2  }
0xaf: {  	[dreg:$0x3] =	wrdreg s24  }
0xb0: {  	[dreg:$0x4] =	wrdreg $0x90000  }
0xb1: {  	[dreg:$0x5] =	wrdreg $0x9  }
0xb2: {  	_ =	task.clear_ibuf [dreg:s7], $0x6FFFF;
	_ =	strace $0x90000046  }
0xb3: {  	s29 =	simm.s32 $0x9;
	_ =	strace $0x80000048  }
0xb4: {  	_ =	swait.ge [sflag:s29], $0x1  }
0xb5: {  	[sflag:s29] =	ssyncadd.s32 $0xFFFFFFFF  }
0xb6: {  	_ =	strace $0x90000048  }
0xb7: {  	_ =	sfence  }
0xb8: {  	s30 =	sld [smem:$0x0];
	_ =	sdelay $0x2  }
0xb9: {  	s31 =	sshll.u32 s1, $0xD;
	s1 =	sshrl.u32 s1, $0x2  }
0xba: {  	s3 =	sand.u32 $0x4000, s31;
	s1 =	sadd.s32 s1, s30  }
0xbb: {  	s0 =	sor.u32 s3, s0;
	s1 =	sshll.u32 s1, $0x11  }
0xbc: {  	s0 =	sor.u32 s1, s0  }
0xbd: {  	s0 =	sadd.s32 $0x8F2B, s0  }
0xbe: {  	[sflag:s0] =	ssyncadd.remote.s32 $0x1  }
0xbf: {  	_ =	sfence.sel $0xFFFF  }
0xc0: {  	[dreg:$0x0] =	wrdreg $0xFFFFFFFF;
	(pc) =	sbr.abs _section_cstart, $3  }
0xc1: {  	[dreg:$0x1] =	wrdreg $0xFFFFFFFF  }
0xc2: {  	_ =	task.clear_ibuf [dreg:s7], $0x2FFFF;
	_ =	strace $0x9FFFFFFF  }
0xc3: {  	(tm) =	ssettm $0x7FFFFFFF  }
tec
execute0_lowered:
.L_overlay_start_1:
0x0: {  	(tag) =	ssettag $0x1  }
0x1: {  	s9 =	rddreg [dreg:$0x0]  }
0x2: {  	s6 =	rddreg [dreg:$0x1]  }
0x3: {  	s0 =	srdreg.scid;
	s2 =	rddreg [dreg:$0x2]  }
0x4: {  	s1 =	rddreg [dreg:$0x3];
	s3 =	simm.s32 $0x0;
	s4 =	sand.u32 $0x1, s0  }
0x5: {  	s13 =	simm.s32 $0x1;
	s0 =	stileid.u32;
	s5 =	smul.u32 $0x13C000, s4  }
0x6: {  	s14 =	simm.s32 $0x80;
	[smem:$0x7FF] =	sst s3;
	s7 =	smul.u32 $0x13C00, s0  }
0x7: {  	s28 =	smul.u32 $0x4F000, s0;
	_ =	strace $0x80000047;
	s29 =	ssub.s32 $0x2, s4  }
0x8: {  	s4 =	sshll.u32 s4, $0x4;
	s15 =	sshll.u32 s0, $0x6;
	s31 =	sshrl.u32 s29, $0x1  }
0x9: {  	s8 =	sor.u32 s0, s4;
	s15 =	sor.u32 $0x1C01, s15;
	s5 =	sadd.s32 s7, s5  }
0xa: {  	s30 =	sshrl.u32 s28, $0x2;
	s11 =	ssub.s32 s29, s31;
	s12 =	smul.u32 $0x500, s8  }
0xb: {  	s5 =	sshrl.u32 s5, $0x3;
	s4 =	sadd.s32 s30, s2;
	s11 =	smax.u32 s11, $0x1  }
0xc: {  	s10 =	sadd.s32 s5, s6;
	s5 =	sadd.s32 $0x4000, s4;
	s6 =	sadd.s32 $0x8000, s4  }
0xd: {  	s7 =	sadd.s32 $0xC000, s4;
	s8 =	sadd.s32 $0x10000, s4;
	s9 =	sadd.s32 s9, s12  }
0xe: {  	v0 =	vimm.f32 $0.0e+00;
	v1 =	vimm.f32 $1.000000000e+00;
	s12 =	simm.s32 $0x5000;
	s16 =	sshrl.u32 s4, $0x3;
	s10 =	sadd.s32 $0x3E00, s10  }
.LBB2_1:
0xf: {  	s17 =	simm.s32 $0x0;
	s18 =	simm.s32 $0x200  }
.LBB2_2:
0x10: {  	p0 =	sne.s32 s18, $0xFE00;
	[tilespmem:s17+$0x5070] =	vst v0  }
0x11: {  	[tilespmem:s17+$0x5000] =	vst v0  }
0x12: {  	[tilespmem:s17+$0x5010] =	vst v0  }
.Ltmp0:
0x13: {  	[tilespmem:s17+$0x5020] =	vst v0;
	(pc) =	sbr.rel @p0 .LBB2_2-.Ltmp0, $4  }
0x14: {  	[tilespmem:s17+$0x5030] =	vst v0  }
0x15: {  	[tilespmem:s17+$0x5040] =	vst v0  }
0x16: {  	[tilespmem:s17+$0x5050] =	vst v0  }
0x17: {  	[tilespmem:s17+$0x5060] =	vst v0;
	s17 =	sshra.s32 s18, $0x2;
	s18 =	sadd.s32 $0x200, s18  }
0x18: {  	[tilespmem:s17+$0x5070] =	vst v0  }
0x19: {  	[tilespmem:s17+$0x5000] =	vst v0  }
0x1a: {  	[tilespmem:s17+$0x5010] =	vst v0  }
0x1b: {  	[tilespmem:s17+$0x5020] =	vst v0  }
0x1c: {  	[tilespmem:s17+$0x5030] =	vst v0  }
0x1d: {  	[tilespmem:s17+$0x5040] =	vst v0  }
0x1e: {  	[tilespmem:s17+$0x5050] =	vst v0  }
0x1f: {  	[tilespmem:s17+$0x5060] =	vst v0  }
0x20: {  	[spmem:s4] =	stream.linear.scatter [tilespmem:s12], [sflag:$0x1], $0x4000, $0x38;
	[tilespmem:$0x1CC00] =	vst v63  }
0x21: {  	_ =	swait.ge [sflag:s13], $0x4000  }
0x22: {  	[sflag:s13] =	ssyncset.done $0x0  }
0x23: {  	[sflag:s13] =	ssyncadd.s32 $0xFFFFC000  }
0x24: {  	[spmem:s5] =	stream.linear.scatter [tilespmem:s12], [sflag:$0x1], $0x4000, $0x38;
	[tilespmem:$0x1CC00] =	vst v63  }
0x25: {  	_ =	swait.ge [sflag:s13], $0x4000  }
0x26: {  	[sflag:s13] =	ssyncset.done $0x0  }
0x27: {  	[sflag:s13] =	ssyncadd.s32 $0xFFFFC000  }
0x28: {  	[spmem:s6] =	stream.linear.scatter [tilespmem:s12], [sflag:$0x1], $0x4000, $0x38;
	[tilespmem:$0x1CC00] =	vst v63  }
0x29: {  	_ =	swait.ge [sflag:s13], $0x4000  }
0x2a: {  	[sflag:s13] =	ssyncset.done $0x0  }
0x2b: {  	[sflag:s13] =	ssyncadd.s32 $0xFFFFC000  }
0x2c: {  	[spmem:s7] =	stream.linear.scatter [tilespmem:s12], [sflag:$0x1], $0x4000, $0x38;
	[tilespmem:$0x1CC00] =	vst v63  }
0x2d: {  	_ =	swait.ge [sflag:s13], $0x4000  }
0x2e: {  	[sflag:s13] =	ssyncset.done $0x0  }
0x2f: {  	[sflag:s13] =	ssyncadd.s32 $0xFFFFC000  }
0x30: {  	[spmem:s8] =	stream.linear.scatter [tilespmem:s12], [sflag:$0x1], $0x3C00, $0x38;
	[tilespmem:$0x1CC00] =	vst v63  }
0x31: {  	_ =	swait.ge [sflag:s13], $0x3C00  }
0x32: {  	[sflag:s13] =	ssyncset.done $0x0  }
0x33: {  	s17 =	simm.s32 $0x200;
	s18 =	simm.s32 $0x0;
	[sflag:s13] =	ssyncadd.s32 $0xFFFFC400  }
.LBB2_4:
0x34: {  	p0 =	sne.s32 s17, $0xFE00;
	[tilespmem:s18+$0x5000] =	vst v1;
	s18 =	smov.u32 s17;
	s17 =	sadd.s32 $0x200, s17  }
.Ltmp1:
0x35: {  	(pc) =	sbr.rel @p0 .LBB2_4-.Ltmp1, $2  }
0x36: {  	_ =	sdelay $0x2  }
0x37: {  	s18 =	sshra.s32 s18, $0x2  }
0x38: {  	[tilespmem:s18+$0x5000] =	vst v1;
	s17 =	simm.s32 $0x0  }
0x39: {  	[tilespmem:s17], [sflag:$0x1] =	stream.linear.gather [hbm4b:s9+s17], $0x2800, $0x38;
	[tilespmem:$0x1CC00] =	vst v63  }
0x3a: {  	_ =	swait.ge [sflag:s13], $0x2800  }
0x3b: {  	[sflag:s13] =	ssyncset.done $0x0  }
0x3c: {  	s18 =	simm.s32 $0x0;
	[sflag:s13] =	ssyncadd.s32 $0xFFFFD800  }
0x3d: {  	v3 =	vld [tilespmem:s18+$0x70]  }
0x3e: {  	v6 =	vld [tilespmem:s18+$0x0]  }
0x3f: {  	v7 =	vld [tilespmem:s18+$0x10]  }
0x40: {  	v5 =	vld [tilespmem:s18+$0x20]  }
0x41: {  	v4 =	vld [tilespmem:s18+$0x30]  }
0x42: {  	v2 =	vld [tilespmem:s18+$0x40];
	v8 =	vand.u32 $0x3FFF, v3  }
0x43: {  	v3 =	vld [tilespmem:s18+$0x50];
	v6 =	vand.u32 $0x3FFF, v6;
	[tilespmem:s18+$0x2870] =	vst v8  }
0x44: {  	s19 =	simm.s32 $0x400;
	s17 =	simm.s32 $0x80;
	v7 =	vand.u32 $0x3FFF, v7;
	[tilespmem:s18+$0x2800] =	vst v6;
	v6 =	vld [tilespmem:s18+$0x60]  }
.LBB2_6:
0x45: {  	p0 =	sne.s32 s19, $0x9E00;
	v8 =	vld [tilespmem:s17+$0x70];
	[tilespmem:s18+$0x2810] =	vst v7;
	v5 =	vand.u32 $0x3FFF, v5  }
0x46: {  	v7 =	vld [tilespmem:s17+$0x0];
	[tilespmem:s18+$0x2820] =	vst v5;
	v4 =	vand.u32 $0x3FFF, v4  }
0x47: {  	v9 =	vld [tilespmem:s17+$0x10];
	[tilespmem:s18+$0x2830] =	vst v4;
	v2 =	vand.u32 $0x3FFF, v2  }
.Ltmp2:
0x48: {  	v5 =	vld [tilespmem:s17+$0x20];
	[tilespmem:s18+$0x2840] =	vst v2;
	v2 =	vand.u32 $0x3FFF, v3;
	(pc) =	sbr.rel @p0 .LBB2_6-.Ltmp2, $4  }
0x49: {  	v4 =	vld [tilespmem:s17+$0x30];
	[tilespmem:s18+$0x2850] =	vst v2;
	v3 =	vand.u32 $0x3FFF, v6  }
0x4a: {  	v2 =	vld [tilespmem:s17+$0x40];
	v6 =	vand.u32 $0x3FFF, v8;
	[tilespmem:s18+$0x2860] =	vst v3;
	s18 =	smov.u32 s17  }
0x4b: {  	v7 =	vand.u32 $0x3FFF, v7;
	v3 =	vld [tilespmem:s18+$0x50];
	[tilespmem:s18+$0x2870] =	vst v6  }
0x4c: {  	s17 =	sshra.s32 s19, $0x2;
	s19 =	sadd.s32 $0x200, s19;
	[tilespmem:s18+$0x2800] =	vst v7;
	v7 =	vand.u32 $0x3FFF, v9;
	v6 =	vld [tilespmem:s18+$0x60]  }
0x4d: {  	v8 =	vld [tilespmem:s17+$0x70];
	[tilespmem:s18+$0x2810] =	vst v7;
	v5 =	vand.u32 $0x3FFF, v5  }
0x4e: {  	v7 =	vld [tilespmem:s17+$0x0];
	[tilespmem:s18+$0x2820] =	vst v5;
	v4 =	vand.u32 $0x3FFF, v4  }
0x4f: {  	v5 =	vld [tilespmem:s17+$0x10];
	[tilespmem:s18+$0x2830] =	vst v4;
	v2 =	vand.u32 $0x3FFF, v2  }
0x50: {  	v4 =	vld [tilespmem:s17+$0x20];
	[tilespmem:s18+$0x2840] =	vst v2;
	v2 =	vand.u32 $0x3FFF, v3  }
0x51: {  	v3 =	vld [tilespmem:s17+$0x30];
	[tilespmem:s18+$0x2850] =	vst v2;
	v2 =	vand.u32 $0x3FFF, v6  }
0x52: {  	v61 =	vld [tilespmem:s17+$0x40];
	[tilespmem:s18+$0x2860] =	vst v2;
	v2 =	vand.u32 $0x3FFF, v8  }
0x53: {  	v62 =	vld [tilespmem:s17+$0x50];
	v7 =	vand.u32 $0x3FFF, v7;
	[tilespmem:s17+$0x2870] =	vst v2  }
0x54: {  	v63 =	vld [tilespmem:s17+$0x60];
	[tilespmem:s17+$0x2800] =	vst v7;
	v2 =	vand.u32 $0x3FFF, v5  }
0x55: {  	[tilespmem:s17+$0x2810] =	vst v2;
	v2 =	vand.u32 $0x3FFF, v4  }
0x56: {  	[tilespmem:s17+$0x2820] =	vst v2;
	v2 =	vand.u32 $0x3FFF, v3  }
0x57: {  	[tilespmem:s17+$0x2830] =	vst v2;
	v2 =	vand.u32 $0x3FFF, v61  }
0x58: {  	[tilespmem:s17+$0x2840] =	vst v2;
	v2 =	vand.u32 $0x3FFF, v62  }
0x59: {  	[tilespmem:s17+$0x2850] =	vst v2;
	v2 =	vand.u32 $0x3FFF, v63  }
0x5a: {  	[tilespmem:s17+$0x2860] =	vst v2  }
0x5b: {  	s31 =	simm.s32 $0x2800;
	[bflag:$0x0] =	sbarrier.arrive $0xFFFF  }
0x5c: {  	[spmem:s2] =	stream.indirect.scatter.add.f32 [tilespmem:s12], [sflag:$0x1], $0x80, s31, s14, $0xb8;
	[tilespmem:$0x1CC00] =	vst v63  }
0x5d: {  	s17 =	simm.s32 $0x200;
	_ =	swait.ge [sflag:s13], $0x4000  }
.LBB2_8:
0x5e: {  	s18 =	sshra.s32 s17, $0x2;
	[sflag:s13] =	ssyncset.done $0x0;
	p0 =	sne.s32 s17, $0x9E00  }
.Ltmp3:
0x5f: {  	s18 =	sadd.s32 $0x2800, s18;
	[sflag:s13] =	ssyncadd.s32 $0xFFFFC000;
	(pc) =	sbr.rel @p0 .LBB2_8-.Ltmp3, $3  }
0x60: {  	[spmem:s2] =	stream.indirect.scatter.add.f32 [tilespmem:s12], [sflag:$0x1], $0x80, s18, s14, $0xb8;
	[tilespmem:$0x1CC00] =	vst v63  }
0x61: {  	s17 =	sadd.s32 $0x200, s17;
	_ =	sdelay $0x1  }
0x62: {  	_ =	swait.ge [sflag:s13], $0x4000  }
0x63: {  	[sflag:s13] =	ssyncset.done $0x0;
	s3 =	sadd.s32 $0x1, s3  }
0x64: {  	[sflag:s13] =	ssyncadd.s32 $0xFFFFC000;
	p0 =	sne.s32 s3, s11  }
.Ltmp4:
0x65: {  	[bflag:$0x0] =	sbarrier.arrive $0xFFFF;
	(pc) =	sbr.rel @p0 .LBB2_1-.Ltmp4, $4  }
0x66: {  	[hbm:s10], [sflag:s15] =	dma.local [spmem:s16], $0x2780  }
0x67: {  	_ =	swait.ge [sflag:s13], $0x2780  }
0x68: {  	[sflag:s13] =	ssyncset.done $0x0  }
0x69: {  	[sflag:s13] =	ssyncadd.s32 $0xFFFFD880  }
0x6a: {  	_ =	sfence.sel $0x180000  }
0x6b: {  	[bflag:$0x0] =	sbarrier.arrive $0xFFFF  }
0x6c: {  	p0 =	sne.s32 s0, $0x0;
	_ =	strace $0x90000047  }
0x6d: {  	s0 =	sadd.s32 @!p0 $0x100000, s1;
	[bflag:$0x2] =	sbarrier.arrive $0xFFFF  }
0x6e: {  	[sflag:s0] =	ssyncadd.tile.s32 @!p0 $0x1;
	_ =	shalt  }
.Lfunc_end2:
_tile_overlayer_lowered:
.L_overlay_start_2:
0x6f: {  	(tag) =	ssettag $0x2  }
0x70: {  	s0 =	rddreg [dreg:$0x0];
	s2 =	stileid.u32  }
0x71: {  	s1 =	rddreg [dreg:$0x1];
	p0 =	sne.s32 s2, $0x0  }
0x72: {  	s3 =	rddreg [dreg:$0x2];
	[bflag:$0x3] =	sbarrier.arrive $0xFFFF;
	s2 =	simm.s32 @!p0 $0x1C01  }
0x73: {  	[timem:s3], [sflag:s2] =	dma.local @!p0 [hbm:s0], s1  }
0x74: {  	s0 =	simm.s32 @!p0 $0x1  }
0x75: {  	_ =	swait.ge @!p0 [sflag:s0], s1  }
0x76: {  	s1 =	ssub.s32 @!p0 $0x0, s1;
	[sflag:s0] =	ssyncset.done @!p0 $0x0  }
0x77: {  	[sflag:s0] =	ssyncadd.s32 @!p0 s1  }
0x78: {  	[bflag:$0x3] =	sbarrier.arrive $0xFFFF  }
0x79: {  	_ =	shalt  }

// kernel: kernel.13.cloned.1.call-start
scs
__scs_entry_jumppad:
0x0: {  	(pc) =	sbr.rel $0x88, $3  }
0x1: {  	(tag) =	ssettag $0x0;
	lr =	simm.s32 $0x1  }
0x2: {  	[smem:$0x3F94] =	sst lr;
	_ =	strace $0xD0000000  }
0x3: {  	_ = 	snop  }
0x4: {  	_ = 	snop  }
0x5: {  	_ = 	snop  }
0x6: {  	_ = 	snop  }
0x7: {  	_ = 	snop  }
__scs_overlays_trampoline_lowered:
0x8: {  	[smem:$0x3FA3] =	sst s0  }
0x9: {  	[smem:$0x3FA4] =	sst s1  }
0xa: {  	[smem:$0x3FA5] =	sst s2  }
0xb: {  	[smem:$0x3FA6] =	sst s3  }
0xc: {  	[smem:$0x3FA7] =	sst s4  }
0xd: {  	[smem:$0x3FA8] =	sst s5  }
0xe: {  	[smem:$0x3FA9] =	sst s6  }
0xf: {  	[smem:$0x3FAA] =	sst s7  }
0x10: {  	[smem:$0x3FAB] =	sst s8  }
0x11: {  	[smem:$0x3FAC] =	sst s9;
	s0 =	simm.s32 @!p0 $0x0  }
0x12: {  	s1 =	sld [smem:$0x3F92];
	s0 =	simm.s32 @p0 $0x1  }
0x13: {  	[smem:$0x3FAD] =	sst s0;
	s0 =	simm.s32 @!p1 $0x0  }
0x14: {  	s2 =	sld [smem:$0x3F91];
	s0 =	simm.s32 @p1 $0x1  }
0x15: {  	[smem:$0x3FAE] =	sst s0;
	s0 =	simm.s32 @!p2 $0x0  }
0x16: {  	s3 =	sld [smem:$0x3FDB];
	s0 =	simm.s32 @p2 $0x1  }
0x17: {  	s4 =	simm.s32 $0x1BF5;
	[smem:$0x3FB0] =	sst s0  }
0x18: {  	s0 =	sld [smem:$0x3F93];
	_ =	swait.ge [sflag:s4], $0x0  }
0x19: {  	s7 =	sld [smem:$0x3F94]  }
0x1a: {  	s8 =	sadd.s32 $0xFFFFE003, lr  }
0x1b: {  	s9 =	sadd.s32 $0xFFFFFEF7, lr;
	s5 =	simm.s32 $0xFFFFFFFF;
	p2 =	slt.u32 s8, $0xFFFFF086  }
0x1c: {  	p1 =	slt.u32 s9, $0xF7A;
	s5 =	simm.s32 @!p2 $0x0  }
0x1d: {  	s5 =	simm.s32 @p1 $0x1;
	p0 =	seq.s32 s7, s2  }
0x1e: {  	s7 =	smul.u32 @!p0 $0xF7A, s2;
	p2 =	seq.s32 @!p0 s5, $0x0  }
0x1f: {  	s9 =	smul.u32 $0xF7A, s1;
	s8 =	simm.s32 @!p0 $0x1BF5;
	p2 =	por !p2, p0  }
0x20: {  	[sflag:s8] =	ssyncset.s32 @!p0 $0xFFFFF086;
	s6 =	sadd.s32 @!p0 s3, s7;
	s7 =	simm.s32 @!p0 $0x108  }
0x21: {  	s3 =	sadd.s32 s3, s9;
	s6 =	sadd.s32 @!p0 $0x88, s6;
	s7 =	simm.s32 @p2 $0x1082  }
0x22: {  	[simem:s7], [sflag:s8] =	dma.local @!p0 [hbm:s6], $0xF7A  }
0x23: {  	s9 =	sor.u32 $0xD0000000, s2;
	s6 =	simm.s32 $0x108;
	_ =	swait.ge @!p0 [sflag:s8], $0x0  }
0x24: {  	s3 =	sadd.s32 $0x88, s3;
	s6 =	simm.s32 @!p1 $0x1082;
	[sflag:s4] =	ssyncset.s32 $0xFFFFF086  }
0x25: {  	[simem:s6], [sflag:s4] =	dma.local [hbm:s3], $0xF7A  }
0x26: {  	[smem:$0x3F94] =	sst s1;
	(tag) =	ssettag s2;
	_ =	strace s9  }
0x27: {  	s1 =	sld [smem:$0x3FA4]  }
0x28: {  	s2 =	sld [smem:$0x3FA5]  }
0x29: {  	s4 =	sld [smem:$0x3FA7]  }
0x2a: {  	p0 =	seq.s32 s5, $0x0;
	s5 =	sld [smem:$0x3FA8]  }
0x2b: {  	s6 =	sld [smem:$0x3FA9]  }
0x2c: {  	s7 =	sld [smem:$0x3FAA]  }
0x2d: {  	s3 =	simm.s32 $0x108;
	s8 =	sld [smem:$0x3FAB]  }
0x2e: {  	s3 =	simm.s32 @!p0 $0x1082;
	s9 =	sld [smem:$0x3FAC]  }
0x2f: {  	lr =	sadd.s32 s0, s3;
	s0 =	sld [smem:$0x3FA3]  }
0x30: {  	s3 =	sld [smem:$0x3FA6]  }
0x31: {  	[smem:$0x3FAF] =	sst s10  }
0x32: {  	s10 =	sld [smem:$0x3FAD];
	_ =	sdelay $0x3  }
0x33: {  	p0 =	seq.s32 s10, $0x1;
	s10 =	sld [smem:$0x3FAF];
	_ =	sdelay $0x3  }
0x34: {  	[smem:$0x3FAF] =	sst s10  }
0x35: {  	s10 =	sld [smem:$0x3FAE];
	_ =	sdelay $0x3  }
0x36: {  	p1 =	seq.s32 s10, $0x1;
	s10 =	sld [smem:$0x3FAF];
	_ =	sdelay $0x3  }
0x37: {  	[smem:$0x3FAF] =	sst s10  }
0x38: {  	s10 =	sld [smem:$0x3FB0]  }
0x39: {  	_ = 	snop;
	(pc) =	sbr.ind lr, $3  }
0x3a: {  	_ = 	snop  }
0x3b: {  	_ = 	snop  }
0x3c: {  	p2 =	seq.s32 s10, $0x1;
	s10 =	sld [smem:$0x3FAF]  }
0x3d: {  	_ =	shalt  }
0x3e: {  	_ =	shalt  }
0x3f: {  	_ =	shalt  }
0x40: {  	_ =	shalt  }
0x41: {  	_ =	shalt  }
0x42: {  	_ =	shalt  }
0x43: {  	_ =	shalt  }
0x44: {  	_ =	shalt  }
0x45: {  	_ =	shalt  }
0x46: {  	_ =	shalt  }
0x47: {  	_ =	shalt  }
0x48: {  	_ =	shalt  }
0x49: {  	_ =	shalt  }
0x4a: {  	_ =	shalt  }
0x4b: {  	_ =	shalt  }
0x4c: {  	_ =	shalt  }
0x4d: {  	_ =	shalt  }
0x4e: {  	_ =	shalt  }
0x4f: {  	_ =	shalt  }
0x50: {  	_ =	shalt  }
0x51: {  	_ =	shalt  }
0x52: {  	_ =	shalt  }
0x53: {  	_ =	shalt  }
0x54: {  	_ =	shalt  }
0x55: {  	_ =	shalt  }
0x56: {  	_ =	shalt  }
0x57: {  	_ =	shalt  }
0x58: {  	_ =	shalt  }
0x59: {  	_ =	shalt  }
0x5a: {  	_ =	shalt  }
0x5b: {  	_ =	shalt  }
0x5c: {  	_ =	shalt  }
0x5d: {  	_ =	shalt  }
0x5e: {  	_ =	shalt  }
0x5f: {  	_ =	shalt  }
0x60: {  	_ =	shalt  }
0x61: {  	_ =	shalt  }
0x62: {  	_ =	shalt  }
0x63: {  	_ =	shalt  }
0x64: {  	_ =	shalt  }
0x65: {  	_ =	shalt  }
0x66: {  	_ =	shalt  }
0x67: {  	_ =	shalt  }
0x68: {  	_ =	shalt  }
0x69: {  	_ =	shalt  }
0x6a: {  	_ =	shalt  }
0x6b: {  	_ =	shalt  }
0x6c: {  	_ =	shalt  }
0x6d: {  	_ =	shalt  }
0x6e: {  	_ =	shalt  }
0x6f: {  	_ =	shalt  }
0x70: {  	_ =	shalt  }
0x71: {  	_ =	shalt  }
0x72: {  	_ =	shalt  }
0x73: {  	_ =	shalt  }
0x74: {  	_ =	shalt  }
0x75: {  	_ =	shalt  }
0x76: {  	_ =	shalt  }
0x77: {  	_ =	shalt  }
0x78: {  	_ =	shalt  }
0x79: {  	_ =	shalt  }
0x7a: {  	_ =	shalt  }
0x7b: {  	_ =	shalt  }
0x7c: {  	_ =	shalt  }
0x7d: {  	_ =	shalt  }
0x7e: {  	_ =	shalt  }
0x7f: {  	_ =	shalt  }
0x80: {  	_ =	shalt  }
0x81: {  	_ =	shalt  }
0x82: {  	_ =	shalt  }
0x83: {  	_ =	shalt  }
0x84: {  	_ =	shalt  }
0x85: {  	_ =	shalt  }
0x86: {  	_ =	shalt  }
0x87: {  	_ =	shalt  }
.Lfunc_end0:
.L_simem_size_0:
called_computation.1_lowered:
.L_overlay_start_0:
0x88: {  	s2 =	sld [smem:$0x3FD9]  }
0x89: {  	s3 =	sld [smem:$0x3FFE];
	_ =	sdelay $0x1  }
0x8a: {  	s1 =	srdreg.scid  }
0x8b: {  	s0 =	sand.u32 $0x1, s1  }
0x8c: {  	s17 =	sshll.u32 s0, $0xA;
	s2 =	sadd.s32 s3, s2  }
0x8d: {  	s2 =	sadd.s32 s2, s17  }
0x8e: {  	[smem:$0x3FBB] =	sst s2  }
0x8f: {  	_ = 	snop  }
0x90: {  	s2 =	sld [smem:$0x3FD0];
	(tm) =	ssettm $0x1  }
0x91: {  	s18 =	sld [smem:$0x3FFB];
	_ =	sdelay $0x3  }
0x92: {  	_ =	strace s18  }
0x93: {  	s3 =	sld [smem:$0x3FFC];
	_ =	sdelay $0x3  }
0x94: {  	_ =	strace s3  }
0x95: {  	s3 =	sld [smem:$0x3FFD];
	_ =	sdelay $0x3  }
0x96: {  	_ =	strace s3  }
0x97: {  	_ =	strace $0x8FFFFFFF  }
0x98: {  	s19 =	sld [smem:$0x3FDB];
	_ =	sdelay $0x1  }
0x99: {  	s4 =	simm.s32 $_scs_section_size  }
0x9a: {  	s5 =	simm.s32 $_size__tile_overlayer_lowered;
	s6 =	simm.s32 $_tile_overlayer_lowered  }
0x9b: {  	s22 =	simm.s32 $0x1BFF;
	s21 =	sshll.u32 s6, $0x1;
	s3 =	sadd.s32 s4, s19  }
0x9c: {  	s7 =	simm.s32 $0x0;
	s20 =	sshll.u32 s5, $0x1;
	s5 =	sadd.s32 s21, s3  }
0x9d: {  	[timem:s7], [sflag:s22] =	dma.local [hbm:s5], s20  }
0x9e: {  	_ =	swait.ge [sflag:s22], s20  }
0x9f: {  	s4 =	ssub.s32 $0x0, s20;
	[sflag:s22] =	ssyncset.done $0x0  }
0xa0: {  	[sflag:s22] =	ssyncadd.s32 s4;
	_ =	sdelay $0x1  }
0xa1: {  	s23 =	simm.s32 $0x1B8B  }
0xa2: {  	_ =	swait.ge [sflag:s23], $0x1  }
0xa3: {  	[sflag:s23] =	ssyncset.done $0x0  }
0xa4: {  	s25 =	simm.s32 $0x1B8E;
	s24 =	sld [smem:$0x3FFE];
	[sflag:s23] =	ssyncadd.s32 $0xFFFFFFFF  }
0xa5: {  	s26 =	simm.s32 $execute0_lowered;
	[smem:$0x3FD2] =	sst s25  }
0xa6: {  	s5 =	sshll.u32 s26, $0x1;
	_ =	strace $0x80000049;
	[dreg:$0x1] =	wrdreg $0xFFFFFFFF  }
0xa7: {  	s28 =	simm.s32 $_size_execute0_lowered;
	s3 =	sadd.s32 s3, s5;
	[dreg:$0x0] =	wrdreg $0x0  }
0xa8: {  	s5 =	sshll.u32 s28, $0x1;
	[dreg:$0x2] =	wrdreg s3  }
0xa9: {  	[dreg:$0x3] =	wrdreg s5  }
0xaa: {  	[dreg:$0x4] =	wrdreg $0xC0  }
0xab: {  	_ =	task [dreg:s7], $0x5FFFF  }
0xac: {  	[dreg:$0x1] =	wrdreg $0xFFFFFFFF  }
0xad: {  	[dreg:$0x0] =	wrdreg $0x60  }
0xae: {  	[dreg:$0x2] =	wrdreg s24  }
0xaf: {  	[dreg:$0x3] =	wrdreg s2  }
0xb0: {  	[dreg:$0x4] =	wrdreg $0xC2000  }
0xb1: {  	[dreg:$0x5] =	wrdreg $0x9  }
0xb2: {  	_ =	task.clear_ibuf [dreg:s7], $0x6FFFF;
	_ =	strace $0x90000049  }
0xb3: {  	s29 =	simm.s32 $0x9;
	_ =	strace $0x8000004B  }
0xb4: {  	_ =	swait.ge [sflag:s29], $0x1  }
0xb5: {  	[sflag:s29] =	ssyncadd.s32 $0xFFFFFFFF  }
0xb6: {  	_ =	strace $0x9000004B  }
0xb7: {  	_ =	sfence  }
0xb8: {  	s30 =	sld [smem:$0x0];
	_ =	sdelay $0x2  }
0xb9: {  	s31 =	sshll.u32 s1, $0xD;
	s1 =	sshrl.u32 s1, $0x2  }
0xba: {  	s3 =	sand.u32 $0x4000, s31;
	s1 =	sadd.s32 s1, s30  }
0xbb: {  	s0 =	sor.u32 s3, s0;
	s1 =	sshll.u32 s1, $0x11  }
0xbc: {  	s0 =	sor.u32 s1, s0  }
0xbd: {  	s0 =	sadd.s32 $0x8F2B, s0  }
0xbe: {  	[sflag:s0] =	ssyncadd.remote.s32 $0x1  }
0xbf: {  	_ =	sfence.sel $0xFFFF  }
0xc0: {  	[dreg:$0x0] =	wrdreg $0xFFFFFFFF;
	(pc) =	sbr.abs _section_cstart, $3  }
0xc1: {  	[dreg:$0x1] =	wrdreg $0xFFFFFFFF  }
0xc2: {  	_ =	task.clear_ibuf [dreg:s7], $0x2FFFF;
	_ =	strace $0x9FFFFFFF  }
0xc3: {  	(tm) =	ssettm $0x7FFFFFFF  }
tec
execute0_lowered:
.L_overlay_start_1:
0x0: {  	(tag) =	ssettag $0x1  }
0x1: {  	s5 =	rddreg [dreg:$0x0]  }
0x2: {  	s11 =	rddreg [dreg:$0x1]  }
0x3: {  	s0 =	srdreg.scid;
	s2 =	rddreg [dreg:$0x2]  }
0x4: {  	s1 =	stileid.u32;
	s3 =	simm.s32 $0x0;
	s13 =	simm.s32 $0x80  }
0x5: {  	s16 =	simm.s32 $0x4200;
	s17 =	simm.s32 $0x3;
	s18 =	simm.s32 $0x4000  }
0x6: {  	s19 =	simm.s32 $0x4100;
	s20 =	simm.s32 $0x8200;
	s21 =	simm.s32 $0x1  }
0x7: {  	s22 =	simm.s32 $0x4080;
	s23 =	simm.s32 $0x2;
	s6 =	smul.u32 $0x13C00, s1  }
0x8: {  	s24 =	simm.s32 $0x4180;
	s25 =	simm.s32 $0x0;
	s31 =	smul.u32 $0x4F000, s1  }
0x9: {  	s7 =	sand.u32 $0x1, s0;
	[smem:$0x7FF] =	sst s3;
	s9 =	smul.u32 $0x5000, s1  }
0xa: {  	s0 =	rddreg [dreg:$0x3];
	s4 =	smul.u32 $0x13C000, s7;
	_ =	strace $0x8000004A  }
0xb: {  	s8 =	ssub.s32 $0x2, s7;
	p0 =	seq.s32 s7, $0x0;
	s10 =	sshll.u32 s7, $0xE  }
0xc: {  	s30 =	sshrl.u32 s8, $0x1;
	s13 =	simm.s32 @!p0 $0x20;
	s12 =	sadd.s32 s9, s10  }
0xd: {  	s6 =	sadd.s32 s6, s4;
	s4 =	sadd.s32 $0x52E00, s5;
	s12 =	sshrl.u32 s12, $0x3  }
0xe: {  	s15 =	ssub.s32 s8, s30;
	s6 =	sshrl.u32 s6, $0x3;
	s11 =	sadd.s32 s11, s12  }
0xf: {  	s12 =	sshrl.u32 s13, $0x1;
	s14 =	sadd.s32 s6, s5;
	s6 =	sshrl.u32 s31, $0x2  }
0x10: {  	s13 =	sadd.s32 $0xFFFFFFFF, s13;
	s15 =	smax.u32 s15, $0x1;
	s6 =	sadd.s32 s6, s2  }
0x11: {  	s5 =	simm.s32 $0x80;
	s14 =	sadd.s32 $0x7A600, s14;
	s7 =	sadd.s32 $0x4000, s6  }
0x12: {  	v0 =	vimm.f32 $0.0e+00;
	s8 =	sadd.s32 $0x8000, s6;
	s9 =	sadd.s32 $0xC000, s6;
	s10 =	sadd.s32 $0x10000, s6  }
.LBB2_1:
0x13: {  	s26 =	simm.s32 $0x0;
	s28 =	simm.s32 $0x200  }
.LBB2_2:
0x14: {  	p0 =	sne.s32 s28, $0xFE00;
	[tilespmem:s26+$0x4270] =	vst v0  }
0x15: {  	[tilespmem:s26+$0x4200] =	vst v0  }
0x16: {  	[tilespmem:s26+$0x4210] =	vst v0  }
.Ltmp0:
0x17: {  	[tilespmem:s26+$0x4220] =	vst v0;
	(pc) =	sbr.rel @p0 .LBB2_2-.Ltmp0, $4  }
0x18: {  	[tilespmem:s26+$0x4230] =	vst v0  }
0x19: {  	[tilespmem:s26+$0x4240] =	vst v0  }
0x1a: {  	[tilespmem:s26+$0x4250] =	vst v0  }
0x1b: {  	[tilespmem:s26+$0x4260] =	vst v0;
	s26 =	sshra.s32 s28, $0x2;
	s28 =	sadd.s32 $0x200, s28  }
0x1c: {  	[tilespmem:s26+$0x4270] =	vst v0  }
0x1d: {  	[tilespmem:s26+$0x4200] =	vst v0  }
0x1e: {  	[tilespmem:s26+$0x4210] =	vst v0  }
0x1f: {  	[tilespmem:s26+$0x4220] =	vst v0  }
0x20: {  	[tilespmem:s26+$0x4230] =	vst v0  }
0x21: {  	[tilespmem:s26+$0x4240] =	vst v0  }
0x22: {  	[tilespmem:s26+$0x4250] =	vst v0  }
0x23: {  	[tilespmem:s26+$0x4260] =	vst v0  }
0x24: {  	[spmem:s6] =	stream.linear.scatter [tilespmem:s16], [sflag:$0x3], $0x4000, $0x38;
	[tilespmem:$0x1FE00] =	vst v63  }
0x25: {  	_ =	swait.ge [sflag:s17], $0x4000  }
0x26: {  	[sflag:s17] =	ssyncset.done $0x0  }
0x27: {  	[sflag:s17] =	ssyncadd.s32 $0xFFFFC000  }
0x28: {  	[spmem:s7] =	stream.linear.scatter [tilespmem:s16], [sflag:$0x3], $0x4000, $0x38;
	[tilespmem:$0x1FE00] =	vst v63  }
0x29: {  	_ =	swait.ge [sflag:s17], $0x4000  }
0x2a: {  	[sflag:s17] =	ssyncset.done $0x0  }
0x2b: {  	[sflag:s17] =	ssyncadd.s32 $0xFFFFC000  }
0x2c: {  	[spmem:s8] =	stream.linear.scatter [tilespmem:s16], [sflag:$0x3], $0x4000, $0x38;
	[tilespmem:$0x1FE00] =	vst v63  }
0x2d: {  	_ =	swait.ge [sflag:s17], $0x4000  }
0x2e: {  	[sflag:s17] =	ssyncset.done $0x0  }
0x2f: {  	[sflag:s17] =	ssyncadd.s32 $0xFFFFC000  }
0x30: {  	[spmem:s9] =	stream.linear.scatter [tilespmem:s16], [sflag:$0x3], $0x4000, $0x38;
	[tilespmem:$0x1FE00] =	vst v63  }
0x31: {  	_ =	swait.ge [sflag:s17], $0x4000  }
0x32: {  	[sflag:s17] =	ssyncset.done $0x0  }
0x33: {  	[sflag:s17] =	ssyncadd.s32 $0xFFFFC000  }
0x34: {  	[spmem:s10] =	stream.linear.scatter [tilespmem:s16], [sflag:$0x3], $0x3C00, $0x38;
	[tilespmem:$0x1FE00] =	vst v63  }
0x35: {  	_ =	swait.ge [sflag:s17], $0x3C00  }
0x36: {  	[sflag:s17] =	ssyncset.done $0x0  }
0x37: {  	[sflag:s17] =	ssyncadd.s32 $0xFFFFC400  }
0x38: {  	[tilespmem:s3], [sflag:$0x3] =	stream.linear.gather [hbm4b:s11+s3], $0x4000, $0x38;
	[tilespmem:$0x1FE00] =	vst v63  }
0x39: {  	_ =	swait.ge [sflag:s17], $0x4000  }
0x3a: {  	[sflag:s17] =	ssyncset.done $0x0  }
0x3b: {  	[sflag:s17] =	ssyncadd.s32 $0xFFFFC000  }
0x3c: {  	[bflag:$0x0] =	sbarrier.arrive $0xFFFF  }
0x3d: {  	v1 =	vld [tilespmem:$0x0];
	_ =	sdelay $0x1  }
0x3e: {  	v2 =	vld [tilespmem:$0x10];
	_ =	sdelay $0x1  }
0x3f: {  	v3 =	vld [tilespmem:$0x20]  }
0x40: {  	v4 =	vshrl.u32 v1, $0xE  }
0x41: {  	v62 =	vld [tilespmem:$0x30];
	v1 =	vand.u32 $0x3FFF, v1;
	[tilespmem:$0x4000] =	vst v4  }
0x42: {  	[tilespmem:$0x4080] =	vst v1;
	v1 =	vshrl.u32 v2, $0xE  }
0x43: {  	[tilespmem:$0x4010] =	vst v1;
	v1 =	vand.u32 $0x3FFF, v2;
	v2 =	vld [tilespmem:$0x40]  }
0x44: {  	[tilespmem:$0x4090] =	vst v1;
	v1 =	vshrl.u32 v3, $0xE  }
0x45: {  	[tilespmem:$0x4020] =	vst v1;
	v1 =	vand.u32 $0x3FFF, v3;
	v3 =	vld [tilespmem:$0x50]  }
0x46: {  	[tilespmem:$0x40A0] =	vst v1;
	v1 =	vshrl.u32 v62, $0xE  }
0x47: {  	v63 =	vld [tilespmem:$0x60];
	[tilespmem:$0x4030] =	vst v1;
	v1 =	vand.u32 $0x3FFF, v62  }
0x48: {  	[tilespmem:$0x40B0] =	vst v1;
	v1 =	vshrl.u32 v2, $0xE  }
0x49: {  	[tilespmem:$0x4040] =	vst v1;
	v1 =	vand.u32 $0x3FFF, v2;
	v2 =	vld [tilespmem:$0x70]  }
0x4a: {  	[tilespmem:$0x40C0] =	vst v1;
	v1 =	vshrl.u32 v3, $0xE  }
0x4b: {  	[tilespmem:$0x4050] =	vst v1;
	v1 =	vand.u32 $0x3FFF, v3  }
0x4c: {  	[tilespmem:$0x40D0] =	vst v1;
	v1 =	vshrl.u32 v63, $0xE  }
0x4d: {  	[tilespmem:$0x4060] =	vst v1;
	v1 =	vand.u32 $0x3FFF, v63  }
0x4e: {  	[tilespmem:$0x40E0] =	vst v1;
	v1 =	vshrl.u32 v2, $0xE  }
0x4f: {  	[tilespmem:$0x4070] =	vst v1;
	v1 =	vand.u32 $0x3FFF, v2  }
0x50: {  	s26 =	simm.s32 $0xF0;
	[tilespmem:$0x40F0] =	vst v1  }
0x51: {  	[tilespmem:s16], [sflag:$0x1] =	stream.indirect.gather [hbm4b:s4+s5], $0x80, s18, s5, $0xb8;
	[tilespmem:$0x1FE00] =	vst v63  }
0x52: {  	v1 =	vld [tilespmem:s26+$0xFFFFFF90];
	_ =	sdelay $0x4  }
0x53: {  	v2 =	vshrl.u32 v1, $0xE  }
0x54: {  	v1 =	vand.u32 $0x3FFF, v1;
	[tilespmem:$0x4100] =	vst v2  }
0x55: {  	[tilespmem:$0x4180] =	vst v1  }
0x56: {  	v1 =	vld [tilespmem:s26+$0xFFFFFFA0];
	_ =	sdelay $0x4  }
0x57: {  	v2 =	vshrl.u32 v1, $0xE  }
0x58: {  	v1 =	vand.u32 $0x3FFF, v1;
	[tilespmem:$0x4110] =	vst v2  }
0x59: {  	[tilespmem:$0x4190] =	vst v1  }
0x5a: {  	v1 =	vld [tilespmem:s26+$0xFFFFFFB0];
	_ =	sdelay $0x4  }
0x5b: {  	v2 =	vshrl.u32 v1, $0xE  }
0x5c: {  	v1 =	vand.u32 $0x3FFF, v1;
	[tilespmem:$0x4120] =	vst v2  }
0x5d: {  	[tilespmem:$0x41A0] =	vst v1  }
0x5e: {  	v1 =	vld [tilespmem:s26+$0xFFFFFFC0];
	_ =	sdelay $0x4  }
0x5f: {  	v2 =	vshrl.u32 v1, $0xE  }
0x60: {  	v1 =	vand.u32 $0x3FFF, v1;
	[tilespmem:$0x4130] =	vst v2  }
0x61: {  	[tilespmem:$0x41B0] =	vst v1  }
0x62: {  	v1 =	vld [tilespmem:s26+$0xFFFFFFD0];
	_ =	sdelay $0x4  }
0x63: {  	v2 =	vshrl.u32 v1, $0xE  }
0x64: {  	v1 =	vand.u32 $0x3FFF, v1;
	[tilespmem:$0x4140] =	vst v2  }
0x65: {  	[tilespmem:$0x41C0] =	vst v1  }
0x66: {  	v1 =	vld [tilespmem:s26+$0xFFFFFFE0];
	_ =	sdelay $0x4  }
0x67: {  	v2 =	vshrl.u32 v1, $0xE  }
0x68: {  	v1 =	vand.u32 $0x3FFF, v1;
	[tilespmem:$0x4150] =	vst v2  }
0x69: {  	[tilespmem:$0x41D0] =	vst v1  }
0x6a: {  	v1 =	vld [tilespmem:s26+$0xFFFFFFF0];
	_ =	sdelay $0x4  }
0x6b: {  	v2 =	vshrl.u32 v1, $0xE  }
0x6c: {  	v1 =	vand.u32 $0x3FFF, v1;
	[tilespmem:$0x4160] =	vst v2  }
0x6d: {  	[tilespmem:$0x41E0] =	vst v1  }
0x6e: {  	v1 =	vld [tilespmem:s26+$0x0];
	_ =	sdelay $0x4  }
0x6f: {  	v2 =	vshrl.u32 v1, $0xE  }
0x70: {  	v1 =	vand.u32 $0x3FFF, v1;
	[tilespmem:$0x4170] =	vst v2  }
0x71: {  	[tilespmem:$0x41F0] =	vst v1  }
0x72: {  	[tilespmem:s20], [sflag:$0x2] =	stream.indirect.gather [hbm4b:s4+s5], $0x80, s19, s5, $0xb8;
	[tilespmem:$0x1FE00] =	vst v63  }
0x73: {  	_ =	swait.ge [sflag:s21], $0x4000  }
0x74: {  	s28 =	simm.s32 $0x2;
	[sflag:s21] =	ssyncset.done $0x0  }
0x75: {  	p0 =	sgt.s32 s13, $0x2;
	s29 =	smov.u32 s13;
	[sflag:s21] =	ssyncadd.s32 $0xFFFFC000  }
0x76: {  	[spmem:s2] =	stream.indirect.scatter.add.f32 [tilespmem:s16], [sflag:$0x3], $0x80, s22, s5, $0xb8;
	[tilespmem:$0x1FE00] =	vst v63  }
0x77: {  	s29 =	smov.u32 @p0 s28;
	_ =	swait.ge [sflag:s17], $0x4000  }
0x78: {  	s29 =	sshll.u32 s29, $0x9;
	[sflag:s17] =	ssyncset.done $0x0  }
0x79: {  	s30 =	sshra.s32 s29, $0x2;
	[sflag:s17] =	ssyncadd.s32 $0xFFFFC000  }
0x7a: {  	v1 =	vld [tilespmem:s30+$0x0];
	_ =	sdelay $0x4  }
0x7b: {  	v2 =	vshrl.u32 v1, $0xE  }
0x7c: {  	v1 =	vand.u32 $0x3FFF, v1;
	[tilespmem:$0x4000] =	vst v2  }
0x7d: {  	[tilespmem:$0x4080] =	vst v1  }
0x7e: {  	v1 =	vld [tilespmem:s30+$0x10];
	_ =	sdelay $0x4  }
0x7f: {  	v2 =	vshrl.u32 v1, $0xE  }
0x80: {  	v1 =	vand.u32 $0x3FFF, v1;
	[tilespmem:$0x4010] =	vst v2  }
0x81: {  	[tilespmem:$0x4090] =	vst v1  }
0x82: {  	v1 =	vld [tilespmem:s30+$0x20];
	_ =	sdelay $0x4  }
0x83: {  	v2 =	vshrl.u32 v1, $0xE  }
0x84: {  	v1 =	vand.u32 $0x3FFF, v1;
	[tilespmem:$0x4020] =	vst v2  }
0x85: {  	[tilespmem:$0x40A0] =	vst v1  }
0x86: {  	v1 =	vld [tilespmem:s30+$0x30];
	_ =	sdelay $0x4  }
0x87: {  	v2 =	vshrl.u32 v1, $0xE  }
0x88: {  	v1 =	vand.u32 $0x3FFF, v1;
	[tilespmem:$0x4030] =	vst v2  }
0x89: {  	[tilespmem:$0x40B0] =	vst v1  }
0x8a: {  	v1 =	vld [tilespmem:s30+$0x40];
	_ =	sdelay $0x4  }
0x8b: {  	v2 =	vshrl.u32 v1, $0xE  }
0x8c: {  	v1 =	vand.u32 $0x3FFF, v1;
	[tilespmem:$0x4040] =	vst v2  }
0x8d: {  	[tilespmem:$0x40C0] =	vst v1  }
0x8e: {  	v1 =	vld [tilespmem:s30+$0x50];
	_ =	sdelay $0x4  }
0x8f: {  	v2 =	vshrl.u32 v1, $0xE  }
0x90: {  	v1 =	vand.u32 $0x3FFF, v1;
	[tilespmem:$0x4050] =	vst v2  }
0x91: {  	[tilespmem:$0x40D0] =	vst v1  }
0x92: {  	v1 =	vld [tilespmem:s30+$0x60]  }
0x93: {  	p0 =	sne.s32 s12, $0x1  }
.Ltmp1:
0x94: {  	_ = 	snop;
	(pc) =	sbr.rel @!p0 .LBB2_5-.Ltmp1, $3  }
0x95: {  	_ =	sdelay $0x1  }
0x96: {  	v2 =	vshrl.u32 v1, $0xE  }
0x97: {  	s29 =	sadd.s32 $0xFFFFFFFF, s12;
	v1 =	vand.u32 $0x3FFF, v1;
	[tilespmem:$0x4060] =	vst v2  }
.LBB2_4:
0x98: {  	p0 =	sne.s32 s29, $0x1;
	[tilespmem:$0x40E0] =	vst v1;
	s28 =	sadd.s32 $0x2, s28;
	s26 =	sadd.s32 $0x100, s26  }
0x99: {  	s29 =	sadd.s32 $0xFFFFFFFF, s29;
	v1 =	vld [tilespmem:s30+$0x70];
	_ =	sdelay $0x4  }
0x9a: {  	v2 =	vshrl.u32 v1, $0xE;
	v1 =	vand.u32 $0x3FFF, v1  }
0x9b: {  	[tilespmem:$0x4070] =	vst v2  }
0x9c: {  	[tilespmem:$0x40F0] =	vst v1  }
0x9d: {  	[tilespmem:s16], [sflag:$0x1] =	stream.indirect.gather [hbm4b:s4+s5], $0x80, s18, s5, $0xb8;
	[tilespmem:$0x1FE00] =	vst v63  }
0x9e: {  	_ =	swait.ge [sflag:s23], $0x4000  }
0x9f: {  	[sflag:s23] =	ssyncset.done $0x0  }
0xa0: {  	[sflag:s23] =	ssyncadd.s32 $0xFFFFC000  }
0xa1: {  	[spmem:s2] =	stream.indirect.scatter.add.f32 [tilespmem:s20], [sflag:$0x3], $0x80, s24, s5, $0xb8;
	[tilespmem:$0x1FE00] =	vst v63  }
0xa2: {  	_ =	swait.ge [sflag:s17], $0x4000  }
0xa3: {  	[sflag:s17] =	ssyncset.done $0x0  }
0xa4: {  	[sflag:s17] =	ssyncadd.s32 $0xFFFFC000  }
0xa5: {  	v1 =	vld [tilespmem:s26+$0xFFFFFF90];
	_ =	sdelay $0x4  }
0xa6: {  	v2 =	vshrl.u32 v1, $0xE;
	v1 =	vand.u32 $0x3FFF, v1  }
0xa7: {  	[tilespmem:$0x4100] =	vst v2  }
0xa8: {  	[tilespmem:$0x4180] =	vst v1  }
0xa9: {  	v1 =	vld [tilespmem:s26+$0xFFFFFFA0];
	_ =	sdelay $0x4  }
0xaa: {  	v2 =	vshrl.u32 v1, $0xE;
	v1 =	vand.u32 $0x3FFF, v1  }
0xab: {  	[tilespmem:$0x4110] =	vst v2  }
0xac: {  	[tilespmem:$0x4190] =	vst v1  }
0xad: {  	v1 =	vld [tilespmem:s26+$0xFFFFFFB0];
	_ =	sdelay $0x4  }
0xae: {  	v2 =	vshrl.u32 v1, $0xE;
	v1 =	vand.u32 $0x3FFF, v1  }
0xaf: {  	[tilespmem:$0x4120] =	vst v2  }
0xb0: {  	[tilespmem:$0x41A0] =	vst v1  }
0xb1: {  	v1 =	vld [tilespmem:s26+$0xFFFFFFC0];
	_ =	sdelay $0x4  }
0xb2: {  	v2 =	vshrl.u32 v1, $0xE;
	v1 =	vand.u32 $0x3FFF, v1  }
0xb3: {  	[tilespmem:$0x4130] =	vst v2  }
0xb4: {  	[tilespmem:$0x41B0] =	vst v1  }
0xb5: {  	v1 =	vld [tilespmem:s26+$0xFFFFFFD0];
	_ =	sdelay $0x4  }
0xb6: {  	v2 =	vshrl.u32 v1, $0xE;
	v1 =	vand.u32 $0x3FFF, v1  }
0xb7: {  	[tilespmem:$0x4140] =	vst v2  }
0xb8: {  	[tilespmem:$0x41C0] =	vst v1  }
0xb9: {  	v1 =	vld [tilespmem:s26+$0xFFFFFFE0];
	_ =	sdelay $0x4  }
0xba: {  	v2 =	vshrl.u32 v1, $0xE;
	v1 =	vand.u32 $0x3FFF, v1  }
0xbb: {  	[tilespmem:$0x4150] =	vst v2  }
0xbc: {  	[tilespmem:$0x41D0] =	vst v1  }
0xbd: {  	v1 =	vld [tilespmem:s26+$0xFFFFFFF0];
	_ =	sdelay $0x4  }
0xbe: {  	v2 =	vshrl.u32 v1, $0xE;
	v1 =	vand.u32 $0x3FFF, v1  }
0xbf: {  	[tilespmem:$0x4160] =	vst v2  }
0xc0: {  	[tilespmem:$0x41E0] =	vst v1  }
0xc1: {  	v1 =	vld [tilespmem:s26+$0x0];
	_ =	sdelay $0x3  }
0xc2: {  	p1 =	slt.s32 s28, s13;
	s30 =	smov.u32 s13  }
0xc3: {  	s30 =	smov.u32 @p1 s28;
	v2 =	vshrl.u32 v1, $0xE;
	v1 =	vand.u32 $0x3FFF, v1  }
0xc4: {  	s30 =	sshll.u32 s30, $0x9;
	[tilespmem:$0x4170] =	vst v2  }
0xc5: {  	s30 =	sshra.s32 s30, $0x2;
	[tilespmem:$0x41F0] =	vst v1  }
0xc6: {  	[tilespmem:s20], [sflag:$0x2] =	stream.indirect.gather [hbm4b:s4+s5], $0x80, s19, s5, $0xb8;
	[tilespmem:$0x1FE00] =	vst v63  }
0xc7: {  	_ =	swait.ge [sflag:s21], $0x4000  }
0xc8: {  	[sflag:s21] =	ssyncset.done $0x0  }
0xc9: {  	[sflag:s21] =	ssyncadd.s32 $0xFFFFC000  }
0xca: {  	[spmem:s2] =	stream.indirect.scatter.add.f32 [tilespmem:s16], [sflag:$0x3], $0x80, s22, s5, $0xb8;
	[tilespmem:$0x1FE00] =	vst v63  }
0xcb: {  	_ =	swait.ge [sflag:s17], $0x4000  }
0xcc: {  	[sflag:s17] =	ssyncset.done $0x0  }
0xcd: {  	[sflag:s17] =	ssyncadd.s32 $0xFFFFC000  }
0xce: {  	v1 =	vld [tilespmem:s30+$0x0];
	_ =	sdelay $0x4  }
0xcf: {  	v2 =	vshrl.u32 v1, $0xE;
	v1 =	vand.u32 $0x3FFF, v1  }
0xd0: {  	[tilespmem:$0x4000] =	vst v2  }
0xd1: {  	[tilespmem:$0x4080] =	vst v1  }
0xd2: {  	v1 =	vld [tilespmem:s30+$0x10];
	_ =	sdelay $0x4  }
0xd3: {  	v2 =	vshrl.u32 v1, $0xE;
	v1 =	vand.u32 $0x3FFF, v1  }
0xd4: {  	[tilespmem:$0x4010] =	vst v2  }
0xd5: {  	[tilespmem:$0x4090] =	vst v1  }
0xd6: {  	v1 =	vld [tilespmem:s30+$0x20];
	_ =	sdelay $0x4  }
0xd7: {  	v2 =	vshrl.u32 v1, $0xE;
	v1 =	vand.u32 $0x3FFF, v1  }
0xd8: {  	[tilespmem:$0x4020] =	vst v2  }
0xd9: {  	[tilespmem:$0x40A0] =	vst v1  }
0xda: {  	v1 =	vld [tilespmem:s30+$0x30];
	_ =	sdelay $0x4  }
0xdb: {  	v2 =	vshrl.u32 v1, $0xE;
	v1 =	vand.u32 $0x3FFF, v1  }
0xdc: {  	[tilespmem:$0x4030] =	vst v2  }
0xdd: {  	[tilespmem:$0x40B0] =	vst v1  }
0xde: {  	v1 =	vld [tilespmem:s30+$0x40];
	_ =	sdelay $0x4  }
0xdf: {  	v2 =	vshrl.u32 v1, $0xE;
	v1 =	vand.u32 $0x3FFF, v1  }
0xe0: {  	[tilespmem:$0x4040] =	vst v2  }
0xe1: {  	[tilespmem:$0x40C0] =	vst v1  }
0xe2: {  	v1 =	vld [tilespmem:s30+$0x50];
	_ =	sdelay $0x4  }
0xe3: {  	v2 =	vshrl.u32 v1, $0xE;
	v1 =	vand.u32 $0x3FFF, v1  }
0xe4: {  	[tilespmem:$0x4050] =	vst v2  }
0xe5: {  	[tilespmem:$0x40D0] =	vst v1  }
0xe6: {  	v1 =	vld [tilespmem:s30+$0x60];
	_ =	sdelay $0x1  }
.Ltmp2:
0xe7: {  	(pc) =	sbr.rel @p0 .LBB2_4-.Ltmp2, $3  }
0xe8: {  	_ =	sdelay $0x1  }
0xe9: {  	v2 =	vshrl.u32 v1, $0xE;
	v1 =	vand.u32 $0x3FFF, v1  }
0xea: {  	[tilespmem:$0x4060] =	vst v2  }
.LBB2_5:
0xeb: {  	[tilespmem:$0x40E0] =	vst v1  }
0xec: {  	v1 =	vld [tilespmem:s30+$0x70];
	_ =	sdelay $0x4  }
0xed: {  	v2 =	vshrl.u32 v1, $0xE  }
0xee: {  	v1 =	vand.u32 $0x3FFF, v1;
	[tilespmem:$0x4070] =	vst v2  }
0xef: {  	[tilespmem:$0x40F0] =	vst v1  }
0xf0: {  	[tilespmem:s16], [sflag:$0x1] =	stream.indirect.gather [hbm4b:s4+s5], $0x80, s18, s5, $0xb8;
	[tilespmem:$0x1FE00] =	vst v63  }
0xf1: {  	_ =	swait.ge [sflag:s23], $0x4000  }
0xf2: {  	[sflag:s23] =	ssyncset.done $0x0  }
0xf3: {  	[sflag:s23] =	ssyncadd.s32 $0xFFFFC000  }
0xf4: {  	[spmem:s2] =	stream.indirect.scatter.add.f32 [tilespmem:s20], [sflag:$0x3], $0x80, s24, s5, $0xb8;
	[tilespmem:$0x1FE00] =	vst v63  }
0xf5: {  	_ =	swait.ge [sflag:s17], $0x4000  }
0xf6: {  	[sflag:s17] =	ssyncset.done $0x0  }
0xf7: {  	[sflag:s17] =	ssyncadd.s32 $0xFFFFC000  }
0xf8: {  	_ =	swait.ge [sflag:s21], $0x4000  }
0xf9: {  	s26 =	sshll.u32 s1, $0x6;
	s25 =	sadd.s32 $0x1, s25;
	[sflag:s21] =	ssyncset.done $0x0  }
0xfa: {  	s28 =	sshrl.u32 s6, $0x3;
	p0 =	sne.s32 s25, s15;
	[sflag:s21] =	ssyncadd.s32 $0xFFFFC000  }
.Ltmp3:
0xfb: {  	s26 =	sor.u32 $0x1C03, s26;
	[bflag:$0x0] =	sbarrier.arrive $0xFFFF;
	(pc) =	sbr.rel @p0 .LBB2_1-.Ltmp3, $4  }
0xfc: {  	[hbm:s14], [sflag:s26] =	dma.local [spmem:s28], $0x2780  }
0xfd: {  	_ =	swait.ge [sflag:s17], $0x2780  }
0xfe: {  	[sflag:s17] =	ssyncset.done $0x0  }
0xff: {  	[sflag:s17] =	ssyncadd.s32 $0xFFFFD880  }
0x100: {  	_ =	sfence.sel $0x180000  }
0x101: {  	[bflag:$0x0] =	sbarrier.arrive $0xFFFF  }
0x102: {  	p0 =	sne.s32 s1, $0x0;
	_ =	strace $0x9000004A  }
0x103: {  	s0 =	sadd.s32 @!p0 $0x100000, s0;
	[bflag:$0x2] =	sbarrier.arrive $0xFFFF  }
0x104: {  	[sflag:s0] =	ssyncadd.tile.s32 @!p0 $0x1;
	_ =	shalt  }
.Lfunc_end2:
_tile_overlayer_lowered:
.L_overlay_start_2:
0x105: {  	(tag) =	ssettag $0x2  }
0x106: {  	s0 =	rddreg [dreg:$0x0];
	s2 =	stileid.u32  }
0x107: {  	s1 =	rddreg [dreg:$0x1];
	p0 =	sne.s32 s2, $0x0  }
0x108: {  	s3 =	rddreg [dreg:$0x2];
	[bflag:$0x3] =	sbarrier.arrive $0xFFFF;
	s2 =	simm.s32 @!p0 $0x1C03  }
0x109: {  	[timem:s3], [sflag:s2] =	dma.local @!p0 [hbm:s0], s1  }
0x10a: {  	s0 =	simm.s32 @!p0 $0x3  }
0x10b: {  	_ =	swait.ge @!p0 [sflag:s0], s1  }
0x10c: {  	s1 =	ssub.s32 @!p0 $0x0, s1;
	[sflag:s0] =	ssyncset.done @!p0 $0x0  }
0x10d: {  	[sflag:s0] =	ssyncadd.s32 @!p0 s1  }
0x10e: {  	[bflag:$0x3] =	sbarrier.arrive $0xFFFF  }
0x10f: {  	_ =	shalt  }

// kernel: kernel.16.cloned.1.call-start
scs
__scs_entry_jumppad:
0x0: {  	(pc) =	sbr.rel $0x88, $3  }
0x1: {  	(tag) =	ssettag $0x0;
	lr =	simm.s32 $0x1  }
0x2: {  	[smem:$0x3F94] =	sst lr;
	_ =	strace $0xD0000000  }
0x3: {  	_ = 	snop  }
0x4: {  	_ = 	snop  }
0x5: {  	_ = 	snop  }
0x6: {  	_ = 	snop  }
0x7: {  	_ = 	snop  }
__scs_overlays_trampoline_lowered:
0x8: {  	[smem:$0x3FA3] =	sst s0  }
0x9: {  	[smem:$0x3FA4] =	sst s1  }
0xa: {  	[smem:$0x3FA5] =	sst s2  }
0xb: {  	[smem:$0x3FA6] =	sst s3  }
0xc: {  	[smem:$0x3FA7] =	sst s4  }
0xd: {  	[smem:$0x3FA8] =	sst s5  }
0xe: {  	[smem:$0x3FA9] =	sst s6  }
0xf: {  	[smem:$0x3FAA] =	sst s7  }
0x10: {  	[smem:$0x3FAB] =	sst s8  }
0x11: {  	[smem:$0x3FAC] =	sst s9;
	s0 =	simm.s32 @!p0 $0x0  }
0x12: {  	s1 =	sld [smem:$0x3F92];
	s0 =	simm.s32 @p0 $0x1  }
0x13: {  	[smem:$0x3FAD] =	sst s0;
	s0 =	simm.s32 @!p1 $0x0  }
0x14: {  	s2 =	sld [smem:$0x3F91];
	s0 =	simm.s32 @p1 $0x1  }
0x15: {  	[smem:$0x3FAE] =	sst s0;
	s0 =	simm.s32 @!p2 $0x0  }
0x16: {  	s3 =	sld [smem:$0x3FDB];
	s0 =	simm.s32 @p2 $0x1  }
0x17: {  	s4 =	simm.s32 $0x1BF5;
	[smem:$0x3FB0] =	sst s0  }
0x18: {  	s0 =	sld [smem:$0x3F93];
	_ =	swait.ge [sflag:s4], $0x0  }
0x19: {  	s7 =	sld [smem:$0x3F94]  }
0x1a: {  	s8 =	sadd.s32 $0xFFFFE003, lr  }
0x1b: {  	s9 =	sadd.s32 $0xFFFFFEF7, lr;
	s5 =	simm.s32 $0xFFFFFFFF;
	p2 =	slt.u32 s8, $0xFFFFF086  }
0x1c: {  	p1 =	slt.u32 s9, $0xF7A;
	s5 =	simm.s32 @!p2 $0x0  }
0x1d: {  	s5 =	simm.s32 @p1 $0x1;
	p0 =	seq.s32 s7, s2  }
0x1e: {  	s7 =	smul.u32 @!p0 $0xF7A, s2;
	p2 =	seq.s32 @!p0 s5, $0x0  }
0x1f: {  	s9 =	smul.u32 $0xF7A, s1;
	s8 =	simm.s32 @!p0 $0x1BF5;
	p2 =	por !p2, p0  }
0x20: {  	[sflag:s8] =	ssyncset.s32 @!p0 $0xFFFFF086;
	s6 =	sadd.s32 @!p0 s3, s7;
	s7 =	simm.s32 @!p0 $0x108  }
0x21: {  	s3 =	sadd.s32 s3, s9;
	s6 =	sadd.s32 @!p0 $0x88, s6;
	s7 =	simm.s32 @p2 $0x1082  }
0x22: {  	[simem:s7], [sflag:s8] =	dma.local @!p0 [hbm:s6], $0xF7A  }
0x23: {  	s9 =	sor.u32 $0xD0000000, s2;
	s6 =	simm.s32 $0x108;
	_ =	swait.ge @!p0 [sflag:s8], $0x0  }
0x24: {  	s3 =	sadd.s32 $0x88, s3;
	s6 =	simm.s32 @!p1 $0x1082;
	[sflag:s4] =	ssyncset.s32 $0xFFFFF086  }
0x25: {  	[simem:s6], [sflag:s4] =	dma.local [hbm:s3], $0xF7A  }
0x26: {  	[smem:$0x3F94] =	sst s1;
	(tag) =	ssettag s2;
	_ =	strace s9  }
0x27: {  	s1 =	sld [smem:$0x3FA4]  }
0x28: {  	s2 =	sld [smem:$0x3FA5]  }
0x29: {  	s4 =	sld [smem:$0x3FA7]  }
0x2a: {  	p0 =	seq.s32 s5, $0x0;
	s5 =	sld [smem:$0x3FA8]  }
0x2b: {  	s6 =	sld [smem:$0x3FA9]  }
0x2c: {  	s7 =	sld [smem:$0x3FAA]  }
0x2d: {  	s3 =	simm.s32 $0x108;
	s8 =	sld [smem:$0x3FAB]  }
0x2e: {  	s3 =	simm.s32 @!p0 $0x1082;
	s9 =	sld [smem:$0x3FAC]  }
0x2f: {  	lr =	sadd.s32 s0, s3;
	s0 =	sld [smem:$0x3FA3]  }
0x30: {  	s3 =	sld [smem:$0x3FA6]  }
0x31: {  	[smem:$0x3FAF] =	sst s10  }
0x32: {  	s10 =	sld [smem:$0x3FAD];
	_ =	sdelay $0x3  }
0x33: {  	p0 =	seq.s32 s10, $0x1;
	s10 =	sld [smem:$0x3FAF];
	_ =	sdelay $0x3  }
0x34: {  	[smem:$0x3FAF] =	sst s10  }
0x35: {  	s10 =	sld [smem:$0x3FAE];
	_ =	sdelay $0x3  }
0x36: {  	p1 =	seq.s32 s10, $0x1;
	s10 =	sld [smem:$0x3FAF];
	_ =	sdelay $0x3  }
0x37: {  	[smem:$0x3FAF] =	sst s10  }
0x38: {  	s10 =	sld [smem:$0x3FB0]  }
0x39: {  	_ = 	snop;
	(pc) =	sbr.ind lr, $3  }
0x3a: {  	_ = 	snop  }
0x3b: {  	_ = 	snop  }
0x3c: {  	p2 =	seq.s32 s10, $0x1;
	s10 =	sld [smem:$0x3FAF]  }
0x3d: {  	_ =	shalt  }
0x3e: {  	_ =	shalt  }
0x3f: {  	_ =	shalt  }
0x40: {  	_ =	shalt  }
0x41: {  	_ =	shalt  }
0x42: {  	_ =	shalt  }
0x43: {  	_ =	shalt  }
0x44: {  	_ =	shalt  }
0x45: {  	_ =	shalt  }
0x46: {  	_ =	shalt  }
0x47: {  	_ =	shalt  }
0x48: {  	_ =	shalt  }
0x49: {  	_ =	shalt  }
0x4a: {  	_ =	shalt  }
0x4b: {  	_ =	shalt  }
0x4c: {  	_ =	shalt  }
0x4d: {  	_ =	shalt  }
0x4e: {  	_ =	shalt  }
0x4f: {  	_ =	shalt  }
0x50: {  	_ =	shalt  }
0x51: {  	_ =	shalt  }
0x52: {  	_ =	shalt  }
0x53: {  	_ =	shalt  }
0x54: {  	_ =	shalt  }
0x55: {  	_ =	shalt  }
0x56: {  	_ =	shalt  }
0x57: {  	_ =	shalt  }
0x58: {  	_ =	shalt  }
0x59: {  	_ =	shalt  }
0x5a: {  	_ =	shalt  }
0x5b: {  	_ =	shalt  }
0x5c: {  	_ =	shalt  }
0x5d: {  	_ =	shalt  }
0x5e: {  	_ =	shalt  }
0x5f: {  	_ =	shalt  }
0x60: {  	_ =	shalt  }
0x61: {  	_ =	shalt  }
0x62: {  	_ =	shalt  }
0x63: {  	_ =	shalt  }
0x64: {  	_ =	shalt  }
0x65: {  	_ =	shalt  }
0x66: {  	_ =	shalt  }
0x67: {  	_ =	shalt  }
0x68: {  	_ =	shalt  }
0x69: {  	_ =	shalt  }
0x6a: {  	_ =	shalt  }
0x6b: {  	_ =	shalt  }
0x6c: {  	_ =	shalt  }
0x6d: {  	_ =	shalt  }
0x6e: {  	_ =	shalt  }
0x6f: {  	_ =	shalt  }
0x70: {  	_ =	shalt  }
0x71: {  	_ =	shalt  }
0x72: {  	_ =	shalt  }
0x73: {  	_ =	shalt  }
0x74: {  	_ =	shalt  }
0x75: {  	_ =	shalt  }
0x76: {  	_ =	shalt  }
0x77: {  	_ =	shalt  }
0x78: {  	_ =	shalt  }
0x79: {  	_ =	shalt  }
0x7a: {  	_ =	shalt  }
0x7b: {  	_ =	shalt  }
0x7c: {  	_ =	shalt  }
0x7d: {  	_ =	shalt  }
0x7e: {  	_ =	shalt  }
0x7f: {  	_ =	shalt  }
0x80: {  	_ =	shalt  }
0x81: {  	_ =	shalt  }
0x82: {  	_ =	shalt  }
0x83: {  	_ =	shalt  }
0x84: {  	_ =	shalt  }
0x85: {  	_ =	shalt  }
0x86: {  	_ =	shalt  }
0x87: {  	_ =	shalt  }
.Lfunc_end0:
.L_simem_size_0:
called_computation.2_lowered:
.L_overlay_start_0:
0x88: {  	s2 =	sld [smem:$0x3FD9]  }
0x89: {  	s3 =	sld [smem:$0x3FFE];
	_ =	sdelay $0x1  }
0x8a: {  	s1 =	srdreg.scid  }
0x8b: {  	s0 =	sand.u32 $0x1, s1  }
0x8c: {  	s17 =	sshll.u32 s0, $0xA;
	s2 =	sadd.s32 s3, s2  }
0x8d: {  	s2 =	sadd.s32 s2, s17  }
0x8e: {  	[smem:$0x3FBB] =	sst s2  }
0x8f: {  	_ = 	snop  }
0x90: {  	s2 =	sld [smem:$0x3FD0];
	(tm) =	ssettm $0x1  }
0x91: {  	s18 =	sld [smem:$0x3FFB];
	_ =	sdelay $0x3  }
0x92: {  	_ =	strace s18  }
0x93: {  	s3 =	sld [smem:$0x3FFC];
	_ =	sdelay $0x3  }
0x94: {  	_ =	strace s3  }
0x95: {  	s3 =	sld [smem:$0x3FFD];
	_ =	sdelay $0x3  }
0x96: {  	_ =	strace s3  }
0x97: {  	_ =	strace $0x8FFFFFFF  }
0x98: {  	s19 =	sld [smem:$0x3FDB];
	_ =	sdelay $0x1  }
0x99: {  	s4 =	simm.s32 $_scs_section_size  }
0x9a: {  	s5 =	simm.s32 $_size__tile_overlayer_lowered;
	s6 =	simm.s32 $_tile_overlayer_lowered  }
0x9b: {  	s22 =	simm.s32 $0x1BFF;
	s21 =	sshll.u32 s6, $0x1;
	s3 =	sadd.s32 s4, s19  }
0x9c: {  	s7 =	simm.s32 $0x0;
	s20 =	sshll.u32 s5, $0x1;
	s5 =	sadd.s32 s21, s3  }
0x9d: {  	[timem:s7], [sflag:s22] =	dma.local [hbm:s5], s20  }
0x9e: {  	_ =	swait.ge [sflag:s22], s20  }
0x9f: {  	s4 =	ssub.s32 $0x0, s20;
	[sflag:s22] =	ssyncset.done $0x0  }
0xa0: {  	[sflag:s22] =	ssyncadd.s32 s4;
	_ =	sdelay $0x1  }
0xa1: {  	s23 =	simm.s32 $0x1B8B  }
0xa2: {  	_ =	swait.ge [sflag:s23], $0x1  }
0xa3: {  	[sflag:s23] =	ssyncset.done $0x0  }
0xa4: {  	s25 =	simm.s32 $0x1B8E;
	s24 =	sld [smem:$0x3FFE];
	[sflag:s23] =	ssyncadd.s32 $0xFFFFFFFF  }
0xa5: {  	s26 =	simm.s32 $execute0_lowered;
	[smem:$0x3FD2] =	sst s25  }
0xa6: {  	s5 =	sshll.u32 s26, $0x1;
	_ =	strace $0x8000004C;
	[dreg:$0x1] =	wrdreg $0xFFFFFFFF  }
0xa7: {  	s28 =	simm.s32 $_size_execute0_lowered;
	s3 =	sadd.s32 s3, s5;
	[dreg:$0x0] =	wrdreg $0x0  }
0xa8: {  	s5 =	sshll.u32 s28, $0x1;
	[dreg:$0x2] =	wrdreg s3  }
0xa9: {  	[dreg:$0x3] =	wrdreg s5  }
0xaa: {  	[dreg:$0x4] =	wrdreg $0xC0  }
0xab: {  	_ =	task [dreg:s7], $0x5FFFF  }
0xac: {  	[dreg:$0x1] =	wrdreg $0xFFFFFFFF  }
0xad: {  	[dreg:$0x0] =	wrdreg $0x60  }
0xae: {  	[dreg:$0x2] =	wrdreg s24  }
0xaf: {  	[dreg:$0x3] =	wrdreg s2  }
0xb0: {  	[dreg:$0x4] =	wrdreg $0xC2000  }
0xb1: {  	[dreg:$0x5] =	wrdreg $0x9  }
0xb2: {  	_ =	task.clear_ibuf [dreg:s7], $0x6FFFF;
	_ =	strace $0x9000004C  }
0xb3: {  	s29 =	simm.s32 $0x9;
	_ =	strace $0x8000004E  }
0xb4: {  	_ =	swait.ge [sflag:s29], $0x1  }
0xb5: {  	[sflag:s29] =	ssyncadd.s32 $0xFFFFFFFF  }
0xb6: {  	_ =	strace $0x9000004E  }
0xb7: {  	_ =	sfence  }
0xb8: {  	s30 =	sld [smem:$0x0];
	_ =	sdelay $0x2  }
0xb9: {  	s31 =	sshll.u32 s1, $0xD;
	s1 =	sshrl.u32 s1, $0x2  }
0xba: {  	s3 =	sand.u32 $0x4000, s31;
	s1 =	sadd.s32 s1, s30  }
0xbb: {  	s0 =	sor.u32 s3, s0;
	s1 =	sshll.u32 s1, $0x11  }
0xbc: {  	s0 =	sor.u32 s1, s0  }
0xbd: {  	s0 =	sadd.s32 $0x8F2B, s0  }
0xbe: {  	[sflag:s0] =	ssyncadd.remote.s32 $0x1  }
0xbf: {  	_ =	sfence.sel $0xFFFF  }
0xc0: {  	[dreg:$0x0] =	wrdreg $0xFFFFFFFF;
	(pc) =	sbr.abs _section_cstart, $3  }
0xc1: {  	[dreg:$0x1] =	wrdreg $0xFFFFFFFF  }
0xc2: {  	_ =	task.clear_ibuf [dreg:s7], $0x2FFFF;
	_ =	strace $0x9FFFFFFF  }
0xc3: {  	(tm) =	ssettm $0x7FFFFFFF  }
tec
execute0_lowered:
.L_overlay_start_1:
0x0: {  	(tag) =	ssettag $0x1  }
0x1: {  	s5 =	rddreg [dreg:$0x0]  }
0x2: {  	s11 =	rddreg [dreg:$0x1]  }
0x3: {  	s0 =	srdreg.scid;
	s2 =	rddreg [dreg:$0x2]  }
0x4: {  	s1 =	stileid.u32;
	s3 =	simm.s32 $0x0;
	s13 =	simm.s32 $0x80  }
0x5: {  	s16 =	simm.s32 $0x4200;
	s17 =	simm.s32 $0x3;
	s18 =	simm.s32 $0x4000  }
0x6: {  	s19 =	simm.s32 $0x4100;
	s20 =	simm.s32 $0x8200;
	s21 =	simm.s32 $0x1  }
0x7: {  	s22 =	simm.s32 $0x4080;
	s23 =	simm.s32 $0x2;
	s6 =	smul.u32 $0x13C00, s1  }
0x8: {  	s24 =	simm.s32 $0x4180;
	s25 =	simm.s32 $0x0;
	s31 =	smul.u32 $0x4F000, s1  }
0x9: {  	s7 =	sand.u32 $0x1, s0;
	[smem:$0x7FF] =	sst s3;
	s9 =	smul.u32 $0x5000, s1  }
0xa: {  	s0 =	rddreg [dreg:$0x3];
	s4 =	smul.u32 $0x13C000, s7;
	_ =	strace $0x8000004D  }
0xb: {  	s8 =	ssub.s32 $0x2, s7;
	p0 =	seq.s32 s7, $0x0;
	s10 =	sshll.u32 s7, $0xE  }
0xc: {  	s30 =	sshrl.u32 s8, $0x1;
	s13 =	simm.s32 @!p0 $0x20;
	s12 =	sadd.s32 s9, s10  }
0xd: {  	s6 =	sadd.s32 s6, s4;
	s4 =	sadd.s32 $0x52E00, s5;
	s12 =	sshrl.u32 s12, $0x3  }
0xe: {  	s15 =	ssub.s32 s8, s30;
	s6 =	sshrl.u32 s6, $0x3;
	s11 =	sadd.s32 s11, s12  }
0xf: {  	s12 =	sshrl.u32 s13, $0x1;
	s14 =	sadd.s32 s6, s5;
	s6 =	sshrl.u32 s31, $0x2  }
0x10: {  	s13 =	sadd.s32 $0xFFFFFFFF, s13;
	s15 =	smax.u32 s15, $0x1;
	s6 =	sadd.s32 s6, s2  }
0x11: {  	s5 =	simm.s32 $0x80;
	s14 =	sadd.s32 $0x7A600, s14;
	s7 =	sadd.s32 $0x4000, s6  }
0x12: {  	v0 =	vimm.f32 $0.0e+00;
	s8 =	sadd.s32 $0x8000, s6;
	s9 =	sadd.s32 $0xC000, s6;
	s10 =	sadd.s32 $0x10000, s6  }
.LBB2_1:
0x13: {  	s26 =	simm.s32 $0x0;
	s28 =	simm.s32 $0x200  }
.LBB2_2:
0x14: {  	p0 =	sne.s32 s28, $0xFE00;
	[tilespmem:s26+$0x4270] =	vst v0  }
0x15: {  	[tilespmem:s26+$0x4200] =	vst v0  }
0x16: {  	[tilespmem:s26+$0x4210] =	vst v0  }
.Ltmp0:
0x17: {  	[tilespmem:s26+$0x4220] =	vst v0;
	(pc) =	sbr.rel @p0 .LBB2_2-.Ltmp0, $4  }
0x18: {  	[tilespmem:s26+$0x4230] =	vst v0  }
0x19: {  	[tilespmem:s26+$0x4240] =	vst v0  }
0x1a: {  	[tilespmem:s26+$0x4250] =	vst v0  }
0x1b: {  	[tilespmem:s26+$0x4260] =	vst v0;
	s26 =	sshra.s32 s28, $0x2;
	s28 =	sadd.s32 $0x200, s28  }
0x1c: {  	[tilespmem:s26+$0x4270] =	vst v0  }
0x1d: {  	[tilespmem:s26+$0x4200] =	vst v0  }
0x1e: {  	[tilespmem:s26+$0x4210] =	vst v0  }
0x1f: {  	[tilespmem:s26+$0x4220] =	vst v0  }
0x20: {  	[tilespmem:s26+$0x4230] =	vst v0  }
0x21: {  	[tilespmem:s26+$0x4240] =	vst v0  }
0x22: {  	[tilespmem:s26+$0x4250] =	vst v0  }
0x23: {  	[tilespmem:s26+$0x4260] =	vst v0  }
0x24: {  	[spmem:s6] =	stream.linear.scatter [tilespmem:s16], [sflag:$0x3], $0x4000, $0x38;
	[tilespmem:$0x1FE00] =	vst v63  }
0x25: {  	_ =	swait.ge [sflag:s17], $0x4000  }
0x26: {  	[sflag:s17] =	ssyncset.done $0x0  }
0x27: {  	[sflag:s17] =	ssyncadd.s32 $0xFFFFC000  }
0x28: {  	[spmem:s7] =	stream.linear.scatter [tilespmem:s16], [sflag:$0x3], $0x4000, $0x38;
	[tilespmem:$0x1FE00] =	vst v63  }
0x29: {  	_ =	swait.ge [sflag:s17], $0x4000  }
0x2a: {  	[sflag:s17] =	ssyncset.done $0x0  }
0x2b: {  	[sflag:s17] =	ssyncadd.s32 $0xFFFFC000  }
0x2c: {  	[spmem:s8] =	stream.linear.scatter [tilespmem:s16], [sflag:$0x3], $0x4000, $0x38;
	[tilespmem:$0x1FE00] =	vst v63  }
0x2d: {  	_ =	swait.ge [sflag:s17], $0x4000  }
0x2e: {  	[sflag:s17] =	ssyncset.done $0x0  }
0x2f: {  	[sflag:s17] =	ssyncadd.s32 $0xFFFFC000  }
0x30: {  	[spmem:s9] =	stream.linear.scatter [tilespmem:s16], [sflag:$0x3], $0x4000, $0x38;
	[tilespmem:$0x1FE00] =	vst v63  }
0x31: {  	_ =	swait.ge [sflag:s17], $0x4000  }
0x32: {  	[sflag:s17] =	ssyncset.done $0x0  }
0x33: {  	[sflag:s17] =	ssyncadd.s32 $0xFFFFC000  }
0x34: {  	[spmem:s10] =	stream.linear.scatter [tilespmem:s16], [sflag:$0x3], $0x3C00, $0x38;
	[tilespmem:$0x1FE00] =	vst v63  }
0x35: {  	_ =	swait.ge [sflag:s17], $0x3C00  }
0x36: {  	[sflag:s17] =	ssyncset.done $0x0  }
0x37: {  	[sflag:s17] =	ssyncadd.s32 $0xFFFFC400  }
0x38: {  	[tilespmem:s3], [sflag:$0x3] =	stream.linear.gather [hbm4b:s11+s3], $0x4000, $0x38;
	[tilespmem:$0x1FE00] =	vst v63  }
0x39: {  	_ =	swait.ge [sflag:s17], $0x4000  }
0x3a: {  	[sflag:s17] =	ssyncset.done $0x0  }
0x3b: {  	[sflag:s17] =	ssyncadd.s32 $0xFFFFC000  }
0x3c: {  	[bflag:$0x0] =	sbarrier.arrive $0xFFFF  }
0x3d: {  	v1 =	vld [tilespmem:$0x0];
	_ =	sdelay $0x1  }
0x3e: {  	v2 =	vld [tilespmem:$0x10];
	_ =	sdelay $0x1  }
0x3f: {  	v3 =	vld [tilespmem:$0x20]  }
0x40: {  	v4 =	vshrl.u32 v1, $0xE  }
0x41: {  	v62 =	vld [tilespmem:$0x30];
	v1 =	vand.u32 $0x3FFF, v1;
	[tilespmem:$0x4000] =	vst v4  }
0x42: {  	[tilespmem:$0x4080] =	vst v1;
	v1 =	vshrl.u32 v2, $0xE  }
0x43: {  	[tilespmem:$0x4010] =	vst v1;
	v1 =	vand.u32 $0x3FFF, v2;
	v2 =	vld [tilespmem:$0x40]  }
0x44: {  	[tilespmem:$0x4090] =	vst v1;
	v1 =	vshrl.u32 v3, $0xE  }
0x45: {  	[tilespmem:$0x4020] =	vst v1;
	v1 =	vand.u32 $0x3FFF, v3;
	v3 =	vld [tilespmem:$0x50]  }
0x46: {  	[tilespmem:$0x40A0] =	vst v1;
	v1 =	vshrl.u32 v62, $0xE  }
0x47: {  	v63 =	vld [tilespmem:$0x60];
	[tilespmem:$0x4030] =	vst v1;
	v1 =	vand.u32 $0x3FFF, v62  }
0x48: {  	[tilespmem:$0x40B0] =	vst v1;
	v1 =	vshrl.u32 v2, $0xE  }
0x49: {  	[tilespmem:$0x4040] =	vst v1;
	v1 =	vand.u32 $0x3FFF, v2;
	v2 =	vld [tilespmem:$0x70]  }
0x4a: {  	[tilespmem:$0x40C0] =	vst v1;
	v1 =	vshrl.u32 v3, $0xE  }
0x4b: {  	[tilespmem:$0x4050] =	vst v1;
	v1 =	vand.u32 $0x3FFF, v3  }
0x4c: {  	[tilespmem:$0x40D0] =	vst v1;
	v1 =	vshrl.u32 v63, $0xE  }
0x4d: {  	[tilespmem:$0x4060] =	vst v1;
	v1 =	vand.u32 $0x3FFF, v63  }
0x4e: {  	[tilespmem:$0x40E0] =	vst v1;
	v1 =	vshrl.u32 v2, $0xE  }
0x4f: {  	[tilespmem:$0x4070] =	vst v1;
	v1 =	vand.u32 $0x3FFF, v2  }
0x50: {  	s26 =	simm.s32 $0xF0;
	[tilespmem:$0x40F0] =	vst v1  }
0x51: {  	[tilespmem:s16], [sflag:$0x1] =	stream.indirect.gather [hbm4b:s4+s5], $0x80, s18, s5, $0xb8;
	[tilespmem:$0x1FE00] =	vst v63  }
0x52: {  	v1 =	vld [tilespmem:s26+$0xFFFFFF90];
	_ =	sdelay $0x4  }
0x53: {  	v2 =	vshrl.u32 v1, $0xE  }
0x54: {  	v1 =	vand.u32 $0x3FFF, v1;
	[tilespmem:$0x4100] =	vst v2  }
0x55: {  	[tilespmem:$0x4180] =	vst v1  }
0x56: {  	v1 =	vld [tilespmem:s26+$0xFFFFFFA0];
	_ =	sdelay $0x4  }
0x57: {  	v2 =	vshrl.u32 v1, $0xE  }
0x58: {  	v1 =	vand.u32 $0x3FFF, v1;
	[tilespmem:$0x4110] =	vst v2  }
0x59: {  	[tilespmem:$0x4190] =	vst v1  }
0x5a: {  	v1 =	vld [tilespmem:s26+$0xFFFFFFB0];
	_ =	sdelay $0x4  }
0x5b: {  	v2 =	vshrl.u32 v1, $0xE  }
0x5c: {  	v1 =	vand.u32 $0x3FFF, v1;
	[tilespmem:$0x4120] =	vst v2  }
0x5d: {  	[tilespmem:$0x41A0] =	vst v1  }
0x5e: {  	v1 =	vld [tilespmem:s26+$0xFFFFFFC0];
	_ =	sdelay $0x4  }
0x5f: {  	v2 =	vshrl.u32 v1, $0xE  }
0x60: {  	v1 =	vand.u32 $0x3FFF, v1;
	[tilespmem:$0x4130] =	vst v2  }
0x61: {  	[tilespmem:$0x41B0] =	vst v1  }
0x62: {  	v1 =	vld [tilespmem:s26+$0xFFFFFFD0];
	_ =	sdelay $0x4  }
0x63: {  	v2 =	vshrl.u32 v1, $0xE  }
0x64: {  	v1 =	vand.u32 $0x3FFF, v1;
	[tilespmem:$0x4140] =	vst v2  }
0x65: {  	[tilespmem:$0x41C0] =	vst v1  }
0x66: {  	v1 =	vld [tilespmem:s26+$0xFFFFFFE0];
	_ =	sdelay $0x4  }
0x67: {  	v2 =	vshrl.u32 v1, $0xE  }
0x68: {  	v1 =	vand.u32 $0x3FFF, v1;
	[tilespmem:$0x4150] =	vst v2  }
0x69: {  	[tilespmem:$0x41D0] =	vst v1  }
0x6a: {  	v1 =	vld [tilespmem:s26+$0xFFFFFFF0];
	_ =	sdelay $0x4  }
0x6b: {  	v2 =	vshrl.u32 v1, $0xE  }
0x6c: {  	v1 =	vand.u32 $0x3FFF, v1;
	[tilespmem:$0x4160] =	vst v2  }
0x6d: {  	[tilespmem:$0x41E0] =	vst v1  }
0x6e: {  	v1 =	vld [tilespmem:s26+$0x0];
	_ =	sdelay $0x4  }
0x6f: {  	v2 =	vshrl.u32 v1, $0xE  }
0x70: {  	v1 =	vand.u32 $0x3FFF, v1;
	[tilespmem:$0x4170] =	vst v2  }
0x71: {  	[tilespmem:$0x41F0] =	vst v1  }
0x72: {  	[tilespmem:s20], [sflag:$0x2] =	stream.indirect.gather [hbm4b:s4+s5], $0x80, s19, s5, $0xb8;
	[tilespmem:$0x1FE00] =	vst v63  }
0x73: {  	_ =	swait.ge [sflag:s21], $0x4000  }
0x74: {  	s28 =	simm.s32 $0x2;
	[sflag:s21] =	ssyncset.done $0x0  }
0x75: {  	p0 =	sgt.s32 s13, $0x2;
	s29 =	smov.u32 s13;
	[sflag:s21] =	ssyncadd.s32 $0xFFFFC000  }
0x76: {  	[spmem:s2] =	stream.indirect.scatter.add.f32 [tilespmem:s16], [sflag:$0x3], $0x80, s22, s5, $0xb8;
	[tilespmem:$0x1FE00] =	vst v63  }
0x77: {  	s29 =	smov.u32 @p0 s28;
	_ =	swait.ge [sflag:s17], $0x4000  }
0x78: {  	s29 =	sshll.u32 s29, $0x9;
	[sflag:s17] =	ssyncset.done $0x0  }
0x79: {  	s30 =	sshra.s32 s29, $0x2;
	[sflag:s17] =	ssyncadd.s32 $0xFFFFC000  }
0x7a: {  	v1 =	vld [tilespmem:s30+$0x0];
	_ =	sdelay $0x4  }
0x7b: {  	v2 =	vshrl.u32 v1, $0xE  }
0x7c: {  	v1 =	vand.u32 $0x3FFF, v1;
	[tilespmem:$0x4000] =	vst v2  }
0x7d: {  	[tilespmem:$0x4080] =	vst v1  }
0x7e: {  	v1 =	vld [tilespmem:s30+$0x10];
	_ =	sdelay $0x4  }
0x7f: {  	v2 =	vshrl.u32 v1, $0xE  }
0x80: {  	v1 =	vand.u32 $0x3FFF, v1;
	[tilespmem:$0x4010] =	vst v2  }
0x81: {  	[tilespmem:$0x4090] =	vst v1  }
0x82: {  	v1 =	vld [tilespmem:s30+$0x20];
	_ =	sdelay $0x4  }
0x83: {  	v2 =	vshrl.u32 v1, $0xE  }
0x84: {  	v1 =	vand.u32 $0x3FFF, v1;
	[tilespmem:$0x4020] =	vst v2  }
0x85: {  	[tilespmem:$0x40A0] =	vst v1  }
0x86: {  	v1 =	vld [tilespmem:s30+$0x30];
	_ =	sdelay $0x4  }
0x87: {  	v2 =	vshrl.u32 v1, $0xE  }
0x88: {  	v1 =	vand.u32 $0x3FFF, v1;
	[tilespmem:$0x4030] =	vst v2  }
0x89: {  	[tilespmem:$0x40B0] =	vst v1  }
0x8a: {  	v1 =	vld [tilespmem:s30+$0x40];
	_ =	sdelay $0x4  }
0x8b: {  	v2 =	vshrl.u32 v1, $0xE  }
0x8c: {  	v1 =	vand.u32 $0x3FFF, v1;
	[tilespmem:$0x4040] =	vst v2  }
0x8d: {  	[tilespmem:$0x40C0] =	vst v1  }
0x8e: {  	v1 =	vld [tilespmem:s30+$0x50];
	_ =	sdelay $0x4  }
0x8f: {  	v2 =	vshrl.u32 v1, $0xE  }
0x90: {  	v1 =	vand.u32 $0x3FFF, v1;
	[tilespmem:$0x4050] =	vst v2  }
0x91: {  	[tilespmem:$0x40D0] =	vst v1  }
0x92: {  	v1 =	vld [tilespmem:s30+$0x60]  }
0x93: {  	p0 =	sne.s32 s12, $0x1  }
.Ltmp1:
0x94: {  	_ = 	snop;
	(pc) =	sbr.rel @!p0 .LBB2_5-.Ltmp1, $3  }
0x95: {  	_ =	sdelay $0x1  }
0x96: {  	v2 =	vshrl.u32 v1, $0xE  }
0x97: {  	s29 =	sadd.s32 $0xFFFFFFFF, s12;
	v1 =	vand.u32 $0x3FFF, v1;
	[tilespmem:$0x4060] =	vst v2  }
.LBB2_4:
0x98: {  	p0 =	sne.s32 s29, $0x1;
	[tilespmem:$0x40E0] =	vst v1;
	s28 =	sadd.s32 $0x2, s28;
	s26 =	sadd.s32 $0x100, s26  }
0x99: {  	s29 =	sadd.s32 $0xFFFFFFFF, s29;
	v1 =	vld [tilespmem:s30+$0x70];
	_ =	sdelay $0x4  }
0x9a: {  	v2 =	vshrl.u32 v1, $0xE;
	v1 =	vand.u32 $0x3FFF, v1  }
0x9b: {  	[tilespmem:$0x4070] =	vst v2  }
0x9c: {  	[tilespmem:$0x40F0] =	vst v1  }
0x9d: {  	[tilespmem:s16], [sflag:$0x1] =	stream.indirect.gather [hbm4b:s4+s5], $0x80, s18, s5, $0xb8;
	[tilespmem:$0x1FE00] =	vst v63  }
0x9e: {  	_ =	swait.ge [sflag:s23], $0x4000  }
0x9f: {  	[sflag:s23] =	ssyncset.done $0x0  }
0xa0: {  	[sflag:s23] =	ssyncadd.s32 $0xFFFFC000  }
0xa1: {  	[spmem:s2] =	stream.indirect.scatter.add.f32 [tilespmem:s20], [sflag:$0x3], $0x80, s24, s5, $0xb8;
	[tilespmem:$0x1FE00] =	vst v63  }
0xa2: {  	_ =	swait.ge [sflag:s17], $0x4000  }
0xa3: {  	[sflag:s17] =	ssyncset.done $0x0  }
0xa4: {  	[sflag:s17] =	ssyncadd.s32 $0xFFFFC000  }
0xa5: {  	v1 =	vld [tilespmem:s26+$0xFFFFFF90];
	_ =	sdelay $0x4  }
0xa6: {  	v2 =	vshrl.u32 v1, $0xE;
	v1 =	vand.u32 $0x3FFF, v1  }
0xa7: {  	[tilespmem:$0x4100] =	vst v2  }
0xa8: {  	[tilespmem:$0x4180] =	vst v1  }
0xa9: {  	v1 =	vld [tilespmem:s26+$0xFFFFFFA0];
	_ =	sdelay $0x4  }
0xaa: {  	v2 =	vshrl.u32 v1, $0xE;
	v1 =	vand.u32 $0x3FFF, v1  }
0xab: {  	[tilespmem:$0x4110] =	vst v2  }
0xac: {  	[tilespmem:$0x4190] =	vst v1  }
0xad: {  	v1 =	vld [tilespmem:s26+$0xFFFFFFB0];
	_ =	sdelay $0x4  }
0xae: {  	v2 =	vshrl.u32 v1, $0xE;
	v1 =	vand.u32 $0x3FFF, v1  }
0xaf: {  	[tilespmem:$0x4120] =	vst v2  }
0xb0: {  	[tilespmem:$0x41A0] =	vst v1  }
0xb1: {  	v1 =	vld [tilespmem:s26+$0xFFFFFFC0];
	_ =	sdelay $0x4  }
0xb2: {  	v2 =	vshrl.u32 v1, $0xE;
	v1 =	vand.u32 $0x3FFF, v1  }
0xb3: {  	[tilespmem:$0x4130] =	vst v2  }
0xb4: {  	[tilespmem:$0x41B0] =	vst v1  }
0xb5: {  	v1 =	vld [tilespmem:s26+$0xFFFFFFD0];
	_ =	sdelay $0x4  }
0xb6: {  	v2 =	vshrl.u32 v1, $0xE;
	v1 =	vand.u32 $0x3FFF, v1  }
0xb7: {  	[tilespmem:$0x4140] =	vst v2  }
0xb8: {  	[tilespmem:$0x41C0] =	vst v1  }
0xb9: {  	v1 =	vld [tilespmem:s26+$0xFFFFFFE0];
	_ =	sdelay $0x4  }
0xba: {  	v2 =	vshrl.u32 v1, $0xE;
	v1 =	vand.u32 $0x3FFF, v1  }
0xbb: {  	[tilespmem:$0x4150] =	vst v2  }
0xbc: {  	[tilespmem:$0x41D0] =	vst v1  }
0xbd: {  	v1 =	vld [tilespmem:s26+$0xFFFFFFF0];
	_ =	sdelay $0x4  }
0xbe: {  	v2 =	vshrl.u32 v1, $0xE;
	v1 =	vand.u32 $0x3FFF, v1  }
0xbf: {  	[tilespmem:$0x4160] =	vst v2  }
0xc0: {  	[tilespmem:$0x41E0] =	vst v1  }
0xc1: {  	v1 =	vld [tilespmem:s26+$0x0];
	_ =	sdelay $0x3  }
0xc2: {  	p1 =	slt.s32 s28, s13;
	s30 =	smov.u32 s13  }
0xc3: {  	s30 =	smov.u32 @p1 s28;
	v2 =	vshrl.u32 v1, $0xE;
	v1 =	vand.u32 $0x3FFF, v1  }
0xc4: {  	s30 =	sshll.u32 s30, $0x9;
	[tilespmem:$0x4170] =	vst v2  }
0xc5: {  	s30 =	sshra.s32 s30, $0x2;
	[tilespmem:$0x41F0] =	vst v1  }
0xc6: {  	[tilespmem:s20], [sflag:$0x2] =	stream.indirect.gather [hbm4b:s4+s5], $0x80, s19, s5, $0xb8;
	[tilespmem:$0x1FE00] =	vst v63  }
0xc7: {  	_ =	swait.ge [sflag:s21], $0x4000  }
0xc8: {  	[sflag:s21] =	ssyncset.done $0x0  }
0xc9: {  	[sflag:s21] =	ssyncadd.s32 $0xFFFFC000  }
0xca: {  	[spmem:s2] =	stream.indirect.scatter.add.f32 [tilespmem:s16], [sflag:$0x3], $0x80, s22, s5, $0xb8;
	[tilespmem:$0x1FE00] =	vst v63  }
0xcb: {  	_ =	swait.ge [sflag:s17], $0x4000  }
0xcc: {  	[sflag:s17] =	ssyncset.done $0x0  }
0xcd: {  	[sflag:s17] =	ssyncadd.s32 $0xFFFFC000  }
0xce: {  	v1 =	vld [tilespmem:s30+$0x0];
	_ =	sdelay $0x4  }
0xcf: {  	v2 =	vshrl.u32 v1, $0xE;
	v1 =	vand.u32 $0x3FFF, v1  }
0xd0: {  	[tilespmem:$0x4000] =	vst v2  }
0xd1: {  	[tilespmem:$0x4080] =	vst v1  }
0xd2: {  	v1 =	vld [tilespmem:s30+$0x10];
	_ =	sdelay $0x4  }
0xd3: {  	v2 =	vshrl.u32 v1, $0xE;
	v1 =	vand.u32 $0x3FFF, v1  }
0xd4: {  	[tilespmem:$0x4010] =	vst v2  }
0xd5: {  	[tilespmem:$0x4090] =	vst v1  }
0xd6: {  	v1 =	vld [tilespmem:s30+$0x20];
	_ =	sdelay $0x4  }
0xd7: {  	v2 =	vshrl.u32 v1, $0xE;
	v1 =	vand.u32 $0x3FFF, v1  }
0xd8: {  	[tilespmem:$0x4020] =	vst v2  }
0xd9: {  	[tilespmem:$0x40A0] =	vst v1  }
0xda: {  	v1 =	vld [tilespmem:s30+$0x30];
	_ =	sdelay $0x4  }
0xdb: {  	v2 =	vshrl.u32 v1, $0xE;
	v1 =	vand.u32 $0x3FFF, v1  }
0xdc: {  	[tilespmem:$0x4030] =	vst v2  }
0xdd: {  	[tilespmem:$0x40B0] =	vst v1  }
0xde: {  	v1 =	vld [tilespmem:s30+$0x40];
	_ =	sdelay $0x4  }
0xdf: {  	v2 =	vshrl.u32 v1, $0xE;
	v1 =	vand.u32 $0x3FFF, v1  }
0xe0: {  	[tilespmem:$0x4040] =	vst v2  }
0xe1: {  	[tilespmem:$0x40C0] =	vst v1  }
0xe2: {  	v1 =	vld [tilespmem:s30+$0x50];
	_ =	sdelay $0x4  }
0xe3: {  	v2 =	vshrl.u32 v1, $0xE;
	v1 =	vand.u32 $0x3FFF, v1  }
0xe4: {  	[tilespmem:$0x4050] =	vst v2  }
0xe5: {  	[tilespmem:$0x40D0] =	vst v1  }
0xe6: {  	v1 =	vld [tilespmem:s30+$0x60];
	_ =	sdelay $0x1  }
.Ltmp2:
0xe7: {  	(pc) =	sbr.rel @p0 .LBB2_4-.Ltmp2, $3  }
0xe8: {  	_ =	sdelay $0x1  }
0xe9: {  	v2 =	vshrl.u32 v1, $0xE;
	v1 =	vand.u32 $0x3FFF, v1  }
0xea: {  	[tilespmem:$0x4060] =	vst v2  }
.LBB2_5:
0xeb: {  	[tilespmem:$0x40E0] =	vst v1  }
0xec: {  	v1 =	vld [tilespmem:s30+$0x70];
	_ =	sdelay $0x4  }
0xed: {  	v2 =	vshrl.u32 v1, $0xE  }
0xee: {  	v1 =	vand.u32 $0x3FFF, v1;
	[tilespmem:$0x4070] =	vst v2  }
0xef: {  	[tilespmem:$0x40F0] =	vst v1  }
0xf0: {  	[tilespmem:s16], [sflag:$0x1] =	stream.indirect.gather [hbm4b:s4+s5], $0x80, s18, s5, $0xb8;
	[tilespmem:$0x1FE00] =	vst v63  }
0xf1: {  	_ =	swait.ge [sflag:s23], $0x4000  }
0xf2: {  	[sflag:s23] =	ssyncset.done $0x0  }
0xf3: {  	[sflag:s23] =	ssyncadd.s32 $0xFFFFC000  }
0xf4: {  	[spmem:s2] =	stream.indirect.scatter.add.f32 [tilespmem:s20], [sflag:$0x3], $0x80, s24, s5, $0xb8;
	[tilespmem:$0x1FE00] =	vst v63  }
0xf5: {  	_ =	swait.ge [sflag:s17], $0x4000  }
0xf6: {  	[sflag:s17] =	ssyncset.done $0x0  }
0xf7: {  	[sflag:s17] =	ssyncadd.s32 $0xFFFFC000  }
0xf8: {  	_ =	swait.ge [sflag:s21], $0x4000  }
0xf9: {  	s26 =	sshll.u32 s1, $0x6;
	s25 =	sadd.s32 $0x1, s25;
	[sflag:s21] =	ssyncset.done $0x0  }
0xfa: {  	s28 =	sshrl.u32 s6, $0x3;
	p0 =	sne.s32 s25, s15;
	[sflag:s21] =	ssyncadd.s32 $0xFFFFC000  }
.Ltmp3:
0xfb: {  	s26 =	sor.u32 $0x1C03, s26;
	[bflag:$0x0] =	sbarrier.arrive $0xFFFF;
	(pc) =	sbr.rel @p0 .LBB2_1-.Ltmp3, $4  }
0xfc: {  	[hbm:s14], [sflag:s26] =	dma.local [spmem:s28], $0x2780  }
0xfd: {  	_ =	swait.ge [sflag:s17], $0x2780  }
0xfe: {  	[sflag:s17] =	ssyncset.done $0x0  }
0xff: {  	[sflag:s17] =	ssyncadd.s32 $0xFFFFD880  }
0x100: {  	_ =	sfence.sel $0x180000  }
0x101: {  	[bflag:$0x0] =	sbarrier.arrive $0xFFFF  }
0x102: {  	p0 =	sne.s32 s1, $0x0;
	_ =	strace $0x9000004D  }
0x103: {  	s0 =	sadd.s32 @!p0 $0x100000, s0;
	[bflag:$0x2] =	sbarrier.arrive $0xFFFF  }
0x104: {  	[sflag:s0] =	ssyncadd.tile.s32 @!p0 $0x1;
	_ =	shalt  }
.Lfunc_end2:
_tile_overlayer_lowered:
.L_overlay_start_2:
0x105: {  	(tag) =	ssettag $0x2  }
0x106: {  	s0 =	rddreg [dreg:$0x0];
	s2 =	stileid.u32  }
0x107: {  	s1 =	rddreg [dreg:$0x1];
	p0 =	sne.s32 s2, $0x0  }
0x108: {  	s3 =	rddreg [dreg:$0x2];
	[bflag:$0x3] =	sbarrier.arrive $0xFFFF;
	s2 =	simm.s32 @!p0 $0x1C03  }
0x109: {  	[timem:s3], [sflag:s2] =	dma.local @!p0 [hbm:s0], s1  }
0x10a: {  	s0 =	simm.s32 @!p0 $0x3  }
0x10b: {  	_ =	swait.ge @!p0 [sflag:s0], s1  }
0x10c: {  	s1 =	ssub.s32 @!p0 $0x0, s1;
	[sflag:s0] =	ssyncset.done @!p0 $0x0  }
0x10d: {  	[sflag:s0] =	ssyncadd.s32 @!p0 s1  }
0x10e: {  	[bflag:$0x3] =	sbarrier.arrive $0xFFFF  }
0x10f: {  	_ =	shalt  }

// kernel: kernel.19.cloned.1.call-start
scs
__scs_entry_jumppad:
0x0: {  	(pc) =	sbr.rel $0x88, $3  }
0x1: {  	(tag) =	ssettag $0x0;
	lr =	simm.s32 $0x1  }
0x2: {  	[smem:$0x3F94] =	sst lr;
	_ =	strace $0xD0000000  }
0x3: {  	_ = 	snop  }
0x4: {  	_ = 	snop  }
0x5: {  	_ = 	snop  }
0x6: {  	_ = 	snop  }
0x7: {  	_ = 	snop  }
__scs_overlays_trampoline_lowered:
0x8: {  	[smem:$0x3FA3] =	sst s0  }
0x9: {  	[smem:$0x3FA4] =	sst s1  }
0xa: {  	[smem:$0x3FA5] =	sst s2  }
0xb: {  	[smem:$0x3FA6] =	sst s3  }
0xc: {  	[smem:$0x3FA7] =	sst s4  }
0xd: {  	[smem:$0x3FA8] =	sst s5  }
0xe: {  	[smem:$0x3FA9] =	sst s6  }
0xf: {  	[smem:$0x3FAA] =	sst s7  }
0x10: {  	[smem:$0x3FAB] =	sst s8  }
0x11: {  	[smem:$0x3FAC] =	sst s9;
	s0 =	simm.s32 @!p0 $0x0  }
0x12: {  	s1 =	sld [smem:$0x3F92];
	s0 =	simm.s32 @p0 $0x1  }
0x13: {  	[smem:$0x3FAD] =	sst s0;
	s0 =	simm.s32 @!p1 $0x0  }
0x14: {  	s2 =	sld [smem:$0x3F91];
	s0 =	simm.s32 @p1 $0x1  }
0x15: {  	[smem:$0x3FAE] =	sst s0;
	s0 =	simm.s32 @!p2 $0x0  }
0x16: {  	s3 =	sld [smem:$0x3FDB];
	s0 =	simm.s32 @p2 $0x1  }
0x17: {  	s4 =	simm.s32 $0x1BF5;
	[smem:$0x3FB0] =	sst s0  }
0x18: {  	s0 =	sld [smem:$0x3F93];
	_ =	swait.ge [sflag:s4], $0x0  }
0x19: {  	s7 =	sld [smem:$0x3F94]  }
0x1a: {  	s8 =	sadd.s32 $0xFFFFE003, lr  }
0x1b: {  	s9 =	sadd.s32 $0xFFFFFEF7, lr;
	s5 =	simm.s32 $0xFFFFFFFF;
	p2 =	slt.u32 s8, $0xFFFFF086  }
0x1c: {  	p1 =	slt.u32 s9, $0xF7A;
	s5 =	simm.s32 @!p2 $0x0  }
0x1d: {  	s5 =	simm.s32 @p1 $0x1;
	p0 =	seq.s32 s7, s2  }
0x1e: {  	s7 =	smul.u32 @!p0 $0xF7A, s2;
	p2 =	seq.s32 @!p0 s5, $0x0  }
0x1f: {  	s9 =	smul.u32 $0xF7A, s1;
	s8 =	simm.s32 @!p0 $0x1BF5;
	p2 =	por !p2, p0  }
0x20: {  	[sflag:s8] =	ssyncset.s32 @!p0 $0xFFFFF086;
	s6 =	sadd.s32 @!p0 s3, s7;
	s7 =	simm.s32 @!p0 $0x108  }
0x21: {  	s3 =	sadd.s32 s3, s9;
	s6 =	sadd.s32 @!p0 $0x88, s6;
	s7 =	simm.s32 @p2 $0x1082  }
0x22: {  	[simem:s7], [sflag:s8] =	dma.local @!p0 [hbm:s6], $0xF7A  }
0x23: {  	s9 =	sor.u32 $0xD0000000, s2;
	s6 =	simm.s32 $0x108;
	_ =	swait.ge @!p0 [sflag:s8], $0x0  }
0x24: {  	s3 =	sadd.s32 $0x88, s3;
	s6 =	simm.s32 @!p1 $0x1082;
	[sflag:s4] =	ssyncset.s32 $0xFFFFF086  }
0x25: {  	[simem:s6], [sflag:s4] =	dma.local [hbm:s3], $0xF7A  }
0x26: {  	[smem:$0x3F94] =	sst s1;
	(tag) =	ssettag s2;
	_ =	strace s9  }
0x27: {  	s1 =	sld [smem:$0x3FA4]  }
0x28: {  	s2 =	sld [smem:$0x3FA5]  }
0x29: {  	s4 =	sld [smem:$0x3FA7]  }
0x2a: {  	p0 =	seq.s32 s5, $0x0;
	s5 =	sld [smem:$0x3FA8]  }
0x2b: {  	s6 =	sld [smem:$0x3FA9]  }
0x2c: {  	s7 =	sld [smem:$0x3FAA]  }
0x2d: {  	s3 =	simm.s32 $0x108;
	s8 =	sld [smem:$0x3FAB]  }
0x2e: {  	s3 =	simm.s32 @!p0 $0x1082;
	s9 =	sld [smem:$0x3FAC]  }
0x2f: {  	lr =	sadd.s32 s0, s3;
	s0 =	sld [smem:$0x3FA3]  }
0x30: {  	s3 =	sld [smem:$0x3FA6]  }
0x31: {  	[smem:$0x3FAF] =	sst s10  }
0x32: {  	s10 =	sld [smem:$0x3FAD];
	_ =	sdelay $0x3  }
0x33: {  	p0 =	seq.s32 s10, $0x1;
	s10 =	sld [smem:$0x3FAF];
	_ =	sdelay $0x3  }
0x34: {  	[smem:$0x3FAF] =	sst s10  }
0x35: {  	s10 =	sld [smem:$0x3FAE];
	_ =	sdelay $0x3  }
0x36: {  	p1 =	seq.s32 s10, $0x1;
	s10 =	sld [smem:$0x3FAF];
	_ =	sdelay $0x3  }
0x37: {  	[smem:$0x3FAF] =	sst s10  }
0x38: {  	s10 =	sld [smem:$0x3FB0]  }
0x39: {  	_ = 	snop;
	(pc) =	sbr.ind lr, $3  }
0x3a: {  	_ = 	snop  }
0x3b: {  	_ = 	snop  }
0x3c: {  	p2 =	seq.s32 s10, $0x1;
	s10 =	sld [smem:$0x3FAF]  }
0x3d: {  	_ =	shalt  }
0x3e: {  	_ =	shalt  }
0x3f: {  	_ =	shalt  }
0x40: {  	_ =	shalt  }
0x41: {  	_ =	shalt  }
0x42: {  	_ =	shalt  }
0x43: {  	_ =	shalt  }
0x44: {  	_ =	shalt  }
0x45: {  	_ =	shalt  }
0x46: {  	_ =	shalt  }
0x47: {  	_ =	shalt  }
0x48: {  	_ =	shalt  }
0x49: {  	_ =	shalt  }
0x4a: {  	_ =	shalt  }
0x4b: {  	_ =	shalt  }
0x4c: {  	_ =	shalt  }
0x4d: {  	_ =	shalt  }
0x4e: {  	_ =	shalt  }
0x4f: {  	_ =	shalt  }
0x50: {  	_ =	shalt  }
0x51: {  	_ =	shalt  }
0x52: {  	_ =	shalt  }
0x53: {  	_ =	shalt  }
0x54: {  	_ =	shalt  }
0x55: {  	_ =	shalt  }
0x56: {  	_ =	shalt  }
0x57: {  	_ =	shalt  }
0x58: {  	_ =	shalt  }
0x59: {  	_ =	shalt  }
0x5a: {  	_ =	shalt  }
0x5b: {  	_ =	shalt  }
0x5c: {  	_ =	shalt  }
0x5d: {  	_ =	shalt  }
0x5e: {  	_ =	shalt  }
0x5f: {  	_ =	shalt  }
0x60: {  	_ =	shalt  }
0x61: {  	_ =	shalt  }
0x62: {  	_ =	shalt  }
0x63: {  	_ =	shalt  }
0x64: {  	_ =	shalt  }
0x65: {  	_ =	shalt  }
0x66: {  	_ =	shalt  }
0x67: {  	_ =	shalt  }
0x68: {  	_ =	shalt  }
0x69: {  	_ =	shalt  }
0x6a: {  	_ =	shalt  }
0x6b: {  	_ =	shalt  }
0x6c: {  	_ =	shalt  }
0x6d: {  	_ =	shalt  }
0x6e: {  	_ =	shalt  }
0x6f: {  	_ =	shalt  }
0x70: {  	_ =	shalt  }
0x71: {  	_ =	shalt  }
0x72: {  	_ =	shalt  }
0x73: {  	_ =	shalt  }
0x74: {  	_ =	shalt  }
0x75: {  	_ =	shalt  }
0x76: {  	_ =	shalt  }
0x77: {  	_ =	shalt  }
0x78: {  	_ =	shalt  }
0x79: {  	_ =	shalt  }
0x7a: {  	_ =	shalt  }
0x7b: {  	_ =	shalt  }
0x7c: {  	_ =	shalt  }
0x7d: {  	_ =	shalt  }
0x7e: {  	_ =	shalt  }
0x7f: {  	_ =	shalt  }
0x80: {  	_ =	shalt  }
0x81: {  	_ =	shalt  }
0x82: {  	_ =	shalt  }
0x83: {  	_ =	shalt  }
0x84: {  	_ =	shalt  }
0x85: {  	_ =	shalt  }
0x86: {  	_ =	shalt  }
0x87: {  	_ =	shalt  }
.Lfunc_end0:
.L_simem_size_0:
called_computation.3_lowered:
.L_overlay_start_0:
0x88: {  	s2 =	sld [smem:$0x3FD9]  }
0x89: {  	s3 =	sld [smem:$0x3FFE];
	_ =	sdelay $0x1  }
0x8a: {  	s1 =	srdreg.scid  }
0x8b: {  	s0 =	sand.u32 $0x1, s1  }
0x8c: {  	s17 =	sshll.u32 s0, $0xA;
	s2 =	sadd.s32 s3, s2  }
0x8d: {  	s2 =	sadd.s32 s2, s17  }
0x8e: {  	[smem:$0x3FBB] =	sst s2  }
0x8f: {  	_ = 	snop  }
0x90: {  	s2 =	sld [smem:$0x3FD0];
	(tm) =	ssettm $0x1  }
0x91: {  	s18 =	sld [smem:$0x3FFB];
	_ =	sdelay $0x3  }
0x92: {  	_ =	strace s18  }
0x93: {  	s3 =	sld [smem:$0x3FFC];
	_ =	sdelay $0x3  }
0x94: {  	_ =	strace s3  }
0x95: {  	s3 =	sld [smem:$0x3FFD];
	_ =	sdelay $0x3  }
0x96: {  	_ =	strace s3  }
0x97: {  	_ =	strace $0x8FFFFFFF  }
0x98: {  	s19 =	sld [smem:$0x3FDB];
	_ =	sdelay $0x1  }
0x99: {  	s4 =	simm.s32 $_scs_section_size  }
0x9a: {  	s5 =	simm.s32 $_size__tile_overlayer_lowered;
	s6 =	simm.s32 $_tile_overlayer_lowered  }
0x9b: {  	s22 =	simm.s32 $0x1BFF;
	s21 =	sshll.u32 s6, $0x1;
	s3 =	sadd.s32 s4, s19  }
0x9c: {  	s7 =	simm.s32 $0x0;
	s20 =	sshll.u32 s5, $0x1;
	s5 =	sadd.s32 s21, s3  }
0x9d: {  	[timem:s7], [sflag:s22] =	dma.local [hbm:s5], s20  }
0x9e: {  	_ =	swait.ge [sflag:s22], s20  }
0x9f: {  	s4 =	ssub.s32 $0x0, s20;
	[sflag:s22] =	ssyncset.done $0x0  }
0xa0: {  	[sflag:s22] =	ssyncadd.s32 s4;
	_ =	sdelay $0x1  }
0xa1: {  	s23 =	simm.s32 $0x1B8B  }
0xa2: {  	_ =	swait.ge [sflag:s23], $0x1  }
0xa3: {  	[sflag:s23] =	ssyncset.done $0x0  }
0xa4: {  	s25 =	simm.s32 $0x1B8E;
	s24 =	sld [smem:$0x3FFE];
	[sflag:s23] =	ssyncadd.s32 $0xFFFFFFFF  }
0xa5: {  	s26 =	simm.s32 $execute0_lowered;
	[smem:$0x3FD2] =	sst s25  }
0xa6: {  	s5 =	sshll.u32 s26, $0x1;
	_ =	strace $0x8000004F;
	[dreg:$0x1] =	wrdreg $0xFFFFFFFF  }
0xa7: {  	s28 =	simm.s32 $_size_execute0_lowered;
	s3 =	sadd.s32 s3, s5;
	[dreg:$0x0] =	wrdreg $0x0  }
0xa8: {  	s5 =	sshll.u32 s28, $0x1;
	[dreg:$0x2] =	wrdreg s3  }
0xa9: {  	[dreg:$0x3] =	wrdreg s5  }
0xaa: {  	[dreg:$0x4] =	wrdreg $0xC0  }
0xab: {  	_ =	task [dreg:s7], $0x5FFFF  }
0xac: {  	[dreg:$0x1] =	wrdreg $0xFFFFFFFF  }
0xad: {  	[dreg:$0x0] =	wrdreg $0x60  }
0xae: {  	[dreg:$0x2] =	wrdreg s24  }
0xaf: {  	[dreg:$0x3] =	wrdreg s2  }
0xb0: {  	[dreg:$0x4] =	wrdreg $0xC2000  }
0xb1: {  	[dreg:$0x5] =	wrdreg $0x9  }
0xb2: {  	_ =	task.clear_ibuf [dreg:s7], $0x6FFFF;
	_ =	strace $0x9000004F  }
0xb3: {  	s29 =	simm.s32 $0x9;
	_ =	strace $0x80000051  }
0xb4: {  	_ =	swait.ge [sflag:s29], $0x1  }
0xb5: {  	[sflag:s29] =	ssyncadd.s32 $0xFFFFFFFF  }
0xb6: {  	_ =	strace $0x90000051  }
0xb7: {  	_ =	sfence  }
0xb8: {  	s30 =	sld [smem:$0x0];
	_ =	sdelay $0x2  }
0xb9: {  	s31 =	sshll.u32 s1, $0xD;
	s1 =	sshrl.u32 s1, $0x2  }
0xba: {  	s3 =	sand.u32 $0x4000, s31;
	s1 =	sadd.s32 s1, s30  }
0xbb: {  	s0 =	sor.u32 s3, s0;
	s1 =	sshll.u32 s1, $0x11  }
0xbc: {  	s0 =	sor.u32 s1, s0  }
0xbd: {  	s0 =	sadd.s32 $0x8F2B, s0  }
0xbe: {  	[sflag:s0] =	ssyncadd.remote.s32 $0x1  }
0xbf: {  	_ =	sfence.sel $0xFFFF  }
0xc0: {  	[dreg:$0x0] =	wrdreg $0xFFFFFFFF;
	(pc) =	sbr.abs _section_cstart, $3  }
0xc1: {  	[dreg:$0x1] =	wrdreg $0xFFFFFFFF  }
0xc2: {  	_ =	task.clear_ibuf [dreg:s7], $0x2FFFF;
	_ =	strace $0x9FFFFFFF  }
0xc3: {  	(tm) =	ssettm $0x7FFFFFFF  }
tec
execute0_lowered:
.L_overlay_start_1:
0x0: {  	(tag) =	ssettag $0x1  }
0x1: {  	s5 =	rddreg [dreg:$0x0]  }
0x2: {  	s11 =	rddreg [dreg:$0x1]  }
0x3: {  	s0 =	srdreg.scid;
	s2 =	rddreg [dreg:$0x2]  }
0x4: {  	s1 =	stileid.u32;
	s3 =	simm.s32 $0x0;
	s13 =	simm.s32 $0x80  }
0x5: {  	s16 =	simm.s32 $0x4200;
	s17 =	simm.s32 $0x3;
	s18 =	simm.s32 $0x4000  }
0x6: {  	s19 =	simm.s32 $0x4100;
	s20 =	simm.s32 $0x8200;
	s21 =	simm.s32 $0x1  }
0x7: {  	s22 =	simm.s32 $0x4080;
	s23 =	simm.s32 $0x2;
	s6 =	smul.u32 $0x13C00, s1  }
0x8: {  	s24 =	simm.s32 $0x4180;
	s25 =	simm.s32 $0x0;
	s31 =	smul.u32 $0x4F000, s1  }
0x9: {  	s7 =	sand.u32 $0x1, s0;
	[smem:$0x7FF] =	sst s3;
	s9 =	smul.u32 $0x5000, s1  }
0xa: {  	s0 =	rddreg [dreg:$0x3];
	s4 =	smul.u32 $0x13C000, s7;
	_ =	strace $0x80000050  }
0xb: {  	s8 =	ssub.s32 $0x2, s7;
	p0 =	seq.s32 s7, $0x0;
	s10 =	sshll.u32 s7, $0xE  }
0xc: {  	s30 =	sshrl.u32 s8, $0x1;
	s13 =	simm.s32 @!p0 $0x20;
	s12 =	sadd.s32 s9, s10  }
0xd: {  	s6 =	sadd.s32 s6, s4;
	s4 =	sadd.s32 $0x52E00, s5;
	s12 =	sshrl.u32 s12, $0x3  }
0xe: {  	s15 =	ssub.s32 s8, s30;
	s6 =	sshrl.u32 s6, $0x3;
	s11 =	sadd.s32 s11, s12  }
0xf: {  	s12 =	sshrl.u32 s13, $0x1;
	s14 =	sadd.s32 s6, s5;
	s6 =	sshrl.u32 s31, $0x2  }
0x10: {  	s13 =	sadd.s32 $0xFFFFFFFF, s13;
	s15 =	smax.u32 s15, $0x1;
	s6 =	sadd.s32 s6, s2  }
0x11: {  	s5 =	simm.s32 $0x80;
	s14 =	sadd.s32 $0x7A600, s14;
	s7 =	sadd.s32 $0x4000, s6  }
0x12: {  	v0 =	vimm.f32 $0.0e+00;
	s8 =	sadd.s32 $0x8000, s6;
	s9 =	sadd.s32 $0xC000, s6;
	s10 =	sadd.s32 $0x10000, s6  }
.LBB2_1:
0x13: {  	s26 =	simm.s32 $0x0;
	s28 =	simm.s32 $0x200  }
.LBB2_2:
0x14: {  	p0 =	sne.s32 s28, $0xFE00;
	[tilespmem:s26+$0x4270] =	vst v0  }
0x15: {  	[tilespmem:s26+$0x4200] =	vst v0  }
0x16: {  	[tilespmem:s26+$0x4210] =	vst v0  }
.Ltmp0:
0x17: {  	[tilespmem:s26+$0x4220] =	vst v0;
	(pc) =	sbr.rel @p0 .LBB2_2-.Ltmp0, $4  }
0x18: {  	[tilespmem:s26+$0x4230] =	vst v0  }
0x19: {  	[tilespmem:s26+$0x4240] =	vst v0  }
0x1a: {  	[tilespmem:s26+$0x4250] =	vst v0  }
0x1b: {  	[tilespmem:s26+$0x4260] =	vst v0;
	s26 =	sshra.s32 s28, $0x2;
	s28 =	sadd.s32 $0x200, s28  }
0x1c: {  	[tilespmem:s26+$0x4270] =	vst v0  }
0x1d: {  	[tilespmem:s26+$0x4200] =	vst v0  }
0x1e: {  	[tilespmem:s26+$0x4210] =	vst v0  }
0x1f: {  	[tilespmem:s26+$0x4220] =	vst v0  }
0x20: {  	[tilespmem:s26+$0x4230] =	vst v0  }
0x21: {  	[tilespmem:s26+$0x4240] =	vst v0  }
0x22: {  	[tilespmem:s26+$0x4250] =	vst v0  }
0x23: {  	[tilespmem:s26+$0x4260] =	vst v0  }
0x24: {  	[spmem:s6] =	stream.linear.scatter [tilespmem:s16], [sflag:$0x3], $0x4000, $0x38;
	[tilespmem:$0x1FE00] =	vst v63  }
0x25: {  	_ =	swait.ge [sflag:s17], $0x4000  }
0x26: {  	[sflag:s17] =	ssyncset.done $0x0  }
0x27: {  	[sflag:s17] =	ssyncadd.s32 $0xFFFFC000  }
0x28: {  	[spmem:s7] =	stream.linear.scatter [tilespmem:s16], [sflag:$0x3], $0x4000, $0x38;
	[tilespmem:$0x1FE00] =	vst v63  }
0x29: {  	_ =	swait.ge [sflag:s17], $0x4000  }
0x2a: {  	[sflag:s17] =	ssyncset.done $0x0  }
0x2b: {  	[sflag:s17] =	ssyncadd.s32 $0xFFFFC000  }
0x2c: {  	[spmem:s8] =	stream.linear.scatter [tilespmem:s16], [sflag:$0x3], $0x4000, $0x38;
	[tilespmem:$0x1FE00] =	vst v63  }
0x2d: {  	_ =	swait.ge [sflag:s17], $0x4000  }
0x2e: {  	[sflag:s17] =	ssyncset.done $0x0  }
0x2f: {  	[sflag:s17] =	ssyncadd.s32 $0xFFFFC000  }
0x30: {  	[spmem:s9] =	stream.linear.scatter [tilespmem:s16], [sflag:$0x3], $0x4000, $0x38;
	[tilespmem:$0x1FE00] =	vst v63  }
0x31: {  	_ =	swait.ge [sflag:s17], $0x4000  }
0x32: {  	[sflag:s17] =	ssyncset.done $0x0  }
0x33: {  	[sflag:s17] =	ssyncadd.s32 $0xFFFFC000  }
0x34: {  	[spmem:s10] =	stream.linear.scatter [tilespmem:s16], [sflag:$0x3], $0x3C00, $0x38;
	[tilespmem:$0x1FE00] =	vst v63  }
0x35: {  	_ =	swait.ge [sflag:s17], $0x3C00  }
0x36: {  	[sflag:s17] =	ssyncset.done $0x0  }
0x37: {  	[sflag:s17] =	ssyncadd.s32 $0xFFFFC400  }
0x38: {  	[tilespmem:s3], [sflag:$0x3] =	stream.linear.gather [hbm4b:s11+s3], $0x4000, $0x38;
	[tilespmem:$0x1FE00] =	vst v63  }
0x39: {  	_ =	swait.ge [sflag:s17], $0x4000  }
0x3a: {  	[sflag:s17] =	ssyncset.done $0x0  }
0x3b: {  	[sflag:s17] =	ssyncadd.s32 $0xFFFFC000  }
0x3c: {  	[bflag:$0x0] =	sbarrier.arrive $0xFFFF  }
0x3d: {  	v1 =	vld [tilespmem:$0x0];
	_ =	sdelay $0x1  }
0x3e: {  	v2 =	vld [tilespmem:$0x10];
	_ =	sdelay $0x1  }
0x3f: {  	v3 =	vld [tilespmem:$0x20]  }
0x40: {  	v4 =	vshrl.u32 v1, $0xE  }
0x41: {  	v62 =	vld [tilespmem:$0x30];
	v1 =	vand.u32 $0x3FFF, v1;
	[tilespmem:$0x4000] =	vst v4  }
0x42: {  	[tilespmem:$0x4080] =	vst v1;
	v1 =	vshrl.u32 v2, $0xE  }
0x43: {  	[tilespmem:$0x4010] =	vst v1;
	v1 =	vand.u32 $0x3FFF, v2;
	v2 =	vld [tilespmem:$0x40]  }
0x44: {  	[tilespmem:$0x4090] =	vst v1;
	v1 =	vshrl.u32 v3, $0xE  }
0x45: {  	[tilespmem:$0x4020] =	vst v1;
	v1 =	vand.u32 $0x3FFF, v3;
	v3 =	vld [tilespmem:$0x50]  }
0x46: {  	[tilespmem:$0x40A0] =	vst v1;
	v1 =	vshrl.u32 v62, $0xE  }
0x47: {  	v63 =	vld [tilespmem:$0x60];
	[tilespmem:$0x4030] =	vst v1;
	v1 =	vand.u32 $0x3FFF, v62  }
0x48: {  	[tilespmem:$0x40B0] =	vst v1;
	v1 =	vshrl.u32 v2, $0xE  }
0x49: {  	[tilespmem:$0x4040] =	vst v1;
	v1 =	vand.u32 $0x3FFF, v2;
	v2 =	vld [tilespmem:$0x70]  }
0x4a: {  	[tilespmem:$0x40C0] =	vst v1;
	v1 =	vshrl.u32 v3, $0xE  }
0x4b: {  	[tilespmem:$0x4050] =	vst v1;
	v1 =	vand.u32 $0x3FFF, v3  }
0x4c: {  	[tilespmem:$0x40D0] =	vst v1;
	v1 =	vshrl.u32 v63, $0xE  }
0x4d: {  	[tilespmem:$0x4060] =	vst v1;
	v1 =	vand.u32 $0x3FFF, v63  }
0x4e: {  	[tilespmem:$0x40E0] =	vst v1;
	v1 =	vshrl.u32 v2, $0xE  }
0x4f: {  	[tilespmem:$0x4070] =	vst v1;
	v1 =	vand.u32 $0x3FFF, v2  }
0x50: {  	s26 =	simm.s32 $0xF0;
	[tilespmem:$0x40F0] =	vst v1  }
0x51: {  	[tilespmem:s16], [sflag:$0x1] =	stream.indirect.gather [hbm4b:s4+s5], $0x80, s18, s5, $0xb8;
	[tilespmem:$0x1FE00] =	vst v63  }
0x52: {  	v1 =	vld [tilespmem:s26+$0xFFFFFF90];
	_ =	sdelay $0x4  }
0x53: {  	v2 =	vshrl.u32 v1, $0xE  }
0x54: {  	v1 =	vand.u32 $0x3FFF, v1;
	[tilespmem:$0x4100] =	vst v2  }
0x55: {  	[tilespmem:$0x4180] =	vst v1  }
0x56: {  	v1 =	vld [tilespmem:s26+$0xFFFFFFA0];
	_ =	sdelay $0x4  }
0x57: {  	v2 =	vshrl.u32 v1, $0xE  }
0x58: {  	v1 =	vand.u32 $0x3FFF, v1;
	[tilespmem:$0x4110] =	vst v2  }
0x59: {  	[tilespmem:$0x4190] =	vst v1  }
0x5a: {  	v1 =	vld [tilespmem:s26+$0xFFFFFFB0];
	_ =	sdelay $0x4  }
0x5b: {  	v2 =	vshrl.u32 v1, $0xE  }
0x5c: {  	v1 =	vand.u32 $0x3FFF, v1;
	[tilespmem:$0x4120] =	vst v2  }
0x5d: {  	[tilespmem:$0x41A0] =	vst v1  }
0x5e: {  	v1 =	vld [tilespmem:s26+$0xFFFFFFC0];
	_ =	sdelay $0x4  }
0x5f: {  	v2 =	vshrl.u32 v1, $0xE  }
0x60: {  	v1 =	vand.u32 $0x3FFF, v1;
	[tilespmem:$0x4130] =	vst v2  }
0x61: {  	[tilespmem:$0x41B0] =	vst v1  }
0x62: {  	v1 =	vld [tilespmem:s26+$0xFFFFFFD0];
	_ =	sdelay $0x4  }
0x63: {  	v2 =	vshrl.u32 v1, $0xE  }
0x64: {  	v1 =	vand.u32 $0x3FFF, v1;
	[tilespmem:$0x4140] =	vst v2  }
0x65: {  	[tilespmem:$0x41C0] =	vst v1  }
0x66: {  	v1 =	vld [tilespmem:s26+$0xFFFFFFE0];
	_ =	sdelay $0x4  }
0x67: {  	v2 =	vshrl.u32 v1, $0xE  }
0x68: {  	v1 =	vand.u32 $0x3FFF, v1;
	[tilespmem:$0x4150] =	vst v2  }
0x69: {  	[tilespmem:$0x41D0] =	vst v1  }
0x6a: {  	v1 =	vld [tilespmem:s26+$0xFFFFFFF0];
	_ =	sdelay $0x4  }
0x6b: {  	v2 =	vshrl.u32 v1, $0xE  }
0x6c: {  	v1 =	vand.u32 $0x3FFF, v1;
	[tilespmem:$0x4160] =	vst v2  }
0x6d: {  	[tilespmem:$0x41E0] =	vst v1  }
0x6e: {  	v1 =	vld [tilespmem:s26+$0x0];
	_ =	sdelay $0x4  }
0x6f: {  	v2 =	vshrl.u32 v1, $0xE  }
0x70: {  	v1 =	vand.u32 $0x3FFF, v1;
	[tilespmem:$0x4170] =	vst v2  }
0x71: {  	[tilespmem:$0x41F0] =	vst v1  }
0x72: {  	[tilespmem:s20], [sflag:$0x2] =	stream.indirect.gather [hbm4b:s4+s5], $0x80, s19, s5, $0xb8;
	[tilespmem:$0x1FE00] =	vst v63  }
0x73: {  	_ =	swait.ge [sflag:s21], $0x4000  }
0x74: {  	s28 =	simm.s32 $0x2;
	[sflag:s21] =	ssyncset.done $0x0  }
0x75: {  	p0 =	sgt.s32 s13, $0x2;
	s29 =	smov.u32 s13;
	[sflag:s21] =	ssyncadd.s32 $0xFFFFC000  }
0x76: {  	[spmem:s2] =	stream.indirect.scatter.add.f32 [tilespmem:s16], [sflag:$0x3], $0x80, s22, s5, $0xb8;
	[tilespmem:$0x1FE00] =	vst v63  }
0x77: {  	s29 =	smov.u32 @p0 s28;
	_ =	swait.ge [sflag:s17], $0x4000  }
0x78: {  	s29 =	sshll.u32 s29, $0x9;
	[sflag:s17] =	ssyncset.done $0x0  }
0x79: {  	s30 =	sshra.s32 s29, $0x2;
	[sflag:s17] =	ssyncadd.s32 $0xFFFFC000  }
0x7a: {  	v1 =	vld [tilespmem:s30+$0x0];
	_ =	sdelay $0x4  }
0x7b: {  	v2 =	vshrl.u32 v1, $0xE  }
0x7c: {  	v1 =	vand.u32 $0x3FFF, v1;
	[tilespmem:$0x4000] =	vst v2  }
0x7d: {  	[tilespmem:$0x4080] =	vst v1  }
0x7e: {  	v1 =	vld [tilespmem:s30+$0x10];
	_ =	sdelay $0x4  }
0x7f: {  	v2 =	vshrl.u32 v1, $0xE  }
0x80: {  	v1 =	vand.u32 $0x3FFF, v1;
	[tilespmem:$0x4010] =	vst v2  }
0x81: {  	[tilespmem:$0x4090] =	vst v1  }
0x82: {  	v1 =	vld [tilespmem:s30+$0x20];
	_ =	sdelay $0x4  }
0x83: {  	v2 =	vshrl.u32 v1, $0xE  }
0x84: {  	v1 =	vand.u32 $0x3FFF, v1;
	[tilespmem:$0x4020] =	vst v2  }
0x85: {  	[tilespmem:$0x40A0] =	vst v1  }
0x86: {  	v1 =	vld [tilespmem:s30+$0x30];
	_ =	sdelay $0x4  }
0x87: {  	v2 =	vshrl.u32 v1, $0xE  }
0x88: {  	v1 =	vand.u32 $0x3FFF, v1;
	[tilespmem:$0x4030] =	vst v2  }
0x89: {  	[tilespmem:$0x40B0] =	vst v1  }
0x8a: {  	v1 =	vld [tilespmem:s30+$0x40];
	_ =	sdelay $0x4  }
0x8b: {  	v2 =	vshrl.u32 v1, $0xE  }
0x8c: {  	v1 =	vand.u32 $0x3FFF, v1;
	[tilespmem:$0x4040] =	vst v2  }
0x8d: {  	[tilespmem:$0x40C0] =	vst v1  }
0x8e: {  	v1 =	vld [tilespmem:s30+$0x50];
	_ =	sdelay $0x4  }
0x8f: {  	v2 =	vshrl.u32 v1, $0xE  }
0x90: {  	v1 =	vand.u32 $0x3FFF, v1;
	[tilespmem:$0x4050] =	vst v2  }
0x91: {  	[tilespmem:$0x40D0] =	vst v1  }
0x92: {  	v1 =	vld [tilespmem:s30+$0x60]  }
0x93: {  	p0 =	sne.s32 s12, $0x1  }
.Ltmp1:
0x94: {  	_ = 	snop;
	(pc) =	sbr.rel @!p0 .LBB2_5-.Ltmp1, $3  }
0x95: {  	_ =	sdelay $0x1  }
0x96: {  	v2 =	vshrl.u32 v1, $0xE  }
0x97: {  	s29 =	sadd.s32 $0xFFFFFFFF, s12;
	v1 =	vand.u32 $0x3FFF, v1;
	[tilespmem:$0x4060] =	vst v2  }
.LBB2_4:
0x98: {  	p0 =	sne.s32 s29, $0x1;
	[tilespmem:$0x40E0] =	vst v1;
	s28 =	sadd.s32 $0x2, s28;
	s26 =	sadd.s32 $0x100, s26  }
0x99: {  	s29 =	sadd.s32 $0xFFFFFFFF, s29;
	v1 =	vld [tilespmem:s30+$0x70];
	_ =	sdelay $0x4  }
0x9a: {  	v2 =	vshrl.u32 v1, $0xE;
	v1 =	vand.u32 $0x3FFF, v1  }
0x9b: {  	[tilespmem:$0x4070] =	vst v2  }
0x9c: {  	[tilespmem:$0x40F0] =	vst v1  }
0x9d: {  	[tilespmem:s16], [sflag:$0x1] =	stream.indirect.gather [hbm4b:s4+s5], $0x80, s18, s5, $0xb8;
	[tilespmem:$0x1FE00] =	vst v63  }
0x9e: {  	_ =	swait.ge [sflag:s23], $0x4000  }
0x9f: {  	[sflag:s23] =	ssyncset.done $0x0  }
0xa0: {  	[sflag:s23] =	ssyncadd.s32 $0xFFFFC000  }
0xa1: {  	[spmem:s2] =	stream.indirect.scatter.add.f32 [tilespmem:s20], [sflag:$0x3], $0x80, s24, s5, $0xb8;
	[tilespmem:$0x1FE00] =	vst v63  }
0xa2: {  	_ =	swait.ge [sflag:s17], $0x4000  }
0xa3: {  	[sflag:s17] =	ssyncset.done $0x0  }
0xa4: {  	[sflag:s17] =	ssyncadd.s32 $0xFFFFC000  }
0xa5: {  	v1 =	vld [tilespmem:s26+$0xFFFFFF90];
	_ =	sdelay $0x4  }
0xa6: {  	v2 =	vshrl.u32 v1, $0xE;
	v1 =	vand.u32 $0x3FFF, v1  }
0xa7: {  	[tilespmem:$0x4100] =	vst v2  }
0xa8: {  	[tilespmem:$0x4180] =	vst v1  }
0xa9: {  	v1 =	vld [tilespmem:s26+$0xFFFFFFA0];
	_ =	sdelay $0x4  }
0xaa: {  	v2 =	vshrl.u32 v1, $0xE;
	v1 =	vand.u32 $0x3FFF, v1  }
0xab: {  	[tilespmem:$0x4110] =	vst v2  }
0xac: {  	[tilespmem:$0x4190] =	vst v1  }
0xad: {  	v1 =	vld [tilespmem:s26+$0xFFFFFFB0];
	_ =	sdelay $0x4  }
0xae: {  	v2 =	vshrl.u32 v1, $0xE;
	v1 =	vand.u32 $0x3FFF, v1  }
0xaf: {  	[tilespmem:$0x4120] =	vst v2  }
0xb0: {  	[tilespmem:$0x41A0] =	vst v1  }
0xb1: {  	v1 =	vld [tilespmem:s26+$0xFFFFFFC0];
	_ =	sdelay $0x4  }
0xb2: {  	v2 =	vshrl.u32 v1, $0xE;
	v1 =	vand.u32 $0x3FFF, v1  }
0xb3: {  	[tilespmem:$0x4130] =	vst v2  }
0xb4: {  	[tilespmem:$0x41B0] =	vst v1  }
0xb5: {  	v1 =	vld [tilespmem:s26+$0xFFFFFFD0];
	_ =	sdelay $0x4  }
0xb6: {  	v2 =	vshrl.u32 v1, $0xE;
	v1 =	vand.u32 $0x3FFF, v1  }
0xb7: {  	[tilespmem:$0x4140] =	vst v2  }
0xb8: {  	[tilespmem:$0x41C0] =	vst v1  }
0xb9: {  	v1 =	vld [tilespmem:s26+$0xFFFFFFE0];
	_ =	sdelay $0x4  }
0xba: {  	v2 =	vshrl.u32 v1, $0xE;
	v1 =	vand.u32 $0x3FFF, v1  }
0xbb: {  	[tilespmem:$0x4150] =	vst v2  }
0xbc: {  	[tilespmem:$0x41D0] =	vst v1  }
0xbd: {  	v1 =	vld [tilespmem:s26+$0xFFFFFFF0];
	_ =	sdelay $0x4  }
0xbe: {  	v2 =	vshrl.u32 v1, $0xE;
	v1 =	vand.u32 $0x3FFF, v1  }
0xbf: {  	[tilespmem:$0x4160] =	vst v2  }
0xc0: {  	[tilespmem:$0x41E0] =	vst v1  }
0xc1: {  	v1 =	vld [tilespmem:s26+$0x0];
	_ =	sdelay $0x3  }
0xc2: {  	p1 =	slt.s32 s28, s13;
	s30 =	smov.u32 s13  }
0xc3: {  	s30 =	smov.u32 @p1 s28;
	v2 =	vshrl.u32 v1, $0xE;
	v1 =	vand.u32 $0x3FFF, v1  }
0xc4: {  	s30 =	sshll.u32 s30, $0x9;
	[tilespmem:$0x4170] =	vst v2  }
0xc5: {  	s30 =	sshra.s32 s30, $0x2;
	[tilespmem:$0x41F0] =	vst v1  }
0xc6: {  	[tilespmem:s20], [sflag:$0x2] =	stream.indirect.gather [hbm4b:s4+s5], $0x80, s19, s5, $0xb8;
	[tilespmem:$0x1FE00] =	vst v63  }
0xc7: {  	_ =	swait.ge [sflag:s21], $0x4000  }
0xc8: {  	[sflag:s21] =	ssyncset.done $0x0  }
0xc9: {  	[sflag:s21] =	ssyncadd.s32 $0xFFFFC000  }
0xca: {  	[spmem:s2] =	stream.indirect.scatter.add.f32 [tilespmem:s16], [sflag:$0x3], $0x80, s22, s5, $0xb8;
	[tilespmem:$0x1FE00] =	vst v63  }
0xcb: {  	_ =	swait.ge [sflag:s17], $0x4000  }
0xcc: {  	[sflag:s17] =	ssyncset.done $0x0  }
0xcd: {  	[sflag:s17] =	ssyncadd.s32 $0xFFFFC000  }
0xce: {  	v1 =	vld [tilespmem:s30+$0x0];
	_ =	sdelay $0x4  }
0xcf: {  	v2 =	vshrl.u32 v1, $0xE;
	v1 =	vand.u32 $0x3FFF, v1  }
0xd0: {  	[tilespmem:$0x4000] =	vst v2  }
0xd1: {  	[tilespmem:$0x4080] =	vst v1  }
0xd2: {  	v1 =	vld [tilespmem:s30+$0x10];
	_ =	sdelay $0x4  }
0xd3: {  	v2 =	vshrl.u32 v1, $0xE;
	v1 =	vand.u32 $0x3FFF, v1  }
0xd4: {  	[tilespmem:$0x4010] =	vst v2  }
0xd5: {  	[tilespmem:$0x4090] =	vst v1  }
0xd6: {  	v1 =	vld [tilespmem:s30+$0x20];
	_ =	sdelay $0x4  }
0xd7: {  	v2 =	vshrl.u32 v1, $0xE;
	v1 =	vand.u32 $0x3FFF, v1  }
0xd8: {  	[tilespmem:$0x4020] =	vst v2  }
0xd9: {  	[tilespmem:$0x40A0] =	vst v1  }
0xda: {  	v1 =	vld [tilespmem:s30+$0x30];
	_ =	sdelay $0x4  }
0xdb: {  	v2 =	vshrl.u32 v1, $0xE;
	v1 =	vand.u32 $0x3FFF, v1  }
0xdc: {  	[tilespmem:$0x4030] =	vst v2  }
0xdd: {  	[tilespmem:$0x40B0] =	vst v1  }
0xde: {  	v1 =	vld [tilespmem:s30+$0x40];
	_ =	sdelay $0x4  }
0xdf: {  	v2 =	vshrl.u32 v1, $0xE;
	v1 =	vand.u32 $0x3FFF, v1  }
0xe0: {  	[tilespmem:$0x4040] =	vst v2  }
0xe1: {  	[tilespmem:$0x40C0] =	vst v1  }
0xe2: {  	v1 =	vld [tilespmem:s30+$0x50];
	_ =	sdelay $0x4  }
0xe3: {  	v2 =	vshrl.u32 v1, $0xE;
	v1 =	vand.u32 $0x3FFF, v1  }
0xe4: {  	[tilespmem:$0x4050] =	vst v2  }
0xe5: {  	[tilespmem:$0x40D0] =	vst v1  }
0xe6: {  	v1 =	vld [tilespmem:s30+$0x60];
	_ =	sdelay $0x1  }
.Ltmp2:
0xe7: {  	(pc) =	sbr.rel @p0 .LBB2_4-.Ltmp2, $3  }
0xe8: {  	_ =	sdelay $0x1  }
0xe9: {  	v2 =	vshrl.u32 v1, $0xE;
	v1 =	vand.u32 $0x3FFF, v1  }
0xea: {  	[tilespmem:$0x4060] =	vst v2  }
.LBB2_5:
0xeb: {  	[tilespmem:$0x40E0] =	vst v1  }
0xec: {  	v1 =	vld [tilespmem:s30+$0x70];
	_ =	sdelay $0x4  }
0xed: {  	v2 =	vshrl.u32 v1, $0xE  }
0xee: {  	v1 =	vand.u32 $0x3FFF, v1;
	[tilespmem:$0x4070] =	vst v2  }
0xef: {  	[tilespmem:$0x40F0] =	vst v1  }
0xf0: {  	[tilespmem:s16], [sflag:$0x1] =	stream.indirect.gather [hbm4b:s4+s5], $0x80, s18, s5, $0xb8;
	[tilespmem:$0x1FE00] =	vst v63  }
0xf1: {  	_ =	swait.ge [sflag:s23], $0x4000  }
0xf2: {  	[sflag:s23] =	ssyncset.done $0x0  }
0xf3: {  	[sflag:s23] =	ssyncadd.s32 $0xFFFFC000  }
0xf4: {  	[spmem:s2] =	stream.indirect.scatter.add.f32 [tilespmem:s20], [sflag:$0x3], $0x80, s24, s5, $0xb8;
	[tilespmem:$0x1FE00] =	vst v63  }
0xf5: {  	_ =	swait.ge [sflag:s17], $0x4000  }
0xf6: {  	[sflag:s17] =	ssyncset.done $0x0  }
0xf7: {  	[sflag:s17] =	ssyncadd.s32 $0xFFFFC000  }
0xf8: {  	_ =	swait.ge [sflag:s21], $0x4000  }
0xf9: {  	s26 =	sshll.u32 s1, $0x6;
	s25 =	sadd.s32 $0x1, s25;
	[sflag:s21] =	ssyncset.done $0x0  }
0xfa: {  	s28 =	sshrl.u32 s6, $0x3;
	p0 =	sne.s32 s25, s15;
	[sflag:s21] =	ssyncadd.s32 $0xFFFFC000  }
.Ltmp3:
0xfb: {  	s26 =	sor.u32 $0x1C03, s26;
	[bflag:$0x0] =	sbarrier.arrive $0xFFFF;
	(pc) =	sbr.rel @p0 .LBB2_1-.Ltmp3, $4  }
0xfc: {  	[hbm:s14], [sflag:s26] =	dma.local [spmem:s28], $0x2780  }
0xfd: {  	_ =	swait.ge [sflag:s17], $0x2780  }
0xfe: {  	[sflag:s17] =	ssyncset.done $0x0  }
0xff: {  	[sflag:s17] =	ssyncadd.s32 $0xFFFFD880  }
0x100: {  	_ =	sfence.sel $0x180000  }
0x101: {  	[bflag:$0x0] =	sbarrier.arrive $0xFFFF  }
0x102: {  	p0 =	sne.s32 s1, $0x0;
	_ =	strace $0x90000050  }
0x103: {  	s0 =	sadd.s32 @!p0 $0x100000, s0;
	[bflag:$0x2] =	sbarrier.arrive $0xFFFF  }
0x104: {  	[sflag:s0] =	ssyncadd.tile.s32 @!p0 $0x1;
	_ =	shalt  }
.Lfunc_end2:
_tile_overlayer_lowered:
.L_overlay_start_2:
0x105: {  	(tag) =	ssettag $0x2  }
0x106: {  	s0 =	rddreg [dreg:$0x0];
	s2 =	stileid.u32  }
0x107: {  	s1 =	rddreg [dreg:$0x1];
	p0 =	sne.s32 s2, $0x0  }
0x108: {  	s3 =	rddreg [dreg:$0x2];
	[bflag:$0x3] =	sbarrier.arrive $0xFFFF;
	s2 =	simm.s32 @!p0 $0x1C03  }
0x109: {  	[timem:s3], [sflag:s2] =	dma.local @!p0 [hbm:s0], s1  }
0x10a: {  	s0 =	simm.s32 @!p0 $0x3  }
0x10b: {  	_ =	swait.ge @!p0 [sflag:s0], s1  }
0x10c: {  	s1 =	ssub.s32 @!p0 $0x0, s1;
	[sflag:s0] =	ssyncset.done @!p0 $0x0  }
0x10d: {  	[sflag:s0] =	ssyncadd.s32 @!p0 s1  }
0x10e: {  	[bflag:$0x3] =	sbarrier.arrive $0xFFFF  }
0x10f: {  	_ =	shalt  }

</sc_bundles>
